<compile_context>
chip_gen: v7x
topology: tpu7x:2x2x1
jax: 0.10.2.dev20260603
libtpu: 0.0.44.dev20260713+nightly
codegen_flags: <defaults>
</compile_context>

<pallas_src>
import functools

import numpy as np

import jax
import jax.numpy as jnp
from jax import lax
from jax.experimental import pallas as pl
from jax.experimental.pallas import tpu as pltpu
from jax.experimental.pallas import tpu_sc as plsc

_NC, _NS = 2, 16
_NW = _NC * _NS
_NEG_INF = np.float32(-np.inf)
_BIG_I32 = np.int32(0x7FFFFFFF)


_QT = 64


def _wintop8_body(q_ref, bank_ref, out_ref, topv_ref, topi_ref, d_ref, *,
                  nblocks, blk, n_valid):
    step = pl.program_id(0)
    Q = q_ref.shape[0]
    ngroups = blk // 128

    @pl.when(step == 0)
    def _init():
        topv_ref[...] = jnp.full(topv_ref.shape, _NEG_INF, jnp.float32)
        topi_ref[...] = jnp.full(topi_ref.shape, _BIG_I32, jnp.int32)

    d_ref[...] = lax.dot_general(
        q_ref[...], bank_ref[...], (((1,), (1,)), ((), ())),
        preferred_element_type=jnp.float32)

    base = step * blk
    lane = lax.broadcasted_iota(jnp.int32, (_QT, 128), 1)
    nwin = ngroups // 16

    def qt_body(qt, carry):
        r0 = pl.multiple_of(qt * _QT, _QT)
        for w in range(nwin):
            wv = jnp.full((_QT, 128), _NEG_INF, jnp.float32)
            wc = jnp.zeros((_QT, 128), jnp.int32)
            for g in range(w * 16, (w + 1) * 16):
                v = d_ref[pl.ds(r0, _QT), g * 128:(g + 1) * 128]
                col = lane + (base + g * 128)
                v = jnp.where(col < n_valid, v, _NEG_INF)
                gt = v > wv
                wv = jnp.where(gt, v, wv)
                wc = jnp.where(gt, col, wc)
            for s in range(8):
                t = topv_ref[s, pl.ds(r0, _QT), :]
                ti = topi_ref[s, pl.ds(r0, _QT), :]
                gt = wv > t
                topv_ref[s, pl.ds(r0, _QT), :] = jnp.where(gt, wv, t)
                topi_ref[s, pl.ds(r0, _QT), :] = jnp.where(gt, wc, ti)
                wv = jnp.where(gt, t, wv)
                wc = jnp.where(gt, ti, wc)
        return carry

    lax.fori_loop(0, Q // _QT, qt_body, 0)

    @pl.when(step == nblocks - 1)
    def _merge():
        cv = jnp.concatenate([topv_ref[s] for s in range(8)], axis=1)
        ci = jnp.concatenate([topi_ref[s] for s in range(8)], axis=1)
        acc = jnp.zeros((Q, 128), jnp.int32)
        out_lane = lax.broadcasted_iota(jnp.int32, (Q, 128), 1)
        for k in range(8):
            m = jnp.max(cv, axis=1, keepdims=True)
            sel = jnp.min(jnp.where(cv == m, ci, _BIG_I32), axis=1,
                          keepdims=True)
            acc = jnp.where(out_lane == k, jnp.broadcast_to(sel, acc.shape),
                            acc)
            cv = jnp.where(ci == sel, _NEG_INF, cv)
        out_ref[...] = acc


def _wintop8(q, bank, blk):
    Q, D = q.shape
    N = bank.shape[0]
    nblocks = pl.cdiv(N, blk)
    return pl.pallas_call(
        functools.partial(_wintop8_body, nblocks=nblocks, blk=blk, n_valid=N),
        grid=(nblocks,),
        in_specs=[pl.BlockSpec((Q, D), lambda i: (0, 0)),
                  pl.BlockSpec((blk, D), lambda i: (i, 0))],
        out_specs=pl.BlockSpec((Q, 128), lambda i: (0, 0)),
        out_shape=jax.ShapeDtypeStruct((Q, 128), jnp.int32),
        scratch_shapes=[pltpu.VMEM((8, Q, 128), jnp.float32),
                        pltpu.VMEM((8, Q, 128), jnp.int32),
                        pltpu.VMEM((Q, blk), jnp.float32)],
    )(q, bank)


_CPS = 16


def _rescan_body(q_ref, rows_ref, cand_ref, out_ref, acc_ref, *, n_valid):
    step = pl.program_id(0)
    Q = q_ref.shape[0]
    lanec = lax.broadcasted_iota(jnp.int32, (Q, 128), 1)

    @pl.when(step == 0)
    def _init():
        acc_ref[...] = jnp.zeros((Q, 128), jnp.float32)

    q = q_ref[...]
    acc = acc_ref[...]
    for j in range(_CPS):
        s = jnp.sum(q * rows_ref[j * Q:(j + 1) * Q, :], axis=1,
                    keepdims=True)
        acc = jnp.where(lanec == step * _CPS + j,
                        jnp.broadcast_to(s, (Q, 128)), acc)
    acc_ref[...] = acc

    @pl.when(step == pl.num_programs(0) - 1)
    def _select():
        cand = cand_ref[...]
        dv = jnp.where(cand < n_valid, acc_ref[...], _NEG_INF)
        acc = jnp.zeros((Q, 128), jnp.int32)
        for k in range(6):
            m = jnp.max(dv, axis=1, keepdims=True)
            sel = jnp.min(jnp.where(dv == m, cand, _BIG_I32), axis=1,
                          keepdims=True)
            acc = jnp.where(lanec == k, jnp.broadcast_to(sel, acc.shape),
                            acc)
            dv = jnp.where(cand == sel, _NEG_INF, dv)
        out_ref[...] = acc


def _rescan6(q, rows, cand, n_valid):
    Q, D = q.shape
    return pl.pallas_call(
        functools.partial(_rescan_body, n_valid=n_valid),
        grid=(128 // _CPS,),
        in_specs=[pl.BlockSpec((Q, D), lambda i: (0, 0)),
                  pl.BlockSpec((_CPS * Q, D), lambda i: (i, 0)),
                  pl.BlockSpec((Q, 128), lambda i: (0, 0))],
        out_specs=pl.BlockSpec((Q, 128), lambda i: (0, 0)),
        out_shape=jax.ShapeDtypeStruct((Q, 128), jnp.int32),
        scratch_shapes=[pltpu.VMEM((Q, 128), jnp.float32)],
    )(q, rows, cand)


def _sc_gather_rows(idx, fea_bank, chunk=512):
    B = idx.shape[0]
    bpw = B // _NW
    nch = pl.cdiv(bpw, chunk)
    mesh = plsc.VectorSubcoreMesh(core_axis_name="c", subcore_axis_name="s")

    @functools.partial(
        pl.kernel, mesh=mesh,
        out_type=jax.ShapeDtypeStruct((B, 128), jnp.float32),
        scratch_types=[pltpu.VMEM((bpw,), jnp.int32),
                       pltpu.VMEM((min(bpw, chunk), 128), jnp.float32),
                       pltpu.SemaphoreType.DMA])
    def k(idx_hbm, fea_hbm, out_hbm, idx_v, rows_v, sem):
        wid = lax.axis_index("s") * _NC + lax.axis_index("c")
        base = wid * bpw
        pltpu.sync_copy(idx_hbm.at[pl.ds(base, bpw)], idx_v)
        for ch in range(nch):
            lo = ch * chunk
            sz = min(chunk, bpw - lo)
            pltpu.async_copy(fea_hbm.at[idx_v.at[pl.ds(lo, sz)]],
                             rows_v.at[pl.ds(0, sz)], sem).wait()
            pltpu.sync_copy(rows_v.at[pl.ds(0, sz)],
                            out_hbm.at[pl.ds(base + lo, sz)])

    return k(idx, fea_bank)


_WINSZ = 2048


def _topk6(q, bank, blk=4096):
    Q, D = q.shape
    N = bank.shape[0]
    win = _wintop8(q, bank, blk)
    wcols = win[:, :8]
    b0l = (wcols // _WINSZ) * _WINSZ + (wcols % 128)
    cand = b0l[:, :, None] + 128 * jnp.arange(16, dtype=jnp.int32)[None, None]
    cand = cand.reshape(Q, 128)
    flat = jnp.minimum(cand.T.reshape(-1), N - 1)
    rows = _sc_gather_rows(flat, bank)
    return _rescan6(q, rows, cand, N)


def _extract16(g, sub, C):
    out = jnp.zeros((g.shape[0], 16), jnp.float32)
    for j in range(8):
        out = jnp.where(sub == j, g[:, 16 * j:16 * (j + 1)], out)
    return out[:, :C]


def _loss_body(psoft_ref, p5_ref, p25_ref, s5_ref, sub5_ref, skk_ref,
               sub25_ref, inn_ref, trg_ref, out_ref, *, B, K, C):
    inn = inn_ref[...]
    lane = lax.broadcasted_iota(jnp.int32, inn.shape, 1)
    valid = (lane >= 1) & (lane <= K)
    trg = trg_ref[...]
    eq = jnp.where(valid & (inn == trg), np.float32(1.0), np.float32(0.0))
    match = jnp.sum(eq, axis=1, keepdims=True)
    weight = jnp.where(match > 0.0, match, np.float32(0.1))

    s5 = _extract16(s5_ref[...], sub5_ref[...], C)
    p5 = p5_ref[...]
    kl2 = s5 * (jnp.log(s5) - p5)
    term2 = jnp.sum(jnp.sum(kl2, axis=1, keepdims=True) * weight) / B

    skk = _extract16(skk_ref[...], sub25_ref[...], C)
    p25 = p25_ref[...]
    kl1 = skk * (jnp.log(skk) - p25)
    term1 = jnp.sum(kl1) * np.float32(0.1) / B

    psoft = psoft_ref[...]
    msoft = jnp.mean(psoft, axis=0, keepdims=True)
    gent = jnp.sum(msoft * jnp.log(msoft + np.float32(1e-5)))

    out_ref[...] = jnp.reshape(term1 + term2 + gent, (1, 1))


def _loss(psoft, p5, p25, s5g, sub5, skkg, sub25, inn, trg_rep, B, K, C):
    return pl.pallas_call(
        functools.partial(_loss_body, B=B, K=K, C=C),
        out_shape=jax.ShapeDtypeStruct((1, 1), jnp.float32),
    )(psoft, p5, p25, s5g, sub5, skkg, sub25, inn, trg_rep)


def kernel(features, predictions, fea_bank, score_bank, trg_idx):
    B, D = features.shape
    C = predictions.shape[1]
    N = fea_bank.shape[0]
    K = 5

    softmax_out = jax.nn.softmax(predictions, axis=1)
    fnorm = features / jnp.maximum(
        jnp.linalg.norm(features, axis=1, keepdims=True), 1e-12)

    fea_b = fea_bank.at[trg_idx].set(fnorm)
    score_b = score_bank.at[trg_idx].set(softmax_out)
    score_pack = jnp.reshape(jnp.pad(score_b, ((0, 0), (0, 16 - C))),
                             (N // 8, 128))

    idxA_raw = _topk6(fnorm, fea_b)
    idx_near = idxA_raw[:, 1:1 + K].reshape(-1)
    pad1 = (-idx_near.shape[0]) % (8 * _NW)
    idxA = jnp.concatenate([idx_near, jnp.zeros((pad1,), jnp.int32)])

    fea_near_p = _sc_gather_rows(idxA, fea_b)
    q2 = fea_near_p[:B * K]
    sub5 = (idx_near % 8).reshape(-1, 1)

    idxB_raw = _topk6(q2, fea_b)
    inn = idxB_raw[:, 1:1 + K].reshape(-1)
    pad2 = (-inn.shape[0]) % (8 * _NW)
    idxB = jnp.concatenate([inn, jnp.zeros((pad2,), jnp.int32)])

    tidx = jnp.concatenate([idxA // 8, idxB // 8])
    srows = _sc_gather_rows(tidx, score_pack)
    s5g = srows[:B * K]
    skkg = srows[idxA.shape[0]:idxA.shape[0] + B * K * K]
    sub25 = (inn % 8).reshape(-1, 1)

    trg_rep = jnp.repeat(trg_idx, K).reshape(-1, 1)
    p5 = jnp.repeat(softmax_out, K, axis=0)
    p25 = jnp.repeat(softmax_out, K * K, axis=0)

    loss = _loss(softmax_out, p5, p25, s5g, sub5, skkg, sub25, idxB_raw,
                 trg_rep, B, K, C)
    return jnp.reshape(loss, ())

# --- scband reference (transcript-rebuilt; emitter-appended) ---
"""Pipeline reference for scband-nrc-8022998908945 (READ-ONLY COPY).

The authoritative reference and input builder live on the scoring server;
editing this copy changes nothing except your own understanding.
"""

import jax, jax.numpy as jnp
import numpy as np

B = 128
N = 100000
D = 128
C = 10
K = 5
EPS = 1e-05


def setup_inputs(seed: int = 0) -> dict:
    key = jax.random.key(seed)
    k1, k2, k3, k4, k5 = jax.random.split(key, 5)
    features = jax.random.normal(k1, (B, D), dtype=jnp.float32)
    predictions = jax.random.normal(k2, (B, C), dtype=jnp.float32)
    fea_bank = jax.random.normal(k3, (N, D), dtype=jnp.float32)
    # score bank holds (detached) softmax scores; keep strictly positive so log() is finite
    score_bank = jax.random.uniform(k4, (N, C), dtype=jnp.float32) * 0.9 + 0.05
    trg_idx = jax.random.randint(k5, (B,), 0, N, dtype=jnp.int32)
    return {"features": features, "predictions": predictions, "fea_bank": fea_bank, "score_bank": score_bank, "trg_idx": trg_idx}


def reference(features, predictions, fea_bank, score_bank, trg_idx):
    sg = jax.lax.stop_gradient
    softmax_out = jax.nn.softmax(predictions, axis=1)
    # --- torch.no_grad() block ---
    output_f_norm = features / jnp.maximum(jnp.linalg.norm(features, axis=1, keepdims=True), 1e-12)
    output_f_ = sg(output_f_norm)
    fea_bank = sg(fea_bank).at[trg_idx].set(output_f_)
    score_bank = sg(score_bank).at[trg_idx].set(sg(softmax_out))
    distance = output_f_ @ fea_bank.T  # [B, N]
    _, idx_near = jax.lax.top_k(distance, K + 1)
    idx_near = idx_near[:, 1:]  # [B, K]
    score_near = score_bank[idx_near]  # [B, K, C]
    fea_near = fea_bank[idx_near]  # [B, K, D]
    # bmm(fea_near, fea_bank_re.permute(0,2,1)) with fea_bank broadcast over batch
    distance_ = jnp.einsum('bkd,nd->bkn', fea_near, fea_bank)  # [B, K, N]
    _, idx_near_near = jax.lax.top_k(distance_, K + 1)
    idx_near_near = idx_near_near[:, :, 1:]  # [B, K, K]
    trg_idx_ = trg_idx[:, None, None]
    match = (idx_near_near == trg_idx_).sum(-1).astype(jnp.float32)  # [B, K]
    weight = jnp.where(match > 0.0, match, jnp.full_like(match, 0.1))
    # original code does weight_kk.fill_(0.1), overwriting everything with 0.1
    weight_kk = jnp.full((features.shape[0], K, K), 0.1, dtype=jnp.float32)
    score_near_kk = score_bank[idx_near_near]  # [B, K, K, C]
    weight_kk = weight_kk.reshape(weight_kk.shape[0], -1)  # [B, K*K]
    score_near_kk = score_near_kk.reshape(score_near_kk.shape[0], -1, C)  # [B, K*K, C]
    # --- differentiable part ---
    output_re = jnp.broadcast_to(softmax_out[:, None, :], (softmax_out.shape[0], K * K, C))
    # F.kl_div(input, target, reduction='none') = target * (log(target) - input)
    kl1 = score_near_kk * (jnp.log(score_near_kk) - output_re)
    const = jnp.mean((kl1.sum(-1) * weight_kk).sum(1))
    loss = const
    softmax_out_un = jnp.broadcast_to(softmax_out[:, None, :], (softmax_out.shape[0], K, C))
    kl2 = score_near * (jnp.log(score_near) - softmax_out_un)
    loss = loss + jnp.mean((kl2.sum(-1) * weight).sum(1))
    msoftmax = softmax_out.mean(axis=0)
    gentropy_loss = jnp.sum(msoftmax * jnp.log(msoftmax + EPS))
    loss = loss + gentropy_loss
    return loss

if __name__ == "__main__":
    import jax
    _d = setup_inputs()
    print(jax.jit(kernel)(*tuple(_d.values())))

</pallas_src>

<mosaic_0001>
#map = affine_map<(d0, d1) -> (0)>
#map1 = affine_map<(d0, d1) -> (0, 0)>
module attributes {stable_mosaic.version = 14 : i64} {
  func.func @k(%arg0: i32, %arg1: i32, %arg2: memref<16384xi32, #tpu.memory_space<hbm>>, %arg3: memref<100000x128xf32, #tpu.memory_space<hbm>>, %arg4: memref<16384x128xf32, #tpu.memory_space<hbm>>, %arg5: memref<512xi32, #tpu.memory_space<vmem>>, %arg6: memref<512x128xf32, #tpu.memory_space<vmem>>, %arg7: memref<!tpu.dma_semaphore, #tpu.memory_space<semaphore_mem>>) attributes {dimension_semantics = [#tpu.dimension_semantics<core_parallel>, #tpu.dimension_semantics<subcore_parallel>], iteration_bounds = array<i64: 2, 16>, scalar_prefetch = 0 : i64, scratch_operands = 3 : i64, tpu.core_type = #tpu.core_type<sc_vector_subcore>, window_params = [{transform_indices = #map}, {transform_indices = #map1}, {transform_indices = #map1}]} {
    %mul3A = arith.constant 2 : i32
    %mul3A_0 = arith.muli %arg1, %mul3A : i32
    %add3A = arith.addi %mul3A_0, %arg0 : i32
    %mul3A_1 = arith.constant 512 : i32
    %mul3A_2 = arith.muli %add3A, %mul3A_1 : i32
    "tpu.region"() ({
      %run_scoped3A = tpu.sem_alloc : memref<!tpu.dma_semaphore, #tpu.memory_space<semaphore_mem>>
      %dma_start3A_19 = tpu.memref_slice %arg2[%mul3A_2] : memref<16384xi32, #tpu.memory_space<hbm>> -> memref<512xi32, #tpu.memory_space<hbm>>
      %dma_start3A_20 = tpu.memref_slice %arg2[%mul3A_2] : memref<16384xi32, #tpu.memory_space<hbm>> -> memref<512xi32, #tpu.memory_space<hbm>>
      tpu.enqueue_dma source(%dma_start3A_20 : memref<512xi32, #tpu.memory_space<hbm>>) target(%arg5 : memref<512xi32, #tpu.memory_space<vmem>>) target_semaphore(%run_scoped3A : memref<!tpu.dma_semaphore, #tpu.memory_space<semaphore_mem>>)
      %dma_wait3A_21 = tpu.memref_slice %arg2[%mul3A_2] : memref<16384xi32, #tpu.memory_space<hbm>> -> memref<512xi32, #tpu.memory_space<hbm>>
      %dma_wait3A_22 = tpu.memref_slice %arg2[%mul3A_2] : memref<16384xi32, #tpu.memory_space<hbm>> -> memref<512xi32, #tpu.memory_space<hbm>>
      tpu.wait_dma2 semaphore(%run_scoped3A : memref<!tpu.dma_semaphore, #tpu.memory_space<semaphore_mem>>) src(%dma_wait3A_22 : memref<512xi32, #tpu.memory_space<hbm>>) dst(%arg5 : memref<512xi32, #tpu.memory_space<vmem>>)
      tpu.yield
    }) : () -> ()
    %dma_start3A = arith.constant 0 : i32
    %dma_start3A_3 = arith.constant 0 : i32
    %dma_start3A_4 = tpu.memref_slice %arg6[%dma_start3A, %dma_start3A_3] : memref<512x128xf32, #tpu.memory_space<vmem>> -> memref<512x128xf32, #tpu.memory_space<vmem>>
    %dma_start3A_5 = arith.constant 0 : i32
    %dma_start3A_6 = tpu.memref_slice %arg5[%dma_start3A_5] : memref<512xi32, #tpu.memory_space<vmem>> -> memref<512xi32, #tpu.memory_space<vmem>>
    %dma_start3A_7 = arith.constant 0 : i32
    %dma_start3A_8 = arith.constant 0 : i32
    %dma_start3A_9 = tpu.memref_slice %arg3[%dma_start3A_7, %dma_start3A_8] : memref<100000x128xf32, #tpu.memory_space<hbm>> -> memref<100000x128xf32, #tpu.memory_space<hbm>>
    tpu.enqueue_indirect_dma source(%dma_start3A_9 : memref<100000x128xf32, #tpu.memory_space<hbm>>) target(%dma_start3A_4 : memref<512x128xf32, #tpu.memory_space<vmem>>) offsets(%dma_start3A_6 : memref<512xi32, #tpu.memory_space<vmem>>) semaphore(%arg7 : memref<!tpu.dma_semaphore, #tpu.memory_space<semaphore_mem>>)
    %dma_wait3A = arith.constant 0 : i32
    %dma_wait3A_10 = arith.constant 0 : i32
    %dma_wait3A_11 = tpu.memref_slice %arg6[%dma_wait3A, %dma_wait3A_10] : memref<512x128xf32, #tpu.memory_space<vmem>> -> memref<512x128xf32, #tpu.memory_space<vmem>>
    %dma_wait3A_12 = arith.constant 0 : i32
    %dma_wait3A_13 = tpu.memref_slice %arg5[%dma_wait3A_12] : memref<512xi32, #tpu.memory_space<vmem>> -> memref<512xi32, #tpu.memory_space<vmem>>
    %dma_wait3A_14 = arith.constant 0 : i32
    %dma_wait3A_15 = arith.constant 0 : i32
    %dma_wait3A_16 = tpu.memref_slice %arg3[%dma_wait3A_14, %dma_wait3A_15] : memref<100000x128xf32, #tpu.memory_space<hbm>> -> memref<100000x128xf32, #tpu.memory_space<hbm>>
    tpu.wait_indirect_dma semaphore(%arg7 : memref<!tpu.dma_semaphore, #tpu.memory_space<semaphore_mem>>) src(%dma_wait3A_16 : memref<100000x128xf32, #tpu.memory_space<hbm>>) dst(%dma_wait3A_11 : memref<512x128xf32, #tpu.memory_space<vmem>>)
    %add3A_17 = arith.constant 0 : i32
    %add3A_18 = arith.addi %mul3A_2, %add3A_17 : i32
    "tpu.region"() ({
      %run_scoped3A = tpu.sem_alloc : memref<!tpu.dma_semaphore, #tpu.memory_space<semaphore_mem>>
      %dma_start3A_19 = arith.constant 0 : i32
      %dma_start3A_20 = arith.constant 0 : i32
      %dma_start3A_21 = tpu.memref_slice %arg6[%dma_start3A_19, %dma_start3A_20] : memref<512x128xf32, #tpu.memory_space<vmem>> -> memref<512x128xf32, #tpu.memory_space<vmem>>
      %dma_start3A_22 = arith.constant 0 : i32
      %dma_start3A_23 = tpu.memref_slice %arg4[%add3A_18, %dma_start3A_22] : memref<16384x128xf32, #tpu.memory_space<hbm>> -> memref<512x128xf32, #tpu.memory_space<hbm>>
      %dma_start3A_24 = arith.constant 0 : i32
      %dma_start3A_25 = tpu.memref_slice %arg4[%add3A_18, %dma_start3A_24] : memref<16384x128xf32, #tpu.memory_space<hbm>> -> memref<512x128xf32, #tpu.memory_space<hbm>>
      %dma_start3A_26 = arith.constant 0 : i32
      %dma_start3A_27 = arith.constant 0 : i32
      %dma_start3A_28 = tpu.memref_slice %arg6[%dma_start3A_26, %dma_start3A_27] : memref<512x128xf32, #tpu.memory_space<vmem>> -> memref<512x128xf32, #tpu.memory_space<vmem>>
      tpu.enqueue_dma source(%dma_start3A_28 : memref<512x128xf32, #tpu.memory_space<vmem>>) target(%dma_start3A_25 : memref<512x128xf32, #tpu.memory_space<hbm>>) target_semaphore(%run_scoped3A : memref<!tpu.dma_semaphore, #tpu.memory_space<semaphore_mem>>)
      %dma_wait3A_29 = arith.constant 0 : i32
      %dma_wait3A_30 = arith.constant 0 : i32
      %dma_wait3A_31 = tpu.memref_slice %arg6[%dma_wait3A_29, %dma_wait3A_30] : memref<512x128xf32, #tpu.memory_space<vmem>> -> memref<512x128xf32, #tpu.memory_space<vmem>>
      %dma_wait3A_32 = arith.constant 0 : i32
      %dma_wait3A_33 = tpu.memref_slice %arg4[%add3A_18, %dma_wait3A_32] : memref<16384x128xf32, #tpu.memory_space<hbm>> -> memref<512x128xf32, #tpu.memory_space<hbm>>
      %dma_wait3A_34 = arith.constant 0 : i32
      %dma_wait3A_35 = tpu.memref_slice %arg4[%add3A_18, %dma_wait3A_34] : memref<16384x128xf32, #tpu.memory_space<hbm>> -> memref<512x128xf32, #tpu.memory_space<hbm>>
      %dma_wait3A_36 = arith.constant 0 : i32
      %dma_wait3A_37 = arith.constant 0 : i32
      %dma_wait3A_38 = tpu.memref_slice %arg6[%dma_wait3A_36, %dma_wait3A_37] : memref<512x128xf32, #tpu.memory_space<vmem>> -> memref<512x128xf32, #tpu.memory_space<vmem>>
      tpu.wait_dma2 semaphore(%run_scoped3A : memref<!tpu.dma_semaphore, #tpu.memory_space<semaphore_mem>>) src(%dma_wait3A_38 : memref<512x128xf32, #tpu.memory_space<vmem>>) dst(%dma_wait3A_35 : memref<512x128xf32, #tpu.memory_space<hbm>>)
      tpu.yield
    }) : () -> ()
    return
  }
}

#map = affine_map<(d0, d1) -> (0)>
#map1 = affine_map<(d0, d1) -> (0, 0)>
module attributes {stable_mosaic.version = 14 : i64} {
  func.func @k(%arg0: i32, %arg1: i32, %arg2: memref<4096xi32, #tpu.memory_space<hbm>>, %arg3: memref<12500x128xf32, #tpu.memory_space<hbm>>, %arg4: memref<4096x128xf32, #tpu.memory_space<hbm>>, %arg5: memref<128xi32, #tpu.memory_space<vmem>>, %arg6: memref<128x128xf32, #tpu.memory_space<vmem>>, %arg7: memref<!tpu.dma_semaphore, #tpu.memory_space<semaphore_mem>>) attributes {dimension_semantics = [#tpu.dimension_semantics<core_parallel>, #tpu.dimension_semantics<subcore_parallel>], iteration_bounds = array<i64: 2, 16>, scalar_prefetch = 0 : i64, scratch_operands = 3 : i64, tpu.core_type = #tpu.core_type<sc_vector_subcore>, window_params = [{transform_indices = #map}, {transform_indices = #map1}, {transform_indices = #map1}]} {
    %mul3A = arith.constant 2 : i32
    %mul3A_0 = arith.muli %arg1, %mul3A : i32
    %add3A = arith.addi %mul3A_0, %arg0 : i32
    %mul3A_1 = arith.constant 128 : i32
    %mul3A_2 = arith.muli %add3A, %mul3A_1 : i32
    "tpu.region"() ({
      %run_scoped3A = tpu.sem_alloc : memref<!tpu.dma_semaphore, #tpu.memory_space<semaphore_mem>>
      %dma_start3A_19 = tpu.memref_slice %arg2[%mul3A_2] : memref<4096xi32, #tpu.memory_space<hbm>> -> memref<128xi32, #tpu.memory_space<hbm>>
      %dma_start3A_20 = tpu.memref_slice %arg2[%mul3A_2] : memref<4096xi32, #tpu.memory_space<hbm>> -> memref<128xi32, #tpu.memory_space<hbm>>
      tpu.enqueue_dma source(%dma_start3A_20 : memref<128xi32, #tpu.memory_space<hbm>>) target(%arg5 : memref<128xi32, #tpu.memory_space<vmem>>) target_semaphore(%run_scoped3A : memref<!tpu.dma_semaphore, #tpu.memory_space<semaphore_mem>>)
      %dma_wait3A_21 = tpu.memref_slice %arg2[%mul3A_2] : memref<4096xi32, #tpu.memory_space<hbm>> -> memref<128xi32, #tpu.memory_space<hbm>>
      %dma_wait3A_22 = tpu.memref_slice %arg2[%mul3A_2] : memref<4096xi32, #tpu.memory_space<hbm>> -> memref<128xi32, #tpu.memory_space<hbm>>
      tpu.wait_dma2 semaphore(%run_scoped3A : memref<!tpu.dma_semaphore, #tpu.memory_space<semaphore_mem>>) src(%dma_wait3A_22 : memref<128xi32, #tpu.memory_space<hbm>>) dst(%arg5 : memref<128xi32, #tpu.memory_space<vmem>>)
      tpu.yield
    }) : () -> ()
    %dma_start3A = arith.constant 0 : i32
    %dma_start3A_3 = arith.constant 0 : i32
    %dma_start3A_4 = tpu.memref_slice %arg6[%dma_start3A, %dma_start3A_3] : memref<128x128xf32, #tpu.memory_space<vmem>> -> memref<128x128xf32, #tpu.memory_space<vmem>>
    %dma_start3A_5 = arith.constant 0 : i32
    %dma_start3A_6 = tpu.memref_slice %arg5[%dma_start3A_5] : memref<128xi32, #tpu.memory_space<vmem>> -> memref<128xi32, #tpu.memory_space<vmem>>
    %dma_start3A_7 = arith.constant 0 : i32
    %dma_start3A_8 = arith.constant 0 : i32
    %dma_start3A_9 = tpu.memref_slice %arg3[%dma_start3A_7, %dma_start3A_8] : memref<12500x128xf32, #tpu.memory_space<hbm>> -> memref<12500x128xf32, #tpu.memory_space<hbm>>
    tpu.enqueue_indirect_dma source(%dma_start3A_9 : memref<12500x128xf32, #tpu.memory_space<hbm>>) target(%dma_start3A_4 : memref<128x128xf32, #tpu.memory_space<vmem>>) offsets(%dma_start3A_6 : memref<128xi32, #tpu.memory_space<vmem>>) semaphore(%arg7 : memref<!tpu.dma_semaphore, #tpu.memory_space<semaphore_mem>>)
    %dma_wait3A = arith.constant 0 : i32
    %dma_wait3A_10 = arith.constant 0 : i32
    %dma_wait3A_11 = tpu.memref_slice %arg6[%dma_wait3A, %dma_wait3A_10] : memref<128x128xf32, #tpu.memory_space<vmem>> -> memref<128x128xf32, #tpu.memory_space<vmem>>
    %dma_wait3A_12 = arith.constant 0 : i32
    %dma_wait3A_13 = tpu.memref_slice %arg5[%dma_wait3A_12] : memref<128xi32, #tpu.memory_space<vmem>> -> memref<128xi32, #tpu.memory_space<vmem>>
    %dma_wait3A_14 = arith.constant 0 : i32
    %dma_wait3A_15 = arith.constant 0 : i32
    %dma_wait3A_16 = tpu.memref_slice %arg3[%dma_wait3A_14, %dma_wait3A_15] : memref<12500x128xf32, #tpu.memory_space<hbm>> -> memref<12500x128xf32, #tpu.memory_space<hbm>>
    tpu.wait_indirect_dma semaphore(%arg7 : memref<!tpu.dma_semaphore, #tpu.memory_space<semaphore_mem>>) src(%dma_wait3A_16 : memref<12500x128xf32, #tpu.memory_space<hbm>>) dst(%dma_wait3A_11 : memref<128x128xf32, #tpu.memory_space<vmem>>)
    %add3A_17 = arith.constant 0 : i32
    %add3A_18 = arith.addi %mul3A_2, %add3A_17 : i32
    "tpu.region"() ({
      %run_scoped3A = tpu.sem_alloc : memref<!tpu.dma_semaphore, #tpu.memory_space<semaphore_mem>>
      %dma_start3A_19 = arith.constant 0 : i32
      %dma_start3A_20 = arith.constant 0 : i32
      %dma_start3A_21 = tpu.memref_slice %arg6[%dma_start3A_19, %dma_start3A_20] : memref<128x128xf32, #tpu.memory_space<vmem>> -> memref<128x128xf32, #tpu.memory_space<vmem>>
      %dma_start3A_22 = arith.constant 0 : i32
      %dma_start3A_23 = tpu.memref_slice %arg4[%add3A_18, %dma_start3A_22] : memref<4096x128xf32, #tpu.memory_space<hbm>> -> memref<128x128xf32, #tpu.memory_space<hbm>>
      %dma_start3A_24 = arith.constant 0 : i32
      %dma_start3A_25 = tpu.memref_slice %arg4[%add3A_18, %dma_start3A_24] : memref<4096x128xf32, #tpu.memory_space<hbm>> -> memref<128x128xf32, #tpu.memory_space<hbm>>
      %dma_start3A_26 = arith.constant 0 : i32
      %dma_start3A_27 = arith.constant 0 : i32
      %dma_start3A_28 = tpu.memref_slice %arg6[%dma_start3A_26, %dma_start3A_27] : memref<128x128xf32, #tpu.memory_space<vmem>> -> memref<128x128xf32, #tpu.memory_space<vmem>>
      tpu.enqueue_dma source(%dma_start3A_28 : memref<128x128xf32, #tpu.memory_space<vmem>>) target(%dma_start3A_25 : memref<128x128xf32, #tpu.memory_space<hbm>>) target_semaphore(%run_scoped3A : memref<!tpu.dma_semaphore, #tpu.memory_space<semaphore_mem>>)
      %dma_wait3A_29 = arith.constant 0 : i32
      %dma_wait3A_30 = arith.constant 0 : i32
      %dma_wait3A_31 = tpu.memref_slice %arg6[%dma_wait3A_29, %dma_wait3A_30] : memref<128x128xf32, #tpu.memory_space<vmem>> -> memref<128x128xf32, #tpu.memory_space<vmem>>
      %dma_wait3A_32 = arith.constant 0 : i32
      %dma_wait3A_33 = tpu.memref_slice %arg4[%add3A_18, %dma_wait3A_32] : memref<4096x128xf32, #tpu.memory_space<hbm>> -> memref<128x128xf32, #tpu.memory_space<hbm>>
      %dma_wait3A_34 = arith.constant 0 : i32
      %dma_wait3A_35 = tpu.memref_slice %arg4[%add3A_18, %dma_wait3A_34] : memref<4096x128xf32, #tpu.memory_space<hbm>> -> memref<128x128xf32, #tpu.memory_space<hbm>>
      %dma_wait3A_36 = arith.constant 0 : i32
      %dma_wait3A_37 = arith.constant 0 : i32
      %dma_wait3A_38 = tpu.memref_slice %arg6[%dma_wait3A_36, %dma_wait3A_37] : memref<128x128xf32, #tpu.memory_space<vmem>> -> memref<128x128xf32, #tpu.memory_space<vmem>>
      tpu.wait_dma2 semaphore(%run_scoped3A : memref<!tpu.dma_semaphore, #tpu.memory_space<semaphore_mem>>) src(%dma_wait3A_38 : memref<128x128xf32, #tpu.memory_space<vmem>>) dst(%dma_wait3A_35 : memref<128x128xf32, #tpu.memory_space<hbm>>)
      tpu.yield
    }) : () -> ()
    return
  }
}

#map = affine_map<(d0, d1) -> (0)>
#map1 = affine_map<(d0, d1) -> (0, 0)>
module attributes {stable_mosaic.version = 14 : i64} {
  func.func @k(%arg0: i32, %arg1: i32, %arg2: memref<768xi32, #tpu.memory_space<hbm>>, %arg3: memref<100000x128xf32, #tpu.memory_space<hbm>>, %arg4: memref<768x128xf32, #tpu.memory_space<hbm>>, %arg5: memref<24xi32, #tpu.memory_space<vmem>>, %arg6: memref<24x128xf32, #tpu.memory_space<vmem>>, %arg7: memref<!tpu.dma_semaphore, #tpu.memory_space<semaphore_mem>>) attributes {dimension_semantics = [#tpu.dimension_semantics<core_parallel>, #tpu.dimension_semantics<subcore_parallel>], iteration_bounds = array<i64: 2, 16>, scalar_prefetch = 0 : i64, scratch_operands = 3 : i64, tpu.core_type = #tpu.core_type<sc_vector_subcore>, window_params = [{transform_indices = #map}, {transform_indices = #map1}, {transform_indices = #map1}]} {
    %mul3A = arith.constant 2 : i32
    %mul3A_0 = arith.muli %arg1, %mul3A : i32
    %add3A = arith.addi %mul3A_0, %arg0 : i32
    %mul3A_1 = arith.constant 24 : i32
    %mul3A_2 = arith.muli %add3A, %mul3A_1 : i32
    "tpu.region"() ({
      %run_scoped3A = tpu.sem_alloc : memref<!tpu.dma_semaphore, #tpu.memory_space<semaphore_mem>>
      %dma_start3A_19 = tpu.memref_slice %arg2[%mul3A_2] : memref<768xi32, #tpu.memory_space<hbm>> -> memref<24xi32, #tpu.memory_space<hbm>>
      %dma_start3A_20 = tpu.memref_slice %arg2[%mul3A_2] : memref<768xi32, #tpu.memory_space<hbm>> -> memref<24xi32, #tpu.memory_space<hbm>>
      tpu.enqueue_dma source(%dma_start3A_20 : memref<24xi32, #tpu.memory_space<hbm>>) target(%arg5 : memref<24xi32, #tpu.memory_space<vmem>>) target_semaphore(%run_scoped3A : memref<!tpu.dma_semaphore, #tpu.memory_space<semaphore_mem>>)
      %dma_wait3A_21 = tpu.memref_slice %arg2[%mul3A_2] : memref<768xi32, #tpu.memory_space<hbm>> -> memref<24xi32, #tpu.memory_space<hbm>>
      %dma_wait3A_22 = tpu.memref_slice %arg2[%mul3A_2] : memref<768xi32, #tpu.memory_space<hbm>> -> memref<24xi32, #tpu.memory_space<hbm>>
      tpu.wait_dma2 semaphore(%run_scoped3A : memref<!tpu.dma_semaphore, #tpu.memory_space<semaphore_mem>>) src(%dma_wait3A_22 : memref<24xi32, #tpu.memory_space<hbm>>) dst(%arg5 : memref<24xi32, #tpu.memory_space<vmem>>)
      tpu.yield
    }) : () -> ()
    %dma_start3A = arith.constant 0 : i32
    %dma_start3A_3 = arith.constant 0 : i32
    %dma_start3A_4 = tpu.memref_slice %arg6[%dma_start3A, %dma_start3A_3] : memref<24x128xf32, #tpu.memory_space<vmem>> -> memref<24x128xf32, #tpu.memory_space<vmem>>
    %dma_start3A_5 = arith.constant 0 : i32
    %dma_start3A_6 = tpu.memref_slice %arg5[%dma_start3A_5] : memref<24xi32, #tpu.memory_space<vmem>> -> memref<24xi32, #tpu.memory_space<vmem>>
    %dma_start3A_7 = arith.constant 0 : i32
    %dma_start3A_8 = arith.constant 0 : i32
    %dma_start3A_9 = tpu.memref_slice %arg3[%dma_start3A_7, %dma_start3A_8] : memref<100000x128xf32, #tpu.memory_space<hbm>> -> memref<100000x128xf32, #tpu.memory_space<hbm>>
    tpu.enqueue_indirect_dma source(%dma_start3A_9 : memref<100000x128xf32, #tpu.memory_space<hbm>>) target(%dma_start3A_4 : memref<24x128xf32, #tpu.memory_space<vmem>>) offsets(%dma_start3A_6 : memref<24xi32, #tpu.memory_space<vmem>>) semaphore(%arg7 : memref<!tpu.dma_semaphore, #tpu.memory_space<semaphore_mem>>)
    %dma_wait3A = arith.constant 0 : i32
    %dma_wait3A_10 = arith.constant 0 : i32
    %dma_wait3A_11 = tpu.memref_slice %arg6[%dma_wait3A, %dma_wait3A_10] : memref<24x128xf32, #tpu.memory_space<vmem>> -> memref<24x128xf32, #tpu.memory_space<vmem>>
    %dma_wait3A_12 = arith.constant 0 : i32
    %dma_wait3A_13 = tpu.memref_slice %arg5[%dma_wait3A_12] : memref<24xi32, #tpu.memory_space<vmem>> -> memref<24xi32, #tpu.memory_space<vmem>>
    %dma_wait3A_14 = arith.constant 0 : i32
    %dma_wait3A_15 = arith.constant 0 : i32
    %dma_wait3A_16 = tpu.memref_slice %arg3[%dma_wait3A_14, %dma_wait3A_15] : memref<100000x128xf32, #tpu.memory_space<hbm>> -> memref<100000x128xf32, #tpu.memory_space<hbm>>
    tpu.wait_indirect_dma semaphore(%arg7 : memref<!tpu.dma_semaphore, #tpu.memory_space<semaphore_mem>>) src(%dma_wait3A_16 : memref<100000x128xf32, #tpu.memory_space<hbm>>) dst(%dma_wait3A_11 : memref<24x128xf32, #tpu.memory_space<vmem>>)
    %add3A_17 = arith.constant 0 : i32
    %add3A_18 = arith.addi %mul3A_2, %add3A_17 : i32
    "tpu.region"() ({
      %run_scoped3A = tpu.sem_alloc : memref<!tpu.dma_semaphore, #tpu.memory_space<semaphore_mem>>
      %dma_start3A_19 = arith.constant 0 : i32
      %dma_start3A_20 = arith.constant 0 : i32
      %dma_start3A_21 = tpu.memref_slice %arg6[%dma_start3A_19, %dma_start3A_20] : memref<24x128xf32, #tpu.memory_space<vmem>> -> memref<24x128xf32, #tpu.memory_space<vmem>>
      %dma_start3A_22 = arith.constant 0 : i32
      %dma_start3A_23 = tpu.memref_slice %arg4[%add3A_18, %dma_start3A_22] : memref<768x128xf32, #tpu.memory_space<hbm>> -> memref<24x128xf32, #tpu.memory_space<hbm>>
      %dma_start3A_24 = arith.constant 0 : i32
      %dma_start3A_25 = tpu.memref_slice %arg4[%add3A_18, %dma_start3A_24] : memref<768x128xf32, #tpu.memory_space<hbm>> -> memref<24x128xf32, #tpu.memory_space<hbm>>
      %dma_start3A_26 = arith.constant 0 : i32
      %dma_start3A_27 = arith.constant 0 : i32
      %dma_start3A_28 = tpu.memref_slice %arg6[%dma_start3A_26, %dma_start3A_27] : memref<24x128xf32, #tpu.memory_space<vmem>> -> memref<24x128xf32, #tpu.memory_space<vmem>>
      tpu.enqueue_dma source(%dma_start3A_28 : memref<24x128xf32, #tpu.memory_space<vmem>>) target(%dma_start3A_25 : memref<24x128xf32, #tpu.memory_space<hbm>>) target_semaphore(%run_scoped3A : memref<!tpu.dma_semaphore, #tpu.memory_space<semaphore_mem>>)
      %dma_wait3A_29 = arith.constant 0 : i32
      %dma_wait3A_30 = arith.constant 0 : i32
      %dma_wait3A_31 = tpu.memref_slice %arg6[%dma_wait3A_29, %dma_wait3A_30] : memref<24x128xf32, #tpu.memory_space<vmem>> -> memref<24x128xf32, #tpu.memory_space<vmem>>
      %dma_wait3A_32 = arith.constant 0 : i32
      %dma_wait3A_33 = tpu.memref_slice %arg4[%add3A_18, %dma_wait3A_32] : memref<768x128xf32, #tpu.memory_space<hbm>> -> memref<24x128xf32, #tpu.memory_space<hbm>>
      %dma_wait3A_34 = arith.constant 0 : i32
      %dma_wait3A_35 = tpu.memref_slice %arg4[%add3A_18, %dma_wait3A_34] : memref<768x128xf32, #tpu.memory_space<hbm>> -> memref<24x128xf32, #tpu.memory_space<hbm>>
      %dma_wait3A_36 = arith.constant 0 : i32
      %dma_wait3A_37 = arith.constant 0 : i32
      %dma_wait3A_38 = tpu.memref_slice %arg6[%dma_wait3A_36, %dma_wait3A_37] : memref<24x128xf32, #tpu.memory_space<vmem>> -> memref<24x128xf32, #tpu.memory_space<vmem>>
      tpu.wait_dma2 semaphore(%run_scoped3A : memref<!tpu.dma_semaphore, #tpu.memory_space<semaphore_mem>>) src(%dma_wait3A_38 : memref<24x128xf32, #tpu.memory_space<vmem>>) dst(%dma_wait3A_35 : memref<24x128xf32, #tpu.memory_space<hbm>>)
      tpu.yield
    }) : () -> ()
    return
  }
}

#map = affine_map<(d0, d1) -> (0)>
#map1 = affine_map<(d0, d1) -> (0, 0)>
module attributes {stable_mosaic.version = 14 : i64} {
  func.func @k(%arg0: i32, %arg1: i32, %arg2: memref<81920xi32, #tpu.memory_space<hbm>>, %arg3: memref<100000x128xf32, #tpu.memory_space<hbm>>, %arg4: memref<81920x128xf32, #tpu.memory_space<hbm>>, %arg5: memref<2560xi32, #tpu.memory_space<vmem>>, %arg6: memref<512x128xf32, #tpu.memory_space<vmem>>, %arg7: memref<!tpu.dma_semaphore, #tpu.memory_space<semaphore_mem>>) attributes {dimension_semantics = [#tpu.dimension_semantics<core_parallel>, #tpu.dimension_semantics<subcore_parallel>], iteration_bounds = array<i64: 2, 16>, scalar_prefetch = 0 : i64, scratch_operands = 3 : i64, tpu.core_type = #tpu.core_type<sc_vector_subcore>, window_params = [{transform_indices = #map}, {transform_indices = #map1}, {transform_indices = #map1}]} {
    %mul3A = arith.constant 2 : i32
    %mul3A_0 = arith.muli %arg1, %mul3A : i32
    %add3A = arith.addi %mul3A_0, %arg0 : i32
    %mul3A_1 = arith.constant 2560 : i32
    %mul3A_2 = arith.muli %add3A, %mul3A_1 : i32
    "tpu.region"() ({
      %run_scoped3A = tpu.sem_alloc : memref<!tpu.dma_semaphore, #tpu.memory_space<semaphore_mem>>
      %dma_start3A_91 = tpu.memref_slice %arg2[%mul3A_2] : memref<81920xi32, #tpu.memory_space<hbm>> -> memref<2560xi32, #tpu.memory_space<hbm>>
      %dma_start3A_92 = tpu.memref_slice %arg2[%mul3A_2] : memref<81920xi32, #tpu.memory_space<hbm>> -> memref<2560xi32, #tpu.memory_space<hbm>>
      tpu.enqueue_dma source(%dma_start3A_92 : memref<2560xi32, #tpu.memory_space<hbm>>) target(%arg5 : memref<2560xi32, #tpu.memory_space<vmem>>) target_semaphore(%run_scoped3A : memref<!tpu.dma_semaphore, #tpu.memory_space<semaphore_mem>>)
      %dma_wait3A_93 = tpu.memref_slice %arg2[%mul3A_2] : memref<81920xi32, #tpu.memory_space<hbm>> -> memref<2560xi32, #tpu.memory_space<hbm>>
      %dma_wait3A_94 = tpu.memref_slice %arg2[%mul3A_2] : memref<81920xi32, #tpu.memory_space<hbm>> -> memref<2560xi32, #tpu.memory_space<hbm>>
      tpu.wait_dma2 semaphore(%run_scoped3A : memref<!tpu.dma_semaphore, #tpu.memory_space<semaphore_mem>>) src(%dma_wait3A_94 : memref<2560xi32, #tpu.memory_space<hbm>>) dst(%arg5 : memref<2560xi32, #tpu.memory_space<vmem>>)
      tpu.yield
    }) : () -> ()
    %dma_start3A = arith.constant 0 : i32
    %dma_start3A_3 = arith.constant 0 : i32
    %dma_start3A_4 = tpu.memref_slice %arg6[%dma_start3A, %dma_start3A_3] : memref<512x128xf32, #tpu.memory_space<vmem>> -> memref<512x128xf32, #tpu.memory_space<vmem>>
    %dma_start3A_5 = arith.constant 0 : i32
    %dma_start3A_6 = tpu.memref_slice %arg5[%dma_start3A_5] : memref<2560xi32, #tpu.memory_space<vmem>> -> memref<512xi32, #tpu.memory_space<vmem>>
    %dma_start3A_7 = arith.constant 0 : i32
    %dma_start3A_8 = arith.constant 0 : i32
    %dma_start3A_9 = tpu.memref_slice %arg3[%dma_start3A_7, %dma_start3A_8] : memref<100000x128xf32, #tpu.memory_space<hbm>> -> memref<100000x128xf32, #tpu.memory_space<hbm>>
    tpu.enqueue_indirect_dma source(%dma_start3A_9 : memref<100000x128xf32, #tpu.memory_space<hbm>>) target(%dma_start3A_4 : memref<512x128xf32, #tpu.memory_space<vmem>>) offsets(%dma_start3A_6 : memref<512xi32, #tpu.memory_space<vmem>>) semaphore(%arg7 : memref<!tpu.dma_semaphore, #tpu.memory_space<semaphore_mem>>)
    %dma_wait3A = arith.constant 0 : i32
    %dma_wait3A_10 = arith.constant 0 : i32
    %dma_wait3A_11 = tpu.memref_slice %arg6[%dma_wait3A, %dma_wait3A_10] : memref<512x128xf32, #tpu.memory_space<vmem>> -> memref<512x128xf32, #tpu.memory_space<vmem>>
    %dma_wait3A_12 = arith.constant 0 : i32
    %dma_wait3A_13 = tpu.memref_slice %arg5[%dma_wait3A_12] : memref<2560xi32, #tpu.memory_space<vmem>> -> memref<512xi32, #tpu.memory_space<vmem>>
    %dma_wait3A_14 = arith.constant 0 : i32
    %dma_wait3A_15 = arith.constant 0 : i32
    %dma_wait3A_16 = tpu.memref_slice %arg3[%dma_wait3A_14, %dma_wait3A_15] : memref<100000x128xf32, #tpu.memory_space<hbm>> -> memref<100000x128xf32, #tpu.memory_space<hbm>>
    tpu.wait_indirect_dma semaphore(%arg7 : memref<!tpu.dma_semaphore, #tpu.memory_space<semaphore_mem>>) src(%dma_wait3A_16 : memref<100000x128xf32, #tpu.memory_space<hbm>>) dst(%dma_wait3A_11 : memref<512x128xf32, #tpu.memory_space<vmem>>)
    %add3A_17 = arith.constant 0 : i32
    %add3A_18 = arith.addi %mul3A_2, %add3A_17 : i32
    "tpu.region"() ({
      %run_scoped3A = tpu.sem_alloc : memref<!tpu.dma_semaphore, #tpu.memory_space<semaphore_mem>>
      %dma_start3A_91 = arith.constant 0 : i32
      %dma_start3A_92 = arith.constant 0 : i32
      %dma_start3A_93 = tpu.memref_slice %arg6[%dma_start3A_91, %dma_start3A_92] : memref<512x128xf32, #tpu.memory_space<vmem>> -> memref<512x128xf32, #tpu.memory_space<vmem>>
      %dma_start3A_94 = arith.constant 0 : i32
      %dma_start3A_95 = tpu.memref_slice %arg4[%add3A_18, %dma_start3A_94] : memref<81920x128xf32, #tpu.memory_space<hbm>> -> memref<512x128xf32, #tpu.memory_space<hbm>>
      %dma_start3A_96 = arith.constant 0 : i32
      %dma_start3A_97 = tpu.memref_slice %arg4[%add3A_18, %dma_start3A_96] : memref<81920x128xf32, #tpu.memory_space<hbm>> -> memref<512x128xf32, #tpu.memory_space<hbm>>
      %dma_start3A_98 = arith.constant 0 : i32
      %dma_start3A_99 = arith.constant 0 : i32
      %dma_start3A_100 = tpu.memref_slice %arg6[%dma_start3A_98, %dma_start3A_99] : memref<512x128xf32, #tpu.memory_space<vmem>> -> memref<512x128xf32, #tpu.memory_space<vmem>>
      tpu.enqueue_dma source(%dma_start3A_100 : memref<512x128xf32, #tpu.memory_space<vmem>>) target(%dma_start3A_97 : memref<512x128xf32, #tpu.memory_space<hbm>>) target_semaphore(%run_scoped3A : memref<!tpu.dma_semaphore, #tpu.memory_space<semaphore_mem>>)
      %dma_wait3A_101 = arith.constant 0 : i32
      %dma_wait3A_102 = arith.constant 0 : i32
      %dma_wait3A_103 = tpu.memref_slice %arg6[%dma_wait3A_101, %dma_wait3A_102] : memref<512x128xf32, #tpu.memory_space<vmem>> -> memref<512x128xf32, #tpu.memory_space<vmem>>
      %dma_wait3A_104 = arith.constant 0 : i32
      %dma_wait3A_105 = tpu.memref_slice %arg4[%add3A_18, %dma_wait3A_104] : memref<81920x128xf32, #tpu.memory_space<hbm>> -> memref<512x128xf32, #tpu.memory_space<hbm>>
      %dma_wait3A_106 = arith.constant 0 : i32
      %dma_wait3A_107 = tpu.memref_slice %arg4[%add3A_18, %dma_wait3A_106] : memref<81920x128xf32, #tpu.memory_space<hbm>> -> memref<512x128xf32, #tpu.memory_space<hbm>>
      %dma_wait3A_108 = arith.constant 0 : i32
      %dma_wait3A_109 = arith.constant 0 : i32
      %dma_wait3A_110 = tpu.memref_slice %arg6[%dma_wait3A_108, %dma_wait3A_109] : memref<512x128xf32, #tpu.memory_space<vmem>> -> memref<512x128xf32, #tpu.memory_space<vmem>>
      tpu.wait_dma2 semaphore(%run_scoped3A : memref<!tpu.dma_semaphore, #tpu.memory_space<semaphore_mem>>) src(%dma_wait3A_110 : memref<512x128xf32, #tpu.memory_space<vmem>>) dst(%dma_wait3A_107 : memref<512x128xf32, #tpu.memory_space<hbm>>)
      tpu.yield
    }) : () -> ()
    %dma_start3A_19 = arith.constant 0 : i32
    %dma_start3A_20 = arith.constant 0 : i32
    %dma_start3A_21 = tpu.memref_slice %arg6[%dma_start3A_19, %dma_start3A_20] : memref<512x128xf32, #tpu.memory_space<vmem>> -> memref<512x128xf32, #tpu.memory_space<vmem>>
    %dma_start3A_22 = arith.constant 512 : i32
    %dma_start3A_23 = tpu.memref_slice %arg5[%dma_start3A_22] : memref<2560xi32, #tpu.memory_space<vmem>> -> memref<512xi32, #tpu.memory_space<vmem>>
    %dma_start3A_24 = arith.constant 0 : i32
    %dma_start3A_25 = arith.constant 0 : i32
    %dma_start3A_26 = tpu.memref_slice %arg3[%dma_start3A_24, %dma_start3A_25] : memref<100000x128xf32, #tpu.memory_space<hbm>> -> memref<100000x128xf32, #tpu.memory_space<hbm>>
    tpu.enqueue_indirect_dma source(%dma_start3A_26 : memref<100000x128xf32, #tpu.memory_space<hbm>>) target(%dma_start3A_21 : memref<512x128xf32, #tpu.memory_space<vmem>>) offsets(%dma_start3A_23 : memref<512xi32, #tpu.memory_space<vmem>>) semaphore(%arg7 : memref<!tpu.dma_semaphore, #tpu.memory_space<semaphore_mem>>)
    %dma_wait3A_27 = arith.constant 0 : i32
    %dma_wait3A_28 = arith.constant 0 : i32
    %dma_wait3A_29 = tpu.memref_slice %arg6[%dma_wait3A_27, %dma_wait3A_28] : memref<512x128xf32, #tpu.memory_space<vmem>> -> memref<512x128xf32, #tpu.memory_space<vmem>>
    %dma_wait3A_30 = arith.constant 512 : i32
    %dma_wait3A_31 = tpu.memref_slice %arg5[%dma_wait3A_30] : memref<2560xi32, #tpu.memory_space<vmem>> -> memref<512xi32, #tpu.memory_space<vmem>>
    %dma_wait3A_32 = arith.constant 0 : i32
    %dma_wait3A_33 = arith.constant 0 : i32
    %dma_wait3A_34 = tpu.memref_slice %arg3[%dma_wait3A_32, %dma_wait3A_33] : memref<100000x128xf32, #tpu.memory_space<hbm>> -> memref<100000x128xf32, #tpu.memory_space<hbm>>
    tpu.wait_indirect_dma semaphore(%arg7 : memref<!tpu.dma_semaphore, #tpu.memory_space<semaphore_mem>>) src(%dma_wait3A_34 : memref<100000x128xf32, #tpu.memory_space<hbm>>) dst(%dma_wait3A_29 : memref<512x128xf32, #tpu.memory_space<vmem>>)
    %add3A_35 = arith.constant 512 : i32
    %add3A_36 = arith.addi %mul3A_2, %add3A_35 : i32
    "tpu.region"() ({
      %run_scoped3A = tpu.sem_alloc : memref<!tpu.dma_semaphore, #tpu.memory_space<semaphore_mem>>
      %dma_start3A_91 = arith.constant 0 : i32
      %dma_start3A_92 = arith.constant 0 : i32
      %dma_start3A_93 = tpu.memref_slice %arg6[%dma_start3A_91, %dma_start3A_92] : memref<512x128xf32, #tpu.memory_space<vmem>> -> memref<512x128xf32, #tpu.memory_space<vmem>>
      %dma_start3A_94 = arith.constant 0 : i32
      %dma_start3A_95 = tpu.memref_slice %arg4[%add3A_36, %dma_start3A_94] : memref<81920x128xf32, #tpu.memory_space<hbm>> -> memref<512x128xf32, #tpu.memory_space<hbm>>
      %dma_start3A_96 = arith.constant 0 : i32
      %dma_start3A_97 = tpu.memref_slice %arg4[%add3A_36, %dma_start3A_96] : memref<81920x128xf32, #tpu.memory_space<hbm>> -> memref<512x128xf32, #tpu.memory_space<hbm>>
      %dma_start3A_98 = arith.constant 0 : i32
      %dma_start3A_99 = arith.constant 0 : i32
      %dma_start3A_100 = tpu.memref_slice %arg6[%dma_start3A_98, %dma_start3A_99] : memref<512x128xf32, #tpu.memory_space<vmem>> -> memref<512x128xf32, #tpu.memory_space<vmem>>
      tpu.enqueue_dma source(%dma_start3A_100 : memref<512x128xf32, #tpu.memory_space<vmem>>) target(%dma_start3A_97 : memref<512x128xf32, #tpu.memory_space<hbm>>) target_semaphore(%run_scoped3A : memref<!tpu.dma_semaphore, #tpu.memory_space<semaphore_mem>>)
      %dma_wait3A_101 = arith.constant 0 : i32
      %dma_wait3A_102 = arith.constant 0 : i32
      %dma_wait3A_103 = tpu.memref_slice %arg6[%dma_wait3A_101, %dma_wait3A_102] : memref<512x128xf32, #tpu.memory_space<vmem>> -> memref<512x128xf32, #tpu.memory_space<vmem>>
      %dma_wait3A_104 = arith.constant 0 : i32
      %dma_wait3A_105 = tpu.memref_slice %arg4[%add3A_36, %dma_wait3A_104] : memref<81920x128xf32, #tpu.memory_space<hbm>> -> memref<512x128xf32, #tpu.memory_space<hbm>>
      %dma_wait3A_106 = arith.constant 0 : i32
      %dma_wait3A_107 = tpu.memref_slice %arg4[%add3A_36, %dma_wait3A_106] : memref<81920x128xf32, #tpu.memory_space<hbm>> -> memref<512x128xf32, #tpu.memory_space<hbm>>
      %dma_wait3A_108 = arith.constant 0 : i32
      %dma_wait3A_109 = arith.constant 0 : i32
      %dma_wait3A_110 = tpu.memref_slice %arg6[%dma_wait3A_108, %dma_wait3A_109] : memref<512x128xf32, #tpu.memory_space<vmem>> -> memref<512x128xf32, #tpu.memory_space<vmem>>
      tpu.wait_dma2 semaphore(%run_scoped3A : memref<!tpu.dma_semaphore, #tpu.memory_space<semaphore_mem>>) src(%dma_wait3A_110 : memref<512x128xf32, #tpu.memory_space<vmem>>) dst(%dma_wait3A_107 : memref<512x128xf32, #tpu.memory_space<hbm>>)
      tpu.yield
    }) : () -> ()
    %dma_start3A_37 = arith.constant 0 : i32
    %dma_start3A_38 = arith.constant 0 : i32
    %dma_start3A_39 = tpu.memref_slice %arg6[%dma_start3A_37, %dma_start3A_38] : memref<512x128xf32, #tpu.memory_space<vmem>> -> memref<512x128xf32, #tpu.memory_space<vmem>>
    %dma_start3A_40 = arith.constant 1024 : i32
    %dma_start3A_41 = tpu.memref_slice %arg5[%dma_start3A_40] : memref<2560xi32, #tpu.memory_space<vmem>> -> memref<512xi32, #tpu.memory_space<vmem>>
    %dma_start3A_42 = arith.constant 0 : i32
    %dma_start3A_43 = arith.constant 0 : i32
    %dma_start3A_44 = tpu.memref_slice %arg3[%dma_start3A_42, %dma_start3A_43] : memref<100000x128xf32, #tpu.memory_space<hbm>> -> memref<100000x128xf32, #tpu.memory_space<hbm>>
    tpu.enqueue_indirect_dma source(%dma_start3A_44 : memref<100000x128xf32, #tpu.memory_space<hbm>>) target(%dma_start3A_39 : memref<512x128xf32, #tpu.memory_space<vmem>>) offsets(%dma_start3A_41 : memref<512xi32, #tpu.memory_space<vmem>>) semaphore(%arg7 : memref<!tpu.dma_semaphore, #tpu.memory_space<semaphore_mem>>)
    %dma_wait3A_45 = arith.constant 0 : i32
    %dma_wait3A_46 = arith.constant 0 : i32
    %dma_wait3A_47 = tpu.memref_slice %arg6[%dma_wait3A_45, %dma_wait3A_46] : memref<512x128xf32, #tpu.memory_space<vmem>> -> memref<512x128xf32, #tpu.memory_space<vmem>>
    %dma_wait3A_48 = arith.constant 1024 : i32
    %dma_wait3A_49 = tpu.memref_slice %arg5[%dma_wait3A_48] : memref<2560xi32, #tpu.memory_space<vmem>> -> memref<512xi32, #tpu.memory_space<vmem>>
    %dma_wait3A_50 = arith.constant 0 : i32
    %dma_wait3A_51 = arith.constant 0 : i32
    %dma_wait3A_52 = tpu.memref_slice %arg3[%dma_wait3A_50, %dma_wait3A_51] : memref<100000x128xf32, #tpu.memory_space<hbm>> -> memref<100000x128xf32, #tpu.memory_space<hbm>>
    tpu.wait_indirect_dma semaphore(%arg7 : memref<!tpu.dma_semaphore, #tpu.memory_space<semaphore_mem>>) src(%dma_wait3A_52 : memref<100000x128xf32, #tpu.memory_space<hbm>>) dst(%dma_wait3A_47 : memref<512x128xf32, #tpu.memory_space<vmem>>)
    %add3A_53 = arith.constant 1024 : i32
    %add3A_54 = arith.addi %mul3A_2, %add3A_53 : i32
    "tpu.region"() ({
      %run_scoped3A = tpu.sem_alloc : memref<!tpu.dma_semaphore, #tpu.memory_space<semaphore_mem>>
      %dma_start3A_91 = arith.constant 0 : i32
      %dma_start3A_92 = arith.constant 0 : i32
      %dma_start3A_93 = tpu.memref_slice %arg6[%dma_start3A_91, %dma_start3A_92] : memref<512x128xf32, #tpu.memory_space<vmem>> -> memref<512x128xf32, #tpu.memory_space<vmem>>
      %dma_start3A_94 = arith.constant 0 : i32
      %dma_start3A_95 = tpu.memref_slice %arg4[%add3A_54, %dma_start3A_94] : memref<81920x128xf32, #tpu.memory_space<hbm>> -> memref<512x128xf32, #tpu.memory_space<hbm>>
      %dma_start3A_96 = arith.constant 0 : i32
      %dma_start3A_97 = tpu.memref_slice %arg4[%add3A_54, %dma_start3A_96] : memref<81920x128xf32, #tpu.memory_space<hbm>> -> memref<512x128xf32, #tpu.memory_space<hbm>>
      %dma_start3A_98 = arith.constant 0 : i32
      %dma_start3A_99 = arith.constant 0 : i32
      %dma_start3A_100 = tpu.memref_slice %arg6[%dma_start3A_98, %dma_start3A_99] : memref<512x128xf32, #tpu.memory_space<vmem>> -> memref<512x128xf32, #tpu.memory_space<vmem>>
      tpu.enqueue_dma source(%dma_start3A_100 : memref<512x128xf32, #tpu.memory_space<vmem>>) target(%dma_start3A_97 : memref<512x128xf32, #tpu.memory_space<hbm>>) target_semaphore(%run_scoped3A : memref<!tpu.dma_semaphore, #tpu.memory_space<semaphore_mem>>)
      %dma_wait3A_101 = arith.constant 0 : i32
      %dma_wait3A_102 = arith.constant 0 : i32
      %dma_wait3A_103 = tpu.memref_slice %arg6[%dma_wait3A_101, %dma_wait3A_102] : memref<512x128xf32, #tpu.memory_space<vmem>> -> memref<512x128xf32, #tpu.memory_space<vmem>>
      %dma_wait3A_104 = arith.constant 0 : i32
      %dma_wait3A_105 = tpu.memref_slice %arg4[%add3A_54, %dma_wait3A_104] : memref<81920x128xf32, #tpu.memory_space<hbm>> -> memref<512x128xf32, #tpu.memory_space<hbm>>
      %dma_wait3A_106 = arith.constant 0 : i32
      %dma_wait3A_107 = tpu.memref_slice %arg4[%add3A_54, %dma_wait3A_106] : memref<81920x128xf32, #tpu.memory_space<hbm>> -> memref<512x128xf32, #tpu.memory_space<hbm>>
      %dma_wait3A_108 = arith.constant 0 : i32
      %dma_wait3A_109 = arith.constant 0 : i32
      %dma_wait3A_110 = tpu.memref_slice %arg6[%dma_wait3A_108, %dma_wait3A_109] : memref<512x128xf32, #tpu.memory_space<vmem>> -> memref<512x128xf32, #tpu.memory_space<vmem>>
      tpu.wait_dma2 semaphore(%run_scoped3A : memref<!tpu.dma_semaphore, #tpu.memory_space<semaphore_mem>>) src(%dma_wait3A_110 : memref<512x128xf32, #tpu.memory_space<vmem>>) dst(%dma_wait3A_107 : memref<512x128xf32, #tpu.memory_space<hbm>>)
      tpu.yield
    }) : () -> ()
    %dma_start3A_55 = arith.constant 0 : i32
    %dma_start3A_56 = arith.constant 0 : i32
    %dma_start3A_57 = tpu.memref_slice %arg6[%dma_start3A_55, %dma_start3A_56] : memref<512x128xf32, #tpu.memory_space<vmem>> -> memref<512x128xf32, #tpu.memory_space<vmem>>
    %dma_start3A_58 = arith.constant 1536 : i32
    %dma_start3A_59 = tpu.memref_slice %arg5[%dma_start3A_58] : memref<2560xi32, #tpu.memory_space<vmem>> -> memref<512xi32, #tpu.memory_space<vmem>>
    %dma_start3A_60 = arith.constant 0 : i32
    %dma_start3A_61 = arith.constant 0 : i32
    %dma_start3A_62 = tpu.memref_slice %arg3[%dma_start3A_60, %dma_start3A_61] : memref<100000x128xf32, #tpu.memory_space<hbm>> -> memref<100000x128xf32, #tpu.memory_space<hbm>>
    tpu.enqueue_indirect_dma source(%dma_start3A_62 : memref<100000x128xf32, #tpu.memory_space<hbm>>) target(%dma_start3A_57 : memref<512x128xf32, #tpu.memory_space<vmem>>) offsets(%dma_start3A_59 : memref<512xi32, #tpu.memory_space<vmem>>) semaphore(%arg7 : memref<!tpu.dma_semaphore, #tpu.memory_space<semaphore_mem>>)
    %dma_wait3A_63 = arith.constant 0 : i32
    %dma_wait3A_64 = arith.constant 0 : i32
    %dma_wait3A_65 = tpu.memref_slice %arg6[%dma_wait3A_63, %dma_wait3A_64] : memref<512x128xf32, #tpu.memory_space<vmem>> -> memref<512x128xf32, #tpu.memory_space<vmem>>
    %dma_wait3A_66 = arith.constant 1536 : i32
    %dma_wait3A_67 = tpu.memref_slice %arg5[%dma_wait3A_66] : memref<2560xi32, #tpu.memory_space<vmem>> -> memref<512xi32, #tpu.memory_space<vmem>>
    %dma_wait3A_68 = arith.constant 0 : i32
    %dma_wait3A_69 = arith.constant 0 : i32
    %dma_wait3A_70 = tpu.memref_slice %arg3[%dma_wait3A_68, %dma_wait3A_69] : memref<100000x128xf32, #tpu.memory_space<hbm>> -> memref<100000x128xf32, #tpu.memory_space<hbm>>
    tpu.wait_indirect_dma semaphore(%arg7 : memref<!tpu.dma_semaphore, #tpu.memory_space<semaphore_mem>>) src(%dma_wait3A_70 : memref<100000x128xf32, #tpu.memory_space<hbm>>) dst(%dma_wait3A_65 : memref<512x128xf32, #tpu.memory_space<vmem>>)
    %add3A_71 = arith.constant 1536 : i32
    %add3A_72 = arith.addi %mul3A_2, %add3A_71 : i32
    "tpu.region"() ({
      %run_scoped3A = tpu.sem_alloc : memref<!tpu.dma_semaphore, #tpu.memory_space<semaphore_mem>>
      %dma_start3A_91 = arith.constant 0 : i32
      %dma_start3A_92 = arith.constant 0 : i32
      %dma_start3A_93 = tpu.memref_slice %arg6[%dma_start3A_91, %dma_start3A_92] : memref<512x128xf32, #tpu.memory_space<vmem>> -> memref<512x128xf32, #tpu.memory_space<vmem>>
      %dma_start3A_94 = arith.constant 0 : i32
      %dma_start3A_95 = tpu.memref_slice %arg4[%add3A_72, %dma_start3A_94] : memref<81920x128xf32, #tpu.memory_space<hbm>> -> memref<512x128xf32, #tpu.memory_space<hbm>>
      %dma_start3A_96 = arith.constant 0 : i32
      %dma_start3A_97 = tpu.memref_slice %arg4[%add3A_72, %dma_start3A_96] : memref<81920x128xf32, #tpu.memory_space<hbm>> -> memref<512x128xf32, #tpu.memory_space<hbm>>
      %dma_start3A_98 = arith.constant 0 : i32
      %dma_start3A_99 = arith.constant 0 : i32
      %dma_start3A_100 = tpu.memref_slice %arg6[%dma_start3A_98, %dma_start3A_99] : memref<512x128xf32, #tpu.memory_space<vmem>> -> memref<512x128xf32, #tpu.memory_space<vmem>>
      tpu.enqueue_dma source(%dma_start3A_100 : memref<512x128xf32, #tpu.memory_space<vmem>>) target(%dma_start3A_97 : memref<512x128xf32, #tpu.memory_space<hbm>>) target_semaphore(%run_scoped3A : memref<!tpu.dma_semaphore, #tpu.memory_space<semaphore_mem>>)
      %dma_wait3A_101 = arith.constant 0 : i32
      %dma_wait3A_102 = arith.constant 0 : i32
      %dma_wait3A_103 = tpu.memref_slice %arg6[%dma_wait3A_101, %dma_wait3A_102] : memref<512x128xf32, #tpu.memory_space<vmem>> -> memref<512x128xf32, #tpu.memory_space<vmem>>
      %dma_wait3A_104 = arith.constant 0 : i32
      %dma_wait3A_105 = tpu.memref_slice %arg4[%add3A_72, %dma_wait3A_104] : memref<81920x128xf32, #tpu.memory_space<hbm>> -> memref<512x128xf32, #tpu.memory_space<hbm>>
      %dma_wait3A_106 = arith.constant 0 : i32
      %dma_wait3A_107 = tpu.memref_slice %arg4[%add3A_72, %dma_wait3A_106] : memref<81920x128xf32, #tpu.memory_space<hbm>> -> memref<512x128xf32, #tpu.memory_space<hbm>>
      %dma_wait3A_108 = arith.constant 0 : i32
      %dma_wait3A_109 = arith.constant 0 : i32
      %dma_wait3A_110 = tpu.memref_slice %arg6[%dma_wait3A_108, %dma_wait3A_109] : memref<512x128xf32, #tpu.memory_space<vmem>> -> memref<512x128xf32, #tpu.memory_space<vmem>>
      tpu.wait_dma2 semaphore(%run_scoped3A : memref<!tpu.dma_semaphore, #tpu.memory_space<semaphore_mem>>) src(%dma_wait3A_110 : memref<512x128xf32, #tpu.memory_space<vmem>>) dst(%dma_wait3A_107 : memref<512x128xf32, #tpu.memory_space<hbm>>)
      tpu.yield
    }) : () -> ()
    %dma_start3A_73 = arith.constant 0 : i32
    %dma_start3A_74 = arith.constant 0 : i32
    %dma_start3A_75 = tpu.memref_slice %arg6[%dma_start3A_73, %dma_start3A_74] : memref<512x128xf32, #tpu.memory_space<vmem>> -> memref<512x128xf32, #tpu.memory_space<vmem>>
    %dma_start3A_76 = arith.constant 2048 : i32
    %dma_start3A_77 = tpu.memref_slice %arg5[%dma_start3A_76] : memref<2560xi32, #tpu.memory_space<vmem>> -> memref<512xi32, #tpu.memory_space<vmem>>
    %dma_start3A_78 = arith.constant 0 : i32
    %dma_start3A_79 = arith.constant 0 : i32
    %dma_start3A_80 = tpu.memref_slice %arg3[%dma_start3A_78, %dma_start3A_79] : memref<100000x128xf32, #tpu.memory_space<hbm>> -> memref<100000x128xf32, #tpu.memory_space<hbm>>
    tpu.enqueue_indirect_dma source(%dma_start3A_80 : memref<100000x128xf32, #tpu.memory_space<hbm>>) target(%dma_start3A_75 : memref<512x128xf32, #tpu.memory_space<vmem>>) offsets(%dma_start3A_77 : memref<512xi32, #tpu.memory_space<vmem>>) semaphore(%arg7 : memref<!tpu.dma_semaphore, #tpu.memory_space<semaphore_mem>>)
    %dma_wait3A_81 = arith.constant 0 : i32
    %dma_wait3A_82 = arith.constant 0 : i32
    %dma_wait3A_83 = tpu.memref_slice %arg6[%dma_wait3A_81, %dma_wait3A_82] : memref<512x128xf32, #tpu.memory_space<vmem>> -> memref<512x128xf32, #tpu.memory_space<vmem>>
    %dma_wait3A_84 = arith.constant 2048 : i32
    %dma_wait3A_85 = tpu.memref_slice %arg5[%dma_wait3A_84] : memref<2560xi32, #tpu.memory_space<vmem>> -> memref<512xi32, #tpu.memory_space<vmem>>
    %dma_wait3A_86 = arith.constant 0 : i32
    %dma_wait3A_87 = arith.constant 0 : i32
    %dma_wait3A_88 = tpu.memref_slice %arg3[%dma_wait3A_86, %dma_wait3A_87] : memref<100000x128xf32, #tpu.memory_space<hbm>> -> memref<100000x128xf32, #tpu.memory_space<hbm>>
    tpu.wait_indirect_dma semaphore(%arg7 : memref<!tpu.dma_semaphore, #tpu.memory_space<semaphore_mem>>) src(%dma_wait3A_88 : memref<100000x128xf32, #tpu.memory_space<hbm>>) dst(%dma_wait3A_83 : memref<512x128xf32, #tpu.memory_space<vmem>>)
    %add3A_89 = arith.constant 2048 : i32
    %add3A_90 = arith.addi %mul3A_2, %add3A_89 : i32
    "tpu.region"() ({
      %run_scoped3A = tpu.sem_alloc : memref<!tpu.dma_semaphore, #tpu.memory_space<semaphore_mem>>
      %dma_start3A_91 = arith.constant 0 : i32
      %dma_start3A_92 = arith.constant 0 : i32
      %dma_start3A_93 = tpu.memref_slice %arg6[%dma_start3A_91, %dma_start3A_92] : memref<512x128xf32, #tpu.memory_space<vmem>> -> memref<512x128xf32, #tpu.memory_space<vmem>>
      %dma_start3A_94 = arith.constant 0 : i32
      %dma_start3A_95 = tpu.memref_slice %arg4[%add3A_90, %dma_start3A_94] : memref<81920x128xf32, #tpu.memory_space<hbm>> -> memref<512x128xf32, #tpu.memory_space<hbm>>
      %dma_start3A_96 = arith.constant 0 : i32
      %dma_start3A_97 = tpu.memref_slice %arg4[%add3A_90, %dma_start3A_96] : memref<81920x128xf32, #tpu.memory_space<hbm>> -> memref<512x128xf32, #tpu.memory_space<hbm>>
      %dma_start3A_98 = arith.constant 0 : i32
      %dma_start3A_99 = arith.constant 0 : i32
      %dma_start3A_100 = tpu.memref_slice %arg6[%dma_start3A_98, %dma_start3A_99] : memref<512x128xf32, #tpu.memory_space<vmem>> -> memref<512x128xf32, #tpu.memory_space<vmem>>
      tpu.enqueue_dma source(%dma_start3A_100 : memref<512x128xf32, #tpu.memory_space<vmem>>) target(%dma_start3A_97 : memref<512x128xf32, #tpu.memory_space<hbm>>) target_semaphore(%run_scoped3A : memref<!tpu.dma_semaphore, #tpu.memory_space<semaphore_mem>>)
      %dma_wait3A_101 = arith.constant 0 : i32
      %dma_wait3A_102 = arith.constant 0 : i32
      %dma_wait3A_103 = tpu.memref_slice %arg6[%dma_wait3A_101, %dma_wait3A_102] : memref<512x128xf32, #tpu.memory_space<vmem>> -> memref<512x128xf32, #tpu.memory_space<vmem>>
      %dma_wait3A_104 = arith.constant 0 : i32
      %dma_wait3A_105 = tpu.memref_slice %arg4[%add3A_90, %dma_wait3A_104] : memref<81920x128xf32, #tpu.memory_space<hbm>> -> memref<512x128xf32, #tpu.memory_space<hbm>>
      %dma_wait3A_106 = arith.constant 0 : i32
      %dma_wait3A_107 = tpu.memref_slice %arg4[%add3A_90, %dma_wait3A_106] : memref<81920x128xf32, #tpu.memory_space<hbm>> -> memref<512x128xf32, #tpu.memory_space<hbm>>
      %dma_wait3A_108 = arith.constant 0 : i32
      %dma_wait3A_109 = arith.constant 0 : i32
      %dma_wait3A_110 = tpu.memref_slice %arg6[%dma_wait3A_108, %dma_wait3A_109] : memref<512x128xf32, #tpu.memory_space<vmem>> -> memref<512x128xf32, #tpu.memory_space<vmem>>
      tpu.wait_dma2 semaphore(%run_scoped3A : memref<!tpu.dma_semaphore, #tpu.memory_space<semaphore_mem>>) src(%dma_wait3A_110 : memref<512x128xf32, #tpu.memory_space<vmem>>) dst(%dma_wait3A_107 : memref<512x128xf32, #tpu.memory_space<hbm>>)
      tpu.yield
    }) : () -> ()
    return
  }
}

module attributes {stable_mosaic.version = 14 : i64} {
  func.func @_wintop8_body(%arg0: i32, %arg1: memref<128x128xf32, #tpu.memory_space<vmem>>, %arg2: memref<4096x128xf32, #tpu.memory_space<vmem>>, %arg3: memref<128x128xi32, #tpu.memory_space<vmem>>, %arg4: memref<8x128x128xf32, #tpu.memory_space<vmem>>, %arg5: memref<8x128x128xi32, #tpu.memory_space<vmem>>, %arg6: memref<128x4096xf32, #tpu.memory_space<vmem>>) attributes {dimension_semantics = [#tpu.dimension_semantics<arbitrary>], iteration_bounds = array<i64: 25>, scalar_prefetch = 0 : i64, scratch_operands = 3 : i64, tpu.core_type = #tpu.core_type<tc>, window_params = [{pipeline_mode = #tpu.pipeline_mode<synchronous>, transform_indices = @transform_0, window_bounds = array<i64: 128, 128>}, {transform_indices = @transform_1, window_bounds = array<i64: 4096, 128>}, {pipeline_mode = #tpu.pipeline_mode<synchronous>, transform_indices = @transform_2, window_bounds = array<i64: 128, 128>}]} {
    %eq3A = arith.constant 0 : i32
    %eq3A_0 = arith.cmpi eq, %arg0, %eq3A : i32
    %convert_element_type3A = arith.extui %eq3A_0 : i1 to i32
    %cond3A = arith.constant 0 : i32
    %cond3A_1 = arith.cmpi ne, %convert_element_type3A, %cond3A : i32
    scf.if %cond3A_1 {
      %broadcast_in_dim3A = arith.constant 0xFF800000 : f32
      %broadcast_in_dim3A_20 = vector.broadcast %broadcast_in_dim3A : f32 to vector<8x128x128xf32>
      %swap3A_21 = arith.constant 0 : index
      %swap3A_22 = arith.constant 0 : index
      %swap3A_23 = arith.constant 0 : index
      %swap3A_24 = vector.load %arg4[%swap3A_21, %swap3A_22, %swap3A_23] : memref<8x128x128xf32, #tpu.memory_space<vmem>>, vector<8x128x128xf32>
      tpu.vector_store %arg4[%swap3A_21, %swap3A_22, %swap3A_23], %broadcast_in_dim3A_20 {strides = array<i32>} : memref<8x128x128xf32, #tpu.memory_space<vmem>>, vector<8x128x128xf32>,
      %broadcast_in_dim3A_25 = arith.constant 2147483647 : i32
      %broadcast_in_dim3A_26 = vector.broadcast %broadcast_in_dim3A_25 : i32 to vector<8x128x128xi32>
      %swap3A_27 = arith.constant 0 : index
      %swap3A_28 = arith.constant 0 : index
      %swap3A_29 = arith.constant 0 : index
      %swap3A_30 = vector.load %arg5[%swap3A_27, %swap3A_28, %swap3A_29] : memref<8x128x128xi32, #tpu.memory_space<vmem>>, vector<8x128x128xi32>
      tpu.vector_store %arg5[%swap3A_27, %swap3A_28, %swap3A_29], %broadcast_in_dim3A_26 {strides = array<i32>} : memref<8x128x128xi32, #tpu.memory_space<vmem>>, vector<8x128x128xi32>,
    } else {
    }
    %get3A = arith.constant 0 : index
    %get3A_2 = arith.constant 0 : index
    %get3A_3 = vector.load %arg1[%get3A, %get3A_2] : memref<128x128xf32, #tpu.memory_space<vmem>>, vector<128x128xf32>
    %get3A_4 = arith.constant 0 : index
    %get3A_5 = arith.constant 0 : index
    %get3A_6 = vector.load %arg2[%get3A_4, %get3A_5] : memref<4096x128xf32, #tpu.memory_space<vmem>>, vector<4096x128xf32>
    %dot_general3A = arith.constant dense<0.000000e+00> : vector<128x4096xf32>
    %dot_general3A_7 = tpu.matmul %get3A_3, %get3A_6, %dot_general3A {dimension_numbers = #tpu.dot_dimension_numbers<[1], [1], [0], [0], [0, 0, 1, 0], [], []>, transpose_lhs_hint = false} : vector<128x128xf32>, vector<4096x128xf32>, vector<128x4096xf32> -> vector<128x4096xf32>
    %swap3A = arith.constant 0 : index
    %swap3A_8 = arith.constant 0 : index
    %swap3A_9 = vector.load %arg6[%swap3A, %swap3A_8] : memref<128x4096xf32, #tpu.memory_space<vmem>>, vector<128x4096xf32>
    tpu.vector_store %arg6[%swap3A, %swap3A_8], %dot_general3A_7 {strides = array<i32>} : memref<128x4096xf32, #tpu.memory_space<vmem>>, vector<128x4096xf32>,
    %mul3A = arith.constant 4096 : i32
    %mul3A_10 = arith.muli %arg0, %mul3A : i32
    %iota3A = tpu.iota {dimensions = array<i32: 1>} : vector<64x128xi32>
    %scan3A = arith.constant 0 : i32
    %scan3A_11 = arith.constant 2 : i32
    %scan3A_12 = arith.addi %scan3A, %scan3A_11 : i32
    %scan3A_13 = arith.constant 1 : i32
    scf.for %scan3A_20 = %scan3A to %scan3A_12 step %scan3A_13  : i32 {
      %mul3A_21 = arith.constant 64 : i32
      %mul3A_22 = arith.muli %scan3A_20, %mul3A_21 : i32
      %multiple_of3A = tpu.assume_multiple %mul3A_22, 64 : i32
      %broadcast_in_dim3A = arith.constant 0xFF800000 : f32
      %broadcast_in_dim3A_23 = vector.broadcast %broadcast_in_dim3A : f32 to vector<64x128xf32>
      %broadcast_in_dim3A_24 = arith.constant 0 : i32
      %broadcast_in_dim3A_25 = vector.broadcast %broadcast_in_dim3A_24 : i32 to vector<64x128xi32>
      %get3A_26 = arith.index_cast %multiple_of3A : i32 to index
      %get3A_27 = arith.constant 0 : index
      %get3A_28 = vector.load %arg6[%get3A_26, %get3A_27] : memref<128x4096xf32, #tpu.memory_space<vmem>>, vector<64x128xf32>
      %add3A = arith.constant 0 : i32
      %add3A_29 = arith.addi %mul3A_10, %add3A : i32
      %add3A_30 = vector.broadcast %add3A_29 : i32 to vector<64x128xi32>
      %add3A_31 = arith.addi %iota3A, %add3A_30 : vector<64x128xi32>
      %lt3A = arith.constant 100000 : i32
      %lt3A_32 = vector.broadcast %lt3A : i32 to vector<64x128xi32>
      %lt3A_33 = arith.cmpi slt, %add3A_31, %lt3A_32 : vector<64x128xi32>
      %jit3A = arith.constant 0xFF800000 : f32
      %broadcast_in_dim3A_34 = vector.broadcast %jit3A : f32 to vector<64x128xf32>
      %select_n3A = arith.select %lt3A_33, %get3A_28, %broadcast_in_dim3A_34 : vector<64x128xi1>, vector<64x128xf32>
      %gt3A = arith.cmpf ogt, %select_n3A, %broadcast_in_dim3A_23 : vector<64x128xf32>
      %select_n3A_35 = arith.select %gt3A, %select_n3A, %broadcast_in_dim3A_23 : vector<64x128xi1>, vector<64x128xf32>
      %select_n3A_36 = arith.select %gt3A, %add3A_31, %broadcast_in_dim3A_25 : vector<64x128xi1>, vector<64x128xi32>
      %get3A_37 = arith.index_cast %multiple_of3A : i32 to index
      %get3A_38 = arith.constant 128 : index
      %get3A_39 = vector.load %arg6[%get3A_37, %get3A_38] : memref<128x4096xf32, #tpu.memory_space<vmem>>, vector<64x128xf32>
      %add3A_40 = arith.constant 128 : i32
      %add3A_41 = arith.addi %mul3A_10, %add3A_40 : i32
      %add3A_42 = vector.broadcast %add3A_41 : i32 to vector<64x128xi32>
      %add3A_43 = arith.addi %iota3A, %add3A_42 : vector<64x128xi32>
      %lt3A_44 = arith.constant 100000 : i32
      %lt3A_45 = vector.broadcast %lt3A_44 : i32 to vector<64x128xi32>
      %lt3A_46 = arith.cmpi slt, %add3A_43, %lt3A_45 : vector<64x128xi32>
      %jit3A_47 = arith.constant 0xFF800000 : f32
      %broadcast_in_dim3A_48 = vector.broadcast %jit3A_47 : f32 to vector<64x128xf32>
      %select_n3A_49 = arith.select %lt3A_46, %get3A_39, %broadcast_in_dim3A_48 : vector<64x128xi1>, vector<64x128xf32>
      %gt3A_50 = arith.cmpf ogt, %select_n3A_49, %select_n3A_35 : vector<64x128xf32>
      %select_n3A_51 = arith.select %gt3A_50, %select_n3A_49, %select_n3A_35 : vector<64x128xi1>, vector<64x128xf32>
      %select_n3A_52 = arith.select %gt3A_50, %add3A_43, %select_n3A_36 : vector<64x128xi1>, vector<64x128xi32>
      %get3A_53 = arith.index_cast %multiple_of3A : i32 to index
      %get3A_54 = arith.constant 256 : index
      %get3A_55 = vector.load %arg6[%get3A_53, %get3A_54] : memref<128x4096xf32, #tpu.memory_space<vmem>>, vector<64x128xf32>
      %add3A_56 = arith.constant 256 : i32
      %add3A_57 = arith.addi %mul3A_10, %add3A_56 : i32
      %add3A_58 = vector.broadcast %add3A_57 : i32 to vector<64x128xi32>
      %add3A_59 = arith.addi %iota3A, %add3A_58 : vector<64x128xi32>
      %lt3A_60 = arith.constant 100000 : i32
      %lt3A_61 = vector.broadcast %lt3A_60 : i32 to vector<64x128xi32>
      %lt3A_62 = arith.cmpi slt, %add3A_59, %lt3A_61 : vector<64x128xi32>
      %jit3A_63 = arith.constant 0xFF800000 : f32
      %broadcast_in_dim3A_64 = vector.broadcast %jit3A_63 : f32 to vector<64x128xf32>
      %select_n3A_65 = arith.select %lt3A_62, %get3A_55, %broadcast_in_dim3A_64 : vector<64x128xi1>, vector<64x128xf32>
      %gt3A_66 = arith.cmpf ogt, %select_n3A_65, %select_n3A_51 : vector<64x128xf32>
      %select_n3A_67 = arith.select %gt3A_66, %select_n3A_65, %select_n3A_51 : vector<64x128xi1>, vector<64x128xf32>
      %select_n3A_68 = arith.select %gt3A_66, %add3A_59, %select_n3A_52 : vector<64x128xi1>, vector<64x128xi32>
      %get3A_69 = arith.index_cast %multiple_of3A : i32 to index
      %get3A_70 = arith.constant 384 : index
      %get3A_71 = vector.load %arg6[%get3A_69, %get3A_70] : memref<128x4096xf32, #tpu.memory_space<vmem>>, vector<64x128xf32>
      %add3A_72 = arith.constant 384 : i32
      %add3A_73 = arith.addi %mul3A_10, %add3A_72 : i32
      %add3A_74 = vector.broadcast %add3A_73 : i32 to vector<64x128xi32>
      %add3A_75 = arith.addi %iota3A, %add3A_74 : vector<64x128xi32>
      %lt3A_76 = arith.constant 100000 : i32
      %lt3A_77 = vector.broadcast %lt3A_76 : i32 to vector<64x128xi32>
      %lt3A_78 = arith.cmpi slt, %add3A_75, %lt3A_77 : vector<64x128xi32>
      %jit3A_79 = arith.constant 0xFF800000 : f32
      %broadcast_in_dim3A_80 = vector.broadcast %jit3A_79 : f32 to vector<64x128xf32>
      %select_n3A_81 = arith.select %lt3A_78, %get3A_71, %broadcast_in_dim3A_80 : vector<64x128xi1>, vector<64x128xf32>
      %gt3A_82 = arith.cmpf ogt, %select_n3A_81, %select_n3A_67 : vector<64x128xf32>
      %select_n3A_83 = arith.select %gt3A_82, %select_n3A_81, %select_n3A_67 : vector<64x128xi1>, vector<64x128xf32>
      %select_n3A_84 = arith.select %gt3A_82, %add3A_75, %select_n3A_68 : vector<64x128xi1>, vector<64x128xi32>
      %get3A_85 = arith.index_cast %multiple_of3A : i32 to index
      %get3A_86 = arith.constant 512 : index
      %get3A_87 = vector.load %arg6[%get3A_85, %get3A_86] : memref<128x4096xf32, #tpu.memory_space<vmem>>, vector<64x128xf32>
      %add3A_88 = arith.constant 512 : i32
      %add3A_89 = arith.addi %mul3A_10, %add3A_88 : i32
      %add3A_90 = vector.broadcast %add3A_89 : i32 to vector<64x128xi32>
      %add3A_91 = arith.addi %iota3A, %add3A_90 : vector<64x128xi32>
      %lt3A_92 = arith.constant 100000 : i32
      %lt3A_93 = vector.broadcast %lt3A_92 : i32 to vector<64x128xi32>
      %lt3A_94 = arith.cmpi slt, %add3A_91, %lt3A_93 : vector<64x128xi32>
      %jit3A_95 = arith.constant 0xFF800000 : f32
      %broadcast_in_dim3A_96 = vector.broadcast %jit3A_95 : f32 to vector<64x128xf32>
      %select_n3A_97 = arith.select %lt3A_94, %get3A_87, %broadcast_in_dim3A_96 : vector<64x128xi1>, vector<64x128xf32>
      %gt3A_98 = arith.cmpf ogt, %select_n3A_97, %select_n3A_83 : vector<64x128xf32>
      %select_n3A_99 = arith.select %gt3A_98, %select_n3A_97, %select_n3A_83 : vector<64x128xi1>, vector<64x128xf32>
      %select_n3A_100 = arith.select %gt3A_98, %add3A_91, %select_n3A_84 : vector<64x128xi1>, vector<64x128xi32>
      %get3A_101 = arith.index_cast %multiple_of3A : i32 to index
      %get3A_102 = arith.constant 640 : index
      %get3A_103 = vector.load %arg6[%get3A_101, %get3A_102] : memref<128x4096xf32, #tpu.memory_space<vmem>>, vector<64x128xf32>
      %add3A_104 = arith.constant 640 : i32
      %add3A_105 = arith.addi %mul3A_10, %add3A_104 : i32
      %add3A_106 = vector.broadcast %add3A_105 : i32 to vector<64x128xi32>
      %add3A_107 = arith.addi %iota3A, %add3A_106 : vector<64x128xi32>
      %lt3A_108 = arith.constant 100000 : i32
      %lt3A_109 = vector.broadcast %lt3A_108 : i32 to vector<64x128xi32>
      %lt3A_110 = arith.cmpi slt, %add3A_107, %lt3A_109 : vector<64x128xi32>
      %jit3A_111 = arith.constant 0xFF800000 : f32
      %broadcast_in_dim3A_112 = vector.broadcast %jit3A_111 : f32 to vector<64x128xf32>
      %select_n3A_113 = arith.select %lt3A_110, %get3A_103, %broadcast_in_dim3A_112 : vector<64x128xi1>, vector<64x128xf32>
      %gt3A_114 = arith.cmpf ogt, %select_n3A_113, %select_n3A_99 : vector<64x128xf32>
      %select_n3A_115 = arith.select %gt3A_114, %select_n3A_113, %select_n3A_99 : vector<64x128xi1>, vector<64x128xf32>
      %select_n3A_116 = arith.select %gt3A_114, %add3A_107, %select_n3A_100 : vector<64x128xi1>, vector<64x128xi32>
      %get3A_117 = arith.index_cast %multiple_of3A : i32 to index
      %get3A_118 = arith.constant 768 : index
      %get3A_119 = vector.load %arg6[%get3A_117, %get3A_118] : memref<128x4096xf32, #tpu.memory_space<vmem>>, vector<64x128xf32>
      %add3A_120 = arith.constant 768 : i32
      %add3A_121 = arith.addi %mul3A_10, %add3A_120 : i32
      %add3A_122 = vector.broadcast %add3A_121 : i32 to vector<64x128xi32>
      %add3A_123 = arith.addi %iota3A, %add3A_122 : vector<64x128xi32>
      %lt3A_124 = arith.constant 100000 : i32
      %lt3A_125 = vector.broadcast %lt3A_124 : i32 to vector<64x128xi32>
      %lt3A_126 = arith.cmpi slt, %add3A_123, %lt3A_125 : vector<64x128xi32>
      %jit3A_127 = arith.constant 0xFF800000 : f32
      %broadcast_in_dim3A_128 = vector.broadcast %jit3A_127 : f32 to vector<64x128xf32>
      %select_n3A_129 = arith.select %lt3A_126, %get3A_119, %broadcast_in_dim3A_128 : vector<64x128xi1>, vector<64x128xf32>
      %gt3A_130 = arith.cmpf ogt, %select_n3A_129, %select_n3A_115 : vector<64x128xf32>
      %select_n3A_131 = arith.select %gt3A_130, %select_n3A_129, %select_n3A_115 : vector<64x128xi1>, vector<64x128xf32>
      %select_n3A_132 = arith.select %gt3A_130, %add3A_123, %select_n3A_116 : vector<64x128xi1>, vector<64x128xi32>
      %get3A_133 = arith.index_cast %multiple_of3A : i32 to index
      %get3A_134 = arith.constant 896 : index
      %get3A_135 = vector.load %arg6[%get3A_133, %get3A_134] : memref<128x4096xf32, #tpu.memory_space<vmem>>, vector<64x128xf32>
      %add3A_136 = arith.constant 896 : i32
      %add3A_137 = arith.addi %mul3A_10, %add3A_136 : i32
      %add3A_138 = vector.broadcast %add3A_137 : i32 to vector<64x128xi32>
      %add3A_139 = arith.addi %iota3A, %add3A_138 : vector<64x128xi32>
      %lt3A_140 = arith.constant 100000 : i32
      %lt3A_141 = vector.broadcast %lt3A_140 : i32 to vector<64x128xi32>
      %lt3A_142 = arith.cmpi slt, %add3A_139, %lt3A_141 : vector<64x128xi32>
      %jit3A_143 = arith.constant 0xFF800000 : f32
      %broadcast_in_dim3A_144 = vector.broadcast %jit3A_143 : f32 to vector<64x128xf32>
      %select_n3A_145 = arith.select %lt3A_142, %get3A_135, %broadcast_in_dim3A_144 : vector<64x128xi1>, vector<64x128xf32>
      %gt3A_146 = arith.cmpf ogt, %select_n3A_145, %select_n3A_131 : vector<64x128xf32>
      %select_n3A_147 = arith.select %gt3A_146, %select_n3A_145, %select_n3A_131 : vector<64x128xi1>, vector<64x128xf32>
      %select_n3A_148 = arith.select %gt3A_146, %add3A_139, %select_n3A_132 : vector<64x128xi1>, vector<64x128xi32>
      %get3A_149 = arith.index_cast %multiple_of3A : i32 to index
      %get3A_150 = arith.constant 1024 : index
      %get3A_151 = vector.load %arg6[%get3A_149, %get3A_150] : memref<128x4096xf32, #tpu.memory_space<vmem>>, vector<64x128xf32>
      %add3A_152 = arith.constant 1024 : i32
      %add3A_153 = arith.addi %mul3A_10, %add3A_152 : i32
      %add3A_154 = vector.broadcast %add3A_153 : i32 to vector<64x128xi32>
      %add3A_155 = arith.addi %iota3A, %add3A_154 : vector<64x128xi32>
      %lt3A_156 = arith.constant 100000 : i32
      %lt3A_157 = vector.broadcast %lt3A_156 : i32 to vector<64x128xi32>
      %lt3A_158 = arith.cmpi slt, %add3A_155, %lt3A_157 : vector<64x128xi32>
      %jit3A_159 = arith.constant 0xFF800000 : f32
      %broadcast_in_dim3A_160 = vector.broadcast %jit3A_159 : f32 to vector<64x128xf32>
      %select_n3A_161 = arith.select %lt3A_158, %get3A_151, %broadcast_in_dim3A_160 : vector<64x128xi1>, vector<64x128xf32>
      %gt3A_162 = arith.cmpf ogt, %select_n3A_161, %select_n3A_147 : vector<64x128xf32>
      %select_n3A_163 = arith.select %gt3A_162, %select_n3A_161, %select_n3A_147 : vector<64x128xi1>, vector<64x128xf32>
      %select_n3A_164 = arith.select %gt3A_162, %add3A_155, %select_n3A_148 : vector<64x128xi1>, vector<64x128xi32>
      %get3A_165 = arith.index_cast %multiple_of3A : i32 to index
      %get3A_166 = arith.constant 1152 : index
      %get3A_167 = vector.load %arg6[%get3A_165, %get3A_166] : memref<128x4096xf32, #tpu.memory_space<vmem>>, vector<64x128xf32>
      %add3A_168 = arith.constant 1152 : i32
      %add3A_169 = arith.addi %mul3A_10, %add3A_168 : i32
      %add3A_170 = vector.broadcast %add3A_169 : i32 to vector<64x128xi32>
      %add3A_171 = arith.addi %iota3A, %add3A_170 : vector<64x128xi32>
      %lt3A_172 = arith.constant 100000 : i32
      %lt3A_173 = vector.broadcast %lt3A_172 : i32 to vector<64x128xi32>
      %lt3A_174 = arith.cmpi slt, %add3A_171, %lt3A_173 : vector<64x128xi32>
      %jit3A_175 = arith.constant 0xFF800000 : f32
      %broadcast_in_dim3A_176 = vector.broadcast %jit3A_175 : f32 to vector<64x128xf32>
      %select_n3A_177 = arith.select %lt3A_174, %get3A_167, %broadcast_in_dim3A_176 : vector<64x128xi1>, vector<64x128xf32>
      %gt3A_178 = arith.cmpf ogt, %select_n3A_177, %select_n3A_163 : vector<64x128xf32>
      %select_n3A_179 = arith.select %gt3A_178, %select_n3A_177, %select_n3A_163 : vector<64x128xi1>, vector<64x128xf32>
      %select_n3A_180 = arith.select %gt3A_178, %add3A_171, %select_n3A_164 : vector<64x128xi1>, vector<64x128xi32>
      %get3A_181 = arith.index_cast %multiple_of3A : i32 to index
      %get3A_182 = arith.constant 1280 : index
      %get3A_183 = vector.load %arg6[%get3A_181, %get3A_182] : memref<128x4096xf32, #tpu.memory_space<vmem>>, vector<64x128xf32>
      %add3A_184 = arith.constant 1280 : i32
      %add3A_185 = arith.addi %mul3A_10, %add3A_184 : i32
      %add3A_186 = vector.broadcast %add3A_185 : i32 to vector<64x128xi32>
      %add3A_187 = arith.addi %iota3A, %add3A_186 : vector<64x128xi32>
      %lt3A_188 = arith.constant 100000 : i32
      %lt3A_189 = vector.broadcast %lt3A_188 : i32 to vector<64x128xi32>
      %lt3A_190 = arith.cmpi slt, %add3A_187, %lt3A_189 : vector<64x128xi32>
      %jit3A_191 = arith.constant 0xFF800000 : f32
      %broadcast_in_dim3A_192 = vector.broadcast %jit3A_191 : f32 to vector<64x128xf32>
      %select_n3A_193 = arith.select %lt3A_190, %get3A_183, %broadcast_in_dim3A_192 : vector<64x128xi1>, vector<64x128xf32>
      %gt3A_194 = arith.cmpf ogt, %select_n3A_193, %select_n3A_179 : vector<64x128xf32>
      %select_n3A_195 = arith.select %gt3A_194, %select_n3A_193, %select_n3A_179 : vector<64x128xi1>, vector<64x128xf32>
      %select_n3A_196 = arith.select %gt3A_194, %add3A_187, %select_n3A_180 : vector<64x128xi1>, vector<64x128xi32>
      %get3A_197 = arith.index_cast %multiple_of3A : i32 to index
      %get3A_198 = arith.constant 1408 : index
      %get3A_199 = vector.load %arg6[%get3A_197, %get3A_198] : memref<128x4096xf32, #tpu.memory_space<vmem>>, vector<64x128xf32>
      %add3A_200 = arith.constant 1408 : i32
      %add3A_201 = arith.addi %mul3A_10, %add3A_200 : i32
      %add3A_202 = vector.broadcast %add3A_201 : i32 to vector<64x128xi32>
      %add3A_203 = arith.addi %iota3A, %add3A_202 : vector<64x128xi32>
      %lt3A_204 = arith.constant 100000 : i32
      %lt3A_205 = vector.broadcast %lt3A_204 : i32 to vector<64x128xi32>
      %lt3A_206 = arith.cmpi slt, %add3A_203, %lt3A_205 : vector<64x128xi32>
      %jit3A_207 = arith.constant 0xFF800000 : f32
      %broadcast_in_dim3A_208 = vector.broadcast %jit3A_207 : f32 to vector<64x128xf32>
      %select_n3A_209 = arith.select %lt3A_206, %get3A_199, %broadcast_in_dim3A_208 : vector<64x128xi1>, vector<64x128xf32>
      %gt3A_210 = arith.cmpf ogt, %select_n3A_209, %select_n3A_195 : vector<64x128xf32>
      %select_n3A_211 = arith.select %gt3A_210, %select_n3A_209, %select_n3A_195 : vector<64x128xi1>, vector<64x128xf32>
      %select_n3A_212 = arith.select %gt3A_210, %add3A_203, %select_n3A_196 : vector<64x128xi1>, vector<64x128xi32>
      %get3A_213 = arith.index_cast %multiple_of3A : i32 to index
      %get3A_214 = arith.constant 1536 : index
      %get3A_215 = vector.load %arg6[%get3A_213, %get3A_214] : memref<128x4096xf32, #tpu.memory_space<vmem>>, vector<64x128xf32>
      %add3A_216 = arith.constant 1536 : i32
      %add3A_217 = arith.addi %mul3A_10, %add3A_216 : i32
      %add3A_218 = vector.broadcast %add3A_217 : i32 to vector<64x128xi32>
      %add3A_219 = arith.addi %iota3A, %add3A_218 : vector<64x128xi32>
      %lt3A_220 = arith.constant 100000 : i32
      %lt3A_221 = vector.broadcast %lt3A_220 : i32 to vector<64x128xi32>
      %lt3A_222 = arith.cmpi slt, %add3A_219, %lt3A_221 : vector<64x128xi32>
      %jit3A_223 = arith.constant 0xFF800000 : f32
      %broadcast_in_dim3A_224 = vector.broadcast %jit3A_223 : f32 to vector<64x128xf32>
      %select_n3A_225 = arith.select %lt3A_222, %get3A_215, %broadcast_in_dim3A_224 : vector<64x128xi1>, vector<64x128xf32>
      %gt3A_226 = arith.cmpf ogt, %select_n3A_225, %select_n3A_211 : vector<64x128xf32>
      %select_n3A_227 = arith.select %gt3A_226, %select_n3A_225, %select_n3A_211 : vector<64x128xi1>, vector<64x128xf32>
      %select_n3A_228 = arith.select %gt3A_226, %add3A_219, %select_n3A_212 : vector<64x128xi1>, vector<64x128xi32>
      %get3A_229 = arith.index_cast %multiple_of3A : i32 to index
      %get3A_230 = arith.constant 1664 : index
      %get3A_231 = vector.load %arg6[%get3A_229, %get3A_230] : memref<128x4096xf32, #tpu.memory_space<vmem>>, vector<64x128xf32>
      %add3A_232 = arith.constant 1664 : i32
      %add3A_233 = arith.addi %mul3A_10, %add3A_232 : i32
      %add3A_234 = vector.broadcast %add3A_233 : i32 to vector<64x128xi32>
      %add3A_235 = arith.addi %iota3A, %add3A_234 : vector<64x128xi32>
      %lt3A_236 = arith.constant 100000 : i32
      %lt3A_237 = vector.broadcast %lt3A_236 : i32 to vector<64x128xi32>
      %lt3A_238 = arith.cmpi slt, %add3A_235, %lt3A_237 : vector<64x128xi32>
      %jit3A_239 = arith.constant 0xFF800000 : f32
      %broadcast_in_dim3A_240 = vector.broadcast %jit3A_239 : f32 to vector<64x128xf32>
      %select_n3A_241 = arith.select %lt3A_238, %get3A_231, %broadcast_in_dim3A_240 : vector<64x128xi1>, vector<64x128xf32>
      %gt3A_242 = arith.cmpf ogt, %select_n3A_241, %select_n3A_227 : vector<64x128xf32>
      %select_n3A_243 = arith.select %gt3A_242, %select_n3A_241, %select_n3A_227 : vector<64x128xi1>, vector<64x128xf32>
      %select_n3A_244 = arith.select %gt3A_242, %add3A_235, %select_n3A_228 : vector<64x128xi1>, vector<64x128xi32>
      %get3A_245 = arith.index_cast %multiple_of3A : i32 to index
      %get3A_246 = arith.constant 1792 : index
      %get3A_247 = vector.load %arg6[%get3A_245, %get3A_246] : memref<128x4096xf32, #tpu.memory_space<vmem>>, vector<64x128xf32>
      %add3A_248 = arith.constant 1792 : i32
      %add3A_249 = arith.addi %mul3A_10, %add3A_248 : i32
      %add3A_250 = vector.broadcast %add3A_249 : i32 to vector<64x128xi32>
      %add3A_251 = arith.addi %iota3A, %add3A_250 : vector<64x128xi32>
      %lt3A_252 = arith.constant 100000 : i32
      %lt3A_253 = vector.broadcast %lt3A_252 : i32 to vector<64x128xi32>
      %lt3A_254 = arith.cmpi slt, %add3A_251, %lt3A_253 : vector<64x128xi32>
      %jit3A_255 = arith.constant 0xFF800000 : f32
      %broadcast_in_dim3A_256 = vector.broadcast %jit3A_255 : f32 to vector<64x128xf32>
      %select_n3A_257 = arith.select %lt3A_254, %get3A_247, %broadcast_in_dim3A_256 : vector<64x128xi1>, vector<64x128xf32>
      %gt3A_258 = arith.cmpf ogt, %select_n3A_257, %select_n3A_243 : vector<64x128xf32>
      %select_n3A_259 = arith.select %gt3A_258, %select_n3A_257, %select_n3A_243 : vector<64x128xi1>, vector<64x128xf32>
      %select_n3A_260 = arith.select %gt3A_258, %add3A_251, %select_n3A_244 : vector<64x128xi1>, vector<64x128xi32>
      %get3A_261 = arith.index_cast %multiple_of3A : i32 to index
      %get3A_262 = arith.constant 1920 : index
      %get3A_263 = vector.load %arg6[%get3A_261, %get3A_262] : memref<128x4096xf32, #tpu.memory_space<vmem>>, vector<64x128xf32>
      %add3A_264 = arith.constant 1920 : i32
      %add3A_265 = arith.addi %mul3A_10, %add3A_264 : i32
      %add3A_266 = vector.broadcast %add3A_265 : i32 to vector<64x128xi32>
      %add3A_267 = arith.addi %iota3A, %add3A_266 : vector<64x128xi32>
      %lt3A_268 = arith.constant 100000 : i32
      %lt3A_269 = vector.broadcast %lt3A_268 : i32 to vector<64x128xi32>
      %lt3A_270 = arith.cmpi slt, %add3A_267, %lt3A_269 : vector<64x128xi32>
      %jit3A_271 = arith.constant 0xFF800000 : f32
      %broadcast_in_dim3A_272 = vector.broadcast %jit3A_271 : f32 to vector<64x128xf32>
      %select_n3A_273 = arith.select %lt3A_270, %get3A_263, %broadcast_in_dim3A_272 : vector<64x128xi1>, vector<64x128xf32>
      %gt3A_274 = arith.cmpf ogt, %select_n3A_273, %select_n3A_259 : vector<64x128xf32>
      %select_n3A_275 = arith.select %gt3A_274, %select_n3A_273, %select_n3A_259 : vector<64x128xi1>, vector<64x128xf32>
      %select_n3A_276 = arith.select %gt3A_274, %add3A_267, %select_n3A_260 : vector<64x128xi1>, vector<64x128xi32>
      %get3A_277 = arith.constant 0 : index
      %get3A_278 = arith.index_cast %multiple_of3A : i32 to index
      %get3A_279 = arith.constant 0 : index
      %get3A_280 = vector.load %arg4[%get3A_277, %get3A_278, %get3A_279] : memref<8x128x128xf32, #tpu.memory_space<vmem>>, vector<1x64x128xf32>
      %get3A_281 = vector.shape_cast %get3A_280 : vector<1x64x128xf32> to vector<64x128xf32>
      %get3A_282 = arith.constant 0 : index
      %get3A_283 = arith.index_cast %multiple_of3A : i32 to index
      %get3A_284 = arith.constant 0 : index
      %get3A_285 = vector.load %arg5[%get3A_282, %get3A_283, %get3A_284] : memref<8x128x128xi32, #tpu.memory_space<vmem>>, vector<1x64x128xi32>
      %get3A_286 = vector.shape_cast %get3A_285 : vector<1x64x128xi32> to vector<64x128xi32>
      %gt3A_287 = arith.cmpf ogt, %select_n3A_275, %get3A_281 : vector<64x128xf32>
      %select_n3A_288 = arith.select %gt3A_287, %select_n3A_275, %get3A_281 : vector<64x128xi1>, vector<64x128xf32>
      %swap3A_289 = arith.constant 0 : index
      %swap3A_290 = arith.index_cast %multiple_of3A : i32 to index
      %swap3A_291 = arith.constant 0 : index
      %swap3A_292 = vector.load %arg4[%swap3A_289, %swap3A_290, %swap3A_291] : memref<8x128x128xf32, #tpu.memory_space<vmem>>, vector<1x64x128xf32>
      %swap3A_293 = vector.shape_cast %swap3A_292 : vector<1x64x128xf32> to vector<64x128xf32>
      %swap3A_294 = vector.shape_cast %select_n3A_288 : vector<64x128xf32> to vector<1x64x128xf32>
      tpu.vector_store %arg4[%swap3A_289, %swap3A_290, %swap3A_291], %swap3A_294 {strides = array<i32>} : memref<8x128x128xf32, #tpu.memory_space<vmem>>, vector<1x64x128xf32>,
      %select_n3A_295 = arith.select %gt3A_287, %select_n3A_276, %get3A_286 : vector<64x128xi1>, vector<64x128xi32>
      %swap3A_296 = arith.constant 0 : index
      %swap3A_297 = arith.index_cast %multiple_of3A : i32 to index
      %swap3A_298 = arith.constant 0 : index
      %swap3A_299 = vector.load %arg5[%swap3A_296, %swap3A_297, %swap3A_298] : memref<8x128x128xi32, #tpu.memory_space<vmem>>, vector<1x64x128xi32>
      %swap3A_300 = vector.shape_cast %swap3A_299 : vector<1x64x128xi32> to vector<64x128xi32>
      %swap3A_301 = vector.shape_cast %select_n3A_295 : vector<64x128xi32> to vector<1x64x128xi32>
      tpu.vector_store %arg5[%swap3A_296, %swap3A_297, %swap3A_298], %swap3A_301 {strides = array<i32>} : memref<8x128x128xi32, #tpu.memory_space<vmem>>, vector<1x64x128xi32>,
      %select_n3A_302 = arith.select %gt3A_287, %get3A_281, %select_n3A_275 : vector<64x128xi1>, vector<64x128xf32>
      %select_n3A_303 = arith.select %gt3A_287, %get3A_286, %select_n3A_276 : vector<64x128xi1>, vector<64x128xi32>
      %get3A_304 = arith.constant 1 : index
      %get3A_305 = arith.index_cast %multiple_of3A : i32 to index
      %get3A_306 = arith.constant 0 : index
      %get3A_307 = vector.load %arg4[%get3A_304, %get3A_305, %get3A_306] : memref<8x128x128xf32, #tpu.memory_space<vmem>>, vector<1x64x128xf32>
      %get3A_308 = vector.shape_cast %get3A_307 : vector<1x64x128xf32> to vector<64x128xf32>
      %get3A_309 = arith.constant 1 : index
      %get3A_310 = arith.index_cast %multiple_of3A : i32 to index
      %get3A_311 = arith.constant 0 : index
      %get3A_312 = vector.load %arg5[%get3A_309, %get3A_310, %get3A_311] : memref<8x128x128xi32, #tpu.memory_space<vmem>>, vector<1x64x128xi32>
      %get3A_313 = vector.shape_cast %get3A_312 : vector<1x64x128xi32> to vector<64x128xi32>
      %gt3A_314 = arith.cmpf ogt, %select_n3A_302, %get3A_308 : vector<64x128xf32>
      %select_n3A_315 = arith.select %gt3A_314, %select_n3A_302, %get3A_308 : vector<64x128xi1>, vector<64x128xf32>
      %swap3A_316 = arith.constant 1 : index
      %swap3A_317 = arith.index_cast %multiple_of3A : i32 to index
      %swap3A_318 = arith.constant 0 : index
      %swap3A_319 = vector.load %arg4[%swap3A_316, %swap3A_317, %swap3A_318] : memref<8x128x128xf32, #tpu.memory_space<vmem>>, vector<1x64x128xf32>
      %swap3A_320 = vector.shape_cast %swap3A_319 : vector<1x64x128xf32> to vector<64x128xf32>
      %swap3A_321 = vector.shape_cast %select_n3A_315 : vector<64x128xf32> to vector<1x64x128xf32>
      tpu.vector_store %arg4[%swap3A_316, %swap3A_317, %swap3A_318], %swap3A_321 {strides = array<i32>} : memref<8x128x128xf32, #tpu.memory_space<vmem>>, vector<1x64x128xf32>,
      %select_n3A_322 = arith.select %gt3A_314, %select_n3A_303, %get3A_313 : vector<64x128xi1>, vector<64x128xi32>
      %swap3A_323 = arith.constant 1 : index
      %swap3A_324 = arith.index_cast %multiple_of3A : i32 to index
      %swap3A_325 = arith.constant 0 : index
      %swap3A_326 = vector.load %arg5[%swap3A_323, %swap3A_324, %swap3A_325] : memref<8x128x128xi32, #tpu.memory_space<vmem>>, vector<1x64x128xi32>
      %swap3A_327 = vector.shape_cast %swap3A_326 : vector<1x64x128xi32> to vector<64x128xi32>
      %swap3A_328 = vector.shape_cast %select_n3A_322 : vector<64x128xi32> to vector<1x64x128xi32>
      tpu.vector_store %arg5[%swap3A_323, %swap3A_324, %swap3A_325], %swap3A_328 {strides = array<i32>} : memref<8x128x128xi32, #tpu.memory_space<vmem>>, vector<1x64x128xi32>,
      %select_n3A_329 = arith.select %gt3A_314, %get3A_308, %select_n3A_302 : vector<64x128xi1>, vector<64x128xf32>
      %select_n3A_330 = arith.select %gt3A_314, %get3A_313, %select_n3A_303 : vector<64x128xi1>, vector<64x128xi32>
      %get3A_331 = arith.constant 2 : index
      %get3A_332 = arith.index_cast %multiple_of3A : i32 to index
      %get3A_333 = arith.constant 0 : index
      %get3A_334 = vector.load %arg4[%get3A_331, %get3A_332, %get3A_333] : memref<8x128x128xf32, #tpu.memory_space<vmem>>, vector<1x64x128xf32>
      %get3A_335 = vector.shape_cast %get3A_334 : vector<1x64x128xf32> to vector<64x128xf32>
      %get3A_336 = arith.constant 2 : index
      %get3A_337 = arith.index_cast %multiple_of3A : i32 to index
      %get3A_338 = arith.constant 0 : index
      %get3A_339 = vector.load %arg5[%get3A_336, %get3A_337, %get3A_338] : memref<8x128x128xi32, #tpu.memory_space<vmem>>, vector<1x64x128xi32>
      %get3A_340 = vector.shape_cast %get3A_339 : vector<1x64x128xi32> to vector<64x128xi32>
      %gt3A_341 = arith.cmpf ogt, %select_n3A_329, %get3A_335 : vector<64x128xf32>
      %select_n3A_342 = arith.select %gt3A_341, %select_n3A_329, %get3A_335 : vector<64x128xi1>, vector<64x128xf32>
      %swap3A_343 = arith.constant 2 : index
      %swap3A_344 = arith.index_cast %multiple_of3A : i32 to index
      %swap3A_345 = arith.constant 0 : index
      %swap3A_346 = vector.load %arg4[%swap3A_343, %swap3A_344, %swap3A_345] : memref<8x128x128xf32, #tpu.memory_space<vmem>>, vector<1x64x128xf32>
      %swap3A_347 = vector.shape_cast %swap3A_346 : vector<1x64x128xf32> to vector<64x128xf32>
      %swap3A_348 = vector.shape_cast %select_n3A_342 : vector<64x128xf32> to vector<1x64x128xf32>
      tpu.vector_store %arg4[%swap3A_343, %swap3A_344, %swap3A_345], %swap3A_348 {strides = array<i32>} : memref<8x128x128xf32, #tpu.memory_space<vmem>>, vector<1x64x128xf32>,
      %select_n3A_349 = arith.select %gt3A_341, %select_n3A_330, %get3A_340 : vector<64x128xi1>, vector<64x128xi32>
      %swap3A_350 = arith.constant 2 : index
      %swap3A_351 = arith.index_cast %multiple_of3A : i32 to index
      %swap3A_352 = arith.constant 0 : index
      %swap3A_353 = vector.load %arg5[%swap3A_350, %swap3A_351, %swap3A_352] : memref<8x128x128xi32, #tpu.memory_space<vmem>>, vector<1x64x128xi32>
      %swap3A_354 = vector.shape_cast %swap3A_353 : vector<1x64x128xi32> to vector<64x128xi32>
      %swap3A_355 = vector.shape_cast %select_n3A_349 : vector<64x128xi32> to vector<1x64x128xi32>
      tpu.vector_store %arg5[%swap3A_350, %swap3A_351, %swap3A_352], %swap3A_355 {strides = array<i32>} : memref<8x128x128xi32, #tpu.memory_space<vmem>>, vector<1x64x128xi32>,
      %select_n3A_356 = arith.select %gt3A_341, %get3A_335, %select_n3A_329 : vector<64x128xi1>, vector<64x128xf32>
      %select_n3A_357 = arith.select %gt3A_341, %get3A_340, %select_n3A_330 : vector<64x128xi1>, vector<64x128xi32>
      %get3A_358 = arith.constant 3 : index
      %get3A_359 = arith.index_cast %multiple_of3A : i32 to index
      %get3A_360 = arith.constant 0 : index
      %get3A_361 = vector.load %arg4[%get3A_358, %get3A_359, %get3A_360] : memref<8x128x128xf32, #tpu.memory_space<vmem>>, vector<1x64x128xf32>
      %get3A_362 = vector.shape_cast %get3A_361 : vector<1x64x128xf32> to vector<64x128xf32>
      %get3A_363 = arith.constant 3 : index
      %get3A_364 = arith.index_cast %multiple_of3A : i32 to index
      %get3A_365 = arith.constant 0 : index
      %get3A_366 = vector.load %arg5[%get3A_363, %get3A_364, %get3A_365] : memref<8x128x128xi32, #tpu.memory_space<vmem>>, vector<1x64x128xi32>
      %get3A_367 = vector.shape_cast %get3A_366 : vector<1x64x128xi32> to vector<64x128xi32>
      %gt3A_368 = arith.cmpf ogt, %select_n3A_356, %get3A_362 : vector<64x128xf32>
      %select_n3A_369 = arith.select %gt3A_368, %select_n3A_356, %get3A_362 : vector<64x128xi1>, vector<64x128xf32>
      %swap3A_370 = arith.constant 3 : index
      %swap3A_371 = arith.index_cast %multiple_of3A : i32 to index
      %swap3A_372 = arith.constant 0 : index
      %swap3A_373 = vector.load %arg4[%swap3A_370, %swap3A_371, %swap3A_372] : memref<8x128x128xf32, #tpu.memory_space<vmem>>, vector<1x64x128xf32>
      %swap3A_374 = vector.shape_cast %swap3A_373 : vector<1x64x128xf32> to vector<64x128xf32>
      %swap3A_375 = vector.shape_cast %select_n3A_369 : vector<64x128xf32> to vector<1x64x128xf32>
      tpu.vector_store %arg4[%swap3A_370, %swap3A_371, %swap3A_372], %swap3A_375 {strides = array<i32>} : memref<8x128x128xf32, #tpu.memory_space<vmem>>, vector<1x64x128xf32>,
      %select_n3A_376 = arith.select %gt3A_368, %select_n3A_357, %get3A_367 : vector<64x128xi1>, vector<64x128xi32>
      %swap3A_377 = arith.constant 3 : index
      %swap3A_378 = arith.index_cast %multiple_of3A : i32 to index
      %swap3A_379 = arith.constant 0 : index
      %swap3A_380 = vector.load %arg5[%swap3A_377, %swap3A_378, %swap3A_379] : memref<8x128x128xi32, #tpu.memory_space<vmem>>, vector<1x64x128xi32>
      %swap3A_381 = vector.shape_cast %swap3A_380 : vector<1x64x128xi32> to vector<64x128xi32>
      %swap3A_382 = vector.shape_cast %select_n3A_376 : vector<64x128xi32> to vector<1x64x128xi32>
      tpu.vector_store %arg5[%swap3A_377, %swap3A_378, %swap3A_379], %swap3A_382 {strides = array<i32>} : memref<8x128x128xi32, #tpu.memory_space<vmem>>, vector<1x64x128xi32>,
      %select_n3A_383 = arith.select %gt3A_368, %get3A_362, %select_n3A_356 : vector<64x128xi1>, vector<64x128xf32>
      %select_n3A_384 = arith.select %gt3A_368, %get3A_367, %select_n3A_357 : vector<64x128xi1>, vector<64x128xi32>
      %get3A_385 = arith.constant 4 : index
      %get3A_386 = arith.index_cast %multiple_of3A : i32 to index
      %get3A_387 = arith.constant 0 : index
      %get3A_388 = vector.load %arg4[%get3A_385, %get3A_386, %get3A_387] : memref<8x128x128xf32, #tpu.memory_space<vmem>>, vector<1x64x128xf32>
      %get3A_389 = vector.shape_cast %get3A_388 : vector<1x64x128xf32> to vector<64x128xf32>
      %get3A_390 = arith.constant 4 : index
      %get3A_391 = arith.index_cast %multiple_of3A : i32 to index
      %get3A_392 = arith.constant 0 : index
      %get3A_393 = vector.load %arg5[%get3A_390, %get3A_391, %get3A_392] : memref<8x128x128xi32, #tpu.memory_space<vmem>>, vector<1x64x128xi32>
      %get3A_394 = vector.shape_cast %get3A_393 : vector<1x64x128xi32> to vector<64x128xi32>
      %gt3A_395 = arith.cmpf ogt, %select_n3A_383, %get3A_389 : vector<64x128xf32>
      %select_n3A_396 = arith.select %gt3A_395, %select_n3A_383, %get3A_389 : vector<64x128xi1>, vector<64x128xf32>
      %swap3A_397 = arith.constant 4 : index
      %swap3A_398 = arith.index_cast %multiple_of3A : i32 to index
      %swap3A_399 = arith.constant 0 : index
      %swap3A_400 = vector.load %arg4[%swap3A_397, %swap3A_398, %swap3A_399] : memref<8x128x128xf32, #tpu.memory_space<vmem>>, vector<1x64x128xf32>
      %swap3A_401 = vector.shape_cast %swap3A_400 : vector<1x64x128xf32> to vector<64x128xf32>
      %swap3A_402 = vector.shape_cast %select_n3A_396 : vector<64x128xf32> to vector<1x64x128xf32>
      tpu.vector_store %arg4[%swap3A_397, %swap3A_398, %swap3A_399], %swap3A_402 {strides = array<i32>} : memref<8x128x128xf32, #tpu.memory_space<vmem>>, vector<1x64x128xf32>,
      %select_n3A_403 = arith.select %gt3A_395, %select_n3A_384, %get3A_394 : vector<64x128xi1>, vector<64x128xi32>
      %swap3A_404 = arith.constant 4 : index
      %swap3A_405 = arith.index_cast %multiple_of3A : i32 to index
      %swap3A_406 = arith.constant 0 : index
      %swap3A_407 = vector.load %arg5[%swap3A_404, %swap3A_405, %swap3A_406] : memref<8x128x128xi32, #tpu.memory_space<vmem>>, vector<1x64x128xi32>
      %swap3A_408 = vector.shape_cast %swap3A_407 : vector<1x64x128xi32> to vector<64x128xi32>
      %swap3A_409 = vector.shape_cast %select_n3A_403 : vector<64x128xi32> to vector<1x64x128xi32>
      tpu.vector_store %arg5[%swap3A_404, %swap3A_405, %swap3A_406], %swap3A_409 {strides = array<i32>} : memref<8x128x128xi32, #tpu.memory_space<vmem>>, vector<1x64x128xi32>,
      %select_n3A_410 = arith.select %gt3A_395, %get3A_389, %select_n3A_383 : vector<64x128xi1>, vector<64x128xf32>
      %select_n3A_411 = arith.select %gt3A_395, %get3A_394, %select_n3A_384 : vector<64x128xi1>, vector<64x128xi32>
      %get3A_412 = arith.constant 5 : index
      %get3A_413 = arith.index_cast %multiple_of3A : i32 to index
      %get3A_414 = arith.constant 0 : index
      %get3A_415 = vector.load %arg4[%get3A_412, %get3A_413, %get3A_414] : memref<8x128x128xf32, #tpu.memory_space<vmem>>, vector<1x64x128xf32>
      %get3A_416 = vector.shape_cast %get3A_415 : vector<1x64x128xf32> to vector<64x128xf32>
      %get3A_417 = arith.constant 5 : index
      %get3A_418 = arith.index_cast %multiple_of3A : i32 to index
      %get3A_419 = arith.constant 0 : index
      %get3A_420 = vector.load %arg5[%get3A_417, %get3A_418, %get3A_419] : memref<8x128x128xi32, #tpu.memory_space<vmem>>, vector<1x64x128xi32>
      %get3A_421 = vector.shape_cast %get3A_420 : vector<1x64x128xi32> to vector<64x128xi32>
      %gt3A_422 = arith.cmpf ogt, %select_n3A_410, %get3A_416 : vector<64x128xf32>
      %select_n3A_423 = arith.select %gt3A_422, %select_n3A_410, %get3A_416 : vector<64x128xi1>, vector<64x128xf32>
      %swap3A_424 = arith.constant 5 : index
      %swap3A_425 = arith.index_cast %multiple_of3A : i32 to index
      %swap3A_426 = arith.constant 0 : index
      %swap3A_427 = vector.load %arg4[%swap3A_424, %swap3A_425, %swap3A_426] : memref<8x128x128xf32, #tpu.memory_space<vmem>>, vector<1x64x128xf32>
      %swap3A_428 = vector.shape_cast %swap3A_427 : vector<1x64x128xf32> to vector<64x128xf32>
      %swap3A_429 = vector.shape_cast %select_n3A_423 : vector<64x128xf32> to vector<1x64x128xf32>
      tpu.vector_store %arg4[%swap3A_424, %swap3A_425, %swap3A_426], %swap3A_429 {strides = array<i32>} : memref<8x128x128xf32, #tpu.memory_space<vmem>>, vector<1x64x128xf32>,
      %select_n3A_430 = arith.select %gt3A_422, %select_n3A_411, %get3A_421 : vector<64x128xi1>, vector<64x128xi32>
      %swap3A_431 = arith.constant 5 : index
      %swap3A_432 = arith.index_cast %multiple_of3A : i32 to index
      %swap3A_433 = arith.constant 0 : index
      %swap3A_434 = vector.load %arg5[%swap3A_431, %swap3A_432, %swap3A_433] : memref<8x128x128xi32, #tpu.memory_space<vmem>>, vector<1x64x128xi32>
      %swap3A_435 = vector.shape_cast %swap3A_434 : vector<1x64x128xi32> to vector<64x128xi32>
      %swap3A_436 = vector.shape_cast %select_n3A_430 : vector<64x128xi32> to vector<1x64x128xi32>
      tpu.vector_store %arg5[%swap3A_431, %swap3A_432, %swap3A_433], %swap3A_436 {strides = array<i32>} : memref<8x128x128xi32, #tpu.memory_space<vmem>>, vector<1x64x128xi32>,
      %select_n3A_437 = arith.select %gt3A_422, %get3A_416, %select_n3A_410 : vector<64x128xi1>, vector<64x128xf32>
      %select_n3A_438 = arith.select %gt3A_422, %get3A_421, %select_n3A_411 : vector<64x128xi1>, vector<64x128xi32>
      %get3A_439 = arith.constant 6 : index
      %get3A_440 = arith.index_cast %multiple_of3A : i32 to index
      %get3A_441 = arith.constant 0 : index
      %get3A_442 = vector.load %arg4[%get3A_439, %get3A_440, %get3A_441] : memref<8x128x128xf32, #tpu.memory_space<vmem>>, vector<1x64x128xf32>
      %get3A_443 = vector.shape_cast %get3A_442 : vector<1x64x128xf32> to vector<64x128xf32>
      %get3A_444 = arith.constant 6 : index
      %get3A_445 = arith.index_cast %multiple_of3A : i32 to index
      %get3A_446 = arith.constant 0 : index
      %get3A_447 = vector.load %arg5[%get3A_444, %get3A_445, %get3A_446] : memref<8x128x128xi32, #tpu.memory_space<vmem>>, vector<1x64x128xi32>
      %get3A_448 = vector.shape_cast %get3A_447 : vector<1x64x128xi32> to vector<64x128xi32>
      %gt3A_449 = arith.cmpf ogt, %select_n3A_437, %get3A_443 : vector<64x128xf32>
      %select_n3A_450 = arith.select %gt3A_449, %select_n3A_437, %get3A_443 : vector<64x128xi1>, vector<64x128xf32>
      %swap3A_451 = arith.constant 6 : index
      %swap3A_452 = arith.index_cast %multiple_of3A : i32 to index
      %swap3A_453 = arith.constant 0 : index
      %swap3A_454 = vector.load %arg4[%swap3A_451, %swap3A_452, %swap3A_453] : memref<8x128x128xf32, #tpu.memory_space<vmem>>, vector<1x64x128xf32>
      %swap3A_455 = vector.shape_cast %swap3A_454 : vector<1x64x128xf32> to vector<64x128xf32>
      %swap3A_456 = vector.shape_cast %select_n3A_450 : vector<64x128xf32> to vector<1x64x128xf32>
      tpu.vector_store %arg4[%swap3A_451, %swap3A_452, %swap3A_453], %swap3A_456 {strides = array<i32>} : memref<8x128x128xf32, #tpu.memory_space<vmem>>, vector<1x64x128xf32>,
      %select_n3A_457 = arith.select %gt3A_449, %select_n3A_438, %get3A_448 : vector<64x128xi1>, vector<64x128xi32>
      %swap3A_458 = arith.constant 6 : index
      %swap3A_459 = arith.index_cast %multiple_of3A : i32 to index
      %swap3A_460 = arith.constant 0 : index
      %swap3A_461 = vector.load %arg5[%swap3A_458, %swap3A_459, %swap3A_460] : memref<8x128x128xi32, #tpu.memory_space<vmem>>, vector<1x64x128xi32>
      %swap3A_462 = vector.shape_cast %swap3A_461 : vector<1x64x128xi32> to vector<64x128xi32>
      %swap3A_463 = vector.shape_cast %select_n3A_457 : vector<64x128xi32> to vector<1x64x128xi32>
      tpu.vector_store %arg5[%swap3A_458, %swap3A_459, %swap3A_460], %swap3A_463 {strides = array<i32>} : memref<8x128x128xi32, #tpu.memory_space<vmem>>, vector<1x64x128xi32>,
      %select_n3A_464 = arith.select %gt3A_449, %get3A_443, %select_n3A_437 : vector<64x128xi1>, vector<64x128xf32>
      %select_n3A_465 = arith.select %gt3A_449, %get3A_448, %select_n3A_438 : vector<64x128xi1>, vector<64x128xi32>
      %get3A_466 = arith.constant 7 : index
      %get3A_467 = arith.index_cast %multiple_of3A : i32 to index
      %get3A_468 = arith.constant 0 : index
      %get3A_469 = vector.load %arg4[%get3A_466, %get3A_467, %get3A_468] : memref<8x128x128xf32, #tpu.memory_space<vmem>>, vector<1x64x128xf32>
      %get3A_470 = vector.shape_cast %get3A_469 : vector<1x64x128xf32> to vector<64x128xf32>
      %get3A_471 = arith.constant 7 : index
      %get3A_472 = arith.index_cast %multiple_of3A : i32 to index
      %get3A_473 = arith.constant 0 : index
      %get3A_474 = vector.load %arg5[%get3A_471, %get3A_472, %get3A_473] : memref<8x128x128xi32, #tpu.memory_space<vmem>>, vector<1x64x128xi32>
      %get3A_475 = vector.shape_cast %get3A_474 : vector<1x64x128xi32> to vector<64x128xi32>
      %gt3A_476 = arith.cmpf ogt, %select_n3A_464, %get3A_470 : vector<64x128xf32>
      %select_n3A_477 = arith.select %gt3A_476, %select_n3A_464, %get3A_470 : vector<64x128xi1>, vector<64x128xf32>
      %swap3A_478 = arith.constant 7 : index
      %swap3A_479 = arith.index_cast %multiple_of3A : i32 to index
      %swap3A_480 = arith.constant 0 : index
      %swap3A_481 = vector.load %arg4[%swap3A_478, %swap3A_479, %swap3A_480] : memref<8x128x128xf32, #tpu.memory_space<vmem>>, vector<1x64x128xf32>
      %swap3A_482 = vector.shape_cast %swap3A_481 : vector<1x64x128xf32> to vector<64x128xf32>
      %swap3A_483 = vector.shape_cast %select_n3A_477 : vector<64x128xf32> to vector<1x64x128xf32>
      tpu.vector_store %arg4[%swap3A_478, %swap3A_479, %swap3A_480], %swap3A_483 {strides = array<i32>} : memref<8x128x128xf32, #tpu.memory_space<vmem>>, vector<1x64x128xf32>,
      %select_n3A_484 = arith.select %gt3A_476, %select_n3A_465, %get3A_475 : vector<64x128xi1>, vector<64x128xi32>
      %swap3A_485 = arith.constant 7 : index
      %swap3A_486 = arith.index_cast %multiple_of3A : i32 to index
      %swap3A_487 = arith.constant 0 : index
      %swap3A_488 = vector.load %arg5[%swap3A_485, %swap3A_486, %swap3A_487] : memref<8x128x128xi32, #tpu.memory_space<vmem>>, vector<1x64x128xi32>
      %swap3A_489 = vector.shape_cast %swap3A_488 : vector<1x64x128xi32> to vector<64x128xi32>
      %swap3A_490 = vector.shape_cast %select_n3A_484 : vector<64x128xi32> to vector<1x64x128xi32>
      tpu.vector_store %arg5[%swap3A_485, %swap3A_486, %swap3A_487], %swap3A_490 {strides = array<i32>} : memref<8x128x128xi32, #tpu.memory_space<vmem>>, vector<1x64x128xi32>,
      %broadcast_in_dim3A_491 = arith.constant 0xFF800000 : f32
      %broadcast_in_dim3A_492 = vector.broadcast %broadcast_in_dim3A_491 : f32 to vector<64x128xf32>
      %broadcast_in_dim3A_493 = arith.constant 0 : i32
      %broadcast_in_dim3A_494 = vector.broadcast %broadcast_in_dim3A_493 : i32 to vector<64x128xi32>
      %get3A_495 = arith.index_cast %multiple_of3A : i32 to index
      %get3A_496 = arith.constant 2048 : index
      %get3A_497 = vector.load %arg6[%get3A_495, %get3A_496] : memref<128x4096xf32, #tpu.memory_space<vmem>>, vector<64x128xf32>
      %add3A_498 = arith.constant 2048 : i32
      %add3A_499 = arith.addi %mul3A_10, %add3A_498 : i32
      %add3A_500 = vector.broadcast %add3A_499 : i32 to vector<64x128xi32>
      %add3A_501 = arith.addi %iota3A, %add3A_500 : vector<64x128xi32>
      %lt3A_502 = arith.constant 100000 : i32
      %lt3A_503 = vector.broadcast %lt3A_502 : i32 to vector<64x128xi32>
      %lt3A_504 = arith.cmpi slt, %add3A_501, %lt3A_503 : vector<64x128xi32>
      %jit3A_505 = arith.constant 0xFF800000 : f32
      %broadcast_in_dim3A_506 = vector.broadcast %jit3A_505 : f32 to vector<64x128xf32>
      %select_n3A_507 = arith.select %lt3A_504, %get3A_497, %broadcast_in_dim3A_506 : vector<64x128xi1>, vector<64x128xf32>
      %gt3A_508 = arith.cmpf ogt, %select_n3A_507, %broadcast_in_dim3A_492 : vector<64x128xf32>
      %select_n3A_509 = arith.select %gt3A_508, %select_n3A_507, %broadcast_in_dim3A_492 : vector<64x128xi1>, vector<64x128xf32>
      %select_n3A_510 = arith.select %gt3A_508, %add3A_501, %broadcast_in_dim3A_494 : vector<64x128xi1>, vector<64x128xi32>
      %get3A_511 = arith.index_cast %multiple_of3A : i32 to index
      %get3A_512 = arith.constant 2176 : index
      %get3A_513 = vector.load %arg6[%get3A_511, %get3A_512] : memref<128x4096xf32, #tpu.memory_space<vmem>>, vector<64x128xf32>
      %add3A_514 = arith.constant 2176 : i32
      %add3A_515 = arith.addi %mul3A_10, %add3A_514 : i32
      %add3A_516 = vector.broadcast %add3A_515 : i32 to vector<64x128xi32>
      %add3A_517 = arith.addi %iota3A, %add3A_516 : vector<64x128xi32>
      %lt3A_518 = arith.constant 100000 : i32
      %lt3A_519 = vector.broadcast %lt3A_518 : i32 to vector<64x128xi32>
      %lt3A_520 = arith.cmpi slt, %add3A_517, %lt3A_519 : vector<64x128xi32>
      %jit3A_521 = arith.constant 0xFF800000 : f32
      %broadcast_in_dim3A_522 = vector.broadcast %jit3A_521 : f32 to vector<64x128xf32>
      %select_n3A_523 = arith.select %lt3A_520, %get3A_513, %broadcast_in_dim3A_522 : vector<64x128xi1>, vector<64x128xf32>
      %gt3A_524 = arith.cmpf ogt, %select_n3A_523, %select_n3A_509 : vector<64x128xf32>
      %select_n3A_525 = arith.select %gt3A_524, %select_n3A_523, %select_n3A_509 : vector<64x128xi1>, vector<64x128xf32>
      %select_n3A_526 = arith.select %gt3A_524, %add3A_517, %select_n3A_510 : vector<64x128xi1>, vector<64x128xi32>
      %get3A_527 = arith.index_cast %multiple_of3A : i32 to index
      %get3A_528 = arith.constant 2304 : index
      %get3A_529 = vector.load %arg6[%get3A_527, %get3A_528] : memref<128x4096xf32, #tpu.memory_space<vmem>>, vector<64x128xf32>
      %add3A_530 = arith.constant 2304 : i32
      %add3A_531 = arith.addi %mul3A_10, %add3A_530 : i32
      %add3A_532 = vector.broadcast %add3A_531 : i32 to vector<64x128xi32>
      %add3A_533 = arith.addi %iota3A, %add3A_532 : vector<64x128xi32>
      %lt3A_534 = arith.constant 100000 : i32
      %lt3A_535 = vector.broadcast %lt3A_534 : i32 to vector<64x128xi32>
      %lt3A_536 = arith.cmpi slt, %add3A_533, %lt3A_535 : vector<64x128xi32>
      %jit3A_537 = arith.constant 0xFF800000 : f32
      %broadcast_in_dim3A_538 = vector.broadcast %jit3A_537 : f32 to vector<64x128xf32>
      %select_n3A_539 = arith.select %lt3A_536, %get3A_529, %broadcast_in_dim3A_538 : vector<64x128xi1>, vector<64x128xf32>
      %gt3A_540 = arith.cmpf ogt, %select_n3A_539, %select_n3A_525 : vector<64x128xf32>
      %select_n3A_541 = arith.select %gt3A_540, %select_n3A_539, %select_n3A_525 : vector<64x128xi1>, vector<64x128xf32>
      %select_n3A_542 = arith.select %gt3A_540, %add3A_533, %select_n3A_526 : vector<64x128xi1>, vector<64x128xi32>
      %get3A_543 = arith.index_cast %multiple_of3A : i32 to index
      %get3A_544 = arith.constant 2432 : index
      %get3A_545 = vector.load %arg6[%get3A_543, %get3A_544] : memref<128x4096xf32, #tpu.memory_space<vmem>>, vector<64x128xf32>
      %add3A_546 = arith.constant 2432 : i32
      %add3A_547 = arith.addi %mul3A_10, %add3A_546 : i32
      %add3A_548 = vector.broadcast %add3A_547 : i32 to vector<64x128xi32>
      %add3A_549 = arith.addi %iota3A, %add3A_548 : vector<64x128xi32>
      %lt3A_550 = arith.constant 100000 : i32
      %lt3A_551 = vector.broadcast %lt3A_550 : i32 to vector<64x128xi32>
      %lt3A_552 = arith.cmpi slt, %add3A_549, %lt3A_551 : vector<64x128xi32>
      %jit3A_553 = arith.constant 0xFF800000 : f32
      %broadcast_in_dim3A_554 = vector.broadcast %jit3A_553 : f32 to vector<64x128xf32>
      %select_n3A_555 = arith.select %lt3A_552, %get3A_545, %broadcast_in_dim3A_554 : vector<64x128xi1>, vector<64x128xf32>
      %gt3A_556 = arith.cmpf ogt, %select_n3A_555, %select_n3A_541 : vector<64x128xf32>
      %select_n3A_557 = arith.select %gt3A_556, %select_n3A_555, %select_n3A_541 : vector<64x128xi1>, vector<64x128xf32>
      %select_n3A_558 = arith.select %gt3A_556, %add3A_549, %select_n3A_542 : vector<64x128xi1>, vector<64x128xi32>
      %get3A_559 = arith.index_cast %multiple_of3A : i32 to index
      %get3A_560 = arith.constant 2560 : index
      %get3A_561 = vector.load %arg6[%get3A_559, %get3A_560] : memref<128x4096xf32, #tpu.memory_space<vmem>>, vector<64x128xf32>
      %add3A_562 = arith.constant 2560 : i32
      %add3A_563 = arith.addi %mul3A_10, %add3A_562 : i32
      %add3A_564 = vector.broadcast %add3A_563 : i32 to vector<64x128xi32>
      %add3A_565 = arith.addi %iota3A, %add3A_564 : vector<64x128xi32>
      %lt3A_566 = arith.constant 100000 : i32
      %lt3A_567 = vector.broadcast %lt3A_566 : i32 to vector<64x128xi32>
      %lt3A_568 = arith.cmpi slt, %add3A_565, %lt3A_567 : vector<64x128xi32>
      %jit3A_569 = arith.constant 0xFF800000 : f32
      %broadcast_in_dim3A_570 = vector.broadcast %jit3A_569 : f32 to vector<64x128xf32>
      %select_n3A_571 = arith.select %lt3A_568, %get3A_561, %broadcast_in_dim3A_570 : vector<64x128xi1>, vector<64x128xf32>
      %gt3A_572 = arith.cmpf ogt, %select_n3A_571, %select_n3A_557 : vector<64x128xf32>
      %select_n3A_573 = arith.select %gt3A_572, %select_n3A_571, %select_n3A_557 : vector<64x128xi1>, vector<64x128xf32>
      %select_n3A_574 = arith.select %gt3A_572, %add3A_565, %select_n3A_558 : vector<64x128xi1>, vector<64x128xi32>
      %get3A_575 = arith.index_cast %multiple_of3A : i32 to index
      %get3A_576 = arith.constant 2688 : index
      %get3A_577 = vector.load %arg6[%get3A_575, %get3A_576] : memref<128x4096xf32, #tpu.memory_space<vmem>>, vector<64x128xf32>
      %add3A_578 = arith.constant 2688 : i32
      %add3A_579 = arith.addi %mul3A_10, %add3A_578 : i32
      %add3A_580 = vector.broadcast %add3A_579 : i32 to vector<64x128xi32>
      %add3A_581 = arith.addi %iota3A, %add3A_580 : vector<64x128xi32>
      %lt3A_582 = arith.constant 100000 : i32
      %lt3A_583 = vector.broadcast %lt3A_582 : i32 to vector<64x128xi32>
      %lt3A_584 = arith.cmpi slt, %add3A_581, %lt3A_583 : vector<64x128xi32>
      %jit3A_585 = arith.constant 0xFF800000 : f32
      %broadcast_in_dim3A_586 = vector.broadcast %jit3A_585 : f32 to vector<64x128xf32>
      %select_n3A_587 = arith.select %lt3A_584, %get3A_577, %broadcast_in_dim3A_586 : vector<64x128xi1>, vector<64x128xf32>
      %gt3A_588 = arith.cmpf ogt, %select_n3A_587, %select_n3A_573 : vector<64x128xf32>
      %select_n3A_589 = arith.select %gt3A_588, %select_n3A_587, %select_n3A_573 : vector<64x128xi1>, vector<64x128xf32>
      %select_n3A_590 = arith.select %gt3A_588, %add3A_581, %select_n3A_574 : vector<64x128xi1>, vector<64x128xi32>
      %get3A_591 = arith.index_cast %multiple_of3A : i32 to index
      %get3A_592 = arith.constant 2816 : index
      %get3A_593 = vector.load %arg6[%get3A_591, %get3A_592] : memref<128x4096xf32, #tpu.memory_space<vmem>>, vector<64x128xf32>
      %add3A_594 = arith.constant 2816 : i32
      %add3A_595 = arith.addi %mul3A_10, %add3A_594 : i32
      %add3A_596 = vector.broadcast %add3A_595 : i32 to vector<64x128xi32>
      %add3A_597 = arith.addi %iota3A, %add3A_596 : vector<64x128xi32>
      %lt3A_598 = arith.constant 100000 : i32
      %lt3A_599 = vector.broadcast %lt3A_598 : i32 to vector<64x128xi32>
      %lt3A_600 = arith.cmpi slt, %add3A_597, %lt3A_599 : vector<64x128xi32>
      %jit3A_601 = arith.constant 0xFF800000 : f32
      %broadcast_in_dim3A_602 = vector.broadcast %jit3A_601 : f32 to vector<64x128xf32>
      %select_n3A_603 = arith.select %lt3A_600, %get3A_593, %broadcast_in_dim3A_602 : vector<64x128xi1>, vector<64x128xf32>
      %gt3A_604 = arith.cmpf ogt, %select_n3A_603, %select_n3A_589 : vector<64x128xf32>
      %select_n3A_605 = arith.select %gt3A_604, %select_n3A_603, %select_n3A_589 : vector<64x128xi1>, vector<64x128xf32>
      %select_n3A_606 = arith.select %gt3A_604, %add3A_597, %select_n3A_590 : vector<64x128xi1>, vector<64x128xi32>
      %get3A_607 = arith.index_cast %multiple_of3A : i32 to index
      %get3A_608 = arith.constant 2944 : index
      %get3A_609 = vector.load %arg6[%get3A_607, %get3A_608] : memref<128x4096xf32, #tpu.memory_space<vmem>>, vector<64x128xf32>
      %add3A_610 = arith.constant 2944 : i32
      %add3A_611 = arith.addi %mul3A_10, %add3A_610 : i32
      %add3A_612 = vector.broadcast %add3A_611 : i32 to vector<64x128xi32>
      %add3A_613 = arith.addi %iota3A, %add3A_612 : vector<64x128xi32>
      %lt3A_614 = arith.constant 100000 : i32
      %lt3A_615 = vector.broadcast %lt3A_614 : i32 to vector<64x128xi32>
      %lt3A_616 = arith.cmpi slt, %add3A_613, %lt3A_615 : vector<64x128xi32>
      %jit3A_617 = arith.constant 0xFF800000 : f32
      %broadcast_in_dim3A_618 = vector.broadcast %jit3A_617 : f32 to vector<64x128xf32>
      %select_n3A_619 = arith.select %lt3A_616, %get3A_609, %broadcast_in_dim3A_618 : vector<64x128xi1>, vector<64x128xf32>
      %gt3A_620 = arith.cmpf ogt, %select_n3A_619, %select_n3A_605 : vector<64x128xf32>
      %select_n3A_621 = arith.select %gt3A_620, %select_n3A_619, %select_n3A_605 : vector<64x128xi1>, vector<64x128xf32>
      %select_n3A_622 = arith.select %gt3A_620, %add3A_613, %select_n3A_606 : vector<64x128xi1>, vector<64x128xi32>
      %get3A_623 = arith.index_cast %multiple_of3A : i32 to index
      %get3A_624 = arith.constant 3072 : index
      %get3A_625 = vector.load %arg6[%get3A_623, %get3A_624] : memref<128x4096xf32, #tpu.memory_space<vmem>>, vector<64x128xf32>
      %add3A_626 = arith.constant 3072 : i32
      %add3A_627 = arith.addi %mul3A_10, %add3A_626 : i32
      %add3A_628 = vector.broadcast %add3A_627 : i32 to vector<64x128xi32>
      %add3A_629 = arith.addi %iota3A, %add3A_628 : vector<64x128xi32>
      %lt3A_630 = arith.constant 100000 : i32
      %lt3A_631 = vector.broadcast %lt3A_630 : i32 to vector<64x128xi32>
      %lt3A_632 = arith.cmpi slt, %add3A_629, %lt3A_631 : vector<64x128xi32>
      %jit3A_633 = arith.constant 0xFF800000 : f32
      %broadcast_in_dim3A_634 = vector.broadcast %jit3A_633 : f32 to vector<64x128xf32>
      %select_n3A_635 = arith.select %lt3A_632, %get3A_625, %broadcast_in_dim3A_634 : vector<64x128xi1>, vector<64x128xf32>
      %gt3A_636 = arith.cmpf ogt, %select_n3A_635, %select_n3A_621 : vector<64x128xf32>
      %select_n3A_637 = arith.select %gt3A_636, %select_n3A_635, %select_n3A_621 : vector<64x128xi1>, vector<64x128xf32>
      %select_n3A_638 = arith.select %gt3A_636, %add3A_629, %select_n3A_622 : vector<64x128xi1>, vector<64x128xi32>
      %get3A_639 = arith.index_cast %multiple_of3A : i32 to index
      %get3A_640 = arith.constant 3200 : index
      %get3A_641 = vector.load %arg6[%get3A_639, %get3A_640] : memref<128x4096xf32, #tpu.memory_space<vmem>>, vector<64x128xf32>
      %add3A_642 = arith.constant 3200 : i32
      %add3A_643 = arith.addi %mul3A_10, %add3A_642 : i32
      %add3A_644 = vector.broadcast %add3A_643 : i32 to vector<64x128xi32>
      %add3A_645 = arith.addi %iota3A, %add3A_644 : vector<64x128xi32>
      %lt3A_646 = arith.constant 100000 : i32
      %lt3A_647 = vector.broadcast %lt3A_646 : i32 to vector<64x128xi32>
      %lt3A_648 = arith.cmpi slt, %add3A_645, %lt3A_647 : vector<64x128xi32>
      %jit3A_649 = arith.constant 0xFF800000 : f32
      %broadcast_in_dim3A_650 = vector.broadcast %jit3A_649 : f32 to vector<64x128xf32>
      %select_n3A_651 = arith.select %lt3A_648, %get3A_641, %broadcast_in_dim3A_650 : vector<64x128xi1>, vector<64x128xf32>
      %gt3A_652 = arith.cmpf ogt, %select_n3A_651, %select_n3A_637 : vector<64x128xf32>
      %select_n3A_653 = arith.select %gt3A_652, %select_n3A_651, %select_n3A_637 : vector<64x128xi1>, vector<64x128xf32>
      %select_n3A_654 = arith.select %gt3A_652, %add3A_645, %select_n3A_638 : vector<64x128xi1>, vector<64x128xi32>
      %get3A_655 = arith.index_cast %multiple_of3A : i32 to index
      %get3A_656 = arith.constant 3328 : index
      %get3A_657 = vector.load %arg6[%get3A_655, %get3A_656] : memref<128x4096xf32, #tpu.memory_space<vmem>>, vector<64x128xf32>
      %add3A_658 = arith.constant 3328 : i32
      %add3A_659 = arith.addi %mul3A_10, %add3A_658 : i32
      %add3A_660 = vector.broadcast %add3A_659 : i32 to vector<64x128xi32>
      %add3A_661 = arith.addi %iota3A, %add3A_660 : vector<64x128xi32>
      %lt3A_662 = arith.constant 100000 : i32
      %lt3A_663 = vector.broadcast %lt3A_662 : i32 to vector<64x128xi32>
      %lt3A_664 = arith.cmpi slt, %add3A_661, %lt3A_663 : vector<64x128xi32>
      %jit3A_665 = arith.constant 0xFF800000 : f32
      %broadcast_in_dim3A_666 = vector.broadcast %jit3A_665 : f32 to vector<64x128xf32>
      %select_n3A_667 = arith.select %lt3A_664, %get3A_657, %broadcast_in_dim3A_666 : vector<64x128xi1>, vector<64x128xf32>
      %gt3A_668 = arith.cmpf ogt, %select_n3A_667, %select_n3A_653 : vector<64x128xf32>
      %select_n3A_669 = arith.select %gt3A_668, %select_n3A_667, %select_n3A_653 : vector<64x128xi1>, vector<64x128xf32>
      %select_n3A_670 = arith.select %gt3A_668, %add3A_661, %select_n3A_654 : vector<64x128xi1>, vector<64x128xi32>
      %get3A_671 = arith.index_cast %multiple_of3A : i32 to index
      %get3A_672 = arith.constant 3456 : index
      %get3A_673 = vector.load %arg6[%get3A_671, %get3A_672] : memref<128x4096xf32, #tpu.memory_space<vmem>>, vector<64x128xf32>
      %add3A_674 = arith.constant 3456 : i32
      %add3A_675 = arith.addi %mul3A_10, %add3A_674 : i32
      %add3A_676 = vector.broadcast %add3A_675 : i32 to vector<64x128xi32>
      %add3A_677 = arith.addi %iota3A, %add3A_676 : vector<64x128xi32>
      %lt3A_678 = arith.constant 100000 : i32
      %lt3A_679 = vector.broadcast %lt3A_678 : i32 to vector<64x128xi32>
      %lt3A_680 = arith.cmpi slt, %add3A_677, %lt3A_679 : vector<64x128xi32>
      %jit3A_681 = arith.constant 0xFF800000 : f32
      %broadcast_in_dim3A_682 = vector.broadcast %jit3A_681 : f32 to vector<64x128xf32>
      %select_n3A_683 = arith.select %lt3A_680, %get3A_673, %broadcast_in_dim3A_682 : vector<64x128xi1>, vector<64x128xf32>
      %gt3A_684 = arith.cmpf ogt, %select_n3A_683, %select_n3A_669 : vector<64x128xf32>
      %select_n3A_685 = arith.select %gt3A_684, %select_n3A_683, %select_n3A_669 : vector<64x128xi1>, vector<64x128xf32>
      %select_n3A_686 = arith.select %gt3A_684, %add3A_677, %select_n3A_670 : vector<64x128xi1>, vector<64x128xi32>
      %get3A_687 = arith.index_cast %multiple_of3A : i32 to index
      %get3A_688 = arith.constant 3584 : index
      %get3A_689 = vector.load %arg6[%get3A_687, %get3A_688] : memref<128x4096xf32, #tpu.memory_space<vmem>>, vector<64x128xf32>
      %add3A_690 = arith.constant 3584 : i32
      %add3A_691 = arith.addi %mul3A_10, %add3A_690 : i32
      %add3A_692 = vector.broadcast %add3A_691 : i32 to vector<64x128xi32>
      %add3A_693 = arith.addi %iota3A, %add3A_692 : vector<64x128xi32>
      %lt3A_694 = arith.constant 100000 : i32
      %lt3A_695 = vector.broadcast %lt3A_694 : i32 to vector<64x128xi32>
      %lt3A_696 = arith.cmpi slt, %add3A_693, %lt3A_695 : vector<64x128xi32>
      %jit3A_697 = arith.constant 0xFF800000 : f32
      %broadcast_in_dim3A_698 = vector.broadcast %jit3A_697 : f32 to vector<64x128xf32>
      %select_n3A_699 = arith.select %lt3A_696, %get3A_689, %broadcast_in_dim3A_698 : vector<64x128xi1>, vector<64x128xf32>
      %gt3A_700 = arith.cmpf ogt, %select_n3A_699, %select_n3A_685 : vector<64x128xf32>
      %select_n3A_701 = arith.select %gt3A_700, %select_n3A_699, %select_n3A_685 : vector<64x128xi1>, vector<64x128xf32>
      %select_n3A_702 = arith.select %gt3A_700, %add3A_693, %select_n3A_686 : vector<64x128xi1>, vector<64x128xi32>
      %get3A_703 = arith.index_cast %multiple_of3A : i32 to index
      %get3A_704 = arith.constant 3712 : index
      %get3A_705 = vector.load %arg6[%get3A_703, %get3A_704] : memref<128x4096xf32, #tpu.memory_space<vmem>>, vector<64x128xf32>
      %add3A_706 = arith.constant 3712 : i32
      %add3A_707 = arith.addi %mul3A_10, %add3A_706 : i32
      %add3A_708 = vector.broadcast %add3A_707 : i32 to vector<64x128xi32>
      %add3A_709 = arith.addi %iota3A, %add3A_708 : vector<64x128xi32>
      %lt3A_710 = arith.constant 100000 : i32
      %lt3A_711 = vector.broadcast %lt3A_710 : i32 to vector<64x128xi32>
      %lt3A_712 = arith.cmpi slt, %add3A_709, %lt3A_711 : vector<64x128xi32>
      %jit3A_713 = arith.constant 0xFF800000 : f32
      %broadcast_in_dim3A_714 = vector.broadcast %jit3A_713 : f32 to vector<64x128xf32>
      %select_n3A_715 = arith.select %lt3A_712, %get3A_705, %broadcast_in_dim3A_714 : vector<64x128xi1>, vector<64x128xf32>
      %gt3A_716 = arith.cmpf ogt, %select_n3A_715, %select_n3A_701 : vector<64x128xf32>
      %select_n3A_717 = arith.select %gt3A_716, %select_n3A_715, %select_n3A_701 : vector<64x128xi1>, vector<64x128xf32>
      %select_n3A_718 = arith.select %gt3A_716, %add3A_709, %select_n3A_702 : vector<64x128xi1>, vector<64x128xi32>
      %get3A_719 = arith.index_cast %multiple_of3A : i32 to index
      %get3A_720 = arith.constant 3840 : index
      %get3A_721 = vector.load %arg6[%get3A_719, %get3A_720] : memref<128x4096xf32, #tpu.memory_space<vmem>>, vector<64x128xf32>
      %add3A_722 = arith.constant 3840 : i32
      %add3A_723 = arith.addi %mul3A_10, %add3A_722 : i32
      %add3A_724 = vector.broadcast %add3A_723 : i32 to vector<64x128xi32>
      %add3A_725 = arith.addi %iota3A, %add3A_724 : vector<64x128xi32>
      %lt3A_726 = arith.constant 100000 : i32
      %lt3A_727 = vector.broadcast %lt3A_726 : i32 to vector<64x128xi32>
      %lt3A_728 = arith.cmpi slt, %add3A_725, %lt3A_727 : vector<64x128xi32>
      %jit3A_729 = arith.constant 0xFF800000 : f32
      %broadcast_in_dim3A_730 = vector.broadcast %jit3A_729 : f32 to vector<64x128xf32>
      %select_n3A_731 = arith.select %lt3A_728, %get3A_721, %broadcast_in_dim3A_730 : vector<64x128xi1>, vector<64x128xf32>
      %gt3A_732 = arith.cmpf ogt, %select_n3A_731, %select_n3A_717 : vector<64x128xf32>
      %select_n3A_733 = arith.select %gt3A_732, %select_n3A_731, %select_n3A_717 : vector<64x128xi1>, vector<64x128xf32>
      %select_n3A_734 = arith.select %gt3A_732, %add3A_725, %select_n3A_718 : vector<64x128xi1>, vector<64x128xi32>
      %get3A_735 = arith.index_cast %multiple_of3A : i32 to index
      %get3A_736 = arith.constant 3968 : index
      %get3A_737 = vector.load %arg6[%get3A_735, %get3A_736] : memref<128x4096xf32, #tpu.memory_space<vmem>>, vector<64x128xf32>
      %add3A_738 = arith.constant 3968 : i32
      %add3A_739 = arith.addi %mul3A_10, %add3A_738 : i32
      %add3A_740 = vector.broadcast %add3A_739 : i32 to vector<64x128xi32>
      %add3A_741 = arith.addi %iota3A, %add3A_740 : vector<64x128xi32>
      %lt3A_742 = arith.constant 100000 : i32
      %lt3A_743 = vector.broadcast %lt3A_742 : i32 to vector<64x128xi32>
      %lt3A_744 = arith.cmpi slt, %add3A_741, %lt3A_743 : vector<64x128xi32>
      %jit3A_745 = arith.constant 0xFF800000 : f32
      %broadcast_in_dim3A_746 = vector.broadcast %jit3A_745 : f32 to vector<64x128xf32>
      %select_n3A_747 = arith.select %lt3A_744, %get3A_737, %broadcast_in_dim3A_746 : vector<64x128xi1>, vector<64x128xf32>
      %gt3A_748 = arith.cmpf ogt, %select_n3A_747, %select_n3A_733 : vector<64x128xf32>
      %select_n3A_749 = arith.select %gt3A_748, %select_n3A_747, %select_n3A_733 : vector<64x128xi1>, vector<64x128xf32>
      %select_n3A_750 = arith.select %gt3A_748, %add3A_741, %select_n3A_734 : vector<64x128xi1>, vector<64x128xi32>
      %get3A_751 = arith.constant 0 : index
      %get3A_752 = arith.index_cast %multiple_of3A : i32 to index
      %get3A_753 = arith.constant 0 : index
      %get3A_754 = vector.load %arg4[%get3A_751, %get3A_752, %get3A_753] : memref<8x128x128xf32, #tpu.memory_space<vmem>>, vector<1x64x128xf32>
      %get3A_755 = vector.shape_cast %get3A_754 : vector<1x64x128xf32> to vector<64x128xf32>
      %get3A_756 = arith.constant 0 : index
      %get3A_757 = arith.index_cast %multiple_of3A : i32 to index
      %get3A_758 = arith.constant 0 : index
      %get3A_759 = vector.load %arg5[%get3A_756, %get3A_757, %get3A_758] : memref<8x128x128xi32, #tpu.memory_space<vmem>>, vector<1x64x128xi32>
      %get3A_760 = vector.shape_cast %get3A_759 : vector<1x64x128xi32> to vector<64x128xi32>
      %gt3A_761 = arith.cmpf ogt, %select_n3A_749, %get3A_755 : vector<64x128xf32>
      %select_n3A_762 = arith.select %gt3A_761, %select_n3A_749, %get3A_755 : vector<64x128xi1>, vector<64x128xf32>
      %swap3A_763 = arith.constant 0 : index
      %swap3A_764 = arith.index_cast %multiple_of3A : i32 to index
      %swap3A_765 = arith.constant 0 : index
      %swap3A_766 = vector.load %arg4[%swap3A_763, %swap3A_764, %swap3A_765] : memref<8x128x128xf32, #tpu.memory_space<vmem>>, vector<1x64x128xf32>
      %swap3A_767 = vector.shape_cast %swap3A_766 : vector<1x64x128xf32> to vector<64x128xf32>
      %swap3A_768 = vector.shape_cast %select_n3A_762 : vector<64x128xf32> to vector<1x64x128xf32>
      tpu.vector_store %arg4[%swap3A_763, %swap3A_764, %swap3A_765], %swap3A_768 {strides = array<i32>} : memref<8x128x128xf32, #tpu.memory_space<vmem>>, vector<1x64x128xf32>,
      %select_n3A_769 = arith.select %gt3A_761, %select_n3A_750, %get3A_760 : vector<64x128xi1>, vector<64x128xi32>
      %swap3A_770 = arith.constant 0 : index
      %swap3A_771 = arith.index_cast %multiple_of3A : i32 to index
      %swap3A_772 = arith.constant 0 : index
      %swap3A_773 = vector.load %arg5[%swap3A_770, %swap3A_771, %swap3A_772] : memref<8x128x128xi32, #tpu.memory_space<vmem>>, vector<1x64x128xi32>
      %swap3A_774 = vector.shape_cast %swap3A_773 : vector<1x64x128xi32> to vector<64x128xi32>
      %swap3A_775 = vector.shape_cast %select_n3A_769 : vector<64x128xi32> to vector<1x64x128xi32>
      tpu.vector_store %arg5[%swap3A_770, %swap3A_771, %swap3A_772], %swap3A_775 {strides = array<i32>} : memref<8x128x128xi32, #tpu.memory_space<vmem>>, vector<1x64x128xi32>,
      %select_n3A_776 = arith.select %gt3A_761, %get3A_755, %select_n3A_749 : vector<64x128xi1>, vector<64x128xf32>
      %select_n3A_777 = arith.select %gt3A_761, %get3A_760, %select_n3A_750 : vector<64x128xi1>, vector<64x128xi32>
      %get3A_778 = arith.constant 1 : index
      %get3A_779 = arith.index_cast %multiple_of3A : i32 to index
      %get3A_780 = arith.constant 0 : index
      %get3A_781 = vector.load %arg4[%get3A_778, %get3A_779, %get3A_780] : memref<8x128x128xf32, #tpu.memory_space<vmem>>, vector<1x64x128xf32>
      %get3A_782 = vector.shape_cast %get3A_781 : vector<1x64x128xf32> to vector<64x128xf32>
      %get3A_783 = arith.constant 1 : index
      %get3A_784 = arith.index_cast %multiple_of3A : i32 to index
      %get3A_785 = arith.constant 0 : index
      %get3A_786 = vector.load %arg5[%get3A_783, %get3A_784, %get3A_785] : memref<8x128x128xi32, #tpu.memory_space<vmem>>, vector<1x64x128xi32>
      %get3A_787 = vector.shape_cast %get3A_786 : vector<1x64x128xi32> to vector<64x128xi32>
      %gt3A_788 = arith.cmpf ogt, %select_n3A_776, %get3A_782 : vector<64x128xf32>
      %select_n3A_789 = arith.select %gt3A_788, %select_n3A_776, %get3A_782 : vector<64x128xi1>, vector<64x128xf32>
      %swap3A_790 = arith.constant 1 : index
      %swap3A_791 = arith.index_cast %multiple_of3A : i32 to index
      %swap3A_792 = arith.constant 0 : index
      %swap3A_793 = vector.load %arg4[%swap3A_790, %swap3A_791, %swap3A_792] : memref<8x128x128xf32, #tpu.memory_space<vmem>>, vector<1x64x128xf32>
      %swap3A_794 = vector.shape_cast %swap3A_793 : vector<1x64x128xf32> to vector<64x128xf32>
      %swap3A_795 = vector.shape_cast %select_n3A_789 : vector<64x128xf32> to vector<1x64x128xf32>
      tpu.vector_store %arg4[%swap3A_790, %swap3A_791, %swap3A_792], %swap3A_795 {strides = array<i32>} : memref<8x128x128xf32, #tpu.memory_space<vmem>>, vector<1x64x128xf32>,
      %select_n3A_796 = arith.select %gt3A_788, %select_n3A_777, %get3A_787 : vector<64x128xi1>, vector<64x128xi32>
      %swap3A_797 = arith.constant 1 : index
      %swap3A_798 = arith.index_cast %multiple_of3A : i32 to index
      %swap3A_799 = arith.constant 0 : index
      %swap3A_800 = vector.load %arg5[%swap3A_797, %swap3A_798, %swap3A_799] : memref<8x128x128xi32, #tpu.memory_space<vmem>>, vector<1x64x128xi32>
      %swap3A_801 = vector.shape_cast %swap3A_800 : vector<1x64x128xi32> to vector<64x128xi32>
      %swap3A_802 = vector.shape_cast %select_n3A_796 : vector<64x128xi32> to vector<1x64x128xi32>
      tpu.vector_store %arg5[%swap3A_797, %swap3A_798, %swap3A_799], %swap3A_802 {strides = array<i32>} : memref<8x128x128xi32, #tpu.memory_space<vmem>>, vector<1x64x128xi32>,
      %select_n3A_803 = arith.select %gt3A_788, %get3A_782, %select_n3A_776 : vector<64x128xi1>, vector<64x128xf32>
      %select_n3A_804 = arith.select %gt3A_788, %get3A_787, %select_n3A_777 : vector<64x128xi1>, vector<64x128xi32>
      %get3A_805 = arith.constant 2 : index
      %get3A_806 = arith.index_cast %multiple_of3A : i32 to index
      %get3A_807 = arith.constant 0 : index
      %get3A_808 = vector.load %arg4[%get3A_805, %get3A_806, %get3A_807] : memref<8x128x128xf32, #tpu.memory_space<vmem>>, vector<1x64x128xf32>
      %get3A_809 = vector.shape_cast %get3A_808 : vector<1x64x128xf32> to vector<64x128xf32>
      %get3A_810 = arith.constant 2 : index
      %get3A_811 = arith.index_cast %multiple_of3A : i32 to index
      %get3A_812 = arith.constant 0 : index
      %get3A_813 = vector.load %arg5[%get3A_810, %get3A_811, %get3A_812] : memref<8x128x128xi32, #tpu.memory_space<vmem>>, vector<1x64x128xi32>
      %get3A_814 = vector.shape_cast %get3A_813 : vector<1x64x128xi32> to vector<64x128xi32>
      %gt3A_815 = arith.cmpf ogt, %select_n3A_803, %get3A_809 : vector<64x128xf32>
      %select_n3A_816 = arith.select %gt3A_815, %select_n3A_803, %get3A_809 : vector<64x128xi1>, vector<64x128xf32>
      %swap3A_817 = arith.constant 2 : index
      %swap3A_818 = arith.index_cast %multiple_of3A : i32 to index
      %swap3A_819 = arith.constant 0 : index
      %swap3A_820 = vector.load %arg4[%swap3A_817, %swap3A_818, %swap3A_819] : memref<8x128x128xf32, #tpu.memory_space<vmem>>, vector<1x64x128xf32>
      %swap3A_821 = vector.shape_cast %swap3A_820 : vector<1x64x128xf32> to vector<64x128xf32>
      %swap3A_822 = vector.shape_cast %select_n3A_816 : vector<64x128xf32> to vector<1x64x128xf32>
      tpu.vector_store %arg4[%swap3A_817, %swap3A_818, %swap3A_819], %swap3A_822 {strides = array<i32>} : memref<8x128x128xf32, #tpu.memory_space<vmem>>, vector<1x64x128xf32>,
      %select_n3A_823 = arith.select %gt3A_815, %select_n3A_804, %get3A_814 : vector<64x128xi1>, vector<64x128xi32>
      %swap3A_824 = arith.constant 2 : index
      %swap3A_825 = arith.index_cast %multiple_of3A : i32 to index
      %swap3A_826 = arith.constant 0 : index
      %swap3A_827 = vector.load %arg5[%swap3A_824, %swap3A_825, %swap3A_826] : memref<8x128x128xi32, #tpu.memory_space<vmem>>, vector<1x64x128xi32>
      %swap3A_828 = vector.shape_cast %swap3A_827 : vector<1x64x128xi32> to vector<64x128xi32>
      %swap3A_829 = vector.shape_cast %select_n3A_823 : vector<64x128xi32> to vector<1x64x128xi32>
      tpu.vector_store %arg5[%swap3A_824, %swap3A_825, %swap3A_826], %swap3A_829 {strides = array<i32>} : memref<8x128x128xi32, #tpu.memory_space<vmem>>, vector<1x64x128xi32>,
      %select_n3A_830 = arith.select %gt3A_815, %get3A_809, %select_n3A_803 : vector<64x128xi1>, vector<64x128xf32>
      %select_n3A_831 = arith.select %gt3A_815, %get3A_814, %select_n3A_804 : vector<64x128xi1>, vector<64x128xi32>
      %get3A_832 = arith.constant 3 : index
      %get3A_833 = arith.index_cast %multiple_of3A : i32 to index
      %get3A_834 = arith.constant 0 : index
      %get3A_835 = vector.load %arg4[%get3A_832, %get3A_833, %get3A_834] : memref<8x128x128xf32, #tpu.memory_space<vmem>>, vector<1x64x128xf32>
      %get3A_836 = vector.shape_cast %get3A_835 : vector<1x64x128xf32> to vector<64x128xf32>
      %get3A_837 = arith.constant 3 : index
      %get3A_838 = arith.index_cast %multiple_of3A : i32 to index
      %get3A_839 = arith.constant 0 : index
      %get3A_840 = vector.load %arg5[%get3A_837, %get3A_838, %get3A_839] : memref<8x128x128xi32, #tpu.memory_space<vmem>>, vector<1x64x128xi32>
      %get3A_841 = vector.shape_cast %get3A_840 : vector<1x64x128xi32> to vector<64x128xi32>
      %gt3A_842 = arith.cmpf ogt, %select_n3A_830, %get3A_836 : vector<64x128xf32>
      %select_n3A_843 = arith.select %gt3A_842, %select_n3A_830, %get3A_836 : vector<64x128xi1>, vector<64x128xf32>
      %swap3A_844 = arith.constant 3 : index
      %swap3A_845 = arith.index_cast %multiple_of3A : i32 to index
      %swap3A_846 = arith.constant 0 : index
      %swap3A_847 = vector.load %arg4[%swap3A_844, %swap3A_845, %swap3A_846] : memref<8x128x128xf32, #tpu.memory_space<vmem>>, vector<1x64x128xf32>
      %swap3A_848 = vector.shape_cast %swap3A_847 : vector<1x64x128xf32> to vector<64x128xf32>
      %swap3A_849 = vector.shape_cast %select_n3A_843 : vector<64x128xf32> to vector<1x64x128xf32>
      tpu.vector_store %arg4[%swap3A_844, %swap3A_845, %swap3A_846], %swap3A_849 {strides = array<i32>} : memref<8x128x128xf32, #tpu.memory_space<vmem>>, vector<1x64x128xf32>,
      %select_n3A_850 = arith.select %gt3A_842, %select_n3A_831, %get3A_841 : vector<64x128xi1>, vector<64x128xi32>
      %swap3A_851 = arith.constant 3 : index
      %swap3A_852 = arith.index_cast %multiple_of3A : i32 to index
      %swap3A_853 = arith.constant 0 : index
      %swap3A_854 = vector.load %arg5[%swap3A_851, %swap3A_852, %swap3A_853] : memref<8x128x128xi32, #tpu.memory_space<vmem>>, vector<1x64x128xi32>
      %swap3A_855 = vector.shape_cast %swap3A_854 : vector<1x64x128xi32> to vector<64x128xi32>
      %swap3A_856 = vector.shape_cast %select_n3A_850 : vector<64x128xi32> to vector<1x64x128xi32>
      tpu.vector_store %arg5[%swap3A_851, %swap3A_852, %swap3A_853], %swap3A_856 {strides = array<i32>} : memref<8x128x128xi32, #tpu.memory_space<vmem>>, vector<1x64x128xi32>,
      %select_n3A_857 = arith.select %gt3A_842, %get3A_836, %select_n3A_830 : vector<64x128xi1>, vector<64x128xf32>
      %select_n3A_858 = arith.select %gt3A_842, %get3A_841, %select_n3A_831 : vector<64x128xi1>, vector<64x128xi32>
      %get3A_859 = arith.constant 4 : index
      %get3A_860 = arith.index_cast %multiple_of3A : i32 to index
      %get3A_861 = arith.constant 0 : index
      %get3A_862 = vector.load %arg4[%get3A_859, %get3A_860, %get3A_861] : memref<8x128x128xf32, #tpu.memory_space<vmem>>, vector<1x64x128xf32>
      %get3A_863 = vector.shape_cast %get3A_862 : vector<1x64x128xf32> to vector<64x128xf32>
      %get3A_864 = arith.constant 4 : index
      %get3A_865 = arith.index_cast %multiple_of3A : i32 to index
      %get3A_866 = arith.constant 0 : index
      %get3A_867 = vector.load %arg5[%get3A_864, %get3A_865, %get3A_866] : memref<8x128x128xi32, #tpu.memory_space<vmem>>, vector<1x64x128xi32>
      %get3A_868 = vector.shape_cast %get3A_867 : vector<1x64x128xi32> to vector<64x128xi32>
      %gt3A_869 = arith.cmpf ogt, %select_n3A_857, %get3A_863 : vector<64x128xf32>
      %select_n3A_870 = arith.select %gt3A_869, %select_n3A_857, %get3A_863 : vector<64x128xi1>, vector<64x128xf32>
      %swap3A_871 = arith.constant 4 : index
      %swap3A_872 = arith.index_cast %multiple_of3A : i32 to index
      %swap3A_873 = arith.constant 0 : index
      %swap3A_874 = vector.load %arg4[%swap3A_871, %swap3A_872, %swap3A_873] : memref<8x128x128xf32, #tpu.memory_space<vmem>>, vector<1x64x128xf32>
      %swap3A_875 = vector.shape_cast %swap3A_874 : vector<1x64x128xf32> to vector<64x128xf32>
      %swap3A_876 = vector.shape_cast %select_n3A_870 : vector<64x128xf32> to vector<1x64x128xf32>
      tpu.vector_store %arg4[%swap3A_871, %swap3A_872, %swap3A_873], %swap3A_876 {strides = array<i32>} : memref<8x128x128xf32, #tpu.memory_space<vmem>>, vector<1x64x128xf32>,
      %select_n3A_877 = arith.select %gt3A_869, %select_n3A_858, %get3A_868 : vector<64x128xi1>, vector<64x128xi32>
      %swap3A_878 = arith.constant 4 : index
      %swap3A_879 = arith.index_cast %multiple_of3A : i32 to index
      %swap3A_880 = arith.constant 0 : index
      %swap3A_881 = vector.load %arg5[%swap3A_878, %swap3A_879, %swap3A_880] : memref<8x128x128xi32, #tpu.memory_space<vmem>>, vector<1x64x128xi32>
      %swap3A_882 = vector.shape_cast %swap3A_881 : vector<1x64x128xi32> to vector<64x128xi32>
      %swap3A_883 = vector.shape_cast %select_n3A_877 : vector<64x128xi32> to vector<1x64x128xi32>
      tpu.vector_store %arg5[%swap3A_878, %swap3A_879, %swap3A_880], %swap3A_883 {strides = array<i32>} : memref<8x128x128xi32, #tpu.memory_space<vmem>>, vector<1x64x128xi32>,
      %select_n3A_884 = arith.select %gt3A_869, %get3A_863, %select_n3A_857 : vector<64x128xi1>, vector<64x128xf32>
      %select_n3A_885 = arith.select %gt3A_869, %get3A_868, %select_n3A_858 : vector<64x128xi1>, vector<64x128xi32>
      %get3A_886 = arith.constant 5 : index
      %get3A_887 = arith.index_cast %multiple_of3A : i32 to index
      %get3A_888 = arith.constant 0 : index
      %get3A_889 = vector.load %arg4[%get3A_886, %get3A_887, %get3A_888] : memref<8x128x128xf32, #tpu.memory_space<vmem>>, vector<1x64x128xf32>
      %get3A_890 = vector.shape_cast %get3A_889 : vector<1x64x128xf32> to vector<64x128xf32>
      %get3A_891 = arith.constant 5 : index
      %get3A_892 = arith.index_cast %multiple_of3A : i32 to index
      %get3A_893 = arith.constant 0 : index
      %get3A_894 = vector.load %arg5[%get3A_891, %get3A_892, %get3A_893] : memref<8x128x128xi32, #tpu.memory_space<vmem>>, vector<1x64x128xi32>
      %get3A_895 = vector.shape_cast %get3A_894 : vector<1x64x128xi32> to vector<64x128xi32>
      %gt3A_896 = arith.cmpf ogt, %select_n3A_884, %get3A_890 : vector<64x128xf32>
      %select_n3A_897 = arith.select %gt3A_896, %select_n3A_884, %get3A_890 : vector<64x128xi1>, vector<64x128xf32>
      %swap3A_898 = arith.constant 5 : index
      %swap3A_899 = arith.index_cast %multiple_of3A : i32 to index
      %swap3A_900 = arith.constant 0 : index
      %swap3A_901 = vector.load %arg4[%swap3A_898, %swap3A_899, %swap3A_900] : memref<8x128x128xf32, #tpu.memory_space<vmem>>, vector<1x64x128xf32>
      %swap3A_902 = vector.shape_cast %swap3A_901 : vector<1x64x128xf32> to vector<64x128xf32>
      %swap3A_903 = vector.shape_cast %select_n3A_897 : vector<64x128xf32> to vector<1x64x128xf32>
      tpu.vector_store %arg4[%swap3A_898, %swap3A_899, %swap3A_900], %swap3A_903 {strides = array<i32>} : memref<8x128x128xf32, #tpu.memory_space<vmem>>, vector<1x64x128xf32>,
      %select_n3A_904 = arith.select %gt3A_896, %select_n3A_885, %get3A_895 : vector<64x128xi1>, vector<64x128xi32>
      %swap3A_905 = arith.constant 5 : index
      %swap3A_906 = arith.index_cast %multiple_of3A : i32 to index
      %swap3A_907 = arith.constant 0 : index
      %swap3A_908 = vector.load %arg5[%swap3A_905, %swap3A_906, %swap3A_907] : memref<8x128x128xi32, #tpu.memory_space<vmem>>, vector<1x64x128xi32>
      %swap3A_909 = vector.shape_cast %swap3A_908 : vector<1x64x128xi32> to vector<64x128xi32>
      %swap3A_910 = vector.shape_cast %select_n3A_904 : vector<64x128xi32> to vector<1x64x128xi32>
      tpu.vector_store %arg5[%swap3A_905, %swap3A_906, %swap3A_907], %swap3A_910 {strides = array<i32>} : memref<8x128x128xi32, #tpu.memory_space<vmem>>, vector<1x64x128xi32>,
      %select_n3A_911 = arith.select %gt3A_896, %get3A_890, %select_n3A_884 : vector<64x128xi1>, vector<64x128xf32>
      %select_n3A_912 = arith.select %gt3A_896, %get3A_895, %select_n3A_885 : vector<64x128xi1>, vector<64x128xi32>
      %get3A_913 = arith.constant 6 : index
      %get3A_914 = arith.index_cast %multiple_of3A : i32 to index
      %get3A_915 = arith.constant 0 : index
      %get3A_916 = vector.load %arg4[%get3A_913, %get3A_914, %get3A_915] : memref<8x128x128xf32, #tpu.memory_space<vmem>>, vector<1x64x128xf32>
      %get3A_917 = vector.shape_cast %get3A_916 : vector<1x64x128xf32> to vector<64x128xf32>
      %get3A_918 = arith.constant 6 : index
      %get3A_919 = arith.index_cast %multiple_of3A : i32 to index
      %get3A_920 = arith.constant 0 : index
      %get3A_921 = vector.load %arg5[%get3A_918, %get3A_919, %get3A_920] : memref<8x128x128xi32, #tpu.memory_space<vmem>>, vector<1x64x128xi32>
      %get3A_922 = vector.shape_cast %get3A_921 : vector<1x64x128xi32> to vector<64x128xi32>
      %gt3A_923 = arith.cmpf ogt, %select_n3A_911, %get3A_917 : vector<64x128xf32>
      %select_n3A_924 = arith.select %gt3A_923, %select_n3A_911, %get3A_917 : vector<64x128xi1>, vector<64x128xf32>
      %swap3A_925 = arith.constant 6 : index
      %swap3A_926 = arith.index_cast %multiple_of3A : i32 to index
      %swap3A_927 = arith.constant 0 : index
      %swap3A_928 = vector.load %arg4[%swap3A_925, %swap3A_926, %swap3A_927] : memref<8x128x128xf32, #tpu.memory_space<vmem>>, vector<1x64x128xf32>
      %swap3A_929 = vector.shape_cast %swap3A_928 : vector<1x64x128xf32> to vector<64x128xf32>
      %swap3A_930 = vector.shape_cast %select_n3A_924 : vector<64x128xf32> to vector<1x64x128xf32>
      tpu.vector_store %arg4[%swap3A_925, %swap3A_926, %swap3A_927], %swap3A_930 {strides = array<i32>} : memref<8x128x128xf32, #tpu.memory_space<vmem>>, vector<1x64x128xf32>,
      %select_n3A_931 = arith.select %gt3A_923, %select_n3A_912, %get3A_922 : vector<64x128xi1>, vector<64x128xi32>
      %swap3A_932 = arith.constant 6 : index
      %swap3A_933 = arith.index_cast %multiple_of3A : i32 to index
      %swap3A_934 = arith.constant 0 : index
      %swap3A_935 = vector.load %arg5[%swap3A_932, %swap3A_933, %swap3A_934] : memref<8x128x128xi32, #tpu.memory_space<vmem>>, vector<1x64x128xi32>
      %swap3A_936 = vector.shape_cast %swap3A_935 : vector<1x64x128xi32> to vector<64x128xi32>
      %swap3A_937 = vector.shape_cast %select_n3A_931 : vector<64x128xi32> to vector<1x64x128xi32>
      tpu.vector_store %arg5[%swap3A_932, %swap3A_933, %swap3A_934], %swap3A_937 {strides = array<i32>} : memref<8x128x128xi32, #tpu.memory_space<vmem>>, vector<1x64x128xi32>,
      %select_n3A_938 = arith.select %gt3A_923, %get3A_917, %select_n3A_911 : vector<64x128xi1>, vector<64x128xf32>
      %select_n3A_939 = arith.select %gt3A_923, %get3A_922, %select_n3A_912 : vector<64x128xi1>, vector<64x128xi32>
      %get3A_940 = arith.constant 7 : index
      %get3A_941 = arith.index_cast %multiple_of3A : i32 to index
      %get3A_942 = arith.constant 0 : index
      %get3A_943 = vector.load %arg4[%get3A_940, %get3A_941, %get3A_942] : memref<8x128x128xf32, #tpu.memory_space<vmem>>, vector<1x64x128xf32>
      %get3A_944 = vector.shape_cast %get3A_943 : vector<1x64x128xf32> to vector<64x128xf32>
      %get3A_945 = arith.constant 7 : index
      %get3A_946 = arith.index_cast %multiple_of3A : i32 to index
      %get3A_947 = arith.constant 0 : index
      %get3A_948 = vector.load %arg5[%get3A_945, %get3A_946, %get3A_947] : memref<8x128x128xi32, #tpu.memory_space<vmem>>, vector<1x64x128xi32>
      %get3A_949 = vector.shape_cast %get3A_948 : vector<1x64x128xi32> to vector<64x128xi32>
      %gt3A_950 = arith.cmpf ogt, %select_n3A_938, %get3A_944 : vector<64x128xf32>
      %select_n3A_951 = arith.select %gt3A_950, %select_n3A_938, %get3A_944 : vector<64x128xi1>, vector<64x128xf32>
      %swap3A_952 = arith.constant 7 : index
      %swap3A_953 = arith.index_cast %multiple_of3A : i32 to index
      %swap3A_954 = arith.constant 0 : index
      %swap3A_955 = vector.load %arg4[%swap3A_952, %swap3A_953, %swap3A_954] : memref<8x128x128xf32, #tpu.memory_space<vmem>>, vector<1x64x128xf32>
      %swap3A_956 = vector.shape_cast %swap3A_955 : vector<1x64x128xf32> to vector<64x128xf32>
      %swap3A_957 = vector.shape_cast %select_n3A_951 : vector<64x128xf32> to vector<1x64x128xf32>
      tpu.vector_store %arg4[%swap3A_952, %swap3A_953, %swap3A_954], %swap3A_957 {strides = array<i32>} : memref<8x128x128xf32, #tpu.memory_space<vmem>>, vector<1x64x128xf32>,
      %select_n3A_958 = arith.select %gt3A_950, %select_n3A_939, %get3A_949 : vector<64x128xi1>, vector<64x128xi32>
      %swap3A_959 = arith.constant 7 : index
      %swap3A_960 = arith.index_cast %multiple_of3A : i32 to index
      %swap3A_961 = arith.constant 0 : index
      %swap3A_962 = vector.load %arg5[%swap3A_959, %swap3A_960, %swap3A_961] : memref<8x128x128xi32, #tpu.memory_space<vmem>>, vector<1x64x128xi32>
      %swap3A_963 = vector.shape_cast %swap3A_962 : vector<1x64x128xi32> to vector<64x128xi32>
      %swap3A_964 = vector.shape_cast %select_n3A_958 : vector<64x128xi32> to vector<1x64x128xi32>
      tpu.vector_store %arg5[%swap3A_959, %swap3A_960, %swap3A_961], %swap3A_964 {strides = array<i32>} : memref<8x128x128xi32, #tpu.memory_space<vmem>>, vector<1x64x128xi32>,
    }
    %scan3A_14 = arith.constant 2 : i32
    %eq3A_15 = arith.constant 24 : i32
    %eq3A_16 = arith.cmpi eq, %arg0, %eq3A_15 : i32
    %convert_element_type3A_17 = arith.extui %eq3A_16 : i1 to i32
    %cond3A_18 = arith.constant 0 : i32
    %cond3A_19 = arith.cmpi ne, %convert_element_type3A_17, %cond3A_18 : i32
    scf.if %cond3A_19 {
      %get3A_20 = arith.constant 0 : index
      %get3A_21 = arith.constant 0 : index
      %get3A_22 = arith.constant 0 : index
      %get3A_23 = vector.load %arg4[%get3A_20, %get3A_21, %get3A_22] : memref<8x128x128xf32, #tpu.memory_space<vmem>>, vector<1x128x128xf32>
      %get3A_24 = vector.shape_cast %get3A_23 : vector<1x128x128xf32> to vector<128x128xf32>
      %get3A_25 = arith.constant 1 : index
      %get3A_26 = arith.constant 0 : index
      %get3A_27 = arith.constant 0 : index
      %get3A_28 = vector.load %arg4[%get3A_25, %get3A_26, %get3A_27] : memref<8x128x128xf32, #tpu.memory_space<vmem>>, vector<1x128x128xf32>
      %get3A_29 = vector.shape_cast %get3A_28 : vector<1x128x128xf32> to vector<128x128xf32>
      %get3A_30 = arith.constant 2 : index
      %get3A_31 = arith.constant 0 : index
      %get3A_32 = arith.constant 0 : index
      %get3A_33 = vector.load %arg4[%get3A_30, %get3A_31, %get3A_32] : memref<8x128x128xf32, #tpu.memory_space<vmem>>, vector<1x128x128xf32>
      %get3A_34 = vector.shape_cast %get3A_33 : vector<1x128x128xf32> to vector<128x128xf32>
      %get3A_35 = arith.constant 3 : index
      %get3A_36 = arith.constant 0 : index
      %get3A_37 = arith.constant 0 : index
      %get3A_38 = vector.load %arg4[%get3A_35, %get3A_36, %get3A_37] : memref<8x128x128xf32, #tpu.memory_space<vmem>>, vector<1x128x128xf32>
      %get3A_39 = vector.shape_cast %get3A_38 : vector<1x128x128xf32> to vector<128x128xf32>
      %get3A_40 = arith.constant 4 : index
      %get3A_41 = arith.constant 0 : index
      %get3A_42 = arith.constant 0 : index
      %get3A_43 = vector.load %arg4[%get3A_40, %get3A_41, %get3A_42] : memref<8x128x128xf32, #tpu.memory_space<vmem>>, vector<1x128x128xf32>
      %get3A_44 = vector.shape_cast %get3A_43 : vector<1x128x128xf32> to vector<128x128xf32>
      %get3A_45 = arith.constant 5 : index
      %get3A_46 = arith.constant 0 : index
      %get3A_47 = arith.constant 0 : index
      %get3A_48 = vector.load %arg4[%get3A_45, %get3A_46, %get3A_47] : memref<8x128x128xf32, #tpu.memory_space<vmem>>, vector<1x128x128xf32>
      %get3A_49 = vector.shape_cast %get3A_48 : vector<1x128x128xf32> to vector<128x128xf32>
      %get3A_50 = arith.constant 6 : index
      %get3A_51 = arith.constant 0 : index
      %get3A_52 = arith.constant 0 : index
      %get3A_53 = vector.load %arg4[%get3A_50, %get3A_51, %get3A_52] : memref<8x128x128xf32, #tpu.memory_space<vmem>>, vector<1x128x128xf32>
      %get3A_54 = vector.shape_cast %get3A_53 : vector<1x128x128xf32> to vector<128x128xf32>
      %get3A_55 = arith.constant 7 : index
      %get3A_56 = arith.constant 0 : index
      %get3A_57 = arith.constant 0 : index
      %get3A_58 = vector.load %arg4[%get3A_55, %get3A_56, %get3A_57] : memref<8x128x128xf32, #tpu.memory_space<vmem>>, vector<1x128x128xf32>
      %get3A_59 = vector.shape_cast %get3A_58 : vector<1x128x128xf32> to vector<128x128xf32>
      %concatenate3A = tpu.concatenate %get3A_24, %get3A_29, %get3A_34, %get3A_39, %get3A_44, %get3A_49, %get3A_54, %get3A_59 in 1 : vector<128x128xf32>, vector<128x128xf32>, vector<128x128xf32>, vector<128x128xf32>, vector<128x128xf32>, vector<128x128xf32>, vector<128x128xf32>, vector<128x128xf32> -> vector<128x1024xf32>
      %get3A_60 = arith.constant 0 : index
      %get3A_61 = arith.constant 0 : index
      %get3A_62 = arith.constant 0 : index
      %get3A_63 = vector.load %arg5[%get3A_60, %get3A_61, %get3A_62] : memref<8x128x128xi32, #tpu.memory_space<vmem>>, vector<1x128x128xi32>
      %get3A_64 = vector.shape_cast %get3A_63 : vector<1x128x128xi32> to vector<128x128xi32>
      %get3A_65 = arith.constant 1 : index
      %get3A_66 = arith.constant 0 : index
      %get3A_67 = arith.constant 0 : index
      %get3A_68 = vector.load %arg5[%get3A_65, %get3A_66, %get3A_67] : memref<8x128x128xi32, #tpu.memory_space<vmem>>, vector<1x128x128xi32>
      %get3A_69 = vector.shape_cast %get3A_68 : vector<1x128x128xi32> to vector<128x128xi32>
      %get3A_70 = arith.constant 2 : index
      %get3A_71 = arith.constant 0 : index
      %get3A_72 = arith.constant 0 : index
      %get3A_73 = vector.load %arg5[%get3A_70, %get3A_71, %get3A_72] : memref<8x128x128xi32, #tpu.memory_space<vmem>>, vector<1x128x128xi32>
      %get3A_74 = vector.shape_cast %get3A_73 : vector<1x128x128xi32> to vector<128x128xi32>
      %get3A_75 = arith.constant 3 : index
      %get3A_76 = arith.constant 0 : index
      %get3A_77 = arith.constant 0 : index
      %get3A_78 = vector.load %arg5[%get3A_75, %get3A_76, %get3A_77] : memref<8x128x128xi32, #tpu.memory_space<vmem>>, vector<1x128x128xi32>
      %get3A_79 = vector.shape_cast %get3A_78 : vector<1x128x128xi32> to vector<128x128xi32>
      %get3A_80 = arith.constant 4 : index
      %get3A_81 = arith.constant 0 : index
      %get3A_82 = arith.constant 0 : index
      %get3A_83 = vector.load %arg5[%get3A_80, %get3A_81, %get3A_82] : memref<8x128x128xi32, #tpu.memory_space<vmem>>, vector<1x128x128xi32>
      %get3A_84 = vector.shape_cast %get3A_83 : vector<1x128x128xi32> to vector<128x128xi32>
      %get3A_85 = arith.constant 5 : index
      %get3A_86 = arith.constant 0 : index
      %get3A_87 = arith.constant 0 : index
      %get3A_88 = vector.load %arg5[%get3A_85, %get3A_86, %get3A_87] : memref<8x128x128xi32, #tpu.memory_space<vmem>>, vector<1x128x128xi32>
      %get3A_89 = vector.shape_cast %get3A_88 : vector<1x128x128xi32> to vector<128x128xi32>
      %get3A_90 = arith.constant 6 : index
      %get3A_91 = arith.constant 0 : index
      %get3A_92 = arith.constant 0 : index
      %get3A_93 = vector.load %arg5[%get3A_90, %get3A_91, %get3A_92] : memref<8x128x128xi32, #tpu.memory_space<vmem>>, vector<1x128x128xi32>
      %get3A_94 = vector.shape_cast %get3A_93 : vector<1x128x128xi32> to vector<128x128xi32>
      %get3A_95 = arith.constant 7 : index
      %get3A_96 = arith.constant 0 : index
      %get3A_97 = arith.constant 0 : index
      %get3A_98 = vector.load %arg5[%get3A_95, %get3A_96, %get3A_97] : memref<8x128x128xi32, #tpu.memory_space<vmem>>, vector<1x128x128xi32>
      %get3A_99 = vector.shape_cast %get3A_98 : vector<1x128x128xi32> to vector<128x128xi32>
      %concatenate3A_100 = tpu.concatenate %get3A_64, %get3A_69, %get3A_74, %get3A_79, %get3A_84, %get3A_89, %get3A_94, %get3A_99 in 1 : vector<128x128xi32>, vector<128x128xi32>, vector<128x128xi32>, vector<128x128xi32>, vector<128x128xi32>, vector<128x128xi32>, vector<128x128xi32>, vector<128x128xi32> -> vector<128x1024xi32>
      %broadcast_in_dim3A = arith.constant 0 : i32
      %broadcast_in_dim3A_101 = vector.broadcast %broadcast_in_dim3A : i32 to vector<128x128xi32>
      %iota3A_102 = tpu.iota {dimensions = array<i32: 1>} : vector<128x128xi32>
      %reduce_max3A = arith.constant dense<0xFF800000> : vector<128xf32>
      %reduce_max3A_103 = vector.multi_reduction <maximumf>, %concatenate3A, %reduce_max3A [1] : vector<128x1024xf32> to vector<128xf32>
      %broadcast_in_dim3A_104 = vector.shape_cast %reduce_max3A_103 : vector<128xf32> to vector<128x1xf32>
      %eq3A_105 = vector.broadcast %broadcast_in_dim3A_104 : vector<128x1xf32> to vector<128x1024xf32>
      %eq3A_106 = arith.cmpf oeq, %concatenate3A, %eq3A_105 : vector<128x1024xf32>
      %jit3A = arith.constant 2147483647 : i32
      %broadcast_in_dim3A_107 = vector.broadcast %jit3A : i32 to vector<128x1024xi32>
      %select_n3A = arith.select %eq3A_106, %concatenate3A_100, %broadcast_in_dim3A_107 : vector<128x1024xi1>, vector<128x1024xi32>
      %reduce_min3A = arith.constant dense<2147483647> : vector<128xi32>
      %reduce_min3A_108 = vector.multi_reduction <minsi>, %select_n3A, %reduce_min3A [1] : vector<128x1024xi32> to vector<128xi32>
      %broadcast_in_dim3A_109 = vector.shape_cast %reduce_min3A_108 : vector<128xi32> to vector<128x1xi32>
      %eq3A_110 = arith.constant 0 : i32
      %eq3A_111 = vector.broadcast %eq3A_110 : i32 to vector<128x128xi32>
      %eq3A_112 = arith.cmpi eq, %iota3A_102, %eq3A_111 : vector<128x128xi32>
      %broadcast_in_dim3A_113 = vector.shape_cast %broadcast_in_dim3A_109 : vector<128x1xi32> to vector<128x1xi32>
      %broadcast_in_dim3A_114 = vector.broadcast %broadcast_in_dim3A_113 : vector<128x1xi32> to vector<128x128xi32>
      %select_n3A_115 = arith.select %eq3A_112, %broadcast_in_dim3A_114, %broadcast_in_dim3A_101 : vector<128x128xi1>, vector<128x128xi32>
      %eq3A_116 = vector.broadcast %broadcast_in_dim3A_109 : vector<128x1xi32> to vector<128x1024xi32>
      %eq3A_117 = arith.cmpi eq, %concatenate3A_100, %eq3A_116 : vector<128x1024xi32>
      %jit3A_118 = arith.constant 0xFF800000 : f32
      %broadcast_in_dim3A_119 = vector.broadcast %jit3A_118 : f32 to vector<128x1024xf32>
      %select_n3A_120 = arith.select %eq3A_117, %broadcast_in_dim3A_119, %concatenate3A : vector<128x1024xi1>, vector<128x1024xf32>
      %reduce_max3A_121 = arith.constant dense<0xFF800000> : vector<128xf32>
      %reduce_max3A_122 = vector.multi_reduction <maximumf>, %select_n3A_120, %reduce_max3A_121 [1] : vector<128x1024xf32> to vector<128xf32>
      %broadcast_in_dim3A_123 = vector.shape_cast %reduce_max3A_122 : vector<128xf32> to vector<128x1xf32>
      %eq3A_124 = vector.broadcast %broadcast_in_dim3A_123 : vector<128x1xf32> to vector<128x1024xf32>
      %eq3A_125 = arith.cmpf oeq, %select_n3A_120, %eq3A_124 : vector<128x1024xf32>
      %jit3A_126 = arith.constant 2147483647 : i32
      %broadcast_in_dim3A_127 = vector.broadcast %jit3A_126 : i32 to vector<128x1024xi32>
      %select_n3A_128 = arith.select %eq3A_125, %concatenate3A_100, %broadcast_in_dim3A_127 : vector<128x1024xi1>, vector<128x1024xi32>
      %reduce_min3A_129 = arith.constant dense<2147483647> : vector<128xi32>
      %reduce_min3A_130 = vector.multi_reduction <minsi>, %select_n3A_128, %reduce_min3A_129 [1] : vector<128x1024xi32> to vector<128xi32>
      %broadcast_in_dim3A_131 = vector.shape_cast %reduce_min3A_130 : vector<128xi32> to vector<128x1xi32>
      %eq3A_132 = arith.constant 1 : i32
      %eq3A_133 = vector.broadcast %eq3A_132 : i32 to vector<128x128xi32>
      %eq3A_134 = arith.cmpi eq, %iota3A_102, %eq3A_133 : vector<128x128xi32>
      %broadcast_in_dim3A_135 = vector.shape_cast %broadcast_in_dim3A_131 : vector<128x1xi32> to vector<128x1xi32>
      %broadcast_in_dim3A_136 = vector.broadcast %broadcast_in_dim3A_135 : vector<128x1xi32> to vector<128x128xi32>
      %select_n3A_137 = arith.select %eq3A_134, %broadcast_in_dim3A_136, %select_n3A_115 : vector<128x128xi1>, vector<128x128xi32>
      %eq3A_138 = vector.broadcast %broadcast_in_dim3A_131 : vector<128x1xi32> to vector<128x1024xi32>
      %eq3A_139 = arith.cmpi eq, %concatenate3A_100, %eq3A_138 : vector<128x1024xi32>
      %jit3A_140 = arith.constant 0xFF800000 : f32
      %broadcast_in_dim3A_141 = vector.broadcast %jit3A_140 : f32 to vector<128x1024xf32>
      %select_n3A_142 = arith.select %eq3A_139, %broadcast_in_dim3A_141, %select_n3A_120 : vector<128x1024xi1>, vector<128x1024xf32>
      %reduce_max3A_143 = arith.constant dense<0xFF800000> : vector<128xf32>
      %reduce_max3A_144 = vector.multi_reduction <maximumf>, %select_n3A_142, %reduce_max3A_143 [1] : vector<128x1024xf32> to vector<128xf32>
      %broadcast_in_dim3A_145 = vector.shape_cast %reduce_max3A_144 : vector<128xf32> to vector<128x1xf32>
      %eq3A_146 = vector.broadcast %broadcast_in_dim3A_145 : vector<128x1xf32> to vector<128x1024xf32>
      %eq3A_147 = arith.cmpf oeq, %select_n3A_142, %eq3A_146 : vector<128x1024xf32>
      %jit3A_148 = arith.constant 2147483647 : i32
      %broadcast_in_dim3A_149 = vector.broadcast %jit3A_148 : i32 to vector<128x1024xi32>
      %select_n3A_150 = arith.select %eq3A_147, %concatenate3A_100, %broadcast_in_dim3A_149 : vector<128x1024xi1>, vector<128x1024xi32>
      %reduce_min3A_151 = arith.constant dense<2147483647> : vector<128xi32>
      %reduce_min3A_152 = vector.multi_reduction <minsi>, %select_n3A_150, %reduce_min3A_151 [1] : vector<128x1024xi32> to vector<128xi32>
      %broadcast_in_dim3A_153 = vector.shape_cast %reduce_min3A_152 : vector<128xi32> to vector<128x1xi32>
      %eq3A_154 = arith.constant 2 : i32
      %eq3A_155 = vector.broadcast %eq3A_154 : i32 to vector<128x128xi32>
      %eq3A_156 = arith.cmpi eq, %iota3A_102, %eq3A_155 : vector<128x128xi32>
      %broadcast_in_dim3A_157 = vector.shape_cast %broadcast_in_dim3A_153 : vector<128x1xi32> to vector<128x1xi32>
      %broadcast_in_dim3A_158 = vector.broadcast %broadcast_in_dim3A_157 : vector<128x1xi32> to vector<128x128xi32>
      %select_n3A_159 = arith.select %eq3A_156, %broadcast_in_dim3A_158, %select_n3A_137 : vector<128x128xi1>, vector<128x128xi32>
      %eq3A_160 = vector.broadcast %broadcast_in_dim3A_153 : vector<128x1xi32> to vector<128x1024xi32>
      %eq3A_161 = arith.cmpi eq, %concatenate3A_100, %eq3A_160 : vector<128x1024xi32>
      %jit3A_162 = arith.constant 0xFF800000 : f32
      %broadcast_in_dim3A_163 = vector.broadcast %jit3A_162 : f32 to vector<128x1024xf32>
      %select_n3A_164 = arith.select %eq3A_161, %broadcast_in_dim3A_163, %select_n3A_142 : vector<128x1024xi1>, vector<128x1024xf32>
      %reduce_max3A_165 = arith.constant dense<0xFF800000> : vector<128xf32>
      %reduce_max3A_166 = vector.multi_reduction <maximumf>, %select_n3A_164, %reduce_max3A_165 [1] : vector<128x1024xf32> to vector<128xf32>
      %broadcast_in_dim3A_167 = vector.shape_cast %reduce_max3A_166 : vector<128xf32> to vector<128x1xf32>
      %eq3A_168 = vector.broadcast %broadcast_in_dim3A_167 : vector<128x1xf32> to vector<128x1024xf32>
      %eq3A_169 = arith.cmpf oeq, %select_n3A_164, %eq3A_168 : vector<128x1024xf32>
      %jit3A_170 = arith.constant 2147483647 : i32
      %broadcast_in_dim3A_171 = vector.broadcast %jit3A_170 : i32 to vector<128x1024xi32>
      %select_n3A_172 = arith.select %eq3A_169, %concatenate3A_100, %broadcast_in_dim3A_171 : vector<128x1024xi1>, vector<128x1024xi32>
      %reduce_min3A_173 = arith.constant dense<2147483647> : vector<128xi32>
      %reduce_min3A_174 = vector.multi_reduction <minsi>, %select_n3A_172, %reduce_min3A_173 [1] : vector<128x1024xi32> to vector<128xi32>
      %broadcast_in_dim3A_175 = vector.shape_cast %reduce_min3A_174 : vector<128xi32> to vector<128x1xi32>
      %eq3A_176 = arith.constant 3 : i32
      %eq3A_177 = vector.broadcast %eq3A_176 : i32 to vector<128x128xi32>
      %eq3A_178 = arith.cmpi eq, %iota3A_102, %eq3A_177 : vector<128x128xi32>
      %broadcast_in_dim3A_179 = vector.shape_cast %broadcast_in_dim3A_175 : vector<128x1xi32> to vector<128x1xi32>
      %broadcast_in_dim3A_180 = vector.broadcast %broadcast_in_dim3A_179 : vector<128x1xi32> to vector<128x128xi32>
      %select_n3A_181 = arith.select %eq3A_178, %broadcast_in_dim3A_180, %select_n3A_159 : vector<128x128xi1>, vector<128x128xi32>
      %eq3A_182 = vector.broadcast %broadcast_in_dim3A_175 : vector<128x1xi32> to vector<128x1024xi32>
      %eq3A_183 = arith.cmpi eq, %concatenate3A_100, %eq3A_182 : vector<128x1024xi32>
      %jit3A_184 = arith.constant 0xFF800000 : f32
      %broadcast_in_dim3A_185 = vector.broadcast %jit3A_184 : f32 to vector<128x1024xf32>
      %select_n3A_186 = arith.select %eq3A_183, %broadcast_in_dim3A_185, %select_n3A_164 : vector<128x1024xi1>, vector<128x1024xf32>
      %reduce_max3A_187 = arith.constant dense<0xFF800000> : vector<128xf32>
      %reduce_max3A_188 = vector.multi_reduction <maximumf>, %select_n3A_186, %reduce_max3A_187 [1] : vector<128x1024xf32> to vector<128xf32>
      %broadcast_in_dim3A_189 = vector.shape_cast %reduce_max3A_188 : vector<128xf32> to vector<128x1xf32>
      %eq3A_190 = vector.broadcast %broadcast_in_dim3A_189 : vector<128x1xf32> to vector<128x1024xf32>
      %eq3A_191 = arith.cmpf oeq, %select_n3A_186, %eq3A_190 : vector<128x1024xf32>
      %jit3A_192 = arith.constant 2147483647 : i32
      %broadcast_in_dim3A_193 = vector.broadcast %jit3A_192 : i32 to vector<128x1024xi32>
      %select_n3A_194 = arith.select %eq3A_191, %concatenate3A_100, %broadcast_in_dim3A_193 : vector<128x1024xi1>, vector<128x1024xi32>
      %reduce_min3A_195 = arith.constant dense<2147483647> : vector<128xi32>
      %reduce_min3A_196 = vector.multi_reduction <minsi>, %select_n3A_194, %reduce_min3A_195 [1] : vector<128x1024xi32> to vector<128xi32>
      %broadcast_in_dim3A_197 = vector.shape_cast %reduce_min3A_196 : vector<128xi32> to vector<128x1xi32>
      %eq3A_198 = arith.constant 4 : i32
      %eq3A_199 = vector.broadcast %eq3A_198 : i32 to vector<128x128xi32>
      %eq3A_200 = arith.cmpi eq, %iota3A_102, %eq3A_199 : vector<128x128xi32>
      %broadcast_in_dim3A_201 = vector.shape_cast %broadcast_in_dim3A_197 : vector<128x1xi32> to vector<128x1xi32>
      %broadcast_in_dim3A_202 = vector.broadcast %broadcast_in_dim3A_201 : vector<128x1xi32> to vector<128x128xi32>
      %select_n3A_203 = arith.select %eq3A_200, %broadcast_in_dim3A_202, %select_n3A_181 : vector<128x128xi1>, vector<128x128xi32>
      %eq3A_204 = vector.broadcast %broadcast_in_dim3A_197 : vector<128x1xi32> to vector<128x1024xi32>
      %eq3A_205 = arith.cmpi eq, %concatenate3A_100, %eq3A_204 : vector<128x1024xi32>
      %jit3A_206 = arith.constant 0xFF800000 : f32
      %broadcast_in_dim3A_207 = vector.broadcast %jit3A_206 : f32 to vector<128x1024xf32>
      %select_n3A_208 = arith.select %eq3A_205, %broadcast_in_dim3A_207, %select_n3A_186 : vector<128x1024xi1>, vector<128x1024xf32>
      %reduce_max3A_209 = arith.constant dense<0xFF800000> : vector<128xf32>
      %reduce_max3A_210 = vector.multi_reduction <maximumf>, %select_n3A_208, %reduce_max3A_209 [1] : vector<128x1024xf32> to vector<128xf32>
      %broadcast_in_dim3A_211 = vector.shape_cast %reduce_max3A_210 : vector<128xf32> to vector<128x1xf32>
      %eq3A_212 = vector.broadcast %broadcast_in_dim3A_211 : vector<128x1xf32> to vector<128x1024xf32>
      %eq3A_213 = arith.cmpf oeq, %select_n3A_208, %eq3A_212 : vector<128x1024xf32>
      %jit3A_214 = arith.constant 2147483647 : i32
      %broadcast_in_dim3A_215 = vector.broadcast %jit3A_214 : i32 to vector<128x1024xi32>
      %select_n3A_216 = arith.select %eq3A_213, %concatenate3A_100, %broadcast_in_dim3A_215 : vector<128x1024xi1>, vector<128x1024xi32>
      %reduce_min3A_217 = arith.constant dense<2147483647> : vector<128xi32>
      %reduce_min3A_218 = vector.multi_reduction <minsi>, %select_n3A_216, %reduce_min3A_217 [1] : vector<128x1024xi32> to vector<128xi32>
      %broadcast_in_dim3A_219 = vector.shape_cast %reduce_min3A_218 : vector<128xi32> to vector<128x1xi32>
      %eq3A_220 = arith.constant 5 : i32
      %eq3A_221 = vector.broadcast %eq3A_220 : i32 to vector<128x128xi32>
      %eq3A_222 = arith.cmpi eq, %iota3A_102, %eq3A_221 : vector<128x128xi32>
      %broadcast_in_dim3A_223 = vector.shape_cast %broadcast_in_dim3A_219 : vector<128x1xi32> to vector<128x1xi32>
      %broadcast_in_dim3A_224 = vector.broadcast %broadcast_in_dim3A_223 : vector<128x1xi32> to vector<128x128xi32>
      %select_n3A_225 = arith.select %eq3A_222, %broadcast_in_dim3A_224, %select_n3A_203 : vector<128x128xi1>, vector<128x128xi32>
      %eq3A_226 = vector.broadcast %broadcast_in_dim3A_219 : vector<128x1xi32> to vector<128x1024xi32>
      %eq3A_227 = arith.cmpi eq, %concatenate3A_100, %eq3A_226 : vector<128x1024xi32>
      %jit3A_228 = arith.constant 0xFF800000 : f32
      %broadcast_in_dim3A_229 = vector.broadcast %jit3A_228 : f32 to vector<128x1024xf32>
      %select_n3A_230 = arith.select %eq3A_227, %broadcast_in_dim3A_229, %select_n3A_208 : vector<128x1024xi1>, vector<128x1024xf32>
      %reduce_max3A_231 = arith.constant dense<0xFF800000> : vector<128xf32>
      %reduce_max3A_232 = vector.multi_reduction <maximumf>, %select_n3A_230, %reduce_max3A_231 [1] : vector<128x1024xf32> to vector<128xf32>
      %broadcast_in_dim3A_233 = vector.shape_cast %reduce_max3A_232 : vector<128xf32> to vector<128x1xf32>
      %eq3A_234 = vector.broadcast %broadcast_in_dim3A_233 : vector<128x1xf32> to vector<128x1024xf32>
      %eq3A_235 = arith.cmpf oeq, %select_n3A_230, %eq3A_234 : vector<128x1024xf32>
      %jit3A_236 = arith.constant 2147483647 : i32
      %broadcast_in_dim3A_237 = vector.broadcast %jit3A_236 : i32 to vector<128x1024xi32>
      %select_n3A_238 = arith.select %eq3A_235, %concatenate3A_100, %broadcast_in_dim3A_237 : vector<128x1024xi1>, vector<128x1024xi32>
      %reduce_min3A_239 = arith.constant dense<2147483647> : vector<128xi32>
      %reduce_min3A_240 = vector.multi_reduction <minsi>, %select_n3A_238, %reduce_min3A_239 [1] : vector<128x1024xi32> to vector<128xi32>
      %broadcast_in_dim3A_241 = vector.shape_cast %reduce_min3A_240 : vector<128xi32> to vector<128x1xi32>
      %eq3A_242 = arith.constant 6 : i32
      %eq3A_243 = vector.broadcast %eq3A_242 : i32 to vector<128x128xi32>
      %eq3A_244 = arith.cmpi eq, %iota3A_102, %eq3A_243 : vector<128x128xi32>
      %broadcast_in_dim3A_245 = vector.shape_cast %broadcast_in_dim3A_241 : vector<128x1xi32> to vector<128x1xi32>
      %broadcast_in_dim3A_246 = vector.broadcast %broadcast_in_dim3A_245 : vector<128x1xi32> to vector<128x128xi32>
      %select_n3A_247 = arith.select %eq3A_244, %broadcast_in_dim3A_246, %select_n3A_225 : vector<128x128xi1>, vector<128x128xi32>
      %eq3A_248 = vector.broadcast %broadcast_in_dim3A_241 : vector<128x1xi32> to vector<128x1024xi32>
      %eq3A_249 = arith.cmpi eq, %concatenate3A_100, %eq3A_248 : vector<128x1024xi32>
      %jit3A_250 = arith.constant 0xFF800000 : f32
      %broadcast_in_dim3A_251 = vector.broadcast %jit3A_250 : f32 to vector<128x1024xf32>
      %select_n3A_252 = arith.select %eq3A_249, %broadcast_in_dim3A_251, %select_n3A_230 : vector<128x1024xi1>, vector<128x1024xf32>
      %reduce_max3A_253 = arith.constant dense<0xFF800000> : vector<128xf32>
      %reduce_max3A_254 = vector.multi_reduction <maximumf>, %select_n3A_252, %reduce_max3A_253 [1] : vector<128x1024xf32> to vector<128xf32>
      %broadcast_in_dim3A_255 = vector.shape_cast %reduce_max3A_254 : vector<128xf32> to vector<128x1xf32>
      %eq3A_256 = vector.broadcast %broadcast_in_dim3A_255 : vector<128x1xf32> to vector<128x1024xf32>
      %eq3A_257 = arith.cmpf oeq, %select_n3A_252, %eq3A_256 : vector<128x1024xf32>
      %jit3A_258 = arith.constant 2147483647 : i32
      %broadcast_in_dim3A_259 = vector.broadcast %jit3A_258 : i32 to vector<128x1024xi32>
      %select_n3A_260 = arith.select %eq3A_257, %concatenate3A_100, %broadcast_in_dim3A_259 : vector<128x1024xi1>, vector<128x1024xi32>
      %reduce_min3A_261 = arith.constant dense<2147483647> : vector<128xi32>
      %reduce_min3A_262 = vector.multi_reduction <minsi>, %select_n3A_260, %reduce_min3A_261 [1] : vector<128x1024xi32> to vector<128xi32>
      %broadcast_in_dim3A_263 = vector.shape_cast %reduce_min3A_262 : vector<128xi32> to vector<128x1xi32>
      %eq3A_264 = arith.constant 7 : i32
      %eq3A_265 = vector.broadcast %eq3A_264 : i32 to vector<128x128xi32>
      %eq3A_266 = arith.cmpi eq, %iota3A_102, %eq3A_265 : vector<128x128xi32>
      %broadcast_in_dim3A_267 = vector.shape_cast %broadcast_in_dim3A_263 : vector<128x1xi32> to vector<128x1xi32>
      %broadcast_in_dim3A_268 = vector.broadcast %broadcast_in_dim3A_267 : vector<128x1xi32> to vector<128x128xi32>
      %select_n3A_269 = arith.select %eq3A_266, %broadcast_in_dim3A_268, %select_n3A_247 : vector<128x128xi1>, vector<128x128xi32>
      %swap3A_270 = arith.constant 0 : index
      %swap3A_271 = arith.constant 0 : index
      %swap3A_272 = vector.load %arg3[%swap3A_270, %swap3A_271] : memref<128x128xi32, #tpu.memory_space<vmem>>, vector<128x128xi32>
      tpu.vector_store %arg3[%swap3A_270, %swap3A_271], %select_n3A_269 {strides = array<i32>} : memref<128x128xi32, #tpu.memory_space<vmem>>, vector<128x128xi32>,
    } else {
    }
    return
  }
  func.func @transform_0(%arg0: i32) -> (i32, i32) {
    %c0_i32 = arith.constant 0 : i32
    %c0_i32_0 = arith.constant 0 : i32
    %c0_i32_1 = arith.constant 0 : i32
    return %c0_i32, %c0_i32_0 : i32, i32
  }
  func.func @transform_1(%arg0: i32) -> (i32, i32) {
    %c0_i32 = arith.constant 0 : i32
    %c0_i32_0 = arith.constant 0 : i32
    return %arg0, %c0_i32 : i32, i32
  }
  func.func @transform_2(%arg0: i32) -> (i32, i32) {
    %c0_i32 = arith.constant 0 : i32
    %c0_i32_0 = arith.constant 0 : i32
    %c0_i32_1 = arith.constant 0 : i32
    return %c0_i32, %c0_i32_0 : i32, i32
  }
}

module attributes {stable_mosaic.version = 14 : i64} {
  func.func @_rescan_body(%arg0: i32, %arg1: memref<128x128xf32, #tpu.memory_space<vmem>>, %arg2: memref<2048x128xf32, #tpu.memory_space<vmem>>, %arg3: memref<128x128xi32, #tpu.memory_space<vmem>>, %arg4: memref<128x128xi32, #tpu.memory_space<vmem>>, %arg5: memref<128x128xf32, #tpu.memory_space<vmem>>) attributes {dimension_semantics = [#tpu.dimension_semantics<arbitrary>], iteration_bounds = array<i64: 8>, scalar_prefetch = 0 : i64, scratch_operands = 1 : i64, tpu.core_type = #tpu.core_type<tc>, window_params = [{pipeline_mode = #tpu.pipeline_mode<synchronous>, transform_indices = @transform_0, window_bounds = array<i64: 128, 128>}, {transform_indices = @transform_1, window_bounds = array<i64: 2048, 128>}, {pipeline_mode = #tpu.pipeline_mode<synchronous>, transform_indices = @transform_2, window_bounds = array<i64: 128, 128>}, {pipeline_mode = #tpu.pipeline_mode<synchronous>, transform_indices = @transform_3, window_bounds = array<i64: 128, 128>}]} {
    %iota3A = tpu.iota {dimensions = array<i32: 1>} : vector<128x128xi32>
    %eq3A = arith.constant 0 : i32
    %eq3A_0 = arith.cmpi eq, %arg0, %eq3A : i32
    %convert_element_type3A = arith.extui %eq3A_0 : i1 to i32
    %cond3A = arith.constant 0 : i32
    %cond3A_1 = arith.cmpi ne, %convert_element_type3A, %cond3A : i32
    scf.if %cond3A_1 {
      %broadcast_in_dim3A_265 = arith.constant 0.000000e+00 : f32
      %broadcast_in_dim3A_266 = vector.broadcast %broadcast_in_dim3A_265 : f32 to vector<128x128xf32>
      %swap3A_267 = arith.constant 0 : index
      %swap3A_268 = arith.constant 0 : index
      %swap3A_269 = vector.load %arg5[%swap3A_267, %swap3A_268] : memref<128x128xf32, #tpu.memory_space<vmem>>, vector<128x128xf32>
      tpu.vector_store %arg5[%swap3A_267, %swap3A_268], %broadcast_in_dim3A_266 {strides = array<i32>} : memref<128x128xf32, #tpu.memory_space<vmem>>, vector<128x128xf32>,
    } else {
    }
    %get3A = arith.constant 0 : index
    %get3A_2 = arith.constant 0 : index
    %get3A_3 = vector.load %arg1[%get3A, %get3A_2] : memref<128x128xf32, #tpu.memory_space<vmem>>, vector<128x128xf32>
    %get3A_4 = arith.constant 0 : index
    %get3A_5 = arith.constant 0 : index
    %get3A_6 = vector.load %arg5[%get3A_4, %get3A_5] : memref<128x128xf32, #tpu.memory_space<vmem>>, vector<128x128xf32>
    %get3A_7 = arith.constant 0 : index
    %get3A_8 = arith.constant 0 : index
    %get3A_9 = vector.load %arg2[%get3A_7, %get3A_8] : memref<2048x128xf32, #tpu.memory_space<vmem>>, vector<128x128xf32>
    %mul3A = arith.mulf %get3A_3, %get3A_9 : vector<128x128xf32>
    %reduce_sum3A = arith.constant dense<0.000000e+00> : vector<128xf32>
    %reduce_sum3A_10 = vector.multi_reduction <add>, %mul3A, %reduce_sum3A [1] : vector<128x128xf32> to vector<128xf32>
    %broadcast_in_dim3A = vector.shape_cast %reduce_sum3A_10 : vector<128xf32> to vector<128x1xf32>
    %mul3A_11 = arith.constant 16 : i32
    %mul3A_12 = arith.muli %arg0, %mul3A_11 : i32
    %add3A = arith.constant 0 : i32
    %add3A_13 = arith.addi %mul3A_12, %add3A : i32
    %eq3A_14 = vector.broadcast %add3A_13 : i32 to vector<128x128xi32>
    %eq3A_15 = arith.cmpi eq, %iota3A, %eq3A_14 : vector<128x128xi32>
    %broadcast_in_dim3A_16 = vector.shape_cast %broadcast_in_dim3A : vector<128x1xf32> to vector<128x1xf32>
    %broadcast_in_dim3A_17 = vector.broadcast %broadcast_in_dim3A_16 : vector<128x1xf32> to vector<128x128xf32>
    %select_n3A = arith.select %eq3A_15, %broadcast_in_dim3A_17, %get3A_6 : vector<128x128xi1>, vector<128x128xf32>
    %get3A_18 = arith.constant 128 : index
    %get3A_19 = arith.constant 0 : index
    %get3A_20 = vector.load %arg2[%get3A_18, %get3A_19] : memref<2048x128xf32, #tpu.memory_space<vmem>>, vector<128x128xf32>
    %mul3A_21 = arith.mulf %get3A_3, %get3A_20 : vector<128x128xf32>
    %reduce_sum3A_22 = arith.constant dense<0.000000e+00> : vector<128xf32>
    %reduce_sum3A_23 = vector.multi_reduction <add>, %mul3A_21, %reduce_sum3A_22 [1] : vector<128x128xf32> to vector<128xf32>
    %broadcast_in_dim3A_24 = vector.shape_cast %reduce_sum3A_23 : vector<128xf32> to vector<128x1xf32>
    %mul3A_25 = arith.constant 16 : i32
    %mul3A_26 = arith.muli %arg0, %mul3A_25 : i32
    %add3A_27 = arith.constant 1 : i32
    %add3A_28 = arith.addi %mul3A_26, %add3A_27 : i32
    %eq3A_29 = vector.broadcast %add3A_28 : i32 to vector<128x128xi32>
    %eq3A_30 = arith.cmpi eq, %iota3A, %eq3A_29 : vector<128x128xi32>
    %broadcast_in_dim3A_31 = vector.shape_cast %broadcast_in_dim3A_24 : vector<128x1xf32> to vector<128x1xf32>
    %broadcast_in_dim3A_32 = vector.broadcast %broadcast_in_dim3A_31 : vector<128x1xf32> to vector<128x128xf32>
    %select_n3A_33 = arith.select %eq3A_30, %broadcast_in_dim3A_32, %select_n3A : vector<128x128xi1>, vector<128x128xf32>
    %get3A_34 = arith.constant 256 : index
    %get3A_35 = arith.constant 0 : index
    %get3A_36 = vector.load %arg2[%get3A_34, %get3A_35] : memref<2048x128xf32, #tpu.memory_space<vmem>>, vector<128x128xf32>
    %mul3A_37 = arith.mulf %get3A_3, %get3A_36 : vector<128x128xf32>
    %reduce_sum3A_38 = arith.constant dense<0.000000e+00> : vector<128xf32>
    %reduce_sum3A_39 = vector.multi_reduction <add>, %mul3A_37, %reduce_sum3A_38 [1] : vector<128x128xf32> to vector<128xf32>
    %broadcast_in_dim3A_40 = vector.shape_cast %reduce_sum3A_39 : vector<128xf32> to vector<128x1xf32>
    %mul3A_41 = arith.constant 16 : i32
    %mul3A_42 = arith.muli %arg0, %mul3A_41 : i32
    %add3A_43 = arith.constant 2 : i32
    %add3A_44 = arith.addi %mul3A_42, %add3A_43 : i32
    %eq3A_45 = vector.broadcast %add3A_44 : i32 to vector<128x128xi32>
    %eq3A_46 = arith.cmpi eq, %iota3A, %eq3A_45 : vector<128x128xi32>
    %broadcast_in_dim3A_47 = vector.shape_cast %broadcast_in_dim3A_40 : vector<128x1xf32> to vector<128x1xf32>
    %broadcast_in_dim3A_48 = vector.broadcast %broadcast_in_dim3A_47 : vector<128x1xf32> to vector<128x128xf32>
    %select_n3A_49 = arith.select %eq3A_46, %broadcast_in_dim3A_48, %select_n3A_33 : vector<128x128xi1>, vector<128x128xf32>
    %get3A_50 = arith.constant 384 : index
    %get3A_51 = arith.constant 0 : index
    %get3A_52 = vector.load %arg2[%get3A_50, %get3A_51] : memref<2048x128xf32, #tpu.memory_space<vmem>>, vector<128x128xf32>
    %mul3A_53 = arith.mulf %get3A_3, %get3A_52 : vector<128x128xf32>
    %reduce_sum3A_54 = arith.constant dense<0.000000e+00> : vector<128xf32>
    %reduce_sum3A_55 = vector.multi_reduction <add>, %mul3A_53, %reduce_sum3A_54 [1] : vector<128x128xf32> to vector<128xf32>
    %broadcast_in_dim3A_56 = vector.shape_cast %reduce_sum3A_55 : vector<128xf32> to vector<128x1xf32>
    %mul3A_57 = arith.constant 16 : i32
    %mul3A_58 = arith.muli %arg0, %mul3A_57 : i32
    %add3A_59 = arith.constant 3 : i32
    %add3A_60 = arith.addi %mul3A_58, %add3A_59 : i32
    %eq3A_61 = vector.broadcast %add3A_60 : i32 to vector<128x128xi32>
    %eq3A_62 = arith.cmpi eq, %iota3A, %eq3A_61 : vector<128x128xi32>
    %broadcast_in_dim3A_63 = vector.shape_cast %broadcast_in_dim3A_56 : vector<128x1xf32> to vector<128x1xf32>
    %broadcast_in_dim3A_64 = vector.broadcast %broadcast_in_dim3A_63 : vector<128x1xf32> to vector<128x128xf32>
    %select_n3A_65 = arith.select %eq3A_62, %broadcast_in_dim3A_64, %select_n3A_49 : vector<128x128xi1>, vector<128x128xf32>
    %get3A_66 = arith.constant 512 : index
    %get3A_67 = arith.constant 0 : index
    %get3A_68 = vector.load %arg2[%get3A_66, %get3A_67] : memref<2048x128xf32, #tpu.memory_space<vmem>>, vector<128x128xf32>
    %mul3A_69 = arith.mulf %get3A_3, %get3A_68 : vector<128x128xf32>
    %reduce_sum3A_70 = arith.constant dense<0.000000e+00> : vector<128xf32>
    %reduce_sum3A_71 = vector.multi_reduction <add>, %mul3A_69, %reduce_sum3A_70 [1] : vector<128x128xf32> to vector<128xf32>
    %broadcast_in_dim3A_72 = vector.shape_cast %reduce_sum3A_71 : vector<128xf32> to vector<128x1xf32>
    %mul3A_73 = arith.constant 16 : i32
    %mul3A_74 = arith.muli %arg0, %mul3A_73 : i32
    %add3A_75 = arith.constant 4 : i32
    %add3A_76 = arith.addi %mul3A_74, %add3A_75 : i32
    %eq3A_77 = vector.broadcast %add3A_76 : i32 to vector<128x128xi32>
    %eq3A_78 = arith.cmpi eq, %iota3A, %eq3A_77 : vector<128x128xi32>
    %broadcast_in_dim3A_79 = vector.shape_cast %broadcast_in_dim3A_72 : vector<128x1xf32> to vector<128x1xf32>
    %broadcast_in_dim3A_80 = vector.broadcast %broadcast_in_dim3A_79 : vector<128x1xf32> to vector<128x128xf32>
    %select_n3A_81 = arith.select %eq3A_78, %broadcast_in_dim3A_80, %select_n3A_65 : vector<128x128xi1>, vector<128x128xf32>
    %get3A_82 = arith.constant 640 : index
    %get3A_83 = arith.constant 0 : index
    %get3A_84 = vector.load %arg2[%get3A_82, %get3A_83] : memref<2048x128xf32, #tpu.memory_space<vmem>>, vector<128x128xf32>
    %mul3A_85 = arith.mulf %get3A_3, %get3A_84 : vector<128x128xf32>
    %reduce_sum3A_86 = arith.constant dense<0.000000e+00> : vector<128xf32>
    %reduce_sum3A_87 = vector.multi_reduction <add>, %mul3A_85, %reduce_sum3A_86 [1] : vector<128x128xf32> to vector<128xf32>
    %broadcast_in_dim3A_88 = vector.shape_cast %reduce_sum3A_87 : vector<128xf32> to vector<128x1xf32>
    %mul3A_89 = arith.constant 16 : i32
    %mul3A_90 = arith.muli %arg0, %mul3A_89 : i32
    %add3A_91 = arith.constant 5 : i32
    %add3A_92 = arith.addi %mul3A_90, %add3A_91 : i32
    %eq3A_93 = vector.broadcast %add3A_92 : i32 to vector<128x128xi32>
    %eq3A_94 = arith.cmpi eq, %iota3A, %eq3A_93 : vector<128x128xi32>
    %broadcast_in_dim3A_95 = vector.shape_cast %broadcast_in_dim3A_88 : vector<128x1xf32> to vector<128x1xf32>
    %broadcast_in_dim3A_96 = vector.broadcast %broadcast_in_dim3A_95 : vector<128x1xf32> to vector<128x128xf32>
    %select_n3A_97 = arith.select %eq3A_94, %broadcast_in_dim3A_96, %select_n3A_81 : vector<128x128xi1>, vector<128x128xf32>
    %get3A_98 = arith.constant 768 : index
    %get3A_99 = arith.constant 0 : index
    %get3A_100 = vector.load %arg2[%get3A_98, %get3A_99] : memref<2048x128xf32, #tpu.memory_space<vmem>>, vector<128x128xf32>
    %mul3A_101 = arith.mulf %get3A_3, %get3A_100 : vector<128x128xf32>
    %reduce_sum3A_102 = arith.constant dense<0.000000e+00> : vector<128xf32>
    %reduce_sum3A_103 = vector.multi_reduction <add>, %mul3A_101, %reduce_sum3A_102 [1] : vector<128x128xf32> to vector<128xf32>
    %broadcast_in_dim3A_104 = vector.shape_cast %reduce_sum3A_103 : vector<128xf32> to vector<128x1xf32>
    %mul3A_105 = arith.constant 16 : i32
    %mul3A_106 = arith.muli %arg0, %mul3A_105 : i32
    %add3A_107 = arith.constant 6 : i32
    %add3A_108 = arith.addi %mul3A_106, %add3A_107 : i32
    %eq3A_109 = vector.broadcast %add3A_108 : i32 to vector<128x128xi32>
    %eq3A_110 = arith.cmpi eq, %iota3A, %eq3A_109 : vector<128x128xi32>
    %broadcast_in_dim3A_111 = vector.shape_cast %broadcast_in_dim3A_104 : vector<128x1xf32> to vector<128x1xf32>
    %broadcast_in_dim3A_112 = vector.broadcast %broadcast_in_dim3A_111 : vector<128x1xf32> to vector<128x128xf32>
    %select_n3A_113 = arith.select %eq3A_110, %broadcast_in_dim3A_112, %select_n3A_97 : vector<128x128xi1>, vector<128x128xf32>
    %get3A_114 = arith.constant 896 : index
    %get3A_115 = arith.constant 0 : index
    %get3A_116 = vector.load %arg2[%get3A_114, %get3A_115] : memref<2048x128xf32, #tpu.memory_space<vmem>>, vector<128x128xf32>
    %mul3A_117 = arith.mulf %get3A_3, %get3A_116 : vector<128x128xf32>
    %reduce_sum3A_118 = arith.constant dense<0.000000e+00> : vector<128xf32>
    %reduce_sum3A_119 = vector.multi_reduction <add>, %mul3A_117, %reduce_sum3A_118 [1] : vector<128x128xf32> to vector<128xf32>
    %broadcast_in_dim3A_120 = vector.shape_cast %reduce_sum3A_119 : vector<128xf32> to vector<128x1xf32>
    %mul3A_121 = arith.constant 16 : i32
    %mul3A_122 = arith.muli %arg0, %mul3A_121 : i32
    %add3A_123 = arith.constant 7 : i32
    %add3A_124 = arith.addi %mul3A_122, %add3A_123 : i32
    %eq3A_125 = vector.broadcast %add3A_124 : i32 to vector<128x128xi32>
    %eq3A_126 = arith.cmpi eq, %iota3A, %eq3A_125 : vector<128x128xi32>
    %broadcast_in_dim3A_127 = vector.shape_cast %broadcast_in_dim3A_120 : vector<128x1xf32> to vector<128x1xf32>
    %broadcast_in_dim3A_128 = vector.broadcast %broadcast_in_dim3A_127 : vector<128x1xf32> to vector<128x128xf32>
    %select_n3A_129 = arith.select %eq3A_126, %broadcast_in_dim3A_128, %select_n3A_113 : vector<128x128xi1>, vector<128x128xf32>
    %get3A_130 = arith.constant 1024 : index
    %get3A_131 = arith.constant 0 : index
    %get3A_132 = vector.load %arg2[%get3A_130, %get3A_131] : memref<2048x128xf32, #tpu.memory_space<vmem>>, vector<128x128xf32>
    %mul3A_133 = arith.mulf %get3A_3, %get3A_132 : vector<128x128xf32>
    %reduce_sum3A_134 = arith.constant dense<0.000000e+00> : vector<128xf32>
    %reduce_sum3A_135 = vector.multi_reduction <add>, %mul3A_133, %reduce_sum3A_134 [1] : vector<128x128xf32> to vector<128xf32>
    %broadcast_in_dim3A_136 = vector.shape_cast %reduce_sum3A_135 : vector<128xf32> to vector<128x1xf32>
    %mul3A_137 = arith.constant 16 : i32
    %mul3A_138 = arith.muli %arg0, %mul3A_137 : i32
    %add3A_139 = arith.constant 8 : i32
    %add3A_140 = arith.addi %mul3A_138, %add3A_139 : i32
    %eq3A_141 = vector.broadcast %add3A_140 : i32 to vector<128x128xi32>
    %eq3A_142 = arith.cmpi eq, %iota3A, %eq3A_141 : vector<128x128xi32>
    %broadcast_in_dim3A_143 = vector.shape_cast %broadcast_in_dim3A_136 : vector<128x1xf32> to vector<128x1xf32>
    %broadcast_in_dim3A_144 = vector.broadcast %broadcast_in_dim3A_143 : vector<128x1xf32> to vector<128x128xf32>
    %select_n3A_145 = arith.select %eq3A_142, %broadcast_in_dim3A_144, %select_n3A_129 : vector<128x128xi1>, vector<128x128xf32>
    %get3A_146 = arith.constant 1152 : index
    %get3A_147 = arith.constant 0 : index
    %get3A_148 = vector.load %arg2[%get3A_146, %get3A_147] : memref<2048x128xf32, #tpu.memory_space<vmem>>, vector<128x128xf32>
    %mul3A_149 = arith.mulf %get3A_3, %get3A_148 : vector<128x128xf32>
    %reduce_sum3A_150 = arith.constant dense<0.000000e+00> : vector<128xf32>
    %reduce_sum3A_151 = vector.multi_reduction <add>, %mul3A_149, %reduce_sum3A_150 [1] : vector<128x128xf32> to vector<128xf32>
    %broadcast_in_dim3A_152 = vector.shape_cast %reduce_sum3A_151 : vector<128xf32> to vector<128x1xf32>
    %mul3A_153 = arith.constant 16 : i32
    %mul3A_154 = arith.muli %arg0, %mul3A_153 : i32
    %add3A_155 = arith.constant 9 : i32
    %add3A_156 = arith.addi %mul3A_154, %add3A_155 : i32
    %eq3A_157 = vector.broadcast %add3A_156 : i32 to vector<128x128xi32>
    %eq3A_158 = arith.cmpi eq, %iota3A, %eq3A_157 : vector<128x128xi32>
    %broadcast_in_dim3A_159 = vector.shape_cast %broadcast_in_dim3A_152 : vector<128x1xf32> to vector<128x1xf32>
    %broadcast_in_dim3A_160 = vector.broadcast %broadcast_in_dim3A_159 : vector<128x1xf32> to vector<128x128xf32>
    %select_n3A_161 = arith.select %eq3A_158, %broadcast_in_dim3A_160, %select_n3A_145 : vector<128x128xi1>, vector<128x128xf32>
    %get3A_162 = arith.constant 1280 : index
    %get3A_163 = arith.constant 0 : index
    %get3A_164 = vector.load %arg2[%get3A_162, %get3A_163] : memref<2048x128xf32, #tpu.memory_space<vmem>>, vector<128x128xf32>
    %mul3A_165 = arith.mulf %get3A_3, %get3A_164 : vector<128x128xf32>
    %reduce_sum3A_166 = arith.constant dense<0.000000e+00> : vector<128xf32>
    %reduce_sum3A_167 = vector.multi_reduction <add>, %mul3A_165, %reduce_sum3A_166 [1] : vector<128x128xf32> to vector<128xf32>
    %broadcast_in_dim3A_168 = vector.shape_cast %reduce_sum3A_167 : vector<128xf32> to vector<128x1xf32>
    %mul3A_169 = arith.constant 16 : i32
    %mul3A_170 = arith.muli %arg0, %mul3A_169 : i32
    %add3A_171 = arith.constant 10 : i32
    %add3A_172 = arith.addi %mul3A_170, %add3A_171 : i32
    %eq3A_173 = vector.broadcast %add3A_172 : i32 to vector<128x128xi32>
    %eq3A_174 = arith.cmpi eq, %iota3A, %eq3A_173 : vector<128x128xi32>
    %broadcast_in_dim3A_175 = vector.shape_cast %broadcast_in_dim3A_168 : vector<128x1xf32> to vector<128x1xf32>
    %broadcast_in_dim3A_176 = vector.broadcast %broadcast_in_dim3A_175 : vector<128x1xf32> to vector<128x128xf32>
    %select_n3A_177 = arith.select %eq3A_174, %broadcast_in_dim3A_176, %select_n3A_161 : vector<128x128xi1>, vector<128x128xf32>
    %get3A_178 = arith.constant 1408 : index
    %get3A_179 = arith.constant 0 : index
    %get3A_180 = vector.load %arg2[%get3A_178, %get3A_179] : memref<2048x128xf32, #tpu.memory_space<vmem>>, vector<128x128xf32>
    %mul3A_181 = arith.mulf %get3A_3, %get3A_180 : vector<128x128xf32>
    %reduce_sum3A_182 = arith.constant dense<0.000000e+00> : vector<128xf32>
    %reduce_sum3A_183 = vector.multi_reduction <add>, %mul3A_181, %reduce_sum3A_182 [1] : vector<128x128xf32> to vector<128xf32>
    %broadcast_in_dim3A_184 = vector.shape_cast %reduce_sum3A_183 : vector<128xf32> to vector<128x1xf32>
    %mul3A_185 = arith.constant 16 : i32
    %mul3A_186 = arith.muli %arg0, %mul3A_185 : i32
    %add3A_187 = arith.constant 11 : i32
    %add3A_188 = arith.addi %mul3A_186, %add3A_187 : i32
    %eq3A_189 = vector.broadcast %add3A_188 : i32 to vector<128x128xi32>
    %eq3A_190 = arith.cmpi eq, %iota3A, %eq3A_189 : vector<128x128xi32>
    %broadcast_in_dim3A_191 = vector.shape_cast %broadcast_in_dim3A_184 : vector<128x1xf32> to vector<128x1xf32>
    %broadcast_in_dim3A_192 = vector.broadcast %broadcast_in_dim3A_191 : vector<128x1xf32> to vector<128x128xf32>
    %select_n3A_193 = arith.select %eq3A_190, %broadcast_in_dim3A_192, %select_n3A_177 : vector<128x128xi1>, vector<128x128xf32>
    %get3A_194 = arith.constant 1536 : index
    %get3A_195 = arith.constant 0 : index
    %get3A_196 = vector.load %arg2[%get3A_194, %get3A_195] : memref<2048x128xf32, #tpu.memory_space<vmem>>, vector<128x128xf32>
    %mul3A_197 = arith.mulf %get3A_3, %get3A_196 : vector<128x128xf32>
    %reduce_sum3A_198 = arith.constant dense<0.000000e+00> : vector<128xf32>
    %reduce_sum3A_199 = vector.multi_reduction <add>, %mul3A_197, %reduce_sum3A_198 [1] : vector<128x128xf32> to vector<128xf32>
    %broadcast_in_dim3A_200 = vector.shape_cast %reduce_sum3A_199 : vector<128xf32> to vector<128x1xf32>
    %mul3A_201 = arith.constant 16 : i32
    %mul3A_202 = arith.muli %arg0, %mul3A_201 : i32
    %add3A_203 = arith.constant 12 : i32
    %add3A_204 = arith.addi %mul3A_202, %add3A_203 : i32
    %eq3A_205 = vector.broadcast %add3A_204 : i32 to vector<128x128xi32>
    %eq3A_206 = arith.cmpi eq, %iota3A, %eq3A_205 : vector<128x128xi32>
    %broadcast_in_dim3A_207 = vector.shape_cast %broadcast_in_dim3A_200 : vector<128x1xf32> to vector<128x1xf32>
    %broadcast_in_dim3A_208 = vector.broadcast %broadcast_in_dim3A_207 : vector<128x1xf32> to vector<128x128xf32>
    %select_n3A_209 = arith.select %eq3A_206, %broadcast_in_dim3A_208, %select_n3A_193 : vector<128x128xi1>, vector<128x128xf32>
    %get3A_210 = arith.constant 1664 : index
    %get3A_211 = arith.constant 0 : index
    %get3A_212 = vector.load %arg2[%get3A_210, %get3A_211] : memref<2048x128xf32, #tpu.memory_space<vmem>>, vector<128x128xf32>
    %mul3A_213 = arith.mulf %get3A_3, %get3A_212 : vector<128x128xf32>
    %reduce_sum3A_214 = arith.constant dense<0.000000e+00> : vector<128xf32>
    %reduce_sum3A_215 = vector.multi_reduction <add>, %mul3A_213, %reduce_sum3A_214 [1] : vector<128x128xf32> to vector<128xf32>
    %broadcast_in_dim3A_216 = vector.shape_cast %reduce_sum3A_215 : vector<128xf32> to vector<128x1xf32>
    %mul3A_217 = arith.constant 16 : i32
    %mul3A_218 = arith.muli %arg0, %mul3A_217 : i32
    %add3A_219 = arith.constant 13 : i32
    %add3A_220 = arith.addi %mul3A_218, %add3A_219 : i32
    %eq3A_221 = vector.broadcast %add3A_220 : i32 to vector<128x128xi32>
    %eq3A_222 = arith.cmpi eq, %iota3A, %eq3A_221 : vector<128x128xi32>
    %broadcast_in_dim3A_223 = vector.shape_cast %broadcast_in_dim3A_216 : vector<128x1xf32> to vector<128x1xf32>
    %broadcast_in_dim3A_224 = vector.broadcast %broadcast_in_dim3A_223 : vector<128x1xf32> to vector<128x128xf32>
    %select_n3A_225 = arith.select %eq3A_222, %broadcast_in_dim3A_224, %select_n3A_209 : vector<128x128xi1>, vector<128x128xf32>
    %get3A_226 = arith.constant 1792 : index
    %get3A_227 = arith.constant 0 : index
    %get3A_228 = vector.load %arg2[%get3A_226, %get3A_227] : memref<2048x128xf32, #tpu.memory_space<vmem>>, vector<128x128xf32>
    %mul3A_229 = arith.mulf %get3A_3, %get3A_228 : vector<128x128xf32>
    %reduce_sum3A_230 = arith.constant dense<0.000000e+00> : vector<128xf32>
    %reduce_sum3A_231 = vector.multi_reduction <add>, %mul3A_229, %reduce_sum3A_230 [1] : vector<128x128xf32> to vector<128xf32>
    %broadcast_in_dim3A_232 = vector.shape_cast %reduce_sum3A_231 : vector<128xf32> to vector<128x1xf32>
    %mul3A_233 = arith.constant 16 : i32
    %mul3A_234 = arith.muli %arg0, %mul3A_233 : i32
    %add3A_235 = arith.constant 14 : i32
    %add3A_236 = arith.addi %mul3A_234, %add3A_235 : i32
    %eq3A_237 = vector.broadcast %add3A_236 : i32 to vector<128x128xi32>
    %eq3A_238 = arith.cmpi eq, %iota3A, %eq3A_237 : vector<128x128xi32>
    %broadcast_in_dim3A_239 = vector.shape_cast %broadcast_in_dim3A_232 : vector<128x1xf32> to vector<128x1xf32>
    %broadcast_in_dim3A_240 = vector.broadcast %broadcast_in_dim3A_239 : vector<128x1xf32> to vector<128x128xf32>
    %select_n3A_241 = arith.select %eq3A_238, %broadcast_in_dim3A_240, %select_n3A_225 : vector<128x128xi1>, vector<128x128xf32>
    %get3A_242 = arith.constant 1920 : index
    %get3A_243 = arith.constant 0 : index
    %get3A_244 = vector.load %arg2[%get3A_242, %get3A_243] : memref<2048x128xf32, #tpu.memory_space<vmem>>, vector<128x128xf32>
    %mul3A_245 = arith.mulf %get3A_3, %get3A_244 : vector<128x128xf32>
    %reduce_sum3A_246 = arith.constant dense<0.000000e+00> : vector<128xf32>
    %reduce_sum3A_247 = vector.multi_reduction <add>, %mul3A_245, %reduce_sum3A_246 [1] : vector<128x128xf32> to vector<128xf32>
    %broadcast_in_dim3A_248 = vector.shape_cast %reduce_sum3A_247 : vector<128xf32> to vector<128x1xf32>
    %mul3A_249 = arith.constant 16 : i32
    %mul3A_250 = arith.muli %arg0, %mul3A_249 : i32
    %add3A_251 = arith.constant 15 : i32
    %add3A_252 = arith.addi %mul3A_250, %add3A_251 : i32
    %eq3A_253 = vector.broadcast %add3A_252 : i32 to vector<128x128xi32>
    %eq3A_254 = arith.cmpi eq, %iota3A, %eq3A_253 : vector<128x128xi32>
    %broadcast_in_dim3A_255 = vector.shape_cast %broadcast_in_dim3A_248 : vector<128x1xf32> to vector<128x1xf32>
    %broadcast_in_dim3A_256 = vector.broadcast %broadcast_in_dim3A_255 : vector<128x1xf32> to vector<128x128xf32>
    %select_n3A_257 = arith.select %eq3A_254, %broadcast_in_dim3A_256, %select_n3A_241 : vector<128x128xi1>, vector<128x128xf32>
    %swap3A = arith.constant 0 : index
    %swap3A_258 = arith.constant 0 : index
    %swap3A_259 = vector.load %arg5[%swap3A, %swap3A_258] : memref<128x128xf32, #tpu.memory_space<vmem>>, vector<128x128xf32>
    tpu.vector_store %arg5[%swap3A, %swap3A_258], %select_n3A_257 {strides = array<i32>} : memref<128x128xf32, #tpu.memory_space<vmem>>, vector<128x128xf32>,
    %eq3A_260 = arith.constant 7 : i32
    %eq3A_261 = arith.cmpi eq, %arg0, %eq3A_260 : i32
    %convert_element_type3A_262 = arith.extui %eq3A_261 : i1 to i32
    %cond3A_263 = arith.constant 0 : i32
    %cond3A_264 = arith.cmpi ne, %convert_element_type3A_262, %cond3A_263 : i32
    scf.if %cond3A_264 {
      %get3A_265 = arith.constant 0 : index
      %get3A_266 = arith.constant 0 : index
      %get3A_267 = vector.load %arg3[%get3A_265, %get3A_266] : memref<128x128xi32, #tpu.memory_space<vmem>>, vector<128x128xi32>
      %lt3A = arith.constant 100000 : i32
      %lt3A_268 = vector.broadcast %lt3A : i32 to vector<128x128xi32>
      %lt3A_269 = arith.cmpi slt, %get3A_267, %lt3A_268 : vector<128x128xi32>
      %get3A_270 = arith.constant 0 : index
      %get3A_271 = arith.constant 0 : index
      %get3A_272 = vector.load %arg5[%get3A_270, %get3A_271] : memref<128x128xf32, #tpu.memory_space<vmem>>, vector<128x128xf32>
      %jit3A = arith.constant 0xFF800000 : f32
      %broadcast_in_dim3A_273 = vector.broadcast %jit3A : f32 to vector<128x128xf32>
      %select_n3A_274 = arith.select %lt3A_269, %get3A_272, %broadcast_in_dim3A_273 : vector<128x128xi1>, vector<128x128xf32>
      %broadcast_in_dim3A_275 = arith.constant 0 : i32
      %broadcast_in_dim3A_276 = vector.broadcast %broadcast_in_dim3A_275 : i32 to vector<128x128xi32>
      %reduce_max3A = arith.constant dense<0xFF800000> : vector<128xf32>
      %reduce_max3A_277 = vector.multi_reduction <maximumf>, %select_n3A_274, %reduce_max3A [1] : vector<128x128xf32> to vector<128xf32>
      %broadcast_in_dim3A_278 = vector.shape_cast %reduce_max3A_277 : vector<128xf32> to vector<128x1xf32>
      %eq3A_279 = vector.broadcast %broadcast_in_dim3A_278 : vector<128x1xf32> to vector<128x128xf32>
      %eq3A_280 = arith.cmpf oeq, %select_n3A_274, %eq3A_279 : vector<128x128xf32>
      %jit3A_281 = arith.constant 2147483647 : i32
      %broadcast_in_dim3A_282 = vector.broadcast %jit3A_281 : i32 to vector<128x128xi32>
      %select_n3A_283 = arith.select %eq3A_280, %get3A_267, %broadcast_in_dim3A_282 : vector<128x128xi1>, vector<128x128xi32>
      %reduce_min3A = arith.constant dense<2147483647> : vector<128xi32>
      %reduce_min3A_284 = vector.multi_reduction <minsi>, %select_n3A_283, %reduce_min3A [1] : vector<128x128xi32> to vector<128xi32>
      %broadcast_in_dim3A_285 = vector.shape_cast %reduce_min3A_284 : vector<128xi32> to vector<128x1xi32>
      %eq3A_286 = arith.constant 0 : i32
      %eq3A_287 = vector.broadcast %eq3A_286 : i32 to vector<128x128xi32>
      %eq3A_288 = arith.cmpi eq, %iota3A, %eq3A_287 : vector<128x128xi32>
      %broadcast_in_dim3A_289 = vector.shape_cast %broadcast_in_dim3A_285 : vector<128x1xi32> to vector<128x1xi32>
      %broadcast_in_dim3A_290 = vector.broadcast %broadcast_in_dim3A_289 : vector<128x1xi32> to vector<128x128xi32>
      %select_n3A_291 = arith.select %eq3A_288, %broadcast_in_dim3A_290, %broadcast_in_dim3A_276 : vector<128x128xi1>, vector<128x128xi32>
      %eq3A_292 = vector.broadcast %broadcast_in_dim3A_285 : vector<128x1xi32> to vector<128x128xi32>
      %eq3A_293 = arith.cmpi eq, %get3A_267, %eq3A_292 : vector<128x128xi32>
      %jit3A_294 = arith.constant 0xFF800000 : f32
      %broadcast_in_dim3A_295 = vector.broadcast %jit3A_294 : f32 to vector<128x128xf32>
      %select_n3A_296 = arith.select %eq3A_293, %broadcast_in_dim3A_295, %select_n3A_274 : vector<128x128xi1>, vector<128x128xf32>
      %reduce_max3A_297 = arith.constant dense<0xFF800000> : vector<128xf32>
      %reduce_max3A_298 = vector.multi_reduction <maximumf>, %select_n3A_296, %reduce_max3A_297 [1] : vector<128x128xf32> to vector<128xf32>
      %broadcast_in_dim3A_299 = vector.shape_cast %reduce_max3A_298 : vector<128xf32> to vector<128x1xf32>
      %eq3A_300 = vector.broadcast %broadcast_in_dim3A_299 : vector<128x1xf32> to vector<128x128xf32>
      %eq3A_301 = arith.cmpf oeq, %select_n3A_296, %eq3A_300 : vector<128x128xf32>
      %jit3A_302 = arith.constant 2147483647 : i32
      %broadcast_in_dim3A_303 = vector.broadcast %jit3A_302 : i32 to vector<128x128xi32>
      %select_n3A_304 = arith.select %eq3A_301, %get3A_267, %broadcast_in_dim3A_303 : vector<128x128xi1>, vector<128x128xi32>
      %reduce_min3A_305 = arith.constant dense<2147483647> : vector<128xi32>
      %reduce_min3A_306 = vector.multi_reduction <minsi>, %select_n3A_304, %reduce_min3A_305 [1] : vector<128x128xi32> to vector<128xi32>
      %broadcast_in_dim3A_307 = vector.shape_cast %reduce_min3A_306 : vector<128xi32> to vector<128x1xi32>
      %eq3A_308 = arith.constant 1 : i32
      %eq3A_309 = vector.broadcast %eq3A_308 : i32 to vector<128x128xi32>
      %eq3A_310 = arith.cmpi eq, %iota3A, %eq3A_309 : vector<128x128xi32>
      %broadcast_in_dim3A_311 = vector.shape_cast %broadcast_in_dim3A_307 : vector<128x1xi32> to vector<128x1xi32>
      %broadcast_in_dim3A_312 = vector.broadcast %broadcast_in_dim3A_311 : vector<128x1xi32> to vector<128x128xi32>
      %select_n3A_313 = arith.select %eq3A_310, %broadcast_in_dim3A_312, %select_n3A_291 : vector<128x128xi1>, vector<128x128xi32>
      %eq3A_314 = vector.broadcast %broadcast_in_dim3A_307 : vector<128x1xi32> to vector<128x128xi32>
      %eq3A_315 = arith.cmpi eq, %get3A_267, %eq3A_314 : vector<128x128xi32>
      %jit3A_316 = arith.constant 0xFF800000 : f32
      %broadcast_in_dim3A_317 = vector.broadcast %jit3A_316 : f32 to vector<128x128xf32>
      %select_n3A_318 = arith.select %eq3A_315, %broadcast_in_dim3A_317, %select_n3A_296 : vector<128x128xi1>, vector<128x128xf32>
      %reduce_max3A_319 = arith.constant dense<0xFF800000> : vector<128xf32>
      %reduce_max3A_320 = vector.multi_reduction <maximumf>, %select_n3A_318, %reduce_max3A_319 [1] : vector<128x128xf32> to vector<128xf32>
      %broadcast_in_dim3A_321 = vector.shape_cast %reduce_max3A_320 : vector<128xf32> to vector<128x1xf32>
      %eq3A_322 = vector.broadcast %broadcast_in_dim3A_321 : vector<128x1xf32> to vector<128x128xf32>
      %eq3A_323 = arith.cmpf oeq, %select_n3A_318, %eq3A_322 : vector<128x128xf32>
      %jit3A_324 = arith.constant 2147483647 : i32
      %broadcast_in_dim3A_325 = vector.broadcast %jit3A_324 : i32 to vector<128x128xi32>
      %select_n3A_326 = arith.select %eq3A_323, %get3A_267, %broadcast_in_dim3A_325 : vector<128x128xi1>, vector<128x128xi32>
      %reduce_min3A_327 = arith.constant dense<2147483647> : vector<128xi32>
      %reduce_min3A_328 = vector.multi_reduction <minsi>, %select_n3A_326, %reduce_min3A_327 [1] : vector<128x128xi32> to vector<128xi32>
      %broadcast_in_dim3A_329 = vector.shape_cast %reduce_min3A_328 : vector<128xi32> to vector<128x1xi32>
      %eq3A_330 = arith.constant 2 : i32
      %eq3A_331 = vector.broadcast %eq3A_330 : i32 to vector<128x128xi32>
      %eq3A_332 = arith.cmpi eq, %iota3A, %eq3A_331 : vector<128x128xi32>
      %broadcast_in_dim3A_333 = vector.shape_cast %broadcast_in_dim3A_329 : vector<128x1xi32> to vector<128x1xi32>
      %broadcast_in_dim3A_334 = vector.broadcast %broadcast_in_dim3A_333 : vector<128x1xi32> to vector<128x128xi32>
      %select_n3A_335 = arith.select %eq3A_332, %broadcast_in_dim3A_334, %select_n3A_313 : vector<128x128xi1>, vector<128x128xi32>
      %eq3A_336 = vector.broadcast %broadcast_in_dim3A_329 : vector<128x1xi32> to vector<128x128xi32>
      %eq3A_337 = arith.cmpi eq, %get3A_267, %eq3A_336 : vector<128x128xi32>
      %jit3A_338 = arith.constant 0xFF800000 : f32
      %broadcast_in_dim3A_339 = vector.broadcast %jit3A_338 : f32 to vector<128x128xf32>
      %select_n3A_340 = arith.select %eq3A_337, %broadcast_in_dim3A_339, %select_n3A_318 : vector<128x128xi1>, vector<128x128xf32>
      %reduce_max3A_341 = arith.constant dense<0xFF800000> : vector<128xf32>
      %reduce_max3A_342 = vector.multi_reduction <maximumf>, %select_n3A_340, %reduce_max3A_341 [1] : vector<128x128xf32> to vector<128xf32>
      %broadcast_in_dim3A_343 = vector.shape_cast %reduce_max3A_342 : vector<128xf32> to vector<128x1xf32>
      %eq3A_344 = vector.broadcast %broadcast_in_dim3A_343 : vector<128x1xf32> to vector<128x128xf32>
      %eq3A_345 = arith.cmpf oeq, %select_n3A_340, %eq3A_344 : vector<128x128xf32>
      %jit3A_346 = arith.constant 2147483647 : i32
      %broadcast_in_dim3A_347 = vector.broadcast %jit3A_346 : i32 to vector<128x128xi32>
      %select_n3A_348 = arith.select %eq3A_345, %get3A_267, %broadcast_in_dim3A_347 : vector<128x128xi1>, vector<128x128xi32>
      %reduce_min3A_349 = arith.constant dense<2147483647> : vector<128xi32>
      %reduce_min3A_350 = vector.multi_reduction <minsi>, %select_n3A_348, %reduce_min3A_349 [1] : vector<128x128xi32> to vector<128xi32>
      %broadcast_in_dim3A_351 = vector.shape_cast %reduce_min3A_350 : vector<128xi32> to vector<128x1xi32>
      %eq3A_352 = arith.constant 3 : i32
      %eq3A_353 = vector.broadcast %eq3A_352 : i32 to vector<128x128xi32>
      %eq3A_354 = arith.cmpi eq, %iota3A, %eq3A_353 : vector<128x128xi32>
      %broadcast_in_dim3A_355 = vector.shape_cast %broadcast_in_dim3A_351 : vector<128x1xi32> to vector<128x1xi32>
      %broadcast_in_dim3A_356 = vector.broadcast %broadcast_in_dim3A_355 : vector<128x1xi32> to vector<128x128xi32>
      %select_n3A_357 = arith.select %eq3A_354, %broadcast_in_dim3A_356, %select_n3A_335 : vector<128x128xi1>, vector<128x128xi32>
      %eq3A_358 = vector.broadcast %broadcast_in_dim3A_351 : vector<128x1xi32> to vector<128x128xi32>
      %eq3A_359 = arith.cmpi eq, %get3A_267, %eq3A_358 : vector<128x128xi32>
      %jit3A_360 = arith.constant 0xFF800000 : f32
      %broadcast_in_dim3A_361 = vector.broadcast %jit3A_360 : f32 to vector<128x128xf32>
      %select_n3A_362 = arith.select %eq3A_359, %broadcast_in_dim3A_361, %select_n3A_340 : vector<128x128xi1>, vector<128x128xf32>
      %reduce_max3A_363 = arith.constant dense<0xFF800000> : vector<128xf32>
      %reduce_max3A_364 = vector.multi_reduction <maximumf>, %select_n3A_362, %reduce_max3A_363 [1] : vector<128x128xf32> to vector<128xf32>
      %broadcast_in_dim3A_365 = vector.shape_cast %reduce_max3A_364 : vector<128xf32> to vector<128x1xf32>
      %eq3A_366 = vector.broadcast %broadcast_in_dim3A_365 : vector<128x1xf32> to vector<128x128xf32>
      %eq3A_367 = arith.cmpf oeq, %select_n3A_362, %eq3A_366 : vector<128x128xf32>
      %jit3A_368 = arith.constant 2147483647 : i32
      %broadcast_in_dim3A_369 = vector.broadcast %jit3A_368 : i32 to vector<128x128xi32>
      %select_n3A_370 = arith.select %eq3A_367, %get3A_267, %broadcast_in_dim3A_369 : vector<128x128xi1>, vector<128x128xi32>
      %reduce_min3A_371 = arith.constant dense<2147483647> : vector<128xi32>
      %reduce_min3A_372 = vector.multi_reduction <minsi>, %select_n3A_370, %reduce_min3A_371 [1] : vector<128x128xi32> to vector<128xi32>
      %broadcast_in_dim3A_373 = vector.shape_cast %reduce_min3A_372 : vector<128xi32> to vector<128x1xi32>
      %eq3A_374 = arith.constant 4 : i32
      %eq3A_375 = vector.broadcast %eq3A_374 : i32 to vector<128x128xi32>
      %eq3A_376 = arith.cmpi eq, %iota3A, %eq3A_375 : vector<128x128xi32>
      %broadcast_in_dim3A_377 = vector.shape_cast %broadcast_in_dim3A_373 : vector<128x1xi32> to vector<128x1xi32>
      %broadcast_in_dim3A_378 = vector.broadcast %broadcast_in_dim3A_377 : vector<128x1xi32> to vector<128x128xi32>
      %select_n3A_379 = arith.select %eq3A_376, %broadcast_in_dim3A_378, %select_n3A_357 : vector<128x128xi1>, vector<128x128xi32>
      %eq3A_380 = vector.broadcast %broadcast_in_dim3A_373 : vector<128x1xi32> to vector<128x128xi32>
      %eq3A_381 = arith.cmpi eq, %get3A_267, %eq3A_380 : vector<128x128xi32>
      %jit3A_382 = arith.constant 0xFF800000 : f32
      %broadcast_in_dim3A_383 = vector.broadcast %jit3A_382 : f32 to vector<128x128xf32>
      %select_n3A_384 = arith.select %eq3A_381, %broadcast_in_dim3A_383, %select_n3A_362 : vector<128x128xi1>, vector<128x128xf32>
      %reduce_max3A_385 = arith.constant dense<0xFF800000> : vector<128xf32>
      %reduce_max3A_386 = vector.multi_reduction <maximumf>, %select_n3A_384, %reduce_max3A_385 [1] : vector<128x128xf32> to vector<128xf32>
      %broadcast_in_dim3A_387 = vector.shape_cast %reduce_max3A_386 : vector<128xf32> to vector<128x1xf32>
      %eq3A_388 = vector.broadcast %broadcast_in_dim3A_387 : vector<128x1xf32> to vector<128x128xf32>
      %eq3A_389 = arith.cmpf oeq, %select_n3A_384, %eq3A_388 : vector<128x128xf32>
      %jit3A_390 = arith.constant 2147483647 : i32
      %broadcast_in_dim3A_391 = vector.broadcast %jit3A_390 : i32 to vector<128x128xi32>
      %select_n3A_392 = arith.select %eq3A_389, %get3A_267, %broadcast_in_dim3A_391 : vector<128x128xi1>, vector<128x128xi32>
      %reduce_min3A_393 = arith.constant dense<2147483647> : vector<128xi32>
      %reduce_min3A_394 = vector.multi_reduction <minsi>, %select_n3A_392, %reduce_min3A_393 [1] : vector<128x128xi32> to vector<128xi32>
      %broadcast_in_dim3A_395 = vector.shape_cast %reduce_min3A_394 : vector<128xi32> to vector<128x1xi32>
      %eq3A_396 = arith.constant 5 : i32
      %eq3A_397 = vector.broadcast %eq3A_396 : i32 to vector<128x128xi32>
      %eq3A_398 = arith.cmpi eq, %iota3A, %eq3A_397 : vector<128x128xi32>
      %broadcast_in_dim3A_399 = vector.shape_cast %broadcast_in_dim3A_395 : vector<128x1xi32> to vector<128x1xi32>
      %broadcast_in_dim3A_400 = vector.broadcast %broadcast_in_dim3A_399 : vector<128x1xi32> to vector<128x128xi32>
      %select_n3A_401 = arith.select %eq3A_398, %broadcast_in_dim3A_400, %select_n3A_379 : vector<128x128xi1>, vector<128x128xi32>
      %swap3A_402 = arith.constant 0 : index
      %swap3A_403 = arith.constant 0 : index
      %swap3A_404 = vector.load %arg4[%swap3A_402, %swap3A_403] : memref<128x128xi32, #tpu.memory_space<vmem>>, vector<128x128xi32>
      tpu.vector_store %arg4[%swap3A_402, %swap3A_403], %select_n3A_401 {strides = array<i32>} : memref<128x128xi32, #tpu.memory_space<vmem>>, vector<128x128xi32>,
    } else {
    }
    return
  }
  func.func @transform_0(%arg0: i32) -> (i32, i32) {
    %c0_i32 = arith.constant 0 : i32
    %c0_i32_0 = arith.constant 0 : i32
    %c0_i32_1 = arith.constant 0 : i32
    return %c0_i32, %c0_i32_0 : i32, i32
  }
  func.func @transform_1(%arg0: i32) -> (i32, i32) {
    %c0_i32 = arith.constant 0 : i32
    %c0_i32_0 = arith.constant 0 : i32
    return %arg0, %c0_i32 : i32, i32
  }
  func.func @transform_2(%arg0: i32) -> (i32, i32) {
    %c0_i32 = arith.constant 0 : i32
    %c0_i32_0 = arith.constant 0 : i32
    %c0_i32_1 = arith.constant 0 : i32
    return %c0_i32, %c0_i32_0 : i32, i32
  }
  func.func @transform_3(%arg0: i32) -> (i32, i32) {
    %c0_i32 = arith.constant 0 : i32
    %c0_i32_0 = arith.constant 0 : i32
    %c0_i32_1 = arith.constant 0 : i32
    return %c0_i32, %c0_i32_0 : i32, i32
  }
}

module attributes {stable_mosaic.version = 14 : i64} {
  func.func @_wintop8_body(%arg0: i32, %arg1: memref<640x128xf32, #tpu.memory_space<vmem>>, %arg2: memref<4096x128xf32, #tpu.memory_space<vmem>>, %arg3: memref<640x128xi32, #tpu.memory_space<vmem>>, %arg4: memref<8x640x128xf32, #tpu.memory_space<vmem>>, %arg5: memref<8x640x128xi32, #tpu.memory_space<vmem>>, %arg6: memref<640x4096xf32, #tpu.memory_space<vmem>>) attributes {dimension_semantics = [#tpu.dimension_semantics<arbitrary>], iteration_bounds = array<i64: 25>, scalar_prefetch = 0 : i64, scratch_operands = 3 : i64, tpu.core_type = #tpu.core_type<tc>, window_params = [{pipeline_mode = #tpu.pipeline_mode<synchronous>, transform_indices = @transform_0, window_bounds = array<i64: 640, 128>}, {transform_indices = @transform_1, window_bounds = array<i64: 4096, 128>}, {pipeline_mode = #tpu.pipeline_mode<synchronous>, transform_indices = @transform_2, window_bounds = array<i64: 640, 128>}]} {
    %eq3A = arith.constant 0 : i32
    %eq3A_0 = arith.cmpi eq, %arg0, %eq3A : i32
    %convert_element_type3A = arith.extui %eq3A_0 : i1 to i32
    %cond3A = arith.constant 0 : i32
    %cond3A_1 = arith.cmpi ne, %convert_element_type3A, %cond3A : i32
    scf.if %cond3A_1 {
      %broadcast_in_dim3A = arith.constant 0xFF800000 : f32
      %broadcast_in_dim3A_20 = vector.broadcast %broadcast_in_dim3A : f32 to vector<8x640x128xf32>
      %swap3A_21 = arith.constant 0 : index
      %swap3A_22 = arith.constant 0 : index
      %swap3A_23 = arith.constant 0 : index
      %swap3A_24 = vector.load %arg4[%swap3A_21, %swap3A_22, %swap3A_23] : memref<8x640x128xf32, #tpu.memory_space<vmem>>, vector<8x640x128xf32>
      tpu.vector_store %arg4[%swap3A_21, %swap3A_22, %swap3A_23], %broadcast_in_dim3A_20 {strides = array<i32>} : memref<8x640x128xf32, #tpu.memory_space<vmem>>, vector<8x640x128xf32>,
      %broadcast_in_dim3A_25 = arith.constant 2147483647 : i32
      %broadcast_in_dim3A_26 = vector.broadcast %broadcast_in_dim3A_25 : i32 to vector<8x640x128xi32>
      %swap3A_27 = arith.constant 0 : index
      %swap3A_28 = arith.constant 0 : index
      %swap3A_29 = arith.constant 0 : index
      %swap3A_30 = vector.load %arg5[%swap3A_27, %swap3A_28, %swap3A_29] : memref<8x640x128xi32, #tpu.memory_space<vmem>>, vector<8x640x128xi32>
      tpu.vector_store %arg5[%swap3A_27, %swap3A_28, %swap3A_29], %broadcast_in_dim3A_26 {strides = array<i32>} : memref<8x640x128xi32, #tpu.memory_space<vmem>>, vector<8x640x128xi32>,
    } else {
    }
    %get3A = arith.constant 0 : index
    %get3A_2 = arith.constant 0 : index
    %get3A_3 = vector.load %arg1[%get3A, %get3A_2] : memref<640x128xf32, #tpu.memory_space<vmem>>, vector<640x128xf32>
    %get3A_4 = arith.constant 0 : index
    %get3A_5 = arith.constant 0 : index
    %get3A_6 = vector.load %arg2[%get3A_4, %get3A_5] : memref<4096x128xf32, #tpu.memory_space<vmem>>, vector<4096x128xf32>
    %dot_general3A = arith.constant dense<0.000000e+00> : vector<640x4096xf32>
    %dot_general3A_7 = tpu.matmul %get3A_3, %get3A_6, %dot_general3A {dimension_numbers = #tpu.dot_dimension_numbers<[1], [1], [0], [0], [0, 0, 1, 0], [], []>, transpose_lhs_hint = false} : vector<640x128xf32>, vector<4096x128xf32>, vector<640x4096xf32> -> vector<640x4096xf32>
    %swap3A = arith.constant 0 : index
    %swap3A_8 = arith.constant 0 : index
    %swap3A_9 = vector.load %arg6[%swap3A, %swap3A_8] : memref<640x4096xf32, #tpu.memory_space<vmem>>, vector<640x4096xf32>
    tpu.vector_store %arg6[%swap3A, %swap3A_8], %dot_general3A_7 {strides = array<i32>} : memref<640x4096xf32, #tpu.memory_space<vmem>>, vector<640x4096xf32>,
    %mul3A = arith.constant 4096 : i32
    %mul3A_10 = arith.muli %arg0, %mul3A : i32
    %iota3A = tpu.iota {dimensions = array<i32: 1>} : vector<64x128xi32>
    %scan3A = arith.constant 0 : i32
    %scan3A_11 = arith.constant 10 : i32
    %scan3A_12 = arith.addi %scan3A, %scan3A_11 : i32
    %scan3A_13 = arith.constant 1 : i32
    scf.for %scan3A_20 = %scan3A to %scan3A_12 step %scan3A_13  : i32 {
      %mul3A_21 = arith.constant 64 : i32
      %mul3A_22 = arith.muli %scan3A_20, %mul3A_21 : i32
      %multiple_of3A = tpu.assume_multiple %mul3A_22, 64 : i32
      %broadcast_in_dim3A = arith.constant 0xFF800000 : f32
      %broadcast_in_dim3A_23 = vector.broadcast %broadcast_in_dim3A : f32 to vector<64x128xf32>
      %broadcast_in_dim3A_24 = arith.constant 0 : i32
      %broadcast_in_dim3A_25 = vector.broadcast %broadcast_in_dim3A_24 : i32 to vector<64x128xi32>
      %get3A_26 = arith.index_cast %multiple_of3A : i32 to index
      %get3A_27 = arith.constant 0 : index
      %get3A_28 = vector.load %arg6[%get3A_26, %get3A_27] : memref<640x4096xf32, #tpu.memory_space<vmem>>, vector<64x128xf32>
      %add3A = arith.constant 0 : i32
      %add3A_29 = arith.addi %mul3A_10, %add3A : i32
      %add3A_30 = vector.broadcast %add3A_29 : i32 to vector<64x128xi32>
      %add3A_31 = arith.addi %iota3A, %add3A_30 : vector<64x128xi32>
      %lt3A = arith.constant 100000 : i32
      %lt3A_32 = vector.broadcast %lt3A : i32 to vector<64x128xi32>
      %lt3A_33 = arith.cmpi slt, %add3A_31, %lt3A_32 : vector<64x128xi32>
      %jit3A = arith.constant 0xFF800000 : f32
      %broadcast_in_dim3A_34 = vector.broadcast %jit3A : f32 to vector<64x128xf32>
      %select_n3A = arith.select %lt3A_33, %get3A_28, %broadcast_in_dim3A_34 : vector<64x128xi1>, vector<64x128xf32>
      %gt3A = arith.cmpf ogt, %select_n3A, %broadcast_in_dim3A_23 : vector<64x128xf32>
      %select_n3A_35 = arith.select %gt3A, %select_n3A, %broadcast_in_dim3A_23 : vector<64x128xi1>, vector<64x128xf32>
      %select_n3A_36 = arith.select %gt3A, %add3A_31, %broadcast_in_dim3A_25 : vector<64x128xi1>, vector<64x128xi32>
      %get3A_37 = arith.index_cast %multiple_of3A : i32 to index
      %get3A_38 = arith.constant 128 : index
      %get3A_39 = vector.load %arg6[%get3A_37, %get3A_38] : memref<640x4096xf32, #tpu.memory_space<vmem>>, vector<64x128xf32>
      %add3A_40 = arith.constant 128 : i32
      %add3A_41 = arith.addi %mul3A_10, %add3A_40 : i32
      %add3A_42 = vector.broadcast %add3A_41 : i32 to vector<64x128xi32>
      %add3A_43 = arith.addi %iota3A, %add3A_42 : vector<64x128xi32>
      %lt3A_44 = arith.constant 100000 : i32
      %lt3A_45 = vector.broadcast %lt3A_44 : i32 to vector<64x128xi32>
      %lt3A_46 = arith.cmpi slt, %add3A_43, %lt3A_45 : vector<64x128xi32>
      %jit3A_47 = arith.constant 0xFF800000 : f32
      %broadcast_in_dim3A_48 = vector.broadcast %jit3A_47 : f32 to vector<64x128xf32>
      %select_n3A_49 = arith.select %lt3A_46, %get3A_39, %broadcast_in_dim3A_48 : vector<64x128xi1>, vector<64x128xf32>
      %gt3A_50 = arith.cmpf ogt, %select_n3A_49, %select_n3A_35 : vector<64x128xf32>
      %select_n3A_51 = arith.select %gt3A_50, %select_n3A_49, %select_n3A_35 : vector<64x128xi1>, vector<64x128xf32>
      %select_n3A_52 = arith.select %gt3A_50, %add3A_43, %select_n3A_36 : vector<64x128xi1>, vector<64x128xi32>
      %get3A_53 = arith.index_cast %multiple_of3A : i32 to index
      %get3A_54 = arith.constant 256 : index
      %get3A_55 = vector.load %arg6[%get3A_53, %get3A_54] : memref<640x4096xf32, #tpu.memory_space<vmem>>, vector<64x128xf32>
      %add3A_56 = arith.constant 256 : i32
      %add3A_57 = arith.addi %mul3A_10, %add3A_56 : i32
      %add3A_58 = vector.broadcast %add3A_57 : i32 to vector<64x128xi32>
      %add3A_59 = arith.addi %iota3A, %add3A_58 : vector<64x128xi32>
      %lt3A_60 = arith.constant 100000 : i32
      %lt3A_61 = vector.broadcast %lt3A_60 : i32 to vector<64x128xi32>
      %lt3A_62 = arith.cmpi slt, %add3A_59, %lt3A_61 : vector<64x128xi32>
      %jit3A_63 = arith.constant 0xFF800000 : f32
      %broadcast_in_dim3A_64 = vector.broadcast %jit3A_63 : f32 to vector<64x128xf32>
      %select_n3A_65 = arith.select %lt3A_62, %get3A_55, %broadcast_in_dim3A_64 : vector<64x128xi1>, vector<64x128xf32>
      %gt3A_66 = arith.cmpf ogt, %select_n3A_65, %select_n3A_51 : vector<64x128xf32>
      %select_n3A_67 = arith.select %gt3A_66, %select_n3A_65, %select_n3A_51 : vector<64x128xi1>, vector<64x128xf32>
      %select_n3A_68 = arith.select %gt3A_66, %add3A_59, %select_n3A_52 : vector<64x128xi1>, vector<64x128xi32>
      %get3A_69 = arith.index_cast %multiple_of3A : i32 to index
      %get3A_70 = arith.constant 384 : index
      %get3A_71 = vector.load %arg6[%get3A_69, %get3A_70] : memref<640x4096xf32, #tpu.memory_space<vmem>>, vector<64x128xf32>
      %add3A_72 = arith.constant 384 : i32
      %add3A_73 = arith.addi %mul3A_10, %add3A_72 : i32
      %add3A_74 = vector.broadcast %add3A_73 : i32 to vector<64x128xi32>
      %add3A_75 = arith.addi %iota3A, %add3A_74 : vector<64x128xi32>
      %lt3A_76 = arith.constant 100000 : i32
      %lt3A_77 = vector.broadcast %lt3A_76 : i32 to vector<64x128xi32>
      %lt3A_78 = arith.cmpi slt, %add3A_75, %lt3A_77 : vector<64x128xi32>
      %jit3A_79 = arith.constant 0xFF800000 : f32
      %broadcast_in_dim3A_80 = vector.broadcast %jit3A_79 : f32 to vector<64x128xf32>
      %select_n3A_81 = arith.select %lt3A_78, %get3A_71, %broadcast_in_dim3A_80 : vector<64x128xi1>, vector<64x128xf32>
      %gt3A_82 = arith.cmpf ogt, %select_n3A_81, %select_n3A_67 : vector<64x128xf32>
      %select_n3A_83 = arith.select %gt3A_82, %select_n3A_81, %select_n3A_67 : vector<64x128xi1>, vector<64x128xf32>
      %select_n3A_84 = arith.select %gt3A_82, %add3A_75, %select_n3A_68 : vector<64x128xi1>, vector<64x128xi32>
      %get3A_85 = arith.index_cast %multiple_of3A : i32 to index
      %get3A_86 = arith.constant 512 : index
      %get3A_87 = vector.load %arg6[%get3A_85, %get3A_86] : memref<640x4096xf32, #tpu.memory_space<vmem>>, vector<64x128xf32>
      %add3A_88 = arith.constant 512 : i32
      %add3A_89 = arith.addi %mul3A_10, %add3A_88 : i32
      %add3A_90 = vector.broadcast %add3A_89 : i32 to vector<64x128xi32>
      %add3A_91 = arith.addi %iota3A, %add3A_90 : vector<64x128xi32>
      %lt3A_92 = arith.constant 100000 : i32
      %lt3A_93 = vector.broadcast %lt3A_92 : i32 to vector<64x128xi32>
      %lt3A_94 = arith.cmpi slt, %add3A_91, %lt3A_93 : vector<64x128xi32>
      %jit3A_95 = arith.constant 0xFF800000 : f32
      %broadcast_in_dim3A_96 = vector.broadcast %jit3A_95 : f32 to vector<64x128xf32>
      %select_n3A_97 = arith.select %lt3A_94, %get3A_87, %broadcast_in_dim3A_96 : vector<64x128xi1>, vector<64x128xf32>
      %gt3A_98 = arith.cmpf ogt, %select_n3A_97, %select_n3A_83 : vector<64x128xf32>
      %select_n3A_99 = arith.select %gt3A_98, %select_n3A_97, %select_n3A_83 : vector<64x128xi1>, vector<64x128xf32>
      %select_n3A_100 = arith.select %gt3A_98, %add3A_91, %select_n3A_84 : vector<64x128xi1>, vector<64x128xi32>
      %get3A_101 = arith.index_cast %multiple_of3A : i32 to index
      %get3A_102 = arith.constant 640 : index
      %get3A_103 = vector.load %arg6[%get3A_101, %get3A_102] : memref<640x4096xf32, #tpu.memory_space<vmem>>, vector<64x128xf32>
      %add3A_104 = arith.constant 640 : i32
      %add3A_105 = arith.addi %mul3A_10, %add3A_104 : i32
      %add3A_106 = vector.broadcast %add3A_105 : i32 to vector<64x128xi32>
      %add3A_107 = arith.addi %iota3A, %add3A_106 : vector<64x128xi32>
      %lt3A_108 = arith.constant 100000 : i32
      %lt3A_109 = vector.broadcast %lt3A_108 : i32 to vector<64x128xi32>
      %lt3A_110 = arith.cmpi slt, %add3A_107, %lt3A_109 : vector<64x128xi32>
      %jit3A_111 = arith.constant 0xFF800000 : f32
      %broadcast_in_dim3A_112 = vector.broadcast %jit3A_111 : f32 to vector<64x128xf32>
      %select_n3A_113 = arith.select %lt3A_110, %get3A_103, %broadcast_in_dim3A_112 : vector<64x128xi1>, vector<64x128xf32>
      %gt3A_114 = arith.cmpf ogt, %select_n3A_113, %select_n3A_99 : vector<64x128xf32>
      %select_n3A_115 = arith.select %gt3A_114, %select_n3A_113, %select_n3A_99 : vector<64x128xi1>, vector<64x128xf32>
      %select_n3A_116 = arith.select %gt3A_114, %add3A_107, %select_n3A_100 : vector<64x128xi1>, vector<64x128xi32>
      %get3A_117 = arith.index_cast %multiple_of3A : i32 to index
      %get3A_118 = arith.constant 768 : index
      %get3A_119 = vector.load %arg6[%get3A_117, %get3A_118] : memref<640x4096xf32, #tpu.memory_space<vmem>>, vector<64x128xf32>
      %add3A_120 = arith.constant 768 : i32
      %add3A_121 = arith.addi %mul3A_10, %add3A_120 : i32
      %add3A_122 = vector.broadcast %add3A_121 : i32 to vector<64x128xi32>
      %add3A_123 = arith.addi %iota3A, %add3A_122 : vector<64x128xi32>
      %lt3A_124 = arith.constant 100000 : i32
      %lt3A_125 = vector.broadcast %lt3A_124 : i32 to vector<64x128xi32>
      %lt3A_126 = arith.cmpi slt, %add3A_123, %lt3A_125 : vector<64x128xi32>
      %jit3A_127 = arith.constant 0xFF800000 : f32
      %broadcast_in_dim3A_128 = vector.broadcast %jit3A_127 : f32 to vector<64x128xf32>
      %select_n3A_129 = arith.select %lt3A_126, %get3A_119, %broadcast_in_dim3A_128 : vector<64x128xi1>, vector<64x128xf32>
      %gt3A_130 = arith.cmpf ogt, %select_n3A_129, %select_n3A_115 : vector<64x128xf32>
      %select_n3A_131 = arith.select %gt3A_130, %select_n3A_129, %select_n3A_115 : vector<64x128xi1>, vector<64x128xf32>
      %select_n3A_132 = arith.select %gt3A_130, %add3A_123, %select_n3A_116 : vector<64x128xi1>, vector<64x128xi32>
      %get3A_133 = arith.index_cast %multiple_of3A : i32 to index
      %get3A_134 = arith.constant 896 : index
      %get3A_135 = vector.load %arg6[%get3A_133, %get3A_134] : memref<640x4096xf32, #tpu.memory_space<vmem>>, vector<64x128xf32>
      %add3A_136 = arith.constant 896 : i32
      %add3A_137 = arith.addi %mul3A_10, %add3A_136 : i32
      %add3A_138 = vector.broadcast %add3A_137 : i32 to vector<64x128xi32>
      %add3A_139 = arith.addi %iota3A, %add3A_138 : vector<64x128xi32>
      %lt3A_140 = arith.constant 100000 : i32
      %lt3A_141 = vector.broadcast %lt3A_140 : i32 to vector<64x128xi32>
      %lt3A_142 = arith.cmpi slt, %add3A_139, %lt3A_141 : vector<64x128xi32>
      %jit3A_143 = arith.constant 0xFF800000 : f32
      %broadcast_in_dim3A_144 = vector.broadcast %jit3A_143 : f32 to vector<64x128xf32>
      %select_n3A_145 = arith.select %lt3A_142, %get3A_135, %broadcast_in_dim3A_144 : vector<64x128xi1>, vector<64x128xf32>
      %gt3A_146 = arith.cmpf ogt, %select_n3A_145, %select_n3A_131 : vector<64x128xf32>
      %select_n3A_147 = arith.select %gt3A_146, %select_n3A_145, %select_n3A_131 : vector<64x128xi1>, vector<64x128xf32>
      %select_n3A_148 = arith.select %gt3A_146, %add3A_139, %select_n3A_132 : vector<64x128xi1>, vector<64x128xi32>
      %get3A_149 = arith.index_cast %multiple_of3A : i32 to index
      %get3A_150 = arith.constant 1024 : index
      %get3A_151 = vector.load %arg6[%get3A_149, %get3A_150] : memref<640x4096xf32, #tpu.memory_space<vmem>>, vector<64x128xf32>
      %add3A_152 = arith.constant 1024 : i32
      %add3A_153 = arith.addi %mul3A_10, %add3A_152 : i32
      %add3A_154 = vector.broadcast %add3A_153 : i32 to vector<64x128xi32>
      %add3A_155 = arith.addi %iota3A, %add3A_154 : vector<64x128xi32>
      %lt3A_156 = arith.constant 100000 : i32
      %lt3A_157 = vector.broadcast %lt3A_156 : i32 to vector<64x128xi32>
      %lt3A_158 = arith.cmpi slt, %add3A_155, %lt3A_157 : vector<64x128xi32>
      %jit3A_159 = arith.constant 0xFF800000 : f32
      %broadcast_in_dim3A_160 = vector.broadcast %jit3A_159 : f32 to vector<64x128xf32>
      %select_n3A_161 = arith.select %lt3A_158, %get3A_151, %broadcast_in_dim3A_160 : vector<64x128xi1>, vector<64x128xf32>
      %gt3A_162 = arith.cmpf ogt, %select_n3A_161, %select_n3A_147 : vector<64x128xf32>
      %select_n3A_163 = arith.select %gt3A_162, %select_n3A_161, %select_n3A_147 : vector<64x128xi1>, vector<64x128xf32>
      %select_n3A_164 = arith.select %gt3A_162, %add3A_155, %select_n3A_148 : vector<64x128xi1>, vector<64x128xi32>
      %get3A_165 = arith.index_cast %multiple_of3A : i32 to index
      %get3A_166 = arith.constant 1152 : index
      %get3A_167 = vector.load %arg6[%get3A_165, %get3A_166] : memref<640x4096xf32, #tpu.memory_space<vmem>>, vector<64x128xf32>
      %add3A_168 = arith.constant 1152 : i32
      %add3A_169 = arith.addi %mul3A_10, %add3A_168 : i32
      %add3A_170 = vector.broadcast %add3A_169 : i32 to vector<64x128xi32>
      %add3A_171 = arith.addi %iota3A, %add3A_170 : vector<64x128xi32>
      %lt3A_172 = arith.constant 100000 : i32
      %lt3A_173 = vector.broadcast %lt3A_172 : i32 to vector<64x128xi32>
      %lt3A_174 = arith.cmpi slt, %add3A_171, %lt3A_173 : vector<64x128xi32>
      %jit3A_175 = arith.constant 0xFF800000 : f32
      %broadcast_in_dim3A_176 = vector.broadcast %jit3A_175 : f32 to vector<64x128xf32>
      %select_n3A_177 = arith.select %lt3A_174, %get3A_167, %broadcast_in_dim3A_176 : vector<64x128xi1>, vector<64x128xf32>
      %gt3A_178 = arith.cmpf ogt, %select_n3A_177, %select_n3A_163 : vector<64x128xf32>
      %select_n3A_179 = arith.select %gt3A_178, %select_n3A_177, %select_n3A_163 : vector<64x128xi1>, vector<64x128xf32>
      %select_n3A_180 = arith.select %gt3A_178, %add3A_171, %select_n3A_164 : vector<64x128xi1>, vector<64x128xi32>
      %get3A_181 = arith.index_cast %multiple_of3A : i32 to index
      %get3A_182 = arith.constant 1280 : index
      %get3A_183 = vector.load %arg6[%get3A_181, %get3A_182] : memref<640x4096xf32, #tpu.memory_space<vmem>>, vector<64x128xf32>
      %add3A_184 = arith.constant 1280 : i32
      %add3A_185 = arith.addi %mul3A_10, %add3A_184 : i32
      %add3A_186 = vector.broadcast %add3A_185 : i32 to vector<64x128xi32>
      %add3A_187 = arith.addi %iota3A, %add3A_186 : vector<64x128xi32>
      %lt3A_188 = arith.constant 100000 : i32
      %lt3A_189 = vector.broadcast %lt3A_188 : i32 to vector<64x128xi32>
      %lt3A_190 = arith.cmpi slt, %add3A_187, %lt3A_189 : vector<64x128xi32>
      %jit3A_191 = arith.constant 0xFF800000 : f32
      %broadcast_in_dim3A_192 = vector.broadcast %jit3A_191 : f32 to vector<64x128xf32>
      %select_n3A_193 = arith.select %lt3A_190, %get3A_183, %broadcast_in_dim3A_192 : vector<64x128xi1>, vector<64x128xf32>
      %gt3A_194 = arith.cmpf ogt, %select_n3A_193, %select_n3A_179 : vector<64x128xf32>
      %select_n3A_195 = arith.select %gt3A_194, %select_n3A_193, %select_n3A_179 : vector<64x128xi1>, vector<64x128xf32>
      %select_n3A_196 = arith.select %gt3A_194, %add3A_187, %select_n3A_180 : vector<64x128xi1>, vector<64x128xi32>
      %get3A_197 = arith.index_cast %multiple_of3A : i32 to index
      %get3A_198 = arith.constant 1408 : index
      %get3A_199 = vector.load %arg6[%get3A_197, %get3A_198] : memref<640x4096xf32, #tpu.memory_space<vmem>>, vector<64x128xf32>
      %add3A_200 = arith.constant 1408 : i32
      %add3A_201 = arith.addi %mul3A_10, %add3A_200 : i32
      %add3A_202 = vector.broadcast %add3A_201 : i32 to vector<64x128xi32>
      %add3A_203 = arith.addi %iota3A, %add3A_202 : vector<64x128xi32>
      %lt3A_204 = arith.constant 100000 : i32
      %lt3A_205 = vector.broadcast %lt3A_204 : i32 to vector<64x128xi32>
      %lt3A_206 = arith.cmpi slt, %add3A_203, %lt3A_205 : vector<64x128xi32>
      %jit3A_207 = arith.constant 0xFF800000 : f32
      %broadcast_in_dim3A_208 = vector.broadcast %jit3A_207 : f32 to vector<64x128xf32>
      %select_n3A_209 = arith.select %lt3A_206, %get3A_199, %broadcast_in_dim3A_208 : vector<64x128xi1>, vector<64x128xf32>
      %gt3A_210 = arith.cmpf ogt, %select_n3A_209, %select_n3A_195 : vector<64x128xf32>
      %select_n3A_211 = arith.select %gt3A_210, %select_n3A_209, %select_n3A_195 : vector<64x128xi1>, vector<64x128xf32>
      %select_n3A_212 = arith.select %gt3A_210, %add3A_203, %select_n3A_196 : vector<64x128xi1>, vector<64x128xi32>
      %get3A_213 = arith.index_cast %multiple_of3A : i32 to index
      %get3A_214 = arith.constant 1536 : index
      %get3A_215 = vector.load %arg6[%get3A_213, %get3A_214] : memref<640x4096xf32, #tpu.memory_space<vmem>>, vector<64x128xf32>
      %add3A_216 = arith.constant 1536 : i32
      %add3A_217 = arith.addi %mul3A_10, %add3A_216 : i32
      %add3A_218 = vector.broadcast %add3A_217 : i32 to vector<64x128xi32>
      %add3A_219 = arith.addi %iota3A, %add3A_218 : vector<64x128xi32>
      %lt3A_220 = arith.constant 100000 : i32
      %lt3A_221 = vector.broadcast %lt3A_220 : i32 to vector<64x128xi32>
      %lt3A_222 = arith.cmpi slt, %add3A_219, %lt3A_221 : vector<64x128xi32>
      %jit3A_223 = arith.constant 0xFF800000 : f32
      %broadcast_in_dim3A_224 = vector.broadcast %jit3A_223 : f32 to vector<64x128xf32>
      %select_n3A_225 = arith.select %lt3A_222, %get3A_215, %broadcast_in_dim3A_224 : vector<64x128xi1>, vector<64x128xf32>
      %gt3A_226 = arith.cmpf ogt, %select_n3A_225, %select_n3A_211 : vector<64x128xf32>
      %select_n3A_227 = arith.select %gt3A_226, %select_n3A_225, %select_n3A_211 : vector<64x128xi1>, vector<64x128xf32>
      %select_n3A_228 = arith.select %gt3A_226, %add3A_219, %select_n3A_212 : vector<64x128xi1>, vector<64x128xi32>
      %get3A_229 = arith.index_cast %multiple_of3A : i32 to index
      %get3A_230 = arith.constant 1664 : index
      %get3A_231 = vector.load %arg6[%get3A_229, %get3A_230] : memref<640x4096xf32, #tpu.memory_space<vmem>>, vector<64x128xf32>
      %add3A_232 = arith.constant 1664 : i32
      %add3A_233 = arith.addi %mul3A_10, %add3A_232 : i32
      %add3A_234 = vector.broadcast %add3A_233 : i32 to vector<64x128xi32>
      %add3A_235 = arith.addi %iota3A, %add3A_234 : vector<64x128xi32>
      %lt3A_236 = arith.constant 100000 : i32
      %lt3A_237 = vector.broadcast %lt3A_236 : i32 to vector<64x128xi32>
      %lt3A_238 = arith.cmpi slt, %add3A_235, %lt3A_237 : vector<64x128xi32>
      %jit3A_239 = arith.constant 0xFF800000 : f32
      %broadcast_in_dim3A_240 = vector.broadcast %jit3A_239 : f32 to vector<64x128xf32>
      %select_n3A_241 = arith.select %lt3A_238, %get3A_231, %broadcast_in_dim3A_240 : vector<64x128xi1>, vector<64x128xf32>
      %gt3A_242 = arith.cmpf ogt, %select_n3A_241, %select_n3A_227 : vector<64x128xf32>
      %select_n3A_243 = arith.select %gt3A_242, %select_n3A_241, %select_n3A_227 : vector<64x128xi1>, vector<64x128xf32>
      %select_n3A_244 = arith.select %gt3A_242, %add3A_235, %select_n3A_228 : vector<64x128xi1>, vector<64x128xi32>
      %get3A_245 = arith.index_cast %multiple_of3A : i32 to index
      %get3A_246 = arith.constant 1792 : index
      %get3A_247 = vector.load %arg6[%get3A_245, %get3A_246] : memref<640x4096xf32, #tpu.memory_space<vmem>>, vector<64x128xf32>
      %add3A_248 = arith.constant 1792 : i32
      %add3A_249 = arith.addi %mul3A_10, %add3A_248 : i32
      %add3A_250 = vector.broadcast %add3A_249 : i32 to vector<64x128xi32>
      %add3A_251 = arith.addi %iota3A, %add3A_250 : vector<64x128xi32>
      %lt3A_252 = arith.constant 100000 : i32
      %lt3A_253 = vector.broadcast %lt3A_252 : i32 to vector<64x128xi32>
      %lt3A_254 = arith.cmpi slt, %add3A_251, %lt3A_253 : vector<64x128xi32>
      %jit3A_255 = arith.constant 0xFF800000 : f32
      %broadcast_in_dim3A_256 = vector.broadcast %jit3A_255 : f32 to vector<64x128xf32>
      %select_n3A_257 = arith.select %lt3A_254, %get3A_247, %broadcast_in_dim3A_256 : vector<64x128xi1>, vector<64x128xf32>
      %gt3A_258 = arith.cmpf ogt, %select_n3A_257, %select_n3A_243 : vector<64x128xf32>
      %select_n3A_259 = arith.select %gt3A_258, %select_n3A_257, %select_n3A_243 : vector<64x128xi1>, vector<64x128xf32>
      %select_n3A_260 = arith.select %gt3A_258, %add3A_251, %select_n3A_244 : vector<64x128xi1>, vector<64x128xi32>
      %get3A_261 = arith.index_cast %multiple_of3A : i32 to index
      %get3A_262 = arith.constant 1920 : index
      %get3A_263 = vector.load %arg6[%get3A_261, %get3A_262] : memref<640x4096xf32, #tpu.memory_space<vmem>>, vector<64x128xf32>
      %add3A_264 = arith.constant 1920 : i32
      %add3A_265 = arith.addi %mul3A_10, %add3A_264 : i32
      %add3A_266 = vector.broadcast %add3A_265 : i32 to vector<64x128xi32>
      %add3A_267 = arith.addi %iota3A, %add3A_266 : vector<64x128xi32>
      %lt3A_268 = arith.constant 100000 : i32
      %lt3A_269 = vector.broadcast %lt3A_268 : i32 to vector<64x128xi32>
      %lt3A_270 = arith.cmpi slt, %add3A_267, %lt3A_269 : vector<64x128xi32>
      %jit3A_271 = arith.constant 0xFF800000 : f32
      %broadcast_in_dim3A_272 = vector.broadcast %jit3A_271 : f32 to vector<64x128xf32>
      %select_n3A_273 = arith.select %lt3A_270, %get3A_263, %broadcast_in_dim3A_272 : vector<64x128xi1>, vector<64x128xf32>
      %gt3A_274 = arith.cmpf ogt, %select_n3A_273, %select_n3A_259 : vector<64x128xf32>
      %select_n3A_275 = arith.select %gt3A_274, %select_n3A_273, %select_n3A_259 : vector<64x128xi1>, vector<64x128xf32>
      %select_n3A_276 = arith.select %gt3A_274, %add3A_267, %select_n3A_260 : vector<64x128xi1>, vector<64x128xi32>
      %get3A_277 = arith.constant 0 : index
      %get3A_278 = arith.index_cast %multiple_of3A : i32 to index
      %get3A_279 = arith.constant 0 : index
      %get3A_280 = vector.load %arg4[%get3A_277, %get3A_278, %get3A_279] : memref<8x640x128xf32, #tpu.memory_space<vmem>>, vector<1x64x128xf32>
      %get3A_281 = vector.shape_cast %get3A_280 : vector<1x64x128xf32> to vector<64x128xf32>
      %get3A_282 = arith.constant 0 : index
      %get3A_283 = arith.index_cast %multiple_of3A : i32 to index
      %get3A_284 = arith.constant 0 : index
      %get3A_285 = vector.load %arg5[%get3A_282, %get3A_283, %get3A_284] : memref<8x640x128xi32, #tpu.memory_space<vmem>>, vector<1x64x128xi32>
      %get3A_286 = vector.shape_cast %get3A_285 : vector<1x64x128xi32> to vector<64x128xi32>
      %gt3A_287 = arith.cmpf ogt, %select_n3A_275, %get3A_281 : vector<64x128xf32>
      %select_n3A_288 = arith.select %gt3A_287, %select_n3A_275, %get3A_281 : vector<64x128xi1>, vector<64x128xf32>
      %swap3A_289 = arith.constant 0 : index
      %swap3A_290 = arith.index_cast %multiple_of3A : i32 to index
      %swap3A_291 = arith.constant 0 : index
      %swap3A_292 = vector.load %arg4[%swap3A_289, %swap3A_290, %swap3A_291] : memref<8x640x128xf32, #tpu.memory_space<vmem>>, vector<1x64x128xf32>
      %swap3A_293 = vector.shape_cast %swap3A_292 : vector<1x64x128xf32> to vector<64x128xf32>
      %swap3A_294 = vector.shape_cast %select_n3A_288 : vector<64x128xf32> to vector<1x64x128xf32>
      tpu.vector_store %arg4[%swap3A_289, %swap3A_290, %swap3A_291], %swap3A_294 {strides = array<i32>} : memref<8x640x128xf32, #tpu.memory_space<vmem>>, vector<1x64x128xf32>,
      %select_n3A_295 = arith.select %gt3A_287, %select_n3A_276, %get3A_286 : vector<64x128xi1>, vector<64x128xi32>
      %swap3A_296 = arith.constant 0 : index
      %swap3A_297 = arith.index_cast %multiple_of3A : i32 to index
      %swap3A_298 = arith.constant 0 : index
      %swap3A_299 = vector.load %arg5[%swap3A_296, %swap3A_297, %swap3A_298] : memref<8x640x128xi32, #tpu.memory_space<vmem>>, vector<1x64x128xi32>
      %swap3A_300 = vector.shape_cast %swap3A_299 : vector<1x64x128xi32> to vector<64x128xi32>
      %swap3A_301 = vector.shape_cast %select_n3A_295 : vector<64x128xi32> to vector<1x64x128xi32>
      tpu.vector_store %arg5[%swap3A_296, %swap3A_297, %swap3A_298], %swap3A_301 {strides = array<i32>} : memref<8x640x128xi32, #tpu.memory_space<vmem>>, vector<1x64x128xi32>,
      %select_n3A_302 = arith.select %gt3A_287, %get3A_281, %select_n3A_275 : vector<64x128xi1>, vector<64x128xf32>
      %select_n3A_303 = arith.select %gt3A_287, %get3A_286, %select_n3A_276 : vector<64x128xi1>, vector<64x128xi32>
      %get3A_304 = arith.constant 1 : index
      %get3A_305 = arith.index_cast %multiple_of3A : i32 to index
      %get3A_306 = arith.constant 0 : index
      %get3A_307 = vector.load %arg4[%get3A_304, %get3A_305, %get3A_306] : memref<8x640x128xf32, #tpu.memory_space<vmem>>, vector<1x64x128xf32>
      %get3A_308 = vector.shape_cast %get3A_307 : vector<1x64x128xf32> to vector<64x128xf32>
      %get3A_309 = arith.constant 1 : index
      %get3A_310 = arith.index_cast %multiple_of3A : i32 to index
      %get3A_311 = arith.constant 0 : index
      %get3A_312 = vector.load %arg5[%get3A_309, %get3A_310, %get3A_311] : memref<8x640x128xi32, #tpu.memory_space<vmem>>, vector<1x64x128xi32>
      %get3A_313 = vector.shape_cast %get3A_312 : vector<1x64x128xi32> to vector<64x128xi32>
      %gt3A_314 = arith.cmpf ogt, %select_n3A_302, %get3A_308 : vector<64x128xf32>
      %select_n3A_315 = arith.select %gt3A_314, %select_n3A_302, %get3A_308 : vector<64x128xi1>, vector<64x128xf32>
      %swap3A_316 = arith.constant 1 : index
      %swap3A_317 = arith.index_cast %multiple_of3A : i32 to index
      %swap3A_318 = arith.constant 0 : index
      %swap3A_319 = vector.load %arg4[%swap3A_316, %swap3A_317, %swap3A_318] : memref<8x640x128xf32, #tpu.memory_space<vmem>>, vector<1x64x128xf32>
      %swap3A_320 = vector.shape_cast %swap3A_319 : vector<1x64x128xf32> to vector<64x128xf32>
      %swap3A_321 = vector.shape_cast %select_n3A_315 : vector<64x128xf32> to vector<1x64x128xf32>
      tpu.vector_store %arg4[%swap3A_316, %swap3A_317, %swap3A_318], %swap3A_321 {strides = array<i32>} : memref<8x640x128xf32, #tpu.memory_space<vmem>>, vector<1x64x128xf32>,
      %select_n3A_322 = arith.select %gt3A_314, %select_n3A_303, %get3A_313 : vector<64x128xi1>, vector<64x128xi32>
      %swap3A_323 = arith.constant 1 : index
      %swap3A_324 = arith.index_cast %multiple_of3A : i32 to index
      %swap3A_325 = arith.constant 0 : index
      %swap3A_326 = vector.load %arg5[%swap3A_323, %swap3A_324, %swap3A_325] : memref<8x640x128xi32, #tpu.memory_space<vmem>>, vector<1x64x128xi32>
      %swap3A_327 = vector.shape_cast %swap3A_326 : vector<1x64x128xi32> to vector<64x128xi32>
      %swap3A_328 = vector.shape_cast %select_n3A_322 : vector<64x128xi32> to vector<1x64x128xi32>
      tpu.vector_store %arg5[%swap3A_323, %swap3A_324, %swap3A_325], %swap3A_328 {strides = array<i32>} : memref<8x640x128xi32, #tpu.memory_space<vmem>>, vector<1x64x128xi32>,
      %select_n3A_329 = arith.select %gt3A_314, %get3A_308, %select_n3A_302 : vector<64x128xi1>, vector<64x128xf32>
      %select_n3A_330 = arith.select %gt3A_314, %get3A_313, %select_n3A_303 : vector<64x128xi1>, vector<64x128xi32>
      %get3A_331 = arith.constant 2 : index
      %get3A_332 = arith.index_cast %multiple_of3A : i32 to index
      %get3A_333 = arith.constant 0 : index
      %get3A_334 = vector.load %arg4[%get3A_331, %get3A_332, %get3A_333] : memref<8x640x128xf32, #tpu.memory_space<vmem>>, vector<1x64x128xf32>
      %get3A_335 = vector.shape_cast %get3A_334 : vector<1x64x128xf32> to vector<64x128xf32>
      %get3A_336 = arith.constant 2 : index
      %get3A_337 = arith.index_cast %multiple_of3A : i32 to index
      %get3A_338 = arith.constant 0 : index
      %get3A_339 = vector.load %arg5[%get3A_336, %get3A_337, %get3A_338] : memref<8x640x128xi32, #tpu.memory_space<vmem>>, vector<1x64x128xi32>
      %get3A_340 = vector.shape_cast %get3A_339 : vector<1x64x128xi32> to vector<64x128xi32>
      %gt3A_341 = arith.cmpf ogt, %select_n3A_329, %get3A_335 : vector<64x128xf32>
      %select_n3A_342 = arith.select %gt3A_341, %select_n3A_329, %get3A_335 : vector<64x128xi1>, vector<64x128xf32>
      %swap3A_343 = arith.constant 2 : index
      %swap3A_344 = arith.index_cast %multiple_of3A : i32 to index
      %swap3A_345 = arith.constant 0 : index
      %swap3A_346 = vector.load %arg4[%swap3A_343, %swap3A_344, %swap3A_345] : memref<8x640x128xf32, #tpu.memory_space<vmem>>, vector<1x64x128xf32>
      %swap3A_347 = vector.shape_cast %swap3A_346 : vector<1x64x128xf32> to vector<64x128xf32>
      %swap3A_348 = vector.shape_cast %select_n3A_342 : vector<64x128xf32> to vector<1x64x128xf32>
      tpu.vector_store %arg4[%swap3A_343, %swap3A_344, %swap3A_345], %swap3A_348 {strides = array<i32>} : memref<8x640x128xf32, #tpu.memory_space<vmem>>, vector<1x64x128xf32>,
      %select_n3A_349 = arith.select %gt3A_341, %select_n3A_330, %get3A_340 : vector<64x128xi1>, vector<64x128xi32>
      %swap3A_350 = arith.constant 2 : index
      %swap3A_351 = arith.index_cast %multiple_of3A : i32 to index
      %swap3A_352 = arith.constant 0 : index
      %swap3A_353 = vector.load %arg5[%swap3A_350, %swap3A_351, %swap3A_352] : memref<8x640x128xi32, #tpu.memory_space<vmem>>, vector<1x64x128xi32>
      %swap3A_354 = vector.shape_cast %swap3A_353 : vector<1x64x128xi32> to vector<64x128xi32>
      %swap3A_355 = vector.shape_cast %select_n3A_349 : vector<64x128xi32> to vector<1x64x128xi32>
      tpu.vector_store %arg5[%swap3A_350, %swap3A_351, %swap3A_352], %swap3A_355 {strides = array<i32>} : memref<8x640x128xi32, #tpu.memory_space<vmem>>, vector<1x64x128xi32>,
      %select_n3A_356 = arith.select %gt3A_341, %get3A_335, %select_n3A_329 : vector<64x128xi1>, vector<64x128xf32>
      %select_n3A_357 = arith.select %gt3A_341, %get3A_340, %select_n3A_330 : vector<64x128xi1>, vector<64x128xi32>
      %get3A_358 = arith.constant 3 : index
      %get3A_359 = arith.index_cast %multiple_of3A : i32 to index
      %get3A_360 = arith.constant 0 : index
      %get3A_361 = vector.load %arg4[%get3A_358, %get3A_359, %get3A_360] : memref<8x640x128xf32, #tpu.memory_space<vmem>>, vector<1x64x128xf32>
      %get3A_362 = vector.shape_cast %get3A_361 : vector<1x64x128xf32> to vector<64x128xf32>
      %get3A_363 = arith.constant 3 : index
      %get3A_364 = arith.index_cast %multiple_of3A : i32 to index
      %get3A_365 = arith.constant 0 : index
      %get3A_366 = vector.load %arg5[%get3A_363, %get3A_364, %get3A_365] : memref<8x640x128xi32, #tpu.memory_space<vmem>>, vector<1x64x128xi32>
      %get3A_367 = vector.shape_cast %get3A_366 : vector<1x64x128xi32> to vector<64x128xi32>
      %gt3A_368 = arith.cmpf ogt, %select_n3A_356, %get3A_362 : vector<64x128xf32>
      %select_n3A_369 = arith.select %gt3A_368, %select_n3A_356, %get3A_362 : vector<64x128xi1>, vector<64x128xf32>
      %swap3A_370 = arith.constant 3 : index
      %swap3A_371 = arith.index_cast %multiple_of3A : i32 to index
      %swap3A_372 = arith.constant 0 : index
      %swap3A_373 = vector.load %arg4[%swap3A_370, %swap3A_371, %swap3A_372] : memref<8x640x128xf32, #tpu.memory_space<vmem>>, vector<1x64x128xf32>
      %swap3A_374 = vector.shape_cast %swap3A_373 : vector<1x64x128xf32> to vector<64x128xf32>
      %swap3A_375 = vector.shape_cast %select_n3A_369 : vector<64x128xf32> to vector<1x64x128xf32>
      tpu.vector_store %arg4[%swap3A_370, %swap3A_371, %swap3A_372], %swap3A_375 {strides = array<i32>} : memref<8x640x128xf32, #tpu.memory_space<vmem>>, vector<1x64x128xf32>,
      %select_n3A_376 = arith.select %gt3A_368, %select_n3A_357, %get3A_367 : vector<64x128xi1>, vector<64x128xi32>
      %swap3A_377 = arith.constant 3 : index
      %swap3A_378 = arith.index_cast %multiple_of3A : i32 to index
      %swap3A_379 = arith.constant 0 : index
      %swap3A_380 = vector.load %arg5[%swap3A_377, %swap3A_378, %swap3A_379] : memref<8x640x128xi32, #tpu.memory_space<vmem>>, vector<1x64x128xi32>
      %swap3A_381 = vector.shape_cast %swap3A_380 : vector<1x64x128xi32> to vector<64x128xi32>
      %swap3A_382 = vector.shape_cast %select_n3A_376 : vector<64x128xi32> to vector<1x64x128xi32>
      tpu.vector_store %arg5[%swap3A_377, %swap3A_378, %swap3A_379], %swap3A_382 {strides = array<i32>} : memref<8x640x128xi32, #tpu.memory_space<vmem>>, vector<1x64x128xi32>,
      %select_n3A_383 = arith.select %gt3A_368, %get3A_362, %select_n3A_356 : vector<64x128xi1>, vector<64x128xf32>
      %select_n3A_384 = arith.select %gt3A_368, %get3A_367, %select_n3A_357 : vector<64x128xi1>, vector<64x128xi32>
      %get3A_385 = arith.constant 4 : index
      %get3A_386 = arith.index_cast %multiple_of3A : i32 to index
      %get3A_387 = arith.constant 0 : index
      %get3A_388 = vector.load %arg4[%get3A_385, %get3A_386, %get3A_387] : memref<8x640x128xf32, #tpu.memory_space<vmem>>, vector<1x64x128xf32>
      %get3A_389 = vector.shape_cast %get3A_388 : vector<1x64x128xf32> to vector<64x128xf32>
      %get3A_390 = arith.constant 4 : index
      %get3A_391 = arith.index_cast %multiple_of3A : i32 to index
      %get3A_392 = arith.constant 0 : index
      %get3A_393 = vector.load %arg5[%get3A_390, %get3A_391, %get3A_392] : memref<8x640x128xi32, #tpu.memory_space<vmem>>, vector<1x64x128xi32>
      %get3A_394 = vector.shape_cast %get3A_393 : vector<1x64x128xi32> to vector<64x128xi32>
      %gt3A_395 = arith.cmpf ogt, %select_n3A_383, %get3A_389 : vector<64x128xf32>
      %select_n3A_396 = arith.select %gt3A_395, %select_n3A_383, %get3A_389 : vector<64x128xi1>, vector<64x128xf32>
      %swap3A_397 = arith.constant 4 : index
      %swap3A_398 = arith.index_cast %multiple_of3A : i32 to index
      %swap3A_399 = arith.constant 0 : index
      %swap3A_400 = vector.load %arg4[%swap3A_397, %swap3A_398, %swap3A_399] : memref<8x640x128xf32, #tpu.memory_space<vmem>>, vector<1x64x128xf32>
      %swap3A_401 = vector.shape_cast %swap3A_400 : vector<1x64x128xf32> to vector<64x128xf32>
      %swap3A_402 = vector.shape_cast %select_n3A_396 : vector<64x128xf32> to vector<1x64x128xf32>
      tpu.vector_store %arg4[%swap3A_397, %swap3A_398, %swap3A_399], %swap3A_402 {strides = array<i32>} : memref<8x640x128xf32, #tpu.memory_space<vmem>>, vector<1x64x128xf32>,
      %select_n3A_403 = arith.select %gt3A_395, %select_n3A_384, %get3A_394 : vector<64x128xi1>, vector<64x128xi32>
      %swap3A_404 = arith.constant 4 : index
      %swap3A_405 = arith.index_cast %multiple_of3A : i32 to index
      %swap3A_406 = arith.constant 0 : index
      %swap3A_407 = vector.load %arg5[%swap3A_404, %swap3A_405, %swap3A_406] : memref<8x640x128xi32, #tpu.memory_space<vmem>>, vector<1x64x128xi32>
      %swap3A_408 = vector.shape_cast %swap3A_407 : vector<1x64x128xi32> to vector<64x128xi32>
      %swap3A_409 = vector.shape_cast %select_n3A_403 : vector<64x128xi32> to vector<1x64x128xi32>
      tpu.vector_store %arg5[%swap3A_404, %swap3A_405, %swap3A_406], %swap3A_409 {strides = array<i32>} : memref<8x640x128xi32, #tpu.memory_space<vmem>>, vector<1x64x128xi32>,
      %select_n3A_410 = arith.select %gt3A_395, %get3A_389, %select_n3A_383 : vector<64x128xi1>, vector<64x128xf32>
      %select_n3A_411 = arith.select %gt3A_395, %get3A_394, %select_n3A_384 : vector<64x128xi1>, vector<64x128xi32>
      %get3A_412 = arith.constant 5 : index
      %get3A_413 = arith.index_cast %multiple_of3A : i32 to index
      %get3A_414 = arith.constant 0 : index
      %get3A_415 = vector.load %arg4[%get3A_412, %get3A_413, %get3A_414] : memref<8x640x128xf32, #tpu.memory_space<vmem>>, vector<1x64x128xf32>
      %get3A_416 = vector.shape_cast %get3A_415 : vector<1x64x128xf32> to vector<64x128xf32>
      %get3A_417 = arith.constant 5 : index
      %get3A_418 = arith.index_cast %multiple_of3A : i32 to index
      %get3A_419 = arith.constant 0 : index
      %get3A_420 = vector.load %arg5[%get3A_417, %get3A_418, %get3A_419] : memref<8x640x128xi32, #tpu.memory_space<vmem>>, vector<1x64x128xi32>
      %get3A_421 = vector.shape_cast %get3A_420 : vector<1x64x128xi32> to vector<64x128xi32>
      %gt3A_422 = arith.cmpf ogt, %select_n3A_410, %get3A_416 : vector<64x128xf32>
      %select_n3A_423 = arith.select %gt3A_422, %select_n3A_410, %get3A_416 : vector<64x128xi1>, vector<64x128xf32>
      %swap3A_424 = arith.constant 5 : index
      %swap3A_425 = arith.index_cast %multiple_of3A : i32 to index
      %swap3A_426 = arith.constant 0 : index
      %swap3A_427 = vector.load %arg4[%swap3A_424, %swap3A_425, %swap3A_426] : memref<8x640x128xf32, #tpu.memory_space<vmem>>, vector<1x64x128xf32>
      %swap3A_428 = vector.shape_cast %swap3A_427 : vector<1x64x128xf32> to vector<64x128xf32>
      %swap3A_429 = vector.shape_cast %select_n3A_423 : vector<64x128xf32> to vector<1x64x128xf32>
      tpu.vector_store %arg4[%swap3A_424, %swap3A_425, %swap3A_426], %swap3A_429 {strides = array<i32>} : memref<8x640x128xf32, #tpu.memory_space<vmem>>, vector<1x64x128xf32>,
      %select_n3A_430 = arith.select %gt3A_422, %select_n3A_411, %get3A_421 : vector<64x128xi1>, vector<64x128xi32>
      %swap3A_431 = arith.constant 5 : index
      %swap3A_432 = arith.index_cast %multiple_of3A : i32 to index
      %swap3A_433 = arith.constant 0 : index
      %swap3A_434 = vector.load %arg5[%swap3A_431, %swap3A_432, %swap3A_433] : memref<8x640x128xi32, #tpu.memory_space<vmem>>, vector<1x64x128xi32>
      %swap3A_435 = vector.shape_cast %swap3A_434 : vector<1x64x128xi32> to vector<64x128xi32>
      %swap3A_436 = vector.shape_cast %select_n3A_430 : vector<64x128xi32> to vector<1x64x128xi32>
      tpu.vector_store %arg5[%swap3A_431, %swap3A_432, %swap3A_433], %swap3A_436 {strides = array<i32>} : memref<8x640x128xi32, #tpu.memory_space<vmem>>, vector<1x64x128xi32>,
      %select_n3A_437 = arith.select %gt3A_422, %get3A_416, %select_n3A_410 : vector<64x128xi1>, vector<64x128xf32>
      %select_n3A_438 = arith.select %gt3A_422, %get3A_421, %select_n3A_411 : vector<64x128xi1>, vector<64x128xi32>
      %get3A_439 = arith.constant 6 : index
      %get3A_440 = arith.index_cast %multiple_of3A : i32 to index
      %get3A_441 = arith.constant 0 : index
      %get3A_442 = vector.load %arg4[%get3A_439, %get3A_440, %get3A_441] : memref<8x640x128xf32, #tpu.memory_space<vmem>>, vector<1x64x128xf32>
      %get3A_443 = vector.shape_cast %get3A_442 : vector<1x64x128xf32> to vector<64x128xf32>
      %get3A_444 = arith.constant 6 : index
      %get3A_445 = arith.index_cast %multiple_of3A : i32 to index
      %get3A_446 = arith.constant 0 : index
      %get3A_447 = vector.load %arg5[%get3A_444, %get3A_445, %get3A_446] : memref<8x640x128xi32, #tpu.memory_space<vmem>>, vector<1x64x128xi32>
      %get3A_448 = vector.shape_cast %get3A_447 : vector<1x64x128xi32> to vector<64x128xi32>
      %gt3A_449 = arith.cmpf ogt, %select_n3A_437, %get3A_443 : vector<64x128xf32>
      %select_n3A_450 = arith.select %gt3A_449, %select_n3A_437, %get3A_443 : vector<64x128xi1>, vector<64x128xf32>
      %swap3A_451 = arith.constant 6 : index
      %swap3A_452 = arith.index_cast %multiple_of3A : i32 to index
      %swap3A_453 = arith.constant 0 : index
      %swap3A_454 = vector.load %arg4[%swap3A_451, %swap3A_452, %swap3A_453] : memref<8x640x128xf32, #tpu.memory_space<vmem>>, vector<1x64x128xf32>
      %swap3A_455 = vector.shape_cast %swap3A_454 : vector<1x64x128xf32> to vector<64x128xf32>
      %swap3A_456 = vector.shape_cast %select_n3A_450 : vector<64x128xf32> to vector<1x64x128xf32>
      tpu.vector_store %arg4[%swap3A_451, %swap3A_452, %swap3A_453], %swap3A_456 {strides = array<i32>} : memref<8x640x128xf32, #tpu.memory_space<vmem>>, vector<1x64x128xf32>,
      %select_n3A_457 = arith.select %gt3A_449, %select_n3A_438, %get3A_448 : vector<64x128xi1>, vector<64x128xi32>
      %swap3A_458 = arith.constant 6 : index
      %swap3A_459 = arith.index_cast %multiple_of3A : i32 to index
      %swap3A_460 = arith.constant 0 : index
      %swap3A_461 = vector.load %arg5[%swap3A_458, %swap3A_459, %swap3A_460] : memref<8x640x128xi32, #tpu.memory_space<vmem>>, vector<1x64x128xi32>
      %swap3A_462 = vector.shape_cast %swap3A_461 : vector<1x64x128xi32> to vector<64x128xi32>
      %swap3A_463 = vector.shape_cast %select_n3A_457 : vector<64x128xi32> to vector<1x64x128xi32>
      tpu.vector_store %arg5[%swap3A_458, %swap3A_459, %swap3A_460], %swap3A_463 {strides = array<i32>} : memref<8x640x128xi32, #tpu.memory_space<vmem>>, vector<1x64x128xi32>,
      %select_n3A_464 = arith.select %gt3A_449, %get3A_443, %select_n3A_437 : vector<64x128xi1>, vector<64x128xf32>
      %select_n3A_465 = arith.select %gt3A_449, %get3A_448, %select_n3A_438 : vector<64x128xi1>, vector<64x128xi32>
      %get3A_466 = arith.constant 7 : index
      %get3A_467 = arith.index_cast %multiple_of3A : i32 to index
      %get3A_468 = arith.constant 0 : index
      %get3A_469 = vector.load %arg4[%get3A_466, %get3A_467, %get3A_468] : memref<8x640x128xf32, #tpu.memory_space<vmem>>, vector<1x64x128xf32>
      %get3A_470 = vector.shape_cast %get3A_469 : vector<1x64x128xf32> to vector<64x128xf32>
      %get3A_471 = arith.constant 7 : index
      %get3A_472 = arith.index_cast %multiple_of3A : i32 to index
      %get3A_473 = arith.constant 0 : index
      %get3A_474 = vector.load %arg5[%get3A_471, %get3A_472, %get3A_473] : memref<8x640x128xi32, #tpu.memory_space<vmem>>, vector<1x64x128xi32>
      %get3A_475 = vector.shape_cast %get3A_474 : vector<1x64x128xi32> to vector<64x128xi32>
      %gt3A_476 = arith.cmpf ogt, %select_n3A_464, %get3A_470 : vector<64x128xf32>
      %select_n3A_477 = arith.select %gt3A_476, %select_n3A_464, %get3A_470 : vector<64x128xi1>, vector<64x128xf32>
      %swap3A_478 = arith.constant 7 : index
      %swap3A_479 = arith.index_cast %multiple_of3A : i32 to index
      %swap3A_480 = arith.constant 0 : index
      %swap3A_481 = vector.load %arg4[%swap3A_478, %swap3A_479, %swap3A_480] : memref<8x640x128xf32, #tpu.memory_space<vmem>>, vector<1x64x128xf32>
      %swap3A_482 = vector.shape_cast %swap3A_481 : vector<1x64x128xf32> to vector<64x128xf32>
      %swap3A_483 = vector.shape_cast %select_n3A_477 : vector<64x128xf32> to vector<1x64x128xf32>
      tpu.vector_store %arg4[%swap3A_478, %swap3A_479, %swap3A_480], %swap3A_483 {strides = array<i32>} : memref<8x640x128xf32, #tpu.memory_space<vmem>>, vector<1x64x128xf32>,
      %select_n3A_484 = arith.select %gt3A_476, %select_n3A_465, %get3A_475 : vector<64x128xi1>, vector<64x128xi32>
      %swap3A_485 = arith.constant 7 : index
      %swap3A_486 = arith.index_cast %multiple_of3A : i32 to index
      %swap3A_487 = arith.constant 0 : index
      %swap3A_488 = vector.load %arg5[%swap3A_485, %swap3A_486, %swap3A_487] : memref<8x640x128xi32, #tpu.memory_space<vmem>>, vector<1x64x128xi32>
      %swap3A_489 = vector.shape_cast %swap3A_488 : vector<1x64x128xi32> to vector<64x128xi32>
      %swap3A_490 = vector.shape_cast %select_n3A_484 : vector<64x128xi32> to vector<1x64x128xi32>
      tpu.vector_store %arg5[%swap3A_485, %swap3A_486, %swap3A_487], %swap3A_490 {strides = array<i32>} : memref<8x640x128xi32, #tpu.memory_space<vmem>>, vector<1x64x128xi32>,
      %broadcast_in_dim3A_491 = arith.constant 0xFF800000 : f32
      %broadcast_in_dim3A_492 = vector.broadcast %broadcast_in_dim3A_491 : f32 to vector<64x128xf32>
      %broadcast_in_dim3A_493 = arith.constant 0 : i32
      %broadcast_in_dim3A_494 = vector.broadcast %broadcast_in_dim3A_493 : i32 to vector<64x128xi32>
      %get3A_495 = arith.index_cast %multiple_of3A : i32 to index
      %get3A_496 = arith.constant 2048 : index
      %get3A_497 = vector.load %arg6[%get3A_495, %get3A_496] : memref<640x4096xf32, #tpu.memory_space<vmem>>, vector<64x128xf32>
      %add3A_498 = arith.constant 2048 : i32
      %add3A_499 = arith.addi %mul3A_10, %add3A_498 : i32
      %add3A_500 = vector.broadcast %add3A_499 : i32 to vector<64x128xi32>
      %add3A_501 = arith.addi %iota3A, %add3A_500 : vector<64x128xi32>
      %lt3A_502 = arith.constant 100000 : i32
      %lt3A_503 = vector.broadcast %lt3A_502 : i32 to vector<64x128xi32>
      %lt3A_504 = arith.cmpi slt, %add3A_501, %lt3A_503 : vector<64x128xi32>
      %jit3A_505 = arith.constant 0xFF800000 : f32
      %broadcast_in_dim3A_506 = vector.broadcast %jit3A_505 : f32 to vector<64x128xf32>
      %select_n3A_507 = arith.select %lt3A_504, %get3A_497, %broadcast_in_dim3A_506 : vector<64x128xi1>, vector<64x128xf32>
      %gt3A_508 = arith.cmpf ogt, %select_n3A_507, %broadcast_in_dim3A_492 : vector<64x128xf32>
      %select_n3A_509 = arith.select %gt3A_508, %select_n3A_507, %broadcast_in_dim3A_492 : vector<64x128xi1>, vector<64x128xf32>
      %select_n3A_510 = arith.select %gt3A_508, %add3A_501, %broadcast_in_dim3A_494 : vector<64x128xi1>, vector<64x128xi32>
      %get3A_511 = arith.index_cast %multiple_of3A : i32 to index
      %get3A_512 = arith.constant 2176 : index
      %get3A_513 = vector.load %arg6[%get3A_511, %get3A_512] : memref<640x4096xf32, #tpu.memory_space<vmem>>, vector<64x128xf32>
      %add3A_514 = arith.constant 2176 : i32
      %add3A_515 = arith.addi %mul3A_10, %add3A_514 : i32
      %add3A_516 = vector.broadcast %add3A_515 : i32 to vector<64x128xi32>
      %add3A_517 = arith.addi %iota3A, %add3A_516 : vector<64x128xi32>
      %lt3A_518 = arith.constant 100000 : i32
      %lt3A_519 = vector.broadcast %lt3A_518 : i32 to vector<64x128xi32>
      %lt3A_520 = arith.cmpi slt, %add3A_517, %lt3A_519 : vector<64x128xi32>
      %jit3A_521 = arith.constant 0xFF800000 : f32
      %broadcast_in_dim3A_522 = vector.broadcast %jit3A_521 : f32 to vector<64x128xf32>
      %select_n3A_523 = arith.select %lt3A_520, %get3A_513, %broadcast_in_dim3A_522 : vector<64x128xi1>, vector<64x128xf32>
      %gt3A_524 = arith.cmpf ogt, %select_n3A_523, %select_n3A_509 : vector<64x128xf32>
      %select_n3A_525 = arith.select %gt3A_524, %select_n3A_523, %select_n3A_509 : vector<64x128xi1>, vector<64x128xf32>
      %select_n3A_526 = arith.select %gt3A_524, %add3A_517, %select_n3A_510 : vector<64x128xi1>, vector<64x128xi32>
      %get3A_527 = arith.index_cast %multiple_of3A : i32 to index
      %get3A_528 = arith.constant 2304 : index
      %get3A_529 = vector.load %arg6[%get3A_527, %get3A_528] : memref<640x4096xf32, #tpu.memory_space<vmem>>, vector<64x128xf32>
      %add3A_530 = arith.constant 2304 : i32
      %add3A_531 = arith.addi %mul3A_10, %add3A_530 : i32
      %add3A_532 = vector.broadcast %add3A_531 : i32 to vector<64x128xi32>
      %add3A_533 = arith.addi %iota3A, %add3A_532 : vector<64x128xi32>
      %lt3A_534 = arith.constant 100000 : i32
      %lt3A_535 = vector.broadcast %lt3A_534 : i32 to vector<64x128xi32>
      %lt3A_536 = arith.cmpi slt, %add3A_533, %lt3A_535 : vector<64x128xi32>
      %jit3A_537 = arith.constant 0xFF800000 : f32
      %broadcast_in_dim3A_538 = vector.broadcast %jit3A_537 : f32 to vector<64x128xf32>
      %select_n3A_539 = arith.select %lt3A_536, %get3A_529, %broadcast_in_dim3A_538 : vector<64x128xi1>, vector<64x128xf32>
      %gt3A_540 = arith.cmpf ogt, %select_n3A_539, %select_n3A_525 : vector<64x128xf32>
      %select_n3A_541 = arith.select %gt3A_540, %select_n3A_539, %select_n3A_525 : vector<64x128xi1>, vector<64x128xf32>
      %select_n3A_542 = arith.select %gt3A_540, %add3A_533, %select_n3A_526 : vector<64x128xi1>, vector<64x128xi32>
      %get3A_543 = arith.index_cast %multiple_of3A : i32 to index
      %get3A_544 = arith.constant 2432 : index
      %get3A_545 = vector.load %arg6[%get3A_543, %get3A_544] : memref<640x4096xf32, #tpu.memory_space<vmem>>, vector<64x128xf32>
      %add3A_546 = arith.constant 2432 : i32
      %add3A_547 = arith.addi %mul3A_10, %add3A_546 : i32
      %add3A_548 = vector.broadcast %add3A_547 : i32 to vector<64x128xi32>
      %add3A_549 = arith.addi %iota3A, %add3A_548 : vector<64x128xi32>
      %lt3A_550 = arith.constant 100000 : i32
      %lt3A_551 = vector.broadcast %lt3A_550 : i32 to vector<64x128xi32>
      %lt3A_552 = arith.cmpi slt, %add3A_549, %lt3A_551 : vector<64x128xi32>
      %jit3A_553 = arith.constant 0xFF800000 : f32
      %broadcast_in_dim3A_554 = vector.broadcast %jit3A_553 : f32 to vector<64x128xf32>
      %select_n3A_555 = arith.select %lt3A_552, %get3A_545, %broadcast_in_dim3A_554 : vector<64x128xi1>, vector<64x128xf32>
      %gt3A_556 = arith.cmpf ogt, %select_n3A_555, %select_n3A_541 : vector<64x128xf32>
      %select_n3A_557 = arith.select %gt3A_556, %select_n3A_555, %select_n3A_541 : vector<64x128xi1>, vector<64x128xf32>
      %select_n3A_558 = arith.select %gt3A_556, %add3A_549, %select_n3A_542 : vector<64x128xi1>, vector<64x128xi32>
      %get3A_559 = arith.index_cast %multiple_of3A : i32 to index
      %get3A_560 = arith.constant 2560 : index
      %get3A_561 = vector.load %arg6[%get3A_559, %get3A_560] : memref<640x4096xf32, #tpu.memory_space<vmem>>, vector<64x128xf32>
      %add3A_562 = arith.constant 2560 : i32
      %add3A_563 = arith.addi %mul3A_10, %add3A_562 : i32
      %add3A_564 = vector.broadcast %add3A_563 : i32 to vector<64x128xi32>
      %add3A_565 = arith.addi %iota3A, %add3A_564 : vector<64x128xi32>
      %lt3A_566 = arith.constant 100000 : i32
      %lt3A_567 = vector.broadcast %lt3A_566 : i32 to vector<64x128xi32>
      %lt3A_568 = arith.cmpi slt, %add3A_565, %lt3A_567 : vector<64x128xi32>
      %jit3A_569 = arith.constant 0xFF800000 : f32
      %broadcast_in_dim3A_570 = vector.broadcast %jit3A_569 : f32 to vector<64x128xf32>
      %select_n3A_571 = arith.select %lt3A_568, %get3A_561, %broadcast_in_dim3A_570 : vector<64x128xi1>, vector<64x128xf32>
      %gt3A_572 = arith.cmpf ogt, %select_n3A_571, %select_n3A_557 : vector<64x128xf32>
      %select_n3A_573 = arith.select %gt3A_572, %select_n3A_571, %select_n3A_557 : vector<64x128xi1>, vector<64x128xf32>
      %select_n3A_574 = arith.select %gt3A_572, %add3A_565, %select_n3A_558 : vector<64x128xi1>, vector<64x128xi32>
      %get3A_575 = arith.index_cast %multiple_of3A : i32 to index
      %get3A_576 = arith.constant 2688 : index
      %get3A_577 = vector.load %arg6[%get3A_575, %get3A_576] : memref<640x4096xf32, #tpu.memory_space<vmem>>, vector<64x128xf32>
      %add3A_578 = arith.constant 2688 : i32
      %add3A_579 = arith.addi %mul3A_10, %add3A_578 : i32
      %add3A_580 = vector.broadcast %add3A_579 : i32 to vector<64x128xi32>
      %add3A_581 = arith.addi %iota3A, %add3A_580 : vector<64x128xi32>
      %lt3A_582 = arith.constant 100000 : i32
      %lt3A_583 = vector.broadcast %lt3A_582 : i32 to vector<64x128xi32>
      %lt3A_584 = arith.cmpi slt, %add3A_581, %lt3A_583 : vector<64x128xi32>
      %jit3A_585 = arith.constant 0xFF800000 : f32
      %broadcast_in_dim3A_586 = vector.broadcast %jit3A_585 : f32 to vector<64x128xf32>
      %select_n3A_587 = arith.select %lt3A_584, %get3A_577, %broadcast_in_dim3A_586 : vector<64x128xi1>, vector<64x128xf32>
      %gt3A_588 = arith.cmpf ogt, %select_n3A_587, %select_n3A_573 : vector<64x128xf32>
      %select_n3A_589 = arith.select %gt3A_588, %select_n3A_587, %select_n3A_573 : vector<64x128xi1>, vector<64x128xf32>
      %select_n3A_590 = arith.select %gt3A_588, %add3A_581, %select_n3A_574 : vector<64x128xi1>, vector<64x128xi32>
      %get3A_591 = arith.index_cast %multiple_of3A : i32 to index
      %get3A_592 = arith.constant 2816 : index
      %get3A_593 = vector.load %arg6[%get3A_591, %get3A_592] : memref<640x4096xf32, #tpu.memory_space<vmem>>, vector<64x128xf32>
      %add3A_594 = arith.constant 2816 : i32
      %add3A_595 = arith.addi %mul3A_10, %add3A_594 : i32
      %add3A_596 = vector.broadcast %add3A_595 : i32 to vector<64x128xi32>
      %add3A_597 = arith.addi %iota3A, %add3A_596 : vector<64x128xi32>
      %lt3A_598 = arith.constant 100000 : i32
      %lt3A_599 = vector.broadcast %lt3A_598 : i32 to vector<64x128xi32>
      %lt3A_600 = arith.cmpi slt, %add3A_597, %lt3A_599 : vector<64x128xi32>
      %jit3A_601 = arith.constant 0xFF800000 : f32
      %broadcast_in_dim3A_602 = vector.broadcast %jit3A_601 : f32 to vector<64x128xf32>
      %select_n3A_603 = arith.select %lt3A_600, %get3A_593, %broadcast_in_dim3A_602 : vector<64x128xi1>, vector<64x128xf32>
      %gt3A_604 = arith.cmpf ogt, %select_n3A_603, %select_n3A_589 : vector<64x128xf32>
      %select_n3A_605 = arith.select %gt3A_604, %select_n3A_603, %select_n3A_589 : vector<64x128xi1>, vector<64x128xf32>
      %select_n3A_606 = arith.select %gt3A_604, %add3A_597, %select_n3A_590 : vector<64x128xi1>, vector<64x128xi32>
      %get3A_607 = arith.index_cast %multiple_of3A : i32 to index
      %get3A_608 = arith.constant 2944 : index
      %get3A_609 = vector.load %arg6[%get3A_607, %get3A_608] : memref<640x4096xf32, #tpu.memory_space<vmem>>, vector<64x128xf32>
      %add3A_610 = arith.constant 2944 : i32
      %add3A_611 = arith.addi %mul3A_10, %add3A_610 : i32
      %add3A_612 = vector.broadcast %add3A_611 : i32 to vector<64x128xi32>
      %add3A_613 = arith.addi %iota3A, %add3A_612 : vector<64x128xi32>
      %lt3A_614 = arith.constant 100000 : i32
      %lt3A_615 = vector.broadcast %lt3A_614 : i32 to vector<64x128xi32>
      %lt3A_616 = arith.cmpi slt, %add3A_613, %lt3A_615 : vector<64x128xi32>
      %jit3A_617 = arith.constant 0xFF800000 : f32
      %broadcast_in_dim3A_618 = vector.broadcast %jit3A_617 : f32 to vector<64x128xf32>
      %select_n3A_619 = arith.select %lt3A_616, %get3A_609, %broadcast_in_dim3A_618 : vector<64x128xi1>, vector<64x128xf32>
      %gt3A_620 = arith.cmpf ogt, %select_n3A_619, %select_n3A_605 : vector<64x128xf32>
      %select_n3A_621 = arith.select %gt3A_620, %select_n3A_619, %select_n3A_605 : vector<64x128xi1>, vector<64x128xf32>
      %select_n3A_622 = arith.select %gt3A_620, %add3A_613, %select_n3A_606 : vector<64x128xi1>, vector<64x128xi32>
      %get3A_623 = arith.index_cast %multiple_of3A : i32 to index
      %get3A_624 = arith.constant 3072 : index
      %get3A_625 = vector.load %arg6[%get3A_623, %get3A_624] : memref<640x4096xf32, #tpu.memory_space<vmem>>, vector<64x128xf32>
      %add3A_626 = arith.constant 3072 : i32
      %add3A_627 = arith.addi %mul3A_10, %add3A_626 : i32
      %add3A_628 = vector.broadcast %add3A_627 : i32 to vector<64x128xi32>
      %add3A_629 = arith.addi %iota3A, %add3A_628 : vector<64x128xi32>
      %lt3A_630 = arith.constant 100000 : i32
      %lt3A_631 = vector.broadcast %lt3A_630 : i32 to vector<64x128xi32>
      %lt3A_632 = arith.cmpi slt, %add3A_629, %lt3A_631 : vector<64x128xi32>
      %jit3A_633 = arith.constant 0xFF800000 : f32
      %broadcast_in_dim3A_634 = vector.broadcast %jit3A_633 : f32 to vector<64x128xf32>
      %select_n3A_635 = arith.select %lt3A_632, %get3A_625, %broadcast_in_dim3A_634 : vector<64x128xi1>, vector<64x128xf32>
      %gt3A_636 = arith.cmpf ogt, %select_n3A_635, %select_n3A_621 : vector<64x128xf32>
      %select_n3A_637 = arith.select %gt3A_636, %select_n3A_635, %select_n3A_621 : vector<64x128xi1>, vector<64x128xf32>
      %select_n3A_638 = arith.select %gt3A_636, %add3A_629, %select_n3A_622 : vector<64x128xi1>, vector<64x128xi32>
      %get3A_639 = arith.index_cast %multiple_of3A : i32 to index
      %get3A_640 = arith.constant 3200 : index
      %get3A_641 = vector.load %arg6[%get3A_639, %get3A_640] : memref<640x4096xf32, #tpu.memory_space<vmem>>, vector<64x128xf32>
      %add3A_642 = arith.constant 3200 : i32
      %add3A_643 = arith.addi %mul3A_10, %add3A_642 : i32
      %add3A_644 = vector.broadcast %add3A_643 : i32 to vector<64x128xi32>
      %add3A_645 = arith.addi %iota3A, %add3A_644 : vector<64x128xi32>
      %lt3A_646 = arith.constant 100000 : i32
      %lt3A_647 = vector.broadcast %lt3A_646 : i32 to vector<64x128xi32>
      %lt3A_648 = arith.cmpi slt, %add3A_645, %lt3A_647 : vector<64x128xi32>
      %jit3A_649 = arith.constant 0xFF800000 : f32
      %broadcast_in_dim3A_650 = vector.broadcast %jit3A_649 : f32 to vector<64x128xf32>
      %select_n3A_651 = arith.select %lt3A_648, %get3A_641, %broadcast_in_dim3A_650 : vector<64x128xi1>, vector<64x128xf32>
      %gt3A_652 = arith.cmpf ogt, %select_n3A_651, %select_n3A_637 : vector<64x128xf32>
      %select_n3A_653 = arith.select %gt3A_652, %select_n3A_651, %select_n3A_637 : vector<64x128xi1>, vector<64x128xf32>
      %select_n3A_654 = arith.select %gt3A_652, %add3A_645, %select_n3A_638 : vector<64x128xi1>, vector<64x128xi32>
      %get3A_655 = arith.index_cast %multiple_of3A : i32 to index
      %get3A_656 = arith.constant 3328 : index
      %get3A_657 = vector.load %arg6[%get3A_655, %get3A_656] : memref<640x4096xf32, #tpu.memory_space<vmem>>, vector<64x128xf32>
      %add3A_658 = arith.constant 3328 : i32
      %add3A_659 = arith.addi %mul3A_10, %add3A_658 : i32
      %add3A_660 = vector.broadcast %add3A_659 : i32 to vector<64x128xi32>
      %add3A_661 = arith.addi %iota3A, %add3A_660 : vector<64x128xi32>
      %lt3A_662 = arith.constant 100000 : i32
      %lt3A_663 = vector.broadcast %lt3A_662 : i32 to vector<64x128xi32>
      %lt3A_664 = arith.cmpi slt, %add3A_661, %lt3A_663 : vector<64x128xi32>
      %jit3A_665 = arith.constant 0xFF800000 : f32
      %broadcast_in_dim3A_666 = vector.broadcast %jit3A_665 : f32 to vector<64x128xf32>
      %select_n3A_667 = arith.select %lt3A_664, %get3A_657, %broadcast_in_dim3A_666 : vector<64x128xi1>, vector<64x128xf32>
      %gt3A_668 = arith.cmpf ogt, %select_n3A_667, %select_n3A_653 : vector<64x128xf32>
      %select_n3A_669 = arith.select %gt3A_668, %select_n3A_667, %select_n3A_653 : vector<64x128xi1>, vector<64x128xf32>
      %select_n3A_670 = arith.select %gt3A_668, %add3A_661, %select_n3A_654 : vector<64x128xi1>, vector<64x128xi32>
      %get3A_671 = arith.index_cast %multiple_of3A : i32 to index
      %get3A_672 = arith.constant 3456 : index
      %get3A_673 = vector.load %arg6[%get3A_671, %get3A_672] : memref<640x4096xf32, #tpu.memory_space<vmem>>, vector<64x128xf32>
      %add3A_674 = arith.constant 3456 : i32
      %add3A_675 = arith.addi %mul3A_10, %add3A_674 : i32
      %add3A_676 = vector.broadcast %add3A_675 : i32 to vector<64x128xi32>
      %add3A_677 = arith.addi %iota3A, %add3A_676 : vector<64x128xi32>
      %lt3A_678 = arith.constant 100000 : i32
      %lt3A_679 = vector.broadcast %lt3A_678 : i32 to vector<64x128xi32>
      %lt3A_680 = arith.cmpi slt, %add3A_677, %lt3A_679 : vector<64x128xi32>
      %jit3A_681 = arith.constant 0xFF800000 : f32
      %broadcast_in_dim3A_682 = vector.broadcast %jit3A_681 : f32 to vector<64x128xf32>
      %select_n3A_683 = arith.select %lt3A_680, %get3A_673, %broadcast_in_dim3A_682 : vector<64x128xi1>, vector<64x128xf32>
      %gt3A_684 = arith.cmpf ogt, %select_n3A_683, %select_n3A_669 : vector<64x128xf32>
      %select_n3A_685 = arith.select %gt3A_684, %select_n3A_683, %select_n3A_669 : vector<64x128xi1>, vector<64x128xf32>
      %select_n3A_686 = arith.select %gt3A_684, %add3A_677, %select_n3A_670 : vector<64x128xi1>, vector<64x128xi32>
      %get3A_687 = arith.index_cast %multiple_of3A : i32 to index
      %get3A_688 = arith.constant 3584 : index
      %get3A_689 = vector.load %arg6[%get3A_687, %get3A_688] : memref<640x4096xf32, #tpu.memory_space<vmem>>, vector<64x128xf32>
      %add3A_690 = arith.constant 3584 : i32
      %add3A_691 = arith.addi %mul3A_10, %add3A_690 : i32
      %add3A_692 = vector.broadcast %add3A_691 : i32 to vector<64x128xi32>
      %add3A_693 = arith.addi %iota3A, %add3A_692 : vector<64x128xi32>
      %lt3A_694 = arith.constant 100000 : i32
      %lt3A_695 = vector.broadcast %lt3A_694 : i32 to vector<64x128xi32>
      %lt3A_696 = arith.cmpi slt, %add3A_693, %lt3A_695 : vector<64x128xi32>
      %jit3A_697 = arith.constant 0xFF800000 : f32
      %broadcast_in_dim3A_698 = vector.broadcast %jit3A_697 : f32 to vector<64x128xf32>
      %select_n3A_699 = arith.select %lt3A_696, %get3A_689, %broadcast_in_dim3A_698 : vector<64x128xi1>, vector<64x128xf32>
      %gt3A_700 = arith.cmpf ogt, %select_n3A_699, %select_n3A_685 : vector<64x128xf32>
      %select_n3A_701 = arith.select %gt3A_700, %select_n3A_699, %select_n3A_685 : vector<64x128xi1>, vector<64x128xf32>
      %select_n3A_702 = arith.select %gt3A_700, %add3A_693, %select_n3A_686 : vector<64x128xi1>, vector<64x128xi32>
      %get3A_703 = arith.index_cast %multiple_of3A : i32 to index
      %get3A_704 = arith.constant 3712 : index
      %get3A_705 = vector.load %arg6[%get3A_703, %get3A_704] : memref<640x4096xf32, #tpu.memory_space<vmem>>, vector<64x128xf32>
      %add3A_706 = arith.constant 3712 : i32
      %add3A_707 = arith.addi %mul3A_10, %add3A_706 : i32
      %add3A_708 = vector.broadcast %add3A_707 : i32 to vector<64x128xi32>
      %add3A_709 = arith.addi %iota3A, %add3A_708 : vector<64x128xi32>
      %lt3A_710 = arith.constant 100000 : i32
      %lt3A_711 = vector.broadcast %lt3A_710 : i32 to vector<64x128xi32>
      %lt3A_712 = arith.cmpi slt, %add3A_709, %lt3A_711 : vector<64x128xi32>
      %jit3A_713 = arith.constant 0xFF800000 : f32
      %broadcast_in_dim3A_714 = vector.broadcast %jit3A_713 : f32 to vector<64x128xf32>
      %select_n3A_715 = arith.select %lt3A_712, %get3A_705, %broadcast_in_dim3A_714 : vector<64x128xi1>, vector<64x128xf32>
      %gt3A_716 = arith.cmpf ogt, %select_n3A_715, %select_n3A_701 : vector<64x128xf32>
      %select_n3A_717 = arith.select %gt3A_716, %select_n3A_715, %select_n3A_701 : vector<64x128xi1>, vector<64x128xf32>
      %select_n3A_718 = arith.select %gt3A_716, %add3A_709, %select_n3A_702 : vector<64x128xi1>, vector<64x128xi32>
      %get3A_719 = arith.index_cast %multiple_of3A : i32 to index
      %get3A_720 = arith.constant 3840 : index
      %get3A_721 = vector.load %arg6[%get3A_719, %get3A_720] : memref<640x4096xf32, #tpu.memory_space<vmem>>, vector<64x128xf32>
      %add3A_722 = arith.constant 3840 : i32
      %add3A_723 = arith.addi %mul3A_10, %add3A_722 : i32
      %add3A_724 = vector.broadcast %add3A_723 : i32 to vector<64x128xi32>
      %add3A_725 = arith.addi %iota3A, %add3A_724 : vector<64x128xi32>
      %lt3A_726 = arith.constant 100000 : i32
      %lt3A_727 = vector.broadcast %lt3A_726 : i32 to vector<64x128xi32>
      %lt3A_728 = arith.cmpi slt, %add3A_725, %lt3A_727 : vector<64x128xi32>
      %jit3A_729 = arith.constant 0xFF800000 : f32
      %broadcast_in_dim3A_730 = vector.broadcast %jit3A_729 : f32 to vector<64x128xf32>
      %select_n3A_731 = arith.select %lt3A_728, %get3A_721, %broadcast_in_dim3A_730 : vector<64x128xi1>, vector<64x128xf32>
      %gt3A_732 = arith.cmpf ogt, %select_n3A_731, %select_n3A_717 : vector<64x128xf32>
      %select_n3A_733 = arith.select %gt3A_732, %select_n3A_731, %select_n3A_717 : vector<64x128xi1>, vector<64x128xf32>
      %select_n3A_734 = arith.select %gt3A_732, %add3A_725, %select_n3A_718 : vector<64x128xi1>, vector<64x128xi32>
      %get3A_735 = arith.index_cast %multiple_of3A : i32 to index
      %get3A_736 = arith.constant 3968 : index
      %get3A_737 = vector.load %arg6[%get3A_735, %get3A_736] : memref<640x4096xf32, #tpu.memory_space<vmem>>, vector<64x128xf32>
      %add3A_738 = arith.constant 3968 : i32
      %add3A_739 = arith.addi %mul3A_10, %add3A_738 : i32
      %add3A_740 = vector.broadcast %add3A_739 : i32 to vector<64x128xi32>
      %add3A_741 = arith.addi %iota3A, %add3A_740 : vector<64x128xi32>
      %lt3A_742 = arith.constant 100000 : i32
      %lt3A_743 = vector.broadcast %lt3A_742 : i32 to vector<64x128xi32>
      %lt3A_744 = arith.cmpi slt, %add3A_741, %lt3A_743 : vector<64x128xi32>
      %jit3A_745 = arith.constant 0xFF800000 : f32
      %broadcast_in_dim3A_746 = vector.broadcast %jit3A_745 : f32 to vector<64x128xf32>
      %select_n3A_747 = arith.select %lt3A_744, %get3A_737, %broadcast_in_dim3A_746 : vector<64x128xi1>, vector<64x128xf32>
      %gt3A_748 = arith.cmpf ogt, %select_n3A_747, %select_n3A_733 : vector<64x128xf32>
      %select_n3A_749 = arith.select %gt3A_748, %select_n3A_747, %select_n3A_733 : vector<64x128xi1>, vector<64x128xf32>
      %select_n3A_750 = arith.select %gt3A_748, %add3A_741, %select_n3A_734 : vector<64x128xi1>, vector<64x128xi32>
      %get3A_751 = arith.constant 0 : index
      %get3A_752 = arith.index_cast %multiple_of3A : i32 to index
      %get3A_753 = arith.constant 0 : index
      %get3A_754 = vector.load %arg4[%get3A_751, %get3A_752, %get3A_753] : memref<8x640x128xf32, #tpu.memory_space<vmem>>, vector<1x64x128xf32>
      %get3A_755 = vector.shape_cast %get3A_754 : vector<1x64x128xf32> to vector<64x128xf32>
      %get3A_756 = arith.constant 0 : index
      %get3A_757 = arith.index_cast %multiple_of3A : i32 to index
      %get3A_758 = arith.constant 0 : index
      %get3A_759 = vector.load %arg5[%get3A_756, %get3A_757, %get3A_758] : memref<8x640x128xi32, #tpu.memory_space<vmem>>, vector<1x64x128xi32>
      %get3A_760 = vector.shape_cast %get3A_759 : vector<1x64x128xi32> to vector<64x128xi32>
      %gt3A_761 = arith.cmpf ogt, %select_n3A_749, %get3A_755 : vector<64x128xf32>
      %select_n3A_762 = arith.select %gt3A_761, %select_n3A_749, %get3A_755 : vector<64x128xi1>, vector<64x128xf32>
      %swap3A_763 = arith.constant 0 : index
      %swap3A_764 = arith.index_cast %multiple_of3A : i32 to index
      %swap3A_765 = arith.constant 0 : index
      %swap3A_766 = vector.load %arg4[%swap3A_763, %swap3A_764, %swap3A_765] : memref<8x640x128xf32, #tpu.memory_space<vmem>>, vector<1x64x128xf32>
      %swap3A_767 = vector.shape_cast %swap3A_766 : vector<1x64x128xf32> to vector<64x128xf32>
      %swap3A_768 = vector.shape_cast %select_n3A_762 : vector<64x128xf32> to vector<1x64x128xf32>
      tpu.vector_store %arg4[%swap3A_763, %swap3A_764, %swap3A_765], %swap3A_768 {strides = array<i32>} : memref<8x640x128xf32, #tpu.memory_space<vmem>>, vector<1x64x128xf32>,
      %select_n3A_769 = arith.select %gt3A_761, %select_n3A_750, %get3A_760 : vector<64x128xi1>, vector<64x128xi32>
      %swap3A_770 = arith.constant 0 : index
      %swap3A_771 = arith.index_cast %multiple_of3A : i32 to index
      %swap3A_772 = arith.constant 0 : index
      %swap3A_773 = vector.load %arg5[%swap3A_770, %swap3A_771, %swap3A_772] : memref<8x640x128xi32, #tpu.memory_space<vmem>>, vector<1x64x128xi32>
      %swap3A_774 = vector.shape_cast %swap3A_773 : vector<1x64x128xi32> to vector<64x128xi32>
      %swap3A_775 = vector.shape_cast %select_n3A_769 : vector<64x128xi32> to vector<1x64x128xi32>
      tpu.vector_store %arg5[%swap3A_770, %swap3A_771, %swap3A_772], %swap3A_775 {strides = array<i32>} : memref<8x640x128xi32, #tpu.memory_space<vmem>>, vector<1x64x128xi32>,
      %select_n3A_776 = arith.select %gt3A_761, %get3A_755, %select_n3A_749 : vector<64x128xi1>, vector<64x128xf32>
      %select_n3A_777 = arith.select %gt3A_761, %get3A_760, %select_n3A_750 : vector<64x128xi1>, vector<64x128xi32>
      %get3A_778 = arith.constant 1 : index
      %get3A_779 = arith.index_cast %multiple_of3A : i32 to index
      %get3A_780 = arith.constant 0 : index
      %get3A_781 = vector.load %arg4[%get3A_778, %get3A_779, %get3A_780] : memref<8x640x128xf32, #tpu.memory_space<vmem>>, vector<1x64x128xf32>
      %get3A_782 = vector.shape_cast %get3A_781 : vector<1x64x128xf32> to vector<64x128xf32>
      %get3A_783 = arith.constant 1 : index
      %get3A_784 = arith.index_cast %multiple_of3A : i32 to index
      %get3A_785 = arith.constant 0 : index
      %get3A_786 = vector.load %arg5[%get3A_783, %get3A_784, %get3A_785] : memref<8x640x128xi32, #tpu.memory_space<vmem>>, vector<1x64x128xi32>
      %get3A_787 = vector.shape_cast %get3A_786 : vector<1x64x128xi32> to vector<64x128xi32>
      %gt3A_788 = arith.cmpf ogt, %select_n3A_776, %get3A_782 : vector<64x128xf32>
      %select_n3A_789 = arith.select %gt3A_788, %select_n3A_776, %get3A_782 : vector<64x128xi1>, vector<64x128xf32>
      %swap3A_790 = arith.constant 1 : index
      %swap3A_791 = arith.index_cast %multiple_of3A : i32 to index
      %swap3A_792 = arith.constant 0 : index
      %swap3A_793 = vector.load %arg4[%swap3A_790, %swap3A_791, %swap3A_792] : memref<8x640x128xf32, #tpu.memory_space<vmem>>, vector<1x64x128xf32>
      %swap3A_794 = vector.shape_cast %swap3A_793 : vector<1x64x128xf32> to vector<64x128xf32>
      %swap3A_795 = vector.shape_cast %select_n3A_789 : vector<64x128xf32> to vector<1x64x128xf32>
      tpu.vector_store %arg4[%swap3A_790, %swap3A_791, %swap3A_792], %swap3A_795 {strides = array<i32>} : memref<8x640x128xf32, #tpu.memory_space<vmem>>, vector<1x64x128xf32>,
      %select_n3A_796 = arith.select %gt3A_788, %select_n3A_777, %get3A_787 : vector<64x128xi1>, vector<64x128xi32>
      %swap3A_797 = arith.constant 1 : index
      %swap3A_798 = arith.index_cast %multiple_of3A : i32 to index
      %swap3A_799 = arith.constant 0 : index
      %swap3A_800 = vector.load %arg5[%swap3A_797, %swap3A_798, %swap3A_799] : memref<8x640x128xi32, #tpu.memory_space<vmem>>, vector<1x64x128xi32>
      %swap3A_801 = vector.shape_cast %swap3A_800 : vector<1x64x128xi32> to vector<64x128xi32>
      %swap3A_802 = vector.shape_cast %select_n3A_796 : vector<64x128xi32> to vector<1x64x128xi32>
      tpu.vector_store %arg5[%swap3A_797, %swap3A_798, %swap3A_799], %swap3A_802 {strides = array<i32>} : memref<8x640x128xi32, #tpu.memory_space<vmem>>, vector<1x64x128xi32>,
      %select_n3A_803 = arith.select %gt3A_788, %get3A_782, %select_n3A_776 : vector<64x128xi1>, vector<64x128xf32>
      %select_n3A_804 = arith.select %gt3A_788, %get3A_787, %select_n3A_777 : vector<64x128xi1>, vector<64x128xi32>
      %get3A_805 = arith.constant 2 : index
      %get3A_806 = arith.index_cast %multiple_of3A : i32 to index
      %get3A_807 = arith.constant 0 : index
      %get3A_808 = vector.load %arg4[%get3A_805, %get3A_806, %get3A_807] : memref<8x640x128xf32, #tpu.memory_space<vmem>>, vector<1x64x128xf32>
      %get3A_809 = vector.shape_cast %get3A_808 : vector<1x64x128xf32> to vector<64x128xf32>
      %get3A_810 = arith.constant 2 : index
      %get3A_811 = arith.index_cast %multiple_of3A : i32 to index
      %get3A_812 = arith.constant 0 : index
      %get3A_813 = vector.load %arg5[%get3A_810, %get3A_811, %get3A_812] : memref<8x640x128xi32, #tpu.memory_space<vmem>>, vector<1x64x128xi32>
      %get3A_814 = vector.shape_cast %get3A_813 : vector<1x64x128xi32> to vector<64x128xi32>
      %gt3A_815 = arith.cmpf ogt, %select_n3A_803, %get3A_809 : vector<64x128xf32>
      %select_n3A_816 = arith.select %gt3A_815, %select_n3A_803, %get3A_809 : vector<64x128xi1>, vector<64x128xf32>
      %swap3A_817 = arith.constant 2 : index
      %swap3A_818 = arith.index_cast %multiple_of3A : i32 to index
      %swap3A_819 = arith.constant 0 : index
      %swap3A_820 = vector.load %arg4[%swap3A_817, %swap3A_818, %swap3A_819] : memref<8x640x128xf32, #tpu.memory_space<vmem>>, vector<1x64x128xf32>
      %swap3A_821 = vector.shape_cast %swap3A_820 : vector<1x64x128xf32> to vector<64x128xf32>
      %swap3A_822 = vector.shape_cast %select_n3A_816 : vector<64x128xf32> to vector<1x64x128xf32>
      tpu.vector_store %arg4[%swap3A_817, %swap3A_818, %swap3A_819], %swap3A_822 {strides = array<i32>} : memref<8x640x128xf32, #tpu.memory_space<vmem>>, vector<1x64x128xf32>,
      %select_n3A_823 = arith.select %gt3A_815, %select_n3A_804, %get3A_814 : vector<64x128xi1>, vector<64x128xi32>
      %swap3A_824 = arith.constant 2 : index
      %swap3A_825 = arith.index_cast %multiple_of3A : i32 to index
      %swap3A_826 = arith.constant 0 : index
      %swap3A_827 = vector.load %arg5[%swap3A_824, %swap3A_825, %swap3A_826] : memref<8x640x128xi32, #tpu.memory_space<vmem>>, vector<1x64x128xi32>
      %swap3A_828 = vector.shape_cast %swap3A_827 : vector<1x64x128xi32> to vector<64x128xi32>
      %swap3A_829 = vector.shape_cast %select_n3A_823 : vector<64x128xi32> to vector<1x64x128xi32>
      tpu.vector_store %arg5[%swap3A_824, %swap3A_825, %swap3A_826], %swap3A_829 {strides = array<i32>} : memref<8x640x128xi32, #tpu.memory_space<vmem>>, vector<1x64x128xi32>,
      %select_n3A_830 = arith.select %gt3A_815, %get3A_809, %select_n3A_803 : vector<64x128xi1>, vector<64x128xf32>
      %select_n3A_831 = arith.select %gt3A_815, %get3A_814, %select_n3A_804 : vector<64x128xi1>, vector<64x128xi32>
      %get3A_832 = arith.constant 3 : index
      %get3A_833 = arith.index_cast %multiple_of3A : i32 to index
      %get3A_834 = arith.constant 0 : index
      %get3A_835 = vector.load %arg4[%get3A_832, %get3A_833, %get3A_834] : memref<8x640x128xf32, #tpu.memory_space<vmem>>, vector<1x64x128xf32>
      %get3A_836 = vector.shape_cast %get3A_835 : vector<1x64x128xf32> to vector<64x128xf32>
      %get3A_837 = arith.constant 3 : index
      %get3A_838 = arith.index_cast %multiple_of3A : i32 to index
      %get3A_839 = arith.constant 0 : index
      %get3A_840 = vector.load %arg5[%get3A_837, %get3A_838, %get3A_839] : memref<8x640x128xi32, #tpu.memory_space<vmem>>, vector<1x64x128xi32>
      %get3A_841 = vector.shape_cast %get3A_840 : vector<1x64x128xi32> to vector<64x128xi32>
      %gt3A_842 = arith.cmpf ogt, %select_n3A_830, %get3A_836 : vector<64x128xf32>
      %select_n3A_843 = arith.select %gt3A_842, %select_n3A_830, %get3A_836 : vector<64x128xi1>, vector<64x128xf32>
      %swap3A_844 = arith.constant 3 : index
      %swap3A_845 = arith.index_cast %multiple_of3A : i32 to index
      %swap3A_846 = arith.constant 0 : index
      %swap3A_847 = vector.load %arg4[%swap3A_844, %swap3A_845, %swap3A_846] : memref<8x640x128xf32, #tpu.memory_space<vmem>>, vector<1x64x128xf32>
      %swap3A_848 = vector.shape_cast %swap3A_847 : vector<1x64x128xf32> to vector<64x128xf32>
      %swap3A_849 = vector.shape_cast %select_n3A_843 : vector<64x128xf32> to vector<1x64x128xf32>
      tpu.vector_store %arg4[%swap3A_844, %swap3A_845, %swap3A_846], %swap3A_849 {strides = array<i32>} : memref<8x640x128xf32, #tpu.memory_space<vmem>>, vector<1x64x128xf32>,
      %select_n3A_850 = arith.select %gt3A_842, %select_n3A_831, %get3A_841 : vector<64x128xi1>, vector<64x128xi32>
      %swap3A_851 = arith.constant 3 : index
      %swap3A_852 = arith.index_cast %multiple_of3A : i32 to index
      %swap3A_853 = arith.constant 0 : index
      %swap3A_854 = vector.load %arg5[%swap3A_851, %swap3A_852, %swap3A_853] : memref<8x640x128xi32, #tpu.memory_space<vmem>>, vector<1x64x128xi32>
      %swap3A_855 = vector.shape_cast %swap3A_854 : vector<1x64x128xi32> to vector<64x128xi32>
      %swap3A_856 = vector.shape_cast %select_n3A_850 : vector<64x128xi32> to vector<1x64x128xi32>
      tpu.vector_store %arg5[%swap3A_851, %swap3A_852, %swap3A_853], %swap3A_856 {strides = array<i32>} : memref<8x640x128xi32, #tpu.memory_space<vmem>>, vector<1x64x128xi32>,
      %select_n3A_857 = arith.select %gt3A_842, %get3A_836, %select_n3A_830 : vector<64x128xi1>, vector<64x128xf32>
      %select_n3A_858 = arith.select %gt3A_842, %get3A_841, %select_n3A_831 : vector<64x128xi1>, vector<64x128xi32>
      %get3A_859 = arith.constant 4 : index
      %get3A_860 = arith.index_cast %multiple_of3A : i32 to index
      %get3A_861 = arith.constant 0 : index
      %get3A_862 = vector.load %arg4[%get3A_859, %get3A_860, %get3A_861] : memref<8x640x128xf32, #tpu.memory_space<vmem>>, vector<1x64x128xf32>
      %get3A_863 = vector.shape_cast %get3A_862 : vector<1x64x128xf32> to vector<64x128xf32>
      %get3A_864 = arith.constant 4 : index
      %get3A_865 = arith.index_cast %multiple_of3A : i32 to index
      %get3A_866 = arith.constant 0 : index
      %get3A_867 = vector.load %arg5[%get3A_864, %get3A_865, %get3A_866] : memref<8x640x128xi32, #tpu.memory_space<vmem>>, vector<1x64x128xi32>
      %get3A_868 = vector.shape_cast %get3A_867 : vector<1x64x128xi32> to vector<64x128xi32>
      %gt3A_869 = arith.cmpf ogt, %select_n3A_857, %get3A_863 : vector<64x128xf32>
      %select_n3A_870 = arith.select %gt3A_869, %select_n3A_857, %get3A_863 : vector<64x128xi1>, vector<64x128xf32>
      %swap3A_871 = arith.constant 4 : index
      %swap3A_872 = arith.index_cast %multiple_of3A : i32 to index
      %swap3A_873 = arith.constant 0 : index
      %swap3A_874 = vector.load %arg4[%swap3A_871, %swap3A_872, %swap3A_873] : memref<8x640x128xf32, #tpu.memory_space<vmem>>, vector<1x64x128xf32>
      %swap3A_875 = vector.shape_cast %swap3A_874 : vector<1x64x128xf32> to vector<64x128xf32>
      %swap3A_876 = vector.shape_cast %select_n3A_870 : vector<64x128xf32> to vector<1x64x128xf32>
      tpu.vector_store %arg4[%swap3A_871, %swap3A_872, %swap3A_873], %swap3A_876 {strides = array<i32>} : memref<8x640x128xf32, #tpu.memory_space<vmem>>, vector<1x64x128xf32>,
      %select_n3A_877 = arith.select %gt3A_869, %select_n3A_858, %get3A_868 : vector<64x128xi1>, vector<64x128xi32>
      %swap3A_878 = arith.constant 4 : index
      %swap3A_879 = arith.index_cast %multiple_of3A : i32 to index
      %swap3A_880 = arith.constant 0 : index
      %swap3A_881 = vector.load %arg5[%swap3A_878, %swap3A_879, %swap3A_880] : memref<8x640x128xi32, #tpu.memory_space<vmem>>, vector<1x64x128xi32>
      %swap3A_882 = vector.shape_cast %swap3A_881 : vector<1x64x128xi32> to vector<64x128xi32>
      %swap3A_883 = vector.shape_cast %select_n3A_877 : vector<64x128xi32> to vector<1x64x128xi32>
      tpu.vector_store %arg5[%swap3A_878, %swap3A_879, %swap3A_880], %swap3A_883 {strides = array<i32>} : memref<8x640x128xi32, #tpu.memory_space<vmem>>, vector<1x64x128xi32>,
      %select_n3A_884 = arith.select %gt3A_869, %get3A_863, %select_n3A_857 : vector<64x128xi1>, vector<64x128xf32>
      %select_n3A_885 = arith.select %gt3A_869, %get3A_868, %select_n3A_858 : vector<64x128xi1>, vector<64x128xi32>
      %get3A_886 = arith.constant 5 : index
      %get3A_887 = arith.index_cast %multiple_of3A : i32 to index
      %get3A_888 = arith.constant 0 : index
      %get3A_889 = vector.load %arg4[%get3A_886, %get3A_887, %get3A_888] : memref<8x640x128xf32, #tpu.memory_space<vmem>>, vector<1x64x128xf32>
      %get3A_890 = vector.shape_cast %get3A_889 : vector<1x64x128xf32> to vector<64x128xf32>
      %get3A_891 = arith.constant 5 : index
      %get3A_892 = arith.index_cast %multiple_of3A : i32 to index
      %get3A_893 = arith.constant 0 : index
      %get3A_894 = vector.load %arg5[%get3A_891, %get3A_892, %get3A_893] : memref<8x640x128xi32, #tpu.memory_space<vmem>>, vector<1x64x128xi32>
      %get3A_895 = vector.shape_cast %get3A_894 : vector<1x64x128xi32> to vector<64x128xi32>
      %gt3A_896 = arith.cmpf ogt, %select_n3A_884, %get3A_890 : vector<64x128xf32>
      %select_n3A_897 = arith.select %gt3A_896, %select_n3A_884, %get3A_890 : vector<64x128xi1>, vector<64x128xf32>
      %swap3A_898 = arith.constant 5 : index
      %swap3A_899 = arith.index_cast %multiple_of3A : i32 to index
      %swap3A_900 = arith.constant 0 : index
      %swap3A_901 = vector.load %arg4[%swap3A_898, %swap3A_899, %swap3A_900] : memref<8x640x128xf32, #tpu.memory_space<vmem>>, vector<1x64x128xf32>
      %swap3A_902 = vector.shape_cast %swap3A_901 : vector<1x64x128xf32> to vector<64x128xf32>
      %swap3A_903 = vector.shape_cast %select_n3A_897 : vector<64x128xf32> to vector<1x64x128xf32>
      tpu.vector_store %arg4[%swap3A_898, %swap3A_899, %swap3A_900], %swap3A_903 {strides = array<i32>} : memref<8x640x128xf32, #tpu.memory_space<vmem>>, vector<1x64x128xf32>,
      %select_n3A_904 = arith.select %gt3A_896, %select_n3A_885, %get3A_895 : vector<64x128xi1>, vector<64x128xi32>
      %swap3A_905 = arith.constant 5 : index
      %swap3A_906 = arith.index_cast %multiple_of3A : i32 to index
      %swap3A_907 = arith.constant 0 : index
      %swap3A_908 = vector.load %arg5[%swap3A_905, %swap3A_906, %swap3A_907] : memref<8x640x128xi32, #tpu.memory_space<vmem>>, vector<1x64x128xi32>
      %swap3A_909 = vector.shape_cast %swap3A_908 : vector<1x64x128xi32> to vector<64x128xi32>
      %swap3A_910 = vector.shape_cast %select_n3A_904 : vector<64x128xi32> to vector<1x64x128xi32>
      tpu.vector_store %arg5[%swap3A_905, %swap3A_906, %swap3A_907], %swap3A_910 {strides = array<i32>} : memref<8x640x128xi32, #tpu.memory_space<vmem>>, vector<1x64x128xi32>,
      %select_n3A_911 = arith.select %gt3A_896, %get3A_890, %select_n3A_884 : vector<64x128xi1>, vector<64x128xf32>
      %select_n3A_912 = arith.select %gt3A_896, %get3A_895, %select_n3A_885 : vector<64x128xi1>, vector<64x128xi32>
      %get3A_913 = arith.constant 6 : index
      %get3A_914 = arith.index_cast %multiple_of3A : i32 to index
      %get3A_915 = arith.constant 0 : index
      %get3A_916 = vector.load %arg4[%get3A_913, %get3A_914, %get3A_915] : memref<8x640x128xf32, #tpu.memory_space<vmem>>, vector<1x64x128xf32>
      %get3A_917 = vector.shape_cast %get3A_916 : vector<1x64x128xf32> to vector<64x128xf32>
      %get3A_918 = arith.constant 6 : index
      %get3A_919 = arith.index_cast %multiple_of3A : i32 to index
      %get3A_920 = arith.constant 0 : index
      %get3A_921 = vector.load %arg5[%get3A_918, %get3A_919, %get3A_920] : memref<8x640x128xi32, #tpu.memory_space<vmem>>, vector<1x64x128xi32>
      %get3A_922 = vector.shape_cast %get3A_921 : vector<1x64x128xi32> to vector<64x128xi32>
      %gt3A_923 = arith.cmpf ogt, %select_n3A_911, %get3A_917 : vector<64x128xf32>
      %select_n3A_924 = arith.select %gt3A_923, %select_n3A_911, %get3A_917 : vector<64x128xi1>, vector<64x128xf32>
      %swap3A_925 = arith.constant 6 : index
      %swap3A_926 = arith.index_cast %multiple_of3A : i32 to index
      %swap3A_927 = arith.constant 0 : index
      %swap3A_928 = vector.load %arg4[%swap3A_925, %swap3A_926, %swap3A_927] : memref<8x640x128xf32, #tpu.memory_space<vmem>>, vector<1x64x128xf32>
      %swap3A_929 = vector.shape_cast %swap3A_928 : vector<1x64x128xf32> to vector<64x128xf32>
      %swap3A_930 = vector.shape_cast %select_n3A_924 : vector<64x128xf32> to vector<1x64x128xf32>
      tpu.vector_store %arg4[%swap3A_925, %swap3A_926, %swap3A_927], %swap3A_930 {strides = array<i32>} : memref<8x640x128xf32, #tpu.memory_space<vmem>>, vector<1x64x128xf32>,
      %select_n3A_931 = arith.select %gt3A_923, %select_n3A_912, %get3A_922 : vector<64x128xi1>, vector<64x128xi32>
      %swap3A_932 = arith.constant 6 : index
      %swap3A_933 = arith.index_cast %multiple_of3A : i32 to index
      %swap3A_934 = arith.constant 0 : index
      %swap3A_935 = vector.load %arg5[%swap3A_932, %swap3A_933, %swap3A_934] : memref<8x640x128xi32, #tpu.memory_space<vmem>>, vector<1x64x128xi32>
      %swap3A_936 = vector.shape_cast %swap3A_935 : vector<1x64x128xi32> to vector<64x128xi32>
      %swap3A_937 = vector.shape_cast %select_n3A_931 : vector<64x128xi32> to vector<1x64x128xi32>
      tpu.vector_store %arg5[%swap3A_932, %swap3A_933, %swap3A_934], %swap3A_937 {strides = array<i32>} : memref<8x640x128xi32, #tpu.memory_space<vmem>>, vector<1x64x128xi32>,
      %select_n3A_938 = arith.select %gt3A_923, %get3A_917, %select_n3A_911 : vector<64x128xi1>, vector<64x128xf32>
      %select_n3A_939 = arith.select %gt3A_923, %get3A_922, %select_n3A_912 : vector<64x128xi1>, vector<64x128xi32>
      %get3A_940 = arith.constant 7 : index
      %get3A_941 = arith.index_cast %multiple_of3A : i32 to index
      %get3A_942 = arith.constant 0 : index
      %get3A_943 = vector.load %arg4[%get3A_940, %get3A_941, %get3A_942] : memref<8x640x128xf32, #tpu.memory_space<vmem>>, vector<1x64x128xf32>
      %get3A_944 = vector.shape_cast %get3A_943 : vector<1x64x128xf32> to vector<64x128xf32>
      %get3A_945 = arith.constant 7 : index
      %get3A_946 = arith.index_cast %multiple_of3A : i32 to index
      %get3A_947 = arith.constant 0 : index
      %get3A_948 = vector.load %arg5[%get3A_945, %get3A_946, %get3A_947] : memref<8x640x128xi32, #tpu.memory_space<vmem>>, vector<1x64x128xi32>
      %get3A_949 = vector.shape_cast %get3A_948 : vector<1x64x128xi32> to vector<64x128xi32>
      %gt3A_950 = arith.cmpf ogt, %select_n3A_938, %get3A_944 : vector<64x128xf32>
      %select_n3A_951 = arith.select %gt3A_950, %select_n3A_938, %get3A_944 : vector<64x128xi1>, vector<64x128xf32>
      %swap3A_952 = arith.constant 7 : index
      %swap3A_953 = arith.index_cast %multiple_of3A : i32 to index
      %swap3A_954 = arith.constant 0 : index
      %swap3A_955 = vector.load %arg4[%swap3A_952, %swap3A_953, %swap3A_954] : memref<8x640x128xf32, #tpu.memory_space<vmem>>, vector<1x64x128xf32>
      %swap3A_956 = vector.shape_cast %swap3A_955 : vector<1x64x128xf32> to vector<64x128xf32>
      %swap3A_957 = vector.shape_cast %select_n3A_951 : vector<64x128xf32> to vector<1x64x128xf32>
      tpu.vector_store %arg4[%swap3A_952, %swap3A_953, %swap3A_954], %swap3A_957 {strides = array<i32>} : memref<8x640x128xf32, #tpu.memory_space<vmem>>, vector<1x64x128xf32>,
      %select_n3A_958 = arith.select %gt3A_950, %select_n3A_939, %get3A_949 : vector<64x128xi1>, vector<64x128xi32>
      %swap3A_959 = arith.constant 7 : index
      %swap3A_960 = arith.index_cast %multiple_of3A : i32 to index
      %swap3A_961 = arith.constant 0 : index
      %swap3A_962 = vector.load %arg5[%swap3A_959, %swap3A_960, %swap3A_961] : memref<8x640x128xi32, #tpu.memory_space<vmem>>, vector<1x64x128xi32>
      %swap3A_963 = vector.shape_cast %swap3A_962 : vector<1x64x128xi32> to vector<64x128xi32>
      %swap3A_964 = vector.shape_cast %select_n3A_958 : vector<64x128xi32> to vector<1x64x128xi32>
      tpu.vector_store %arg5[%swap3A_959, %swap3A_960, %swap3A_961], %swap3A_964 {strides = array<i32>} : memref<8x640x128xi32, #tpu.memory_space<vmem>>, vector<1x64x128xi32>,
    }
    %scan3A_14 = arith.constant 10 : i32
    %eq3A_15 = arith.constant 24 : i32
    %eq3A_16 = arith.cmpi eq, %arg0, %eq3A_15 : i32
    %convert_element_type3A_17 = arith.extui %eq3A_16 : i1 to i32
    %cond3A_18 = arith.constant 0 : i32
    %cond3A_19 = arith.cmpi ne, %convert_element_type3A_17, %cond3A_18 : i32
    scf.if %cond3A_19 {
      %get3A_20 = arith.constant 0 : index
      %get3A_21 = arith.constant 0 : index
      %get3A_22 = arith.constant 0 : index
      %get3A_23 = vector.load %arg4[%get3A_20, %get3A_21, %get3A_22] : memref<8x640x128xf32, #tpu.memory_space<vmem>>, vector<1x640x128xf32>
      %get3A_24 = vector.shape_cast %get3A_23 : vector<1x640x128xf32> to vector<640x128xf32>
      %get3A_25 = arith.constant 1 : index
      %get3A_26 = arith.constant 0 : index
      %get3A_27 = arith.constant 0 : index
      %get3A_28 = vector.load %arg4[%get3A_25, %get3A_26, %get3A_27] : memref<8x640x128xf32, #tpu.memory_space<vmem>>, vector<1x640x128xf32>
      %get3A_29 = vector.shape_cast %get3A_28 : vector<1x640x128xf32> to vector<640x128xf32>
      %get3A_30 = arith.constant 2 : index
      %get3A_31 = arith.constant 0 : index
      %get3A_32 = arith.constant 0 : index
      %get3A_33 = vector.load %arg4[%get3A_30, %get3A_31, %get3A_32] : memref<8x640x128xf32, #tpu.memory_space<vmem>>, vector<1x640x128xf32>
      %get3A_34 = vector.shape_cast %get3A_33 : vector<1x640x128xf32> to vector<640x128xf32>
      %get3A_35 = arith.constant 3 : index
      %get3A_36 = arith.constant 0 : index
      %get3A_37 = arith.constant 0 : index
      %get3A_38 = vector.load %arg4[%get3A_35, %get3A_36, %get3A_37] : memref<8x640x128xf32, #tpu.memory_space<vmem>>, vector<1x640x128xf32>
      %get3A_39 = vector.shape_cast %get3A_38 : vector<1x640x128xf32> to vector<640x128xf32>
      %get3A_40 = arith.constant 4 : index
      %get3A_41 = arith.constant 0 : index
      %get3A_42 = arith.constant 0 : index
      %get3A_43 = vector.load %arg4[%get3A_40, %get3A_41, %get3A_42] : memref<8x640x128xf32, #tpu.memory_space<vmem>>, vector<1x640x128xf32>
      %get3A_44 = vector.shape_cast %get3A_43 : vector<1x640x128xf32> to vector<640x128xf32>
      %get3A_45 = arith.constant 5 : index
      %get3A_46 = arith.constant 0 : index
      %get3A_47 = arith.constant 0 : index
      %get3A_48 = vector.load %arg4[%get3A_45, %get3A_46, %get3A_47] : memref<8x640x128xf32, #tpu.memory_space<vmem>>, vector<1x640x128xf32>
      %get3A_49 = vector.shape_cast %get3A_48 : vector<1x640x128xf32> to vector<640x128xf32>
      %get3A_50 = arith.constant 6 : index
      %get3A_51 = arith.constant 0 : index
      %get3A_52 = arith.constant 0 : index
      %get3A_53 = vector.load %arg4[%get3A_50, %get3A_51, %get3A_52] : memref<8x640x128xf32, #tpu.memory_space<vmem>>, vector<1x640x128xf32>
      %get3A_54 = vector.shape_cast %get3A_53 : vector<1x640x128xf32> to vector<640x128xf32>
      %get3A_55 = arith.constant 7 : index
      %get3A_56 = arith.constant 0 : index
      %get3A_57 = arith.constant 0 : index
      %get3A_58 = vector.load %arg4[%get3A_55, %get3A_56, %get3A_57] : memref<8x640x128xf32, #tpu.memory_space<vmem>>, vector<1x640x128xf32>
      %get3A_59 = vector.shape_cast %get3A_58 : vector<1x640x128xf32> to vector<640x128xf32>
      %concatenate3A = tpu.concatenate %get3A_24, %get3A_29, %get3A_34, %get3A_39, %get3A_44, %get3A_49, %get3A_54, %get3A_59 in 1 : vector<640x128xf32>, vector<640x128xf32>, vector<640x128xf32>, vector<640x128xf32>, vector<640x128xf32>, vector<640x128xf32>, vector<640x128xf32>, vector<640x128xf32> -> vector<640x1024xf32>
      %get3A_60 = arith.constant 0 : index
      %get3A_61 = arith.constant 0 : index
      %get3A_62 = arith.constant 0 : index
      %get3A_63 = vector.load %arg5[%get3A_60, %get3A_61, %get3A_62] : memref<8x640x128xi32, #tpu.memory_space<vmem>>, vector<1x640x128xi32>
      %get3A_64 = vector.shape_cast %get3A_63 : vector<1x640x128xi32> to vector<640x128xi32>
      %get3A_65 = arith.constant 1 : index
      %get3A_66 = arith.constant 0 : index
      %get3A_67 = arith.constant 0 : index
      %get3A_68 = vector.load %arg5[%get3A_65, %get3A_66, %get3A_67] : memref<8x640x128xi32, #tpu.memory_space<vmem>>, vector<1x640x128xi32>
      %get3A_69 = vector.shape_cast %get3A_68 : vector<1x640x128xi32> to vector<640x128xi32>
      %get3A_70 = arith.constant 2 : index
      %get3A_71 = arith.constant 0 : index
      %get3A_72 = arith.constant 0 : index
      %get3A_73 = vector.load %arg5[%get3A_70, %get3A_71, %get3A_72] : memref<8x640x128xi32, #tpu.memory_space<vmem>>, vector<1x640x128xi32>
      %get3A_74 = vector.shape_cast %get3A_73 : vector<1x640x128xi32> to vector<640x128xi32>
      %get3A_75 = arith.constant 3 : index
      %get3A_76 = arith.constant 0 : index
      %get3A_77 = arith.constant 0 : index
      %get3A_78 = vector.load %arg5[%get3A_75, %get3A_76, %get3A_77] : memref<8x640x128xi32, #tpu.memory_space<vmem>>, vector<1x640x128xi32>
      %get3A_79 = vector.shape_cast %get3A_78 : vector<1x640x128xi32> to vector<640x128xi32>
      %get3A_80 = arith.constant 4 : index
      %get3A_81 = arith.constant 0 : index
      %get3A_82 = arith.constant 0 : index
      %get3A_83 = vector.load %arg5[%get3A_80, %get3A_81, %get3A_82] : memref<8x640x128xi32, #tpu.memory_space<vmem>>, vector<1x640x128xi32>
      %get3A_84 = vector.shape_cast %get3A_83 : vector<1x640x128xi32> to vector<640x128xi32>
      %get3A_85 = arith.constant 5 : index
      %get3A_86 = arith.constant 0 : index
      %get3A_87 = arith.constant 0 : index
      %get3A_88 = vector.load %arg5[%get3A_85, %get3A_86, %get3A_87] : memref<8x640x128xi32, #tpu.memory_space<vmem>>, vector<1x640x128xi32>
      %get3A_89 = vector.shape_cast %get3A_88 : vector<1x640x128xi32> to vector<640x128xi32>
      %get3A_90 = arith.constant 6 : index
      %get3A_91 = arith.constant 0 : index
      %get3A_92 = arith.constant 0 : index
      %get3A_93 = vector.load %arg5[%get3A_90, %get3A_91, %get3A_92] : memref<8x640x128xi32, #tpu.memory_space<vmem>>, vector<1x640x128xi32>
      %get3A_94 = vector.shape_cast %get3A_93 : vector<1x640x128xi32> to vector<640x128xi32>
      %get3A_95 = arith.constant 7 : index
      %get3A_96 = arith.constant 0 : index
      %get3A_97 = arith.constant 0 : index
      %get3A_98 = vector.load %arg5[%get3A_95, %get3A_96, %get3A_97] : memref<8x640x128xi32, #tpu.memory_space<vmem>>, vector<1x640x128xi32>
      %get3A_99 = vector.shape_cast %get3A_98 : vector<1x640x128xi32> to vector<640x128xi32>
      %concatenate3A_100 = tpu.concatenate %get3A_64, %get3A_69, %get3A_74, %get3A_79, %get3A_84, %get3A_89, %get3A_94, %get3A_99 in 1 : vector<640x128xi32>, vector<640x128xi32>, vector<640x128xi32>, vector<640x128xi32>, vector<640x128xi32>, vector<640x128xi32>, vector<640x128xi32>, vector<640x128xi32> -> vector<640x1024xi32>
      %broadcast_in_dim3A = arith.constant 0 : i32
      %broadcast_in_dim3A_101 = vector.broadcast %broadcast_in_dim3A : i32 to vector<640x128xi32>
      %iota3A_102 = tpu.iota {dimensions = array<i32: 1>} : vector<640x128xi32>
      %reduce_max3A = arith.constant dense<0xFF800000> : vector<640xf32>
      %reduce_max3A_103 = vector.multi_reduction <maximumf>, %concatenate3A, %reduce_max3A [1] : vector<640x1024xf32> to vector<640xf32>
      %broadcast_in_dim3A_104 = vector.shape_cast %reduce_max3A_103 : vector<640xf32> to vector<640x1xf32>
      %eq3A_105 = vector.broadcast %broadcast_in_dim3A_104 : vector<640x1xf32> to vector<640x1024xf32>
      %eq3A_106 = arith.cmpf oeq, %concatenate3A, %eq3A_105 : vector<640x1024xf32>
      %jit3A = arith.constant 2147483647 : i32
      %broadcast_in_dim3A_107 = vector.broadcast %jit3A : i32 to vector<640x1024xi32>
      %select_n3A = arith.select %eq3A_106, %concatenate3A_100, %broadcast_in_dim3A_107 : vector<640x1024xi1>, vector<640x1024xi32>
      %reduce_min3A = arith.constant dense<2147483647> : vector<640xi32>
      %reduce_min3A_108 = vector.multi_reduction <minsi>, %select_n3A, %reduce_min3A [1] : vector<640x1024xi32> to vector<640xi32>
      %broadcast_in_dim3A_109 = vector.shape_cast %reduce_min3A_108 : vector<640xi32> to vector<640x1xi32>
      %eq3A_110 = arith.constant 0 : i32
      %eq3A_111 = vector.broadcast %eq3A_110 : i32 to vector<640x128xi32>
      %eq3A_112 = arith.cmpi eq, %iota3A_102, %eq3A_111 : vector<640x128xi32>
      %broadcast_in_dim3A_113 = vector.shape_cast %broadcast_in_dim3A_109 : vector<640x1xi32> to vector<640x1xi32>
      %broadcast_in_dim3A_114 = vector.broadcast %broadcast_in_dim3A_113 : vector<640x1xi32> to vector<640x128xi32>
      %select_n3A_115 = arith.select %eq3A_112, %broadcast_in_dim3A_114, %broadcast_in_dim3A_101 : vector<640x128xi1>, vector<640x128xi32>
      %eq3A_116 = vector.broadcast %broadcast_in_dim3A_109 : vector<640x1xi32> to vector<640x1024xi32>
      %eq3A_117 = arith.cmpi eq, %concatenate3A_100, %eq3A_116 : vector<640x1024xi32>
      %jit3A_118 = arith.constant 0xFF800000 : f32
      %broadcast_in_dim3A_119 = vector.broadcast %jit3A_118 : f32 to vector<640x1024xf32>
      %select_n3A_120 = arith.select %eq3A_117, %broadcast_in_dim3A_119, %concatenate3A : vector<640x1024xi1>, vector<640x1024xf32>
      %reduce_max3A_121 = arith.constant dense<0xFF800000> : vector<640xf32>
      %reduce_max3A_122 = vector.multi_reduction <maximumf>, %select_n3A_120, %reduce_max3A_121 [1] : vector<640x1024xf32> to vector<640xf32>
      %broadcast_in_dim3A_123 = vector.shape_cast %reduce_max3A_122 : vector<640xf32> to vector<640x1xf32>
      %eq3A_124 = vector.broadcast %broadcast_in_dim3A_123 : vector<640x1xf32> to vector<640x1024xf32>
      %eq3A_125 = arith.cmpf oeq, %select_n3A_120, %eq3A_124 : vector<640x1024xf32>
      %jit3A_126 = arith.constant 2147483647 : i32
      %broadcast_in_dim3A_127 = vector.broadcast %jit3A_126 : i32 to vector<640x1024xi32>
      %select_n3A_128 = arith.select %eq3A_125, %concatenate3A_100, %broadcast_in_dim3A_127 : vector<640x1024xi1>, vector<640x1024xi32>
      %reduce_min3A_129 = arith.constant dense<2147483647> : vector<640xi32>
      %reduce_min3A_130 = vector.multi_reduction <minsi>, %select_n3A_128, %reduce_min3A_129 [1] : vector<640x1024xi32> to vector<640xi32>
      %broadcast_in_dim3A_131 = vector.shape_cast %reduce_min3A_130 : vector<640xi32> to vector<640x1xi32>
      %eq3A_132 = arith.constant 1 : i32
      %eq3A_133 = vector.broadcast %eq3A_132 : i32 to vector<640x128xi32>
      %eq3A_134 = arith.cmpi eq, %iota3A_102, %eq3A_133 : vector<640x128xi32>
      %broadcast_in_dim3A_135 = vector.shape_cast %broadcast_in_dim3A_131 : vector<640x1xi32> to vector<640x1xi32>
      %broadcast_in_dim3A_136 = vector.broadcast %broadcast_in_dim3A_135 : vector<640x1xi32> to vector<640x128xi32>
      %select_n3A_137 = arith.select %eq3A_134, %broadcast_in_dim3A_136, %select_n3A_115 : vector<640x128xi1>, vector<640x128xi32>
      %eq3A_138 = vector.broadcast %broadcast_in_dim3A_131 : vector<640x1xi32> to vector<640x1024xi32>
      %eq3A_139 = arith.cmpi eq, %concatenate3A_100, %eq3A_138 : vector<640x1024xi32>
      %jit3A_140 = arith.constant 0xFF800000 : f32
      %broadcast_in_dim3A_141 = vector.broadcast %jit3A_140 : f32 to vector<640x1024xf32>
      %select_n3A_142 = arith.select %eq3A_139, %broadcast_in_dim3A_141, %select_n3A_120 : vector<640x1024xi1>, vector<640x1024xf32>
      %reduce_max3A_143 = arith.constant dense<0xFF800000> : vector<640xf32>
      %reduce_max3A_144 = vector.multi_reduction <maximumf>, %select_n3A_142, %reduce_max3A_143 [1] : vector<640x1024xf32> to vector<640xf32>
      %broadcast_in_dim3A_145 = vector.shape_cast %reduce_max3A_144 : vector<640xf32> to vector<640x1xf32>
      %eq3A_146 = vector.broadcast %broadcast_in_dim3A_145 : vector<640x1xf32> to vector<640x1024xf32>
      %eq3A_147 = arith.cmpf oeq, %select_n3A_142, %eq3A_146 : vector<640x1024xf32>
      %jit3A_148 = arith.constant 2147483647 : i32
      %broadcast_in_dim3A_149 = vector.broadcast %jit3A_148 : i32 to vector<640x1024xi32>
      %select_n3A_150 = arith.select %eq3A_147, %concatenate3A_100, %broadcast_in_dim3A_149 : vector<640x1024xi1>, vector<640x1024xi32>
      %reduce_min3A_151 = arith.constant dense<2147483647> : vector<640xi32>
      %reduce_min3A_152 = vector.multi_reduction <minsi>, %select_n3A_150, %reduce_min3A_151 [1] : vector<640x1024xi32> to vector<640xi32>
      %broadcast_in_dim3A_153 = vector.shape_cast %reduce_min3A_152 : vector<640xi32> to vector<640x1xi32>
      %eq3A_154 = arith.constant 2 : i32
      %eq3A_155 = vector.broadcast %eq3A_154 : i32 to vector<640x128xi32>
      %eq3A_156 = arith.cmpi eq, %iota3A_102, %eq3A_155 : vector<640x128xi32>
      %broadcast_in_dim3A_157 = vector.shape_cast %broadcast_in_dim3A_153 : vector<640x1xi32> to vector<640x1xi32>
      %broadcast_in_dim3A_158 = vector.broadcast %broadcast_in_dim3A_157 : vector<640x1xi32> to vector<640x128xi32>
      %select_n3A_159 = arith.select %eq3A_156, %broadcast_in_dim3A_158, %select_n3A_137 : vector<640x128xi1>, vector<640x128xi32>
      %eq3A_160 = vector.broadcast %broadcast_in_dim3A_153 : vector<640x1xi32> to vector<640x1024xi32>
      %eq3A_161 = arith.cmpi eq, %concatenate3A_100, %eq3A_160 : vector<640x1024xi32>
      %jit3A_162 = arith.constant 0xFF800000 : f32
      %broadcast_in_dim3A_163 = vector.broadcast %jit3A_162 : f32 to vector<640x1024xf32>
      %select_n3A_164 = arith.select %eq3A_161, %broadcast_in_dim3A_163, %select_n3A_142 : vector<640x1024xi1>, vector<640x1024xf32>
      %reduce_max3A_165 = arith.constant dense<0xFF800000> : vector<640xf32>
      %reduce_max3A_166 = vector.multi_reduction <maximumf>, %select_n3A_164, %reduce_max3A_165 [1] : vector<640x1024xf32> to vector<640xf32>
      %broadcast_in_dim3A_167 = vector.shape_cast %reduce_max3A_166 : vector<640xf32> to vector<640x1xf32>
      %eq3A_168 = vector.broadcast %broadcast_in_dim3A_167 : vector<640x1xf32> to vector<640x1024xf32>
      %eq3A_169 = arith.cmpf oeq, %select_n3A_164, %eq3A_168 : vector<640x1024xf32>
      %jit3A_170 = arith.constant 2147483647 : i32
      %broadcast_in_dim3A_171 = vector.broadcast %jit3A_170 : i32 to vector<640x1024xi32>
      %select_n3A_172 = arith.select %eq3A_169, %concatenate3A_100, %broadcast_in_dim3A_171 : vector<640x1024xi1>, vector<640x1024xi32>
      %reduce_min3A_173 = arith.constant dense<2147483647> : vector<640xi32>
      %reduce_min3A_174 = vector.multi_reduction <minsi>, %select_n3A_172, %reduce_min3A_173 [1] : vector<640x1024xi32> to vector<640xi32>
      %broadcast_in_dim3A_175 = vector.shape_cast %reduce_min3A_174 : vector<640xi32> to vector<640x1xi32>
      %eq3A_176 = arith.constant 3 : i32
      %eq3A_177 = vector.broadcast %eq3A_176 : i32 to vector<640x128xi32>
      %eq3A_178 = arith.cmpi eq, %iota3A_102, %eq3A_177 : vector<640x128xi32>
      %broadcast_in_dim3A_179 = vector.shape_cast %broadcast_in_dim3A_175 : vector<640x1xi32> to vector<640x1xi32>
      %broadcast_in_dim3A_180 = vector.broadcast %broadcast_in_dim3A_179 : vector<640x1xi32> to vector<640x128xi32>
      %select_n3A_181 = arith.select %eq3A_178, %broadcast_in_dim3A_180, %select_n3A_159 : vector<640x128xi1>, vector<640x128xi32>
      %eq3A_182 = vector.broadcast %broadcast_in_dim3A_175 : vector<640x1xi32> to vector<640x1024xi32>
      %eq3A_183 = arith.cmpi eq, %concatenate3A_100, %eq3A_182 : vector<640x1024xi32>
      %jit3A_184 = arith.constant 0xFF800000 : f32
      %broadcast_in_dim3A_185 = vector.broadcast %jit3A_184 : f32 to vector<640x1024xf32>
      %select_n3A_186 = arith.select %eq3A_183, %broadcast_in_dim3A_185, %select_n3A_164 : vector<640x1024xi1>, vector<640x1024xf32>
      %reduce_max3A_187 = arith.constant dense<0xFF800000> : vector<640xf32>
      %reduce_max3A_188 = vector.multi_reduction <maximumf>, %select_n3A_186, %reduce_max3A_187 [1] : vector<640x1024xf32> to vector<640xf32>
      %broadcast_in_dim3A_189 = vector.shape_cast %reduce_max3A_188 : vector<640xf32> to vector<640x1xf32>
      %eq3A_190 = vector.broadcast %broadcast_in_dim3A_189 : vector<640x1xf32> to vector<640x1024xf32>
      %eq3A_191 = arith.cmpf oeq, %select_n3A_186, %eq3A_190 : vector<640x1024xf32>
      %jit3A_192 = arith.constant 2147483647 : i32
      %broadcast_in_dim3A_193 = vector.broadcast %jit3A_192 : i32 to vector<640x1024xi32>
      %select_n3A_194 = arith.select %eq3A_191, %concatenate3A_100, %broadcast_in_dim3A_193 : vector<640x1024xi1>, vector<640x1024xi32>
      %reduce_min3A_195 = arith.constant dense<2147483647> : vector<640xi32>
      %reduce_min3A_196 = vector.multi_reduction <minsi>, %select_n3A_194, %reduce_min3A_195 [1] : vector<640x1024xi32> to vector<640xi32>
      %broadcast_in_dim3A_197 = vector.shape_cast %reduce_min3A_196 : vector<640xi32> to vector<640x1xi32>
      %eq3A_198 = arith.constant 4 : i32
      %eq3A_199 = vector.broadcast %eq3A_198 : i32 to vector<640x128xi32>
      %eq3A_200 = arith.cmpi eq, %iota3A_102, %eq3A_199 : vector<640x128xi32>
      %broadcast_in_dim3A_201 = vector.shape_cast %broadcast_in_dim3A_197 : vector<640x1xi32> to vector<640x1xi32>
      %broadcast_in_dim3A_202 = vector.broadcast %broadcast_in_dim3A_201 : vector<640x1xi32> to vector<640x128xi32>
      %select_n3A_203 = arith.select %eq3A_200, %broadcast_in_dim3A_202, %select_n3A_181 : vector<640x128xi1>, vector<640x128xi32>
      %eq3A_204 = vector.broadcast %broadcast_in_dim3A_197 : vector<640x1xi32> to vector<640x1024xi32>
      %eq3A_205 = arith.cmpi eq, %concatenate3A_100, %eq3A_204 : vector<640x1024xi32>
      %jit3A_206 = arith.constant 0xFF800000 : f32
      %broadcast_in_dim3A_207 = vector.broadcast %jit3A_206 : f32 to vector<640x1024xf32>
      %select_n3A_208 = arith.select %eq3A_205, %broadcast_in_dim3A_207, %select_n3A_186 : vector<640x1024xi1>, vector<640x1024xf32>
      %reduce_max3A_209 = arith.constant dense<0xFF800000> : vector<640xf32>
      %reduce_max3A_210 = vector.multi_reduction <maximumf>, %select_n3A_208, %reduce_max3A_209 [1] : vector<640x1024xf32> to vector<640xf32>
      %broadcast_in_dim3A_211 = vector.shape_cast %reduce_max3A_210 : vector<640xf32> to vector<640x1xf32>
      %eq3A_212 = vector.broadcast %broadcast_in_dim3A_211 : vector<640x1xf32> to vector<640x1024xf32>
      %eq3A_213 = arith.cmpf oeq, %select_n3A_208, %eq3A_212 : vector<640x1024xf32>
      %jit3A_214 = arith.constant 2147483647 : i32
      %broadcast_in_dim3A_215 = vector.broadcast %jit3A_214 : i32 to vector<640x1024xi32>
      %select_n3A_216 = arith.select %eq3A_213, %concatenate3A_100, %broadcast_in_dim3A_215 : vector<640x1024xi1>, vector<640x1024xi32>
      %reduce_min3A_217 = arith.constant dense<2147483647> : vector<640xi32>
      %reduce_min3A_218 = vector.multi_reduction <minsi>, %select_n3A_216, %reduce_min3A_217 [1] : vector<640x1024xi32> to vector<640xi32>
      %broadcast_in_dim3A_219 = vector.shape_cast %reduce_min3A_218 : vector<640xi32> to vector<640x1xi32>
      %eq3A_220 = arith.constant 5 : i32
      %eq3A_221 = vector.broadcast %eq3A_220 : i32 to vector<640x128xi32>
      %eq3A_222 = arith.cmpi eq, %iota3A_102, %eq3A_221 : vector<640x128xi32>
      %broadcast_in_dim3A_223 = vector.shape_cast %broadcast_in_dim3A_219 : vector<640x1xi32> to vector<640x1xi32>
      %broadcast_in_dim3A_224 = vector.broadcast %broadcast_in_dim3A_223 : vector<640x1xi32> to vector<640x128xi32>
      %select_n3A_225 = arith.select %eq3A_222, %broadcast_in_dim3A_224, %select_n3A_203 : vector<640x128xi1>, vector<640x128xi32>
      %eq3A_226 = vector.broadcast %broadcast_in_dim3A_219 : vector<640x1xi32> to vector<640x1024xi32>
      %eq3A_227 = arith.cmpi eq, %concatenate3A_100, %eq3A_226 : vector<640x1024xi32>
      %jit3A_228 = arith.constant 0xFF800000 : f32
      %broadcast_in_dim3A_229 = vector.broadcast %jit3A_228 : f32 to vector<640x1024xf32>
      %select_n3A_230 = arith.select %eq3A_227, %broadcast_in_dim3A_229, %select_n3A_208 : vector<640x1024xi1>, vector<640x1024xf32>
      %reduce_max3A_231 = arith.constant dense<0xFF800000> : vector<640xf32>
      %reduce_max3A_232 = vector.multi_reduction <maximumf>, %select_n3A_230, %reduce_max3A_231 [1] : vector<640x1024xf32> to vector<640xf32>
      %broadcast_in_dim3A_233 = vector.shape_cast %reduce_max3A_232 : vector<640xf32> to vector<640x1xf32>
      %eq3A_234 = vector.broadcast %broadcast_in_dim3A_233 : vector<640x1xf32> to vector<640x1024xf32>
      %eq3A_235 = arith.cmpf oeq, %select_n3A_230, %eq3A_234 : vector<640x1024xf32>
      %jit3A_236 = arith.constant 2147483647 : i32
      %broadcast_in_dim3A_237 = vector.broadcast %jit3A_236 : i32 to vector<640x1024xi32>
      %select_n3A_238 = arith.select %eq3A_235, %concatenate3A_100, %broadcast_in_dim3A_237 : vector<640x1024xi1>, vector<640x1024xi32>
      %reduce_min3A_239 = arith.constant dense<2147483647> : vector<640xi32>
      %reduce_min3A_240 = vector.multi_reduction <minsi>, %select_n3A_238, %reduce_min3A_239 [1] : vector<640x1024xi32> to vector<640xi32>
      %broadcast_in_dim3A_241 = vector.shape_cast %reduce_min3A_240 : vector<640xi32> to vector<640x1xi32>
      %eq3A_242 = arith.constant 6 : i32
      %eq3A_243 = vector.broadcast %eq3A_242 : i32 to vector<640x128xi32>
      %eq3A_244 = arith.cmpi eq, %iota3A_102, %eq3A_243 : vector<640x128xi32>
      %broadcast_in_dim3A_245 = vector.shape_cast %broadcast_in_dim3A_241 : vector<640x1xi32> to vector<640x1xi32>
      %broadcast_in_dim3A_246 = vector.broadcast %broadcast_in_dim3A_245 : vector<640x1xi32> to vector<640x128xi32>
      %select_n3A_247 = arith.select %eq3A_244, %broadcast_in_dim3A_246, %select_n3A_225 : vector<640x128xi1>, vector<640x128xi32>
      %eq3A_248 = vector.broadcast %broadcast_in_dim3A_241 : vector<640x1xi32> to vector<640x1024xi32>
      %eq3A_249 = arith.cmpi eq, %concatenate3A_100, %eq3A_248 : vector<640x1024xi32>
      %jit3A_250 = arith.constant 0xFF800000 : f32
      %broadcast_in_dim3A_251 = vector.broadcast %jit3A_250 : f32 to vector<640x1024xf32>
      %select_n3A_252 = arith.select %eq3A_249, %broadcast_in_dim3A_251, %select_n3A_230 : vector<640x1024xi1>, vector<640x1024xf32>
      %reduce_max3A_253 = arith.constant dense<0xFF800000> : vector<640xf32>
      %reduce_max3A_254 = vector.multi_reduction <maximumf>, %select_n3A_252, %reduce_max3A_253 [1] : vector<640x1024xf32> to vector<640xf32>
      %broadcast_in_dim3A_255 = vector.shape_cast %reduce_max3A_254 : vector<640xf32> to vector<640x1xf32>
      %eq3A_256 = vector.broadcast %broadcast_in_dim3A_255 : vector<640x1xf32> to vector<640x1024xf32>
      %eq3A_257 = arith.cmpf oeq, %select_n3A_252, %eq3A_256 : vector<640x1024xf32>
      %jit3A_258 = arith.constant 2147483647 : i32
      %broadcast_in_dim3A_259 = vector.broadcast %jit3A_258 : i32 to vector<640x1024xi32>
      %select_n3A_260 = arith.select %eq3A_257, %concatenate3A_100, %broadcast_in_dim3A_259 : vector<640x1024xi1>, vector<640x1024xi32>
      %reduce_min3A_261 = arith.constant dense<2147483647> : vector<640xi32>
      %reduce_min3A_262 = vector.multi_reduction <minsi>, %select_n3A_260, %reduce_min3A_261 [1] : vector<640x1024xi32> to vector<640xi32>
      %broadcast_in_dim3A_263 = vector.shape_cast %reduce_min3A_262 : vector<640xi32> to vector<640x1xi32>
      %eq3A_264 = arith.constant 7 : i32
      %eq3A_265 = vector.broadcast %eq3A_264 : i32 to vector<640x128xi32>
      %eq3A_266 = arith.cmpi eq, %iota3A_102, %eq3A_265 : vector<640x128xi32>
      %broadcast_in_dim3A_267 = vector.shape_cast %broadcast_in_dim3A_263 : vector<640x1xi32> to vector<640x1xi32>
      %broadcast_in_dim3A_268 = vector.broadcast %broadcast_in_dim3A_267 : vector<640x1xi32> to vector<640x128xi32>
      %select_n3A_269 = arith.select %eq3A_266, %broadcast_in_dim3A_268, %select_n3A_247 : vector<640x128xi1>, vector<640x128xi32>
      %swap3A_270 = arith.constant 0 : index
      %swap3A_271 = arith.constant 0 : index
      %swap3A_272 = vector.load %arg3[%swap3A_270, %swap3A_271] : memref<640x128xi32, #tpu.memory_space<vmem>>, vector<640x128xi32>
      tpu.vector_store %arg3[%swap3A_270, %swap3A_271], %select_n3A_269 {strides = array<i32>} : memref<640x128xi32, #tpu.memory_space<vmem>>, vector<640x128xi32>,
    } else {
    }
    return
  }
  func.func @transform_0(%arg0: i32) -> (i32, i32) {
    %c0_i32 = arith.constant 0 : i32
    %c0_i32_0 = arith.constant 0 : i32
    %c0_i32_1 = arith.constant 0 : i32
    return %c0_i32, %c0_i32_0 : i32, i32
  }
  func.func @transform_1(%arg0: i32) -> (i32, i32) {
    %c0_i32 = arith.constant 0 : i32
    %c0_i32_0 = arith.constant 0 : i32
    return %arg0, %c0_i32 : i32, i32
  }
  func.func @transform_2(%arg0: i32) -> (i32, i32) {
    %c0_i32 = arith.constant 0 : i32
    %c0_i32_0 = arith.constant 0 : i32
    %c0_i32_1 = arith.constant 0 : i32
    return %c0_i32, %c0_i32_0 : i32, i32
  }
}

module attributes {stable_mosaic.version = 14 : i64} {
  func.func @_rescan_body(%arg0: i32, %arg1: memref<640x128xf32, #tpu.memory_space<vmem>>, %arg2: memref<10240x128xf32, #tpu.memory_space<vmem>>, %arg3: memref<640x128xi32, #tpu.memory_space<vmem>>, %arg4: memref<640x128xi32, #tpu.memory_space<vmem>>, %arg5: memref<640x128xf32, #tpu.memory_space<vmem>>) attributes {dimension_semantics = [#tpu.dimension_semantics<arbitrary>], iteration_bounds = array<i64: 8>, scalar_prefetch = 0 : i64, scratch_operands = 1 : i64, tpu.core_type = #tpu.core_type<tc>, window_params = [{pipeline_mode = #tpu.pipeline_mode<synchronous>, transform_indices = @transform_0, window_bounds = array<i64: 640, 128>}, {transform_indices = @transform_1, window_bounds = array<i64: 10240, 128>}, {pipeline_mode = #tpu.pipeline_mode<synchronous>, transform_indices = @transform_2, window_bounds = array<i64: 640, 128>}, {pipeline_mode = #tpu.pipeline_mode<synchronous>, transform_indices = @transform_3, window_bounds = array<i64: 640, 128>}]} {
    %iota3A = tpu.iota {dimensions = array<i32: 1>} : vector<640x128xi32>
    %eq3A = arith.constant 0 : i32
    %eq3A_0 = arith.cmpi eq, %arg0, %eq3A : i32
    %convert_element_type3A = arith.extui %eq3A_0 : i1 to i32
    %cond3A = arith.constant 0 : i32
    %cond3A_1 = arith.cmpi ne, %convert_element_type3A, %cond3A : i32
    scf.if %cond3A_1 {
      %broadcast_in_dim3A_265 = arith.constant 0.000000e+00 : f32
      %broadcast_in_dim3A_266 = vector.broadcast %broadcast_in_dim3A_265 : f32 to vector<640x128xf32>
      %swap3A_267 = arith.constant 0 : index
      %swap3A_268 = arith.constant 0 : index
      %swap3A_269 = vector.load %arg5[%swap3A_267, %swap3A_268] : memref<640x128xf32, #tpu.memory_space<vmem>>, vector<640x128xf32>
      tpu.vector_store %arg5[%swap3A_267, %swap3A_268], %broadcast_in_dim3A_266 {strides = array<i32>} : memref<640x128xf32, #tpu.memory_space<vmem>>, vector<640x128xf32>,
    } else {
    }
    %get3A = arith.constant 0 : index
    %get3A_2 = arith.constant 0 : index
    %get3A_3 = vector.load %arg1[%get3A, %get3A_2] : memref<640x128xf32, #tpu.memory_space<vmem>>, vector<640x128xf32>
    %get3A_4 = arith.constant 0 : index
    %get3A_5 = arith.constant 0 : index
    %get3A_6 = vector.load %arg5[%get3A_4, %get3A_5] : memref<640x128xf32, #tpu.memory_space<vmem>>, vector<640x128xf32>
    %get3A_7 = arith.constant 0 : index
    %get3A_8 = arith.constant 0 : index
    %get3A_9 = vector.load %arg2[%get3A_7, %get3A_8] : memref<10240x128xf32, #tpu.memory_space<vmem>>, vector<640x128xf32>
    %mul3A = arith.mulf %get3A_3, %get3A_9 : vector<640x128xf32>
    %reduce_sum3A = arith.constant dense<0.000000e+00> : vector<640xf32>
    %reduce_sum3A_10 = vector.multi_reduction <add>, %mul3A, %reduce_sum3A [1] : vector<640x128xf32> to vector<640xf32>
    %broadcast_in_dim3A = vector.shape_cast %reduce_sum3A_10 : vector<640xf32> to vector<640x1xf32>
    %mul3A_11 = arith.constant 16 : i32
    %mul3A_12 = arith.muli %arg0, %mul3A_11 : i32
    %add3A = arith.constant 0 : i32
    %add3A_13 = arith.addi %mul3A_12, %add3A : i32
    %eq3A_14 = vector.broadcast %add3A_13 : i32 to vector<640x128xi32>
    %eq3A_15 = arith.cmpi eq, %iota3A, %eq3A_14 : vector<640x128xi32>
    %broadcast_in_dim3A_16 = vector.shape_cast %broadcast_in_dim3A : vector<640x1xf32> to vector<640x1xf32>
    %broadcast_in_dim3A_17 = vector.broadcast %broadcast_in_dim3A_16 : vector<640x1xf32> to vector<640x128xf32>
    %select_n3A = arith.select %eq3A_15, %broadcast_in_dim3A_17, %get3A_6 : vector<640x128xi1>, vector<640x128xf32>
    %get3A_18 = arith.constant 640 : index
    %get3A_19 = arith.constant 0 : index
    %get3A_20 = vector.load %arg2[%get3A_18, %get3A_19] : memref<10240x128xf32, #tpu.memory_space<vmem>>, vector<640x128xf32>
    %mul3A_21 = arith.mulf %get3A_3, %get3A_20 : vector<640x128xf32>
    %reduce_sum3A_22 = arith.constant dense<0.000000e+00> : vector<640xf32>
    %reduce_sum3A_23 = vector.multi_reduction <add>, %mul3A_21, %reduce_sum3A_22 [1] : vector<640x128xf32> to vector<640xf32>
    %broadcast_in_dim3A_24 = vector.shape_cast %reduce_sum3A_23 : vector<640xf32> to vector<640x1xf32>
    %mul3A_25 = arith.constant 16 : i32
    %mul3A_26 = arith.muli %arg0, %mul3A_25 : i32
    %add3A_27 = arith.constant 1 : i32
    %add3A_28 = arith.addi %mul3A_26, %add3A_27 : i32
    %eq3A_29 = vector.broadcast %add3A_28 : i32 to vector<640x128xi32>
    %eq3A_30 = arith.cmpi eq, %iota3A, %eq3A_29 : vector<640x128xi32>
    %broadcast_in_dim3A_31 = vector.shape_cast %broadcast_in_dim3A_24 : vector<640x1xf32> to vector<640x1xf32>
    %broadcast_in_dim3A_32 = vector.broadcast %broadcast_in_dim3A_31 : vector<640x1xf32> to vector<640x128xf32>
    %select_n3A_33 = arith.select %eq3A_30, %broadcast_in_dim3A_32, %select_n3A : vector<640x128xi1>, vector<640x128xf32>
    %get3A_34 = arith.constant 1280 : index
    %get3A_35 = arith.constant 0 : index
    %get3A_36 = vector.load %arg2[%get3A_34, %get3A_35] : memref<10240x128xf32, #tpu.memory_space<vmem>>, vector<640x128xf32>
    %mul3A_37 = arith.mulf %get3A_3, %get3A_36 : vector<640x128xf32>
    %reduce_sum3A_38 = arith.constant dense<0.000000e+00> : vector<640xf32>
    %reduce_sum3A_39 = vector.multi_reduction <add>, %mul3A_37, %reduce_sum3A_38 [1] : vector<640x128xf32> to vector<640xf32>
    %broadcast_in_dim3A_40 = vector.shape_cast %reduce_sum3A_39 : vector<640xf32> to vector<640x1xf32>
    %mul3A_41 = arith.constant 16 : i32
    %mul3A_42 = arith.muli %arg0, %mul3A_41 : i32
    %add3A_43 = arith.constant 2 : i32
    %add3A_44 = arith.addi %mul3A_42, %add3A_43 : i32
    %eq3A_45 = vector.broadcast %add3A_44 : i32 to vector<640x128xi32>
    %eq3A_46 = arith.cmpi eq, %iota3A, %eq3A_45 : vector<640x128xi32>
    %broadcast_in_dim3A_47 = vector.shape_cast %broadcast_in_dim3A_40 : vector<640x1xf32> to vector<640x1xf32>
    %broadcast_in_dim3A_48 = vector.broadcast %broadcast_in_dim3A_47 : vector<640x1xf32> to vector<640x128xf32>
    %select_n3A_49 = arith.select %eq3A_46, %broadcast_in_dim3A_48, %select_n3A_33 : vector<640x128xi1>, vector<640x128xf32>
    %get3A_50 = arith.constant 1920 : index
    %get3A_51 = arith.constant 0 : index
    %get3A_52 = vector.load %arg2[%get3A_50, %get3A_51] : memref<10240x128xf32, #tpu.memory_space<vmem>>, vector<640x128xf32>
    %mul3A_53 = arith.mulf %get3A_3, %get3A_52 : vector<640x128xf32>
    %reduce_sum3A_54 = arith.constant dense<0.000000e+00> : vector<640xf32>
    %reduce_sum3A_55 = vector.multi_reduction <add>, %mul3A_53, %reduce_sum3A_54 [1] : vector<640x128xf32> to vector<640xf32>
    %broadcast_in_dim3A_56 = vector.shape_cast %reduce_sum3A_55 : vector<640xf32> to vector<640x1xf32>
    %mul3A_57 = arith.constant 16 : i32
    %mul3A_58 = arith.muli %arg0, %mul3A_57 : i32
    %add3A_59 = arith.constant 3 : i32
    %add3A_60 = arith.addi %mul3A_58, %add3A_59 : i32
    %eq3A_61 = vector.broadcast %add3A_60 : i32 to vector<640x128xi32>
    %eq3A_62 = arith.cmpi eq, %iota3A, %eq3A_61 : vector<640x128xi32>
    %broadcast_in_dim3A_63 = vector.shape_cast %broadcast_in_dim3A_56 : vector<640x1xf32> to vector<640x1xf32>
    %broadcast_in_dim3A_64 = vector.broadcast %broadcast_in_dim3A_63 : vector<640x1xf32> to vector<640x128xf32>
    %select_n3A_65 = arith.select %eq3A_62, %broadcast_in_dim3A_64, %select_n3A_49 : vector<640x128xi1>, vector<640x128xf32>
    %get3A_66 = arith.constant 2560 : index
    %get3A_67 = arith.constant 0 : index
    %get3A_68 = vector.load %arg2[%get3A_66, %get3A_67] : memref<10240x128xf32, #tpu.memory_space<vmem>>, vector<640x128xf32>
    %mul3A_69 = arith.mulf %get3A_3, %get3A_68 : vector<640x128xf32>
    %reduce_sum3A_70 = arith.constant dense<0.000000e+00> : vector<640xf32>
    %reduce_sum3A_71 = vector.multi_reduction <add>, %mul3A_69, %reduce_sum3A_70 [1] : vector<640x128xf32> to vector<640xf32>
    %broadcast_in_dim3A_72 = vector.shape_cast %reduce_sum3A_71 : vector<640xf32> to vector<640x1xf32>
    %mul3A_73 = arith.constant 16 : i32
    %mul3A_74 = arith.muli %arg0, %mul3A_73 : i32
    %add3A_75 = arith.constant 4 : i32
    %add3A_76 = arith.addi %mul3A_74, %add3A_75 : i32
    %eq3A_77 = vector.broadcast %add3A_76 : i32 to vector<640x128xi32>
    %eq3A_78 = arith.cmpi eq, %iota3A, %eq3A_77 : vector<640x128xi32>
    %broadcast_in_dim3A_79 = vector.shape_cast %broadcast_in_dim3A_72 : vector<640x1xf32> to vector<640x1xf32>
    %broadcast_in_dim3A_80 = vector.broadcast %broadcast_in_dim3A_79 : vector<640x1xf32> to vector<640x128xf32>
    %select_n3A_81 = arith.select %eq3A_78, %broadcast_in_dim3A_80, %select_n3A_65 : vector<640x128xi1>, vector<640x128xf32>
    %get3A_82 = arith.constant 3200 : index
    %get3A_83 = arith.constant 0 : index
    %get3A_84 = vector.load %arg2[%get3A_82, %get3A_83] : memref<10240x128xf32, #tpu.memory_space<vmem>>, vector<640x128xf32>
    %mul3A_85 = arith.mulf %get3A_3, %get3A_84 : vector<640x128xf32>
    %reduce_sum3A_86 = arith.constant dense<0.000000e+00> : vector<640xf32>
    %reduce_sum3A_87 = vector.multi_reduction <add>, %mul3A_85, %reduce_sum3A_86 [1] : vector<640x128xf32> to vector<640xf32>
    %broadcast_in_dim3A_88 = vector.shape_cast %reduce_sum3A_87 : vector<640xf32> to vector<640x1xf32>
    %mul3A_89 = arith.constant 16 : i32
    %mul3A_90 = arith.muli %arg0, %mul3A_89 : i32
    %add3A_91 = arith.constant 5 : i32
    %add3A_92 = arith.addi %mul3A_90, %add3A_91 : i32
    %eq3A_93 = vector.broadcast %add3A_92 : i32 to vector<640x128xi32>
    %eq3A_94 = arith.cmpi eq, %iota3A, %eq3A_93 : vector<640x128xi32>
    %broadcast_in_dim3A_95 = vector.shape_cast %broadcast_in_dim3A_88 : vector<640x1xf32> to vector<640x1xf32>
    %broadcast_in_dim3A_96 = vector.broadcast %broadcast_in_dim3A_95 : vector<640x1xf32> to vector<640x128xf32>
    %select_n3A_97 = arith.select %eq3A_94, %broadcast_in_dim3A_96, %select_n3A_81 : vector<640x128xi1>, vector<640x128xf32>
    %get3A_98 = arith.constant 3840 : index
    %get3A_99 = arith.constant 0 : index
    %get3A_100 = vector.load %arg2[%get3A_98, %get3A_99] : memref<10240x128xf32, #tpu.memory_space<vmem>>, vector<640x128xf32>
    %mul3A_101 = arith.mulf %get3A_3, %get3A_100 : vector<640x128xf32>
    %reduce_sum3A_102 = arith.constant dense<0.000000e+00> : vector<640xf32>
    %reduce_sum3A_103 = vector.multi_reduction <add>, %mul3A_101, %reduce_sum3A_102 [1] : vector<640x128xf32> to vector<640xf32>
    %broadcast_in_dim3A_104 = vector.shape_cast %reduce_sum3A_103 : vector<640xf32> to vector<640x1xf32>
    %mul3A_105 = arith.constant 16 : i32
    %mul3A_106 = arith.muli %arg0, %mul3A_105 : i32
    %add3A_107 = arith.constant 6 : i32
    %add3A_108 = arith.addi %mul3A_106, %add3A_107 : i32
    %eq3A_109 = vector.broadcast %add3A_108 : i32 to vector<640x128xi32>
    %eq3A_110 = arith.cmpi eq, %iota3A, %eq3A_109 : vector<640x128xi32>
    %broadcast_in_dim3A_111 = vector.shape_cast %broadcast_in_dim3A_104 : vector<640x1xf32> to vector<640x1xf32>
    %broadcast_in_dim3A_112 = vector.broadcast %broadcast_in_dim3A_111 : vector<640x1xf32> to vector<640x128xf32>
    %select_n3A_113 = arith.select %eq3A_110, %broadcast_in_dim3A_112, %select_n3A_97 : vector<640x128xi1>, vector<640x128xf32>
    %get3A_114 = arith.constant 4480 : index
    %get3A_115 = arith.constant 0 : index
    %get3A_116 = vector.load %arg2[%get3A_114, %get3A_115] : memref<10240x128xf32, #tpu.memory_space<vmem>>, vector<640x128xf32>
    %mul3A_117 = arith.mulf %get3A_3, %get3A_116 : vector<640x128xf32>
    %reduce_sum3A_118 = arith.constant dense<0.000000e+00> : vector<640xf32>
    %reduce_sum3A_119 = vector.multi_reduction <add>, %mul3A_117, %reduce_sum3A_118 [1] : vector<640x128xf32> to vector<640xf32>
    %broadcast_in_dim3A_120 = vector.shape_cast %reduce_sum3A_119 : vector<640xf32> to vector<640x1xf32>
    %mul3A_121 = arith.constant 16 : i32
    %mul3A_122 = arith.muli %arg0, %mul3A_121 : i32
    %add3A_123 = arith.constant 7 : i32
    %add3A_124 = arith.addi %mul3A_122, %add3A_123 : i32
    %eq3A_125 = vector.broadcast %add3A_124 : i32 to vector<640x128xi32>
    %eq3A_126 = arith.cmpi eq, %iota3A, %eq3A_125 : vector<640x128xi32>
    %broadcast_in_dim3A_127 = vector.shape_cast %broadcast_in_dim3A_120 : vector<640x1xf32> to vector<640x1xf32>
    %broadcast_in_dim3A_128 = vector.broadcast %broadcast_in_dim3A_127 : vector<640x1xf32> to vector<640x128xf32>
    %select_n3A_129 = arith.select %eq3A_126, %broadcast_in_dim3A_128, %select_n3A_113 : vector<640x128xi1>, vector<640x128xf32>
    %get3A_130 = arith.constant 5120 : index
    %get3A_131 = arith.constant 0 : index
    %get3A_132 = vector.load %arg2[%get3A_130, %get3A_131] : memref<10240x128xf32, #tpu.memory_space<vmem>>, vector<640x128xf32>
    %mul3A_133 = arith.mulf %get3A_3, %get3A_132 : vector<640x128xf32>
    %reduce_sum3A_134 = arith.constant dense<0.000000e+00> : vector<640xf32>
    %reduce_sum3A_135 = vector.multi_reduction <add>, %mul3A_133, %reduce_sum3A_134 [1] : vector<640x128xf32> to vector<640xf32>
    %broadcast_in_dim3A_136 = vector.shape_cast %reduce_sum3A_135 : vector<640xf32> to vector<640x1xf32>
    %mul3A_137 = arith.constant 16 : i32
    %mul3A_138 = arith.muli %arg0, %mul3A_137 : i32
    %add3A_139 = arith.constant 8 : i32
    %add3A_140 = arith.addi %mul3A_138, %add3A_139 : i32
    %eq3A_141 = vector.broadcast %add3A_140 : i32 to vector<640x128xi32>
    %eq3A_142 = arith.cmpi eq, %iota3A, %eq3A_141 : vector<640x128xi32>
    %broadcast_in_dim3A_143 = vector.shape_cast %broadcast_in_dim3A_136 : vector<640x1xf32> to vector<640x1xf32>
    %broadcast_in_dim3A_144 = vector.broadcast %broadcast_in_dim3A_143 : vector<640x1xf32> to vector<640x128xf32>
    %select_n3A_145 = arith.select %eq3A_142, %broadcast_in_dim3A_144, %select_n3A_129 : vector<640x128xi1>, vector<640x128xf32>
    %get3A_146 = arith.constant 5760 : index
    %get3A_147 = arith.constant 0 : index
    %get3A_148 = vector.load %arg2[%get3A_146, %get3A_147] : memref<10240x128xf32, #tpu.memory_space<vmem>>, vector<640x128xf32>
    %mul3A_149 = arith.mulf %get3A_3, %get3A_148 : vector<640x128xf32>
    %reduce_sum3A_150 = arith.constant dense<0.000000e+00> : vector<640xf32>
    %reduce_sum3A_151 = vector.multi_reduction <add>, %mul3A_149, %reduce_sum3A_150 [1] : vector<640x128xf32> to vector<640xf32>
    %broadcast_in_dim3A_152 = vector.shape_cast %reduce_sum3A_151 : vector<640xf32> to vector<640x1xf32>
    %mul3A_153 = arith.constant 16 : i32
    %mul3A_154 = arith.muli %arg0, %mul3A_153 : i32
    %add3A_155 = arith.constant 9 : i32
    %add3A_156 = arith.addi %mul3A_154, %add3A_155 : i32
    %eq3A_157 = vector.broadcast %add3A_156 : i32 to vector<640x128xi32>
    %eq3A_158 = arith.cmpi eq, %iota3A, %eq3A_157 : vector<640x128xi32>
    %broadcast_in_dim3A_159 = vector.shape_cast %broadcast_in_dim3A_152 : vector<640x1xf32> to vector<640x1xf32>
    %broadcast_in_dim3A_160 = vector.broadcast %broadcast_in_dim3A_159 : vector<640x1xf32> to vector<640x128xf32>
    %select_n3A_161 = arith.select %eq3A_158, %broadcast_in_dim3A_160, %select_n3A_145 : vector<640x128xi1>, vector<640x128xf32>
    %get3A_162 = arith.constant 6400 : index
    %get3A_163 = arith.constant 0 : index
    %get3A_164 = vector.load %arg2[%get3A_162, %get3A_163] : memref<10240x128xf32, #tpu.memory_space<vmem>>, vector<640x128xf32>
    %mul3A_165 = arith.mulf %get3A_3, %get3A_164 : vector<640x128xf32>
    %reduce_sum3A_166 = arith.constant dense<0.000000e+00> : vector<640xf32>
    %reduce_sum3A_167 = vector.multi_reduction <add>, %mul3A_165, %reduce_sum3A_166 [1] : vector<640x128xf32> to vector<640xf32>
    %broadcast_in_dim3A_168 = vector.shape_cast %reduce_sum3A_167 : vector<640xf32> to vector<640x1xf32>
    %mul3A_169 = arith.constant 16 : i32
    %mul3A_170 = arith.muli %arg0, %mul3A_169 : i32
    %add3A_171 = arith.constant 10 : i32
    %add3A_172 = arith.addi %mul3A_170, %add3A_171 : i32
    %eq3A_173 = vector.broadcast %add3A_172 : i32 to vector<640x128xi32>
    %eq3A_174 = arith.cmpi eq, %iota3A, %eq3A_173 : vector<640x128xi32>
    %broadcast_in_dim3A_175 = vector.shape_cast %broadcast_in_dim3A_168 : vector<640x1xf32> to vector<640x1xf32>
    %broadcast_in_dim3A_176 = vector.broadcast %broadcast_in_dim3A_175 : vector<640x1xf32> to vector<640x128xf32>
    %select_n3A_177 = arith.select %eq3A_174, %broadcast_in_dim3A_176, %select_n3A_161 : vector<640x128xi1>, vector<640x128xf32>
    %get3A_178 = arith.constant 7040 : index
    %get3A_179 = arith.constant 0 : index
    %get3A_180 = vector.load %arg2[%get3A_178, %get3A_179] : memref<10240x128xf32, #tpu.memory_space<vmem>>, vector<640x128xf32>
    %mul3A_181 = arith.mulf %get3A_3, %get3A_180 : vector<640x128xf32>
    %reduce_sum3A_182 = arith.constant dense<0.000000e+00> : vector<640xf32>
    %reduce_sum3A_183 = vector.multi_reduction <add>, %mul3A_181, %reduce_sum3A_182 [1] : vector<640x128xf32> to vector<640xf32>
    %broadcast_in_dim3A_184 = vector.shape_cast %reduce_sum3A_183 : vector<640xf32> to vector<640x1xf32>
    %mul3A_185 = arith.constant 16 : i32
    %mul3A_186 = arith.muli %arg0, %mul3A_185 : i32
    %add3A_187 = arith.constant 11 : i32
    %add3A_188 = arith.addi %mul3A_186, %add3A_187 : i32
    %eq3A_189 = vector.broadcast %add3A_188 : i32 to vector<640x128xi32>
    %eq3A_190 = arith.cmpi eq, %iota3A, %eq3A_189 : vector<640x128xi32>
    %broadcast_in_dim3A_191 = vector.shape_cast %broadcast_in_dim3A_184 : vector<640x1xf32> to vector<640x1xf32>
    %broadcast_in_dim3A_192 = vector.broadcast %broadcast_in_dim3A_191 : vector<640x1xf32> to vector<640x128xf32>
    %select_n3A_193 = arith.select %eq3A_190, %broadcast_in_dim3A_192, %select_n3A_177 : vector<640x128xi1>, vector<640x128xf32>
    %get3A_194 = arith.constant 7680 : index
    %get3A_195 = arith.constant 0 : index
    %get3A_196 = vector.load %arg2[%get3A_194, %get3A_195] : memref<10240x128xf32, #tpu.memory_space<vmem>>, vector<640x128xf32>
    %mul3A_197 = arith.mulf %get3A_3, %get3A_196 : vector<640x128xf32>
    %reduce_sum3A_198 = arith.constant dense<0.000000e+00> : vector<640xf32>
    %reduce_sum3A_199 = vector.multi_reduction <add>, %mul3A_197, %reduce_sum3A_198 [1] : vector<640x128xf32> to vector<640xf32>
    %broadcast_in_dim3A_200 = vector.shape_cast %reduce_sum3A_199 : vector<640xf32> to vector<640x1xf32>
    %mul3A_201 = arith.constant 16 : i32
    %mul3A_202 = arith.muli %arg0, %mul3A_201 : i32
    %add3A_203 = arith.constant 12 : i32
    %add3A_204 = arith.addi %mul3A_202, %add3A_203 : i32
    %eq3A_205 = vector.broadcast %add3A_204 : i32 to vector<640x128xi32>
    %eq3A_206 = arith.cmpi eq, %iota3A, %eq3A_205 : vector<640x128xi32>
    %broadcast_in_dim3A_207 = vector.shape_cast %broadcast_in_dim3A_200 : vector<640x1xf32> to vector<640x1xf32>
    %broadcast_in_dim3A_208 = vector.broadcast %broadcast_in_dim3A_207 : vector<640x1xf32> to vector<640x128xf32>
    %select_n3A_209 = arith.select %eq3A_206, %broadcast_in_dim3A_208, %select_n3A_193 : vector<640x128xi1>, vector<640x128xf32>
    %get3A_210 = arith.constant 8320 : index
    %get3A_211 = arith.constant 0 : index
    %get3A_212 = vector.load %arg2[%get3A_210, %get3A_211] : memref<10240x128xf32, #tpu.memory_space<vmem>>, vector<640x128xf32>
    %mul3A_213 = arith.mulf %get3A_3, %get3A_212 : vector<640x128xf32>
    %reduce_sum3A_214 = arith.constant dense<0.000000e+00> : vector<640xf32>
    %reduce_sum3A_215 = vector.multi_reduction <add>, %mul3A_213, %reduce_sum3A_214 [1] : vector<640x128xf32> to vector<640xf32>
    %broadcast_in_dim3A_216 = vector.shape_cast %reduce_sum3A_215 : vector<640xf32> to vector<640x1xf32>
    %mul3A_217 = arith.constant 16 : i32
    %mul3A_218 = arith.muli %arg0, %mul3A_217 : i32
    %add3A_219 = arith.constant 13 : i32
    %add3A_220 = arith.addi %mul3A_218, %add3A_219 : i32
    %eq3A_221 = vector.broadcast %add3A_220 : i32 to vector<640x128xi32>
    %eq3A_222 = arith.cmpi eq, %iota3A, %eq3A_221 : vector<640x128xi32>
    %broadcast_in_dim3A_223 = vector.shape_cast %broadcast_in_dim3A_216 : vector<640x1xf32> to vector<640x1xf32>
    %broadcast_in_dim3A_224 = vector.broadcast %broadcast_in_dim3A_223 : vector<640x1xf32> to vector<640x128xf32>
    %select_n3A_225 = arith.select %eq3A_222, %broadcast_in_dim3A_224, %select_n3A_209 : vector<640x128xi1>, vector<640x128xf32>
    %get3A_226 = arith.constant 8960 : index
    %get3A_227 = arith.constant 0 : index
    %get3A_228 = vector.load %arg2[%get3A_226, %get3A_227] : memref<10240x128xf32, #tpu.memory_space<vmem>>, vector<640x128xf32>
    %mul3A_229 = arith.mulf %get3A_3, %get3A_228 : vector<640x128xf32>
    %reduce_sum3A_230 = arith.constant dense<0.000000e+00> : vector<640xf32>
    %reduce_sum3A_231 = vector.multi_reduction <add>, %mul3A_229, %reduce_sum3A_230 [1] : vector<640x128xf32> to vector<640xf32>
    %broadcast_in_dim3A_232 = vector.shape_cast %reduce_sum3A_231 : vector<640xf32> to vector<640x1xf32>
    %mul3A_233 = arith.constant 16 : i32
    %mul3A_234 = arith.muli %arg0, %mul3A_233 : i32
    %add3A_235 = arith.constant 14 : i32
    %add3A_236 = arith.addi %mul3A_234, %add3A_235 : i32
    %eq3A_237 = vector.broadcast %add3A_236 : i32 to vector<640x128xi32>
    %eq3A_238 = arith.cmpi eq, %iota3A, %eq3A_237 : vector<640x128xi32>
    %broadcast_in_dim3A_239 = vector.shape_cast %broadcast_in_dim3A_232 : vector<640x1xf32> to vector<640x1xf32>
    %broadcast_in_dim3A_240 = vector.broadcast %broadcast_in_dim3A_239 : vector<640x1xf32> to vector<640x128xf32>
    %select_n3A_241 = arith.select %eq3A_238, %broadcast_in_dim3A_240, %select_n3A_225 : vector<640x128xi1>, vector<640x128xf32>
    %get3A_242 = arith.constant 9600 : index
    %get3A_243 = arith.constant 0 : index
    %get3A_244 = vector.load %arg2[%get3A_242, %get3A_243] : memref<10240x128xf32, #tpu.memory_space<vmem>>, vector<640x128xf32>
    %mul3A_245 = arith.mulf %get3A_3, %get3A_244 : vector<640x128xf32>
    %reduce_sum3A_246 = arith.constant dense<0.000000e+00> : vector<640xf32>
    %reduce_sum3A_247 = vector.multi_reduction <add>, %mul3A_245, %reduce_sum3A_246 [1] : vector<640x128xf32> to vector<640xf32>
    %broadcast_in_dim3A_248 = vector.shape_cast %reduce_sum3A_247 : vector<640xf32> to vector<640x1xf32>
    %mul3A_249 = arith.constant 16 : i32
    %mul3A_250 = arith.muli %arg0, %mul3A_249 : i32
    %add3A_251 = arith.constant 15 : i32
    %add3A_252 = arith.addi %mul3A_250, %add3A_251 : i32
    %eq3A_253 = vector.broadcast %add3A_252 : i32 to vector<640x128xi32>
    %eq3A_254 = arith.cmpi eq, %iota3A, %eq3A_253 : vector<640x128xi32>
    %broadcast_in_dim3A_255 = vector.shape_cast %broadcast_in_dim3A_248 : vector<640x1xf32> to vector<640x1xf32>
    %broadcast_in_dim3A_256 = vector.broadcast %broadcast_in_dim3A_255 : vector<640x1xf32> to vector<640x128xf32>
    %select_n3A_257 = arith.select %eq3A_254, %broadcast_in_dim3A_256, %select_n3A_241 : vector<640x128xi1>, vector<640x128xf32>
    %swap3A = arith.constant 0 : index
    %swap3A_258 = arith.constant 0 : index
    %swap3A_259 = vector.load %arg5[%swap3A, %swap3A_258] : memref<640x128xf32, #tpu.memory_space<vmem>>, vector<640x128xf32>
    tpu.vector_store %arg5[%swap3A, %swap3A_258], %select_n3A_257 {strides = array<i32>} : memref<640x128xf32, #tpu.memory_space<vmem>>, vector<640x128xf32>,
    %eq3A_260 = arith.constant 7 : i32
    %eq3A_261 = arith.cmpi eq, %arg0, %eq3A_260 : i32
    %convert_element_type3A_262 = arith.extui %eq3A_261 : i1 to i32
    %cond3A_263 = arith.constant 0 : i32
    %cond3A_264 = arith.cmpi ne, %convert_element_type3A_262, %cond3A_263 : i32
    scf.if %cond3A_264 {
      %get3A_265 = arith.constant 0 : index
      %get3A_266 = arith.constant 0 : index
      %get3A_267 = vector.load %arg3[%get3A_265, %get3A_266] : memref<640x128xi32, #tpu.memory_space<vmem>>, vector<640x128xi32>
      %lt3A = arith.constant 100000 : i32
      %lt3A_268 = vector.broadcast %lt3A : i32 to vector<640x128xi32>
      %lt3A_269 = arith.cmpi slt, %get3A_267, %lt3A_268 : vector<640x128xi32>
      %get3A_270 = arith.constant 0 : index
      %get3A_271 = arith.constant 0 : index
      %get3A_272 = vector.load %arg5[%get3A_270, %get3A_271] : memref<640x128xf32, #tpu.memory_space<vmem>>, vector<640x128xf32>
      %jit3A = arith.constant 0xFF800000 : f32
      %broadcast_in_dim3A_273 = vector.broadcast %jit3A : f32 to vector<640x128xf32>
      %select_n3A_274 = arith.select %lt3A_269, %get3A_272, %broadcast_in_dim3A_273 : vector<640x128xi1>, vector<640x128xf32>
      %broadcast_in_dim3A_275 = arith.constant 0 : i32
      %broadcast_in_dim3A_276 = vector.broadcast %broadcast_in_dim3A_275 : i32 to vector<640x128xi32>
      %reduce_max3A = arith.constant dense<0xFF800000> : vector<640xf32>
      %reduce_max3A_277 = vector.multi_reduction <maximumf>, %select_n3A_274, %reduce_max3A [1] : vector<640x128xf32> to vector<640xf32>
      %broadcast_in_dim3A_278 = vector.shape_cast %reduce_max3A_277 : vector<640xf32> to vector<640x1xf32>
      %eq3A_279 = vector.broadcast %broadcast_in_dim3A_278 : vector<640x1xf32> to vector<640x128xf32>
      %eq3A_280 = arith.cmpf oeq, %select_n3A_274, %eq3A_279 : vector<640x128xf32>
      %jit3A_281 = arith.constant 2147483647 : i32
      %broadcast_in_dim3A_282 = vector.broadcast %jit3A_281 : i32 to vector<640x128xi32>
      %select_n3A_283 = arith.select %eq3A_280, %get3A_267, %broadcast_in_dim3A_282 : vector<640x128xi1>, vector<640x128xi32>
      %reduce_min3A = arith.constant dense<2147483647> : vector<640xi32>
      %reduce_min3A_284 = vector.multi_reduction <minsi>, %select_n3A_283, %reduce_min3A [1] : vector<640x128xi32> to vector<640xi32>
      %broadcast_in_dim3A_285 = vector.shape_cast %reduce_min3A_284 : vector<640xi32> to vector<640x1xi32>
      %eq3A_286 = arith.constant 0 : i32
      %eq3A_287 = vector.broadcast %eq3A_286 : i32 to vector<640x128xi32>
      %eq3A_288 = arith.cmpi eq, %iota3A, %eq3A_287 : vector<640x128xi32>
      %broadcast_in_dim3A_289 = vector.shape_cast %broadcast_in_dim3A_285 : vector<640x1xi32> to vector<640x1xi32>
      %broadcast_in_dim3A_290 = vector.broadcast %broadcast_in_dim3A_289 : vector<640x1xi32> to vector<640x128xi32>
      %select_n3A_291 = arith.select %eq3A_288, %broadcast_in_dim3A_290, %broadcast_in_dim3A_276 : vector<640x128xi1>, vector<640x128xi32>
      %eq3A_292 = vector.broadcast %broadcast_in_dim3A_285 : vector<640x1xi32> to vector<640x128xi32>
      %eq3A_293 = arith.cmpi eq, %get3A_267, %eq3A_292 : vector<640x128xi32>
      %jit3A_294 = arith.constant 0xFF800000 : f32
      %broadcast_in_dim3A_295 = vector.broadcast %jit3A_294 : f32 to vector<640x128xf32>
      %select_n3A_296 = arith.select %eq3A_293, %broadcast_in_dim3A_295, %select_n3A_274 : vector<640x128xi1>, vector<640x128xf32>
      %reduce_max3A_297 = arith.constant dense<0xFF800000> : vector<640xf32>
      %reduce_max3A_298 = vector.multi_reduction <maximumf>, %select_n3A_296, %reduce_max3A_297 [1] : vector<640x128xf32> to vector<640xf32>
      %broadcast_in_dim3A_299 = vector.shape_cast %reduce_max3A_298 : vector<640xf32> to vector<640x1xf32>
      %eq3A_300 = vector.broadcast %broadcast_in_dim3A_299 : vector<640x1xf32> to vector<640x128xf32>
      %eq3A_301 = arith.cmpf oeq, %select_n3A_296, %eq3A_300 : vector<640x128xf32>
      %jit3A_302 = arith.constant 2147483647 : i32
      %broadcast_in_dim3A_303 = vector.broadcast %jit3A_302 : i32 to vector<640x128xi32>
      %select_n3A_304 = arith.select %eq3A_301, %get3A_267, %broadcast_in_dim3A_303 : vector<640x128xi1>, vector<640x128xi32>
      %reduce_min3A_305 = arith.constant dense<2147483647> : vector<640xi32>
      %reduce_min3A_306 = vector.multi_reduction <minsi>, %select_n3A_304, %reduce_min3A_305 [1] : vector<640x128xi32> to vector<640xi32>
      %broadcast_in_dim3A_307 = vector.shape_cast %reduce_min3A_306 : vector<640xi32> to vector<640x1xi32>
      %eq3A_308 = arith.constant 1 : i32
      %eq3A_309 = vector.broadcast %eq3A_308 : i32 to vector<640x128xi32>
      %eq3A_310 = arith.cmpi eq, %iota3A, %eq3A_309 : vector<640x128xi32>
      %broadcast_in_dim3A_311 = vector.shape_cast %broadcast_in_dim3A_307 : vector<640x1xi32> to vector<640x1xi32>
      %broadcast_in_dim3A_312 = vector.broadcast %broadcast_in_dim3A_311 : vector<640x1xi32> to vector<640x128xi32>
      %select_n3A_313 = arith.select %eq3A_310, %broadcast_in_dim3A_312, %select_n3A_291 : vector<640x128xi1>, vector<640x128xi32>
      %eq3A_314 = vector.broadcast %broadcast_in_dim3A_307 : vector<640x1xi32> to vector<640x128xi32>
      %eq3A_315 = arith.cmpi eq, %get3A_267, %eq3A_314 : vector<640x128xi32>
      %jit3A_316 = arith.constant 0xFF800000 : f32
      %broadcast_in_dim3A_317 = vector.broadcast %jit3A_316 : f32 to vector<640x128xf32>
      %select_n3A_318 = arith.select %eq3A_315, %broadcast_in_dim3A_317, %select_n3A_296 : vector<640x128xi1>, vector<640x128xf32>
      %reduce_max3A_319 = arith.constant dense<0xFF800000> : vector<640xf32>
      %reduce_max3A_320 = vector.multi_reduction <maximumf>, %select_n3A_318, %reduce_max3A_319 [1] : vector<640x128xf32> to vector<640xf32>
      %broadcast_in_dim3A_321 = vector.shape_cast %reduce_max3A_320 : vector<640xf32> to vector<640x1xf32>
      %eq3A_322 = vector.broadcast %broadcast_in_dim3A_321 : vector<640x1xf32> to vector<640x128xf32>
      %eq3A_323 = arith.cmpf oeq, %select_n3A_318, %eq3A_322 : vector<640x128xf32>
      %jit3A_324 = arith.constant 2147483647 : i32
      %broadcast_in_dim3A_325 = vector.broadcast %jit3A_324 : i32 to vector<640x128xi32>
      %select_n3A_326 = arith.select %eq3A_323, %get3A_267, %broadcast_in_dim3A_325 : vector<640x128xi1>, vector<640x128xi32>
      %reduce_min3A_327 = arith.constant dense<2147483647> : vector<640xi32>
      %reduce_min3A_328 = vector.multi_reduction <minsi>, %select_n3A_326, %reduce_min3A_327 [1] : vector<640x128xi32> to vector<640xi32>
      %broadcast_in_dim3A_329 = vector.shape_cast %reduce_min3A_328 : vector<640xi32> to vector<640x1xi32>
      %eq3A_330 = arith.constant 2 : i32
      %eq3A_331 = vector.broadcast %eq3A_330 : i32 to vector<640x128xi32>
      %eq3A_332 = arith.cmpi eq, %iota3A, %eq3A_331 : vector<640x128xi32>
      %broadcast_in_dim3A_333 = vector.shape_cast %broadcast_in_dim3A_329 : vector<640x1xi32> to vector<640x1xi32>
      %broadcast_in_dim3A_334 = vector.broadcast %broadcast_in_dim3A_333 : vector<640x1xi32> to vector<640x128xi32>
      %select_n3A_335 = arith.select %eq3A_332, %broadcast_in_dim3A_334, %select_n3A_313 : vector<640x128xi1>, vector<640x128xi32>
      %eq3A_336 = vector.broadcast %broadcast_in_dim3A_329 : vector<640x1xi32> to vector<640x128xi32>
      %eq3A_337 = arith.cmpi eq, %get3A_267, %eq3A_336 : vector<640x128xi32>
      %jit3A_338 = arith.constant 0xFF800000 : f32
      %broadcast_in_dim3A_339 = vector.broadcast %jit3A_338 : f32 to vector<640x128xf32>
      %select_n3A_340 = arith.select %eq3A_337, %broadcast_in_dim3A_339, %select_n3A_318 : vector<640x128xi1>, vector<640x128xf32>
      %reduce_max3A_341 = arith.constant dense<0xFF800000> : vector<640xf32>
      %reduce_max3A_342 = vector.multi_reduction <maximumf>, %select_n3A_340, %reduce_max3A_341 [1] : vector<640x128xf32> to vector<640xf32>
      %broadcast_in_dim3A_343 = vector.shape_cast %reduce_max3A_342 : vector<640xf32> to vector<640x1xf32>
      %eq3A_344 = vector.broadcast %broadcast_in_dim3A_343 : vector<640x1xf32> to vector<640x128xf32>
      %eq3A_345 = arith.cmpf oeq, %select_n3A_340, %eq3A_344 : vector<640x128xf32>
      %jit3A_346 = arith.constant 2147483647 : i32
      %broadcast_in_dim3A_347 = vector.broadcast %jit3A_346 : i32 to vector<640x128xi32>
      %select_n3A_348 = arith.select %eq3A_345, %get3A_267, %broadcast_in_dim3A_347 : vector<640x128xi1>, vector<640x128xi32>
      %reduce_min3A_349 = arith.constant dense<2147483647> : vector<640xi32>
      %reduce_min3A_350 = vector.multi_reduction <minsi>, %select_n3A_348, %reduce_min3A_349 [1] : vector<640x128xi32> to vector<640xi32>
      %broadcast_in_dim3A_351 = vector.shape_cast %reduce_min3A_350 : vector<640xi32> to vector<640x1xi32>
      %eq3A_352 = arith.constant 3 : i32
      %eq3A_353 = vector.broadcast %eq3A_352 : i32 to vector<640x128xi32>
      %eq3A_354 = arith.cmpi eq, %iota3A, %eq3A_353 : vector<640x128xi32>
      %broadcast_in_dim3A_355 = vector.shape_cast %broadcast_in_dim3A_351 : vector<640x1xi32> to vector<640x1xi32>
      %broadcast_in_dim3A_356 = vector.broadcast %broadcast_in_dim3A_355 : vector<640x1xi32> to vector<640x128xi32>
      %select_n3A_357 = arith.select %eq3A_354, %broadcast_in_dim3A_356, %select_n3A_335 : vector<640x128xi1>, vector<640x128xi32>
      %eq3A_358 = vector.broadcast %broadcast_in_dim3A_351 : vector<640x1xi32> to vector<640x128xi32>
      %eq3A_359 = arith.cmpi eq, %get3A_267, %eq3A_358 : vector<640x128xi32>
      %jit3A_360 = arith.constant 0xFF800000 : f32
      %broadcast_in_dim3A_361 = vector.broadcast %jit3A_360 : f32 to vector<640x128xf32>
      %select_n3A_362 = arith.select %eq3A_359, %broadcast_in_dim3A_361, %select_n3A_340 : vector<640x128xi1>, vector<640x128xf32>
      %reduce_max3A_363 = arith.constant dense<0xFF800000> : vector<640xf32>
      %reduce_max3A_364 = vector.multi_reduction <maximumf>, %select_n3A_362, %reduce_max3A_363 [1] : vector<640x128xf32> to vector<640xf32>
      %broadcast_in_dim3A_365 = vector.shape_cast %reduce_max3A_364 : vector<640xf32> to vector<640x1xf32>
      %eq3A_366 = vector.broadcast %broadcast_in_dim3A_365 : vector<640x1xf32> to vector<640x128xf32>
      %eq3A_367 = arith.cmpf oeq, %select_n3A_362, %eq3A_366 : vector<640x128xf32>
      %jit3A_368 = arith.constant 2147483647 : i32
      %broadcast_in_dim3A_369 = vector.broadcast %jit3A_368 : i32 to vector<640x128xi32>
      %select_n3A_370 = arith.select %eq3A_367, %get3A_267, %broadcast_in_dim3A_369 : vector<640x128xi1>, vector<640x128xi32>
      %reduce_min3A_371 = arith.constant dense<2147483647> : vector<640xi32>
      %reduce_min3A_372 = vector.multi_reduction <minsi>, %select_n3A_370, %reduce_min3A_371 [1] : vector<640x128xi32> to vector<640xi32>
      %broadcast_in_dim3A_373 = vector.shape_cast %reduce_min3A_372 : vector<640xi32> to vector<640x1xi32>
      %eq3A_374 = arith.constant 4 : i32
      %eq3A_375 = vector.broadcast %eq3A_374 : i32 to vector<640x128xi32>
      %eq3A_376 = arith.cmpi eq, %iota3A, %eq3A_375 : vector<640x128xi32>
      %broadcast_in_dim3A_377 = vector.shape_cast %broadcast_in_dim3A_373 : vector<640x1xi32> to vector<640x1xi32>
      %broadcast_in_dim3A_378 = vector.broadcast %broadcast_in_dim3A_377 : vector<640x1xi32> to vector<640x128xi32>
      %select_n3A_379 = arith.select %eq3A_376, %broadcast_in_dim3A_378, %select_n3A_357 : vector<640x128xi1>, vector<640x128xi32>
      %eq3A_380 = vector.broadcast %broadcast_in_dim3A_373 : vector<640x1xi32> to vector<640x128xi32>
      %eq3A_381 = arith.cmpi eq, %get3A_267, %eq3A_380 : vector<640x128xi32>
      %jit3A_382 = arith.constant 0xFF800000 : f32
      %broadcast_in_dim3A_383 = vector.broadcast %jit3A_382 : f32 to vector<640x128xf32>
      %select_n3A_384 = arith.select %eq3A_381, %broadcast_in_dim3A_383, %select_n3A_362 : vector<640x128xi1>, vector<640x128xf32>
      %reduce_max3A_385 = arith.constant dense<0xFF800000> : vector<640xf32>
      %reduce_max3A_386 = vector.multi_reduction <maximumf>, %select_n3A_384, %reduce_max3A_385 [1] : vector<640x128xf32> to vector<640xf32>
      %broadcast_in_dim3A_387 = vector.shape_cast %reduce_max3A_386 : vector<640xf32> to vector<640x1xf32>
      %eq3A_388 = vector.broadcast %broadcast_in_dim3A_387 : vector<640x1xf32> to vector<640x128xf32>
      %eq3A_389 = arith.cmpf oeq, %select_n3A_384, %eq3A_388 : vector<640x128xf32>
      %jit3A_390 = arith.constant 2147483647 : i32
      %broadcast_in_dim3A_391 = vector.broadcast %jit3A_390 : i32 to vector<640x128xi32>
      %select_n3A_392 = arith.select %eq3A_389, %get3A_267, %broadcast_in_dim3A_391 : vector<640x128xi1>, vector<640x128xi32>
      %reduce_min3A_393 = arith.constant dense<2147483647> : vector<640xi32>
      %reduce_min3A_394 = vector.multi_reduction <minsi>, %select_n3A_392, %reduce_min3A_393 [1] : vector<640x128xi32> to vector<640xi32>
      %broadcast_in_dim3A_395 = vector.shape_cast %reduce_min3A_394 : vector<640xi32> to vector<640x1xi32>
      %eq3A_396 = arith.constant 5 : i32
      %eq3A_397 = vector.broadcast %eq3A_396 : i32 to vector<640x128xi32>
      %eq3A_398 = arith.cmpi eq, %iota3A, %eq3A_397 : vector<640x128xi32>
      %broadcast_in_dim3A_399 = vector.shape_cast %broadcast_in_dim3A_395 : vector<640x1xi32> to vector<640x1xi32>
      %broadcast_in_dim3A_400 = vector.broadcast %broadcast_in_dim3A_399 : vector<640x1xi32> to vector<640x128xi32>
      %select_n3A_401 = arith.select %eq3A_398, %broadcast_in_dim3A_400, %select_n3A_379 : vector<640x128xi1>, vector<640x128xi32>
      %swap3A_402 = arith.constant 0 : index
      %swap3A_403 = arith.constant 0 : index
      %swap3A_404 = vector.load %arg4[%swap3A_402, %swap3A_403] : memref<640x128xi32, #tpu.memory_space<vmem>>, vector<640x128xi32>
      tpu.vector_store %arg4[%swap3A_402, %swap3A_403], %select_n3A_401 {strides = array<i32>} : memref<640x128xi32, #tpu.memory_space<vmem>>, vector<640x128xi32>,
    } else {
    }
    return
  }
  func.func @transform_0(%arg0: i32) -> (i32, i32) {
    %c0_i32 = arith.constant 0 : i32
    %c0_i32_0 = arith.constant 0 : i32
    %c0_i32_1 = arith.constant 0 : i32
    return %c0_i32, %c0_i32_0 : i32, i32
  }
  func.func @transform_1(%arg0: i32) -> (i32, i32) {
    %c0_i32 = arith.constant 0 : i32
    %c0_i32_0 = arith.constant 0 : i32
    return %arg0, %c0_i32 : i32, i32
  }
  func.func @transform_2(%arg0: i32) -> (i32, i32) {
    %c0_i32 = arith.constant 0 : i32
    %c0_i32_0 = arith.constant 0 : i32
    %c0_i32_1 = arith.constant 0 : i32
    return %c0_i32, %c0_i32_0 : i32, i32
  }
  func.func @transform_3(%arg0: i32) -> (i32, i32) {
    %c0_i32 = arith.constant 0 : i32
    %c0_i32_0 = arith.constant 0 : i32
    %c0_i32_1 = arith.constant 0 : i32
    return %c0_i32, %c0_i32_0 : i32, i32
  }
}

module attributes {stable_mosaic.version = 14 : i64} {
  func.func @_loss_body(%arg0: memref<128x10xf32, #tpu.memory_space<vmem>>, %arg1: memref<640x10xf32, #tpu.memory_space<vmem>>, %arg2: memref<3200x10xf32, #tpu.memory_space<vmem>>, %arg3: memref<640x128xf32, #tpu.memory_space<vmem>>, %arg4: memref<640x1xi32, #tpu.memory_space<vmem>>, %arg5: memref<3200x128xf32, #tpu.memory_space<vmem>>, %arg6: memref<3200x1xi32, #tpu.memory_space<vmem>>, %arg7: memref<640x128xi32, #tpu.memory_space<vmem>>, %arg8: memref<640x1xi32, #tpu.memory_space<vmem>>, %arg9: memref<1x1xf32, #tpu.memory_space<vmem>>) attributes {dimension_semantics = [], scalar_prefetch = 0 : i64, scratch_operands = 0 : i64, tpu.core_type = #tpu.core_type<tc>} {
    %get3A = arith.constant 0 : index
    %get3A_0 = arith.constant 0 : index
    %get3A_1 = vector.load %arg7[%get3A, %get3A_0] : memref<640x128xi32, #tpu.memory_space<vmem>>, vector<640x128xi32>
    %iota3A = tpu.iota {dimensions = array<i32: 1>} : vector<640x128xi32>
    %ge3A = arith.constant 1 : i32
    %ge3A_2 = vector.broadcast %ge3A : i32 to vector<640x128xi32>
    %ge3A_3 = arith.cmpi sge, %iota3A, %ge3A_2 : vector<640x128xi32>
    %le3A = arith.constant 5 : i32
    %le3A_4 = vector.broadcast %le3A : i32 to vector<640x128xi32>
    %le3A_5 = arith.cmpi sle, %iota3A, %le3A_4 : vector<640x128xi32>
    %and3A = arith.andi %ge3A_3, %le3A_5 : vector<640x128xi1>
    %get3A_6 = arith.constant 0 : index
    %get3A_7 = arith.constant 0 : index
    %get3A_8 = vector.load %arg8[%get3A_6, %get3A_7] : memref<640x1xi32, #tpu.memory_space<vmem>>, vector<640x1xi32>
    %eq3A = vector.broadcast %get3A_8 : vector<640x1xi32> to vector<640x128xi32>
    %eq3A_9 = arith.cmpi eq, %get3A_1, %eq3A : vector<640x128xi32>
    %and3A_10 = arith.andi %and3A, %eq3A_9 : vector<640x128xi1>
    %jit3A = arith.constant 1.000000e+00 : f32
    %jit3A_11 = arith.constant 0.000000e+00 : f32
    %broadcast_in_dim3A = vector.broadcast %jit3A : f32 to vector<640x128xf32>
    %broadcast_in_dim3A_12 = vector.broadcast %jit3A_11 : f32 to vector<640x128xf32>
    %select_n3A = arith.select %and3A_10, %broadcast_in_dim3A, %broadcast_in_dim3A_12 : vector<640x128xi1>, vector<640x128xf32>
    %reduce_sum3A = arith.constant dense<0.000000e+00> : vector<640xf32>
    %reduce_sum3A_13 = vector.multi_reduction <add>, %select_n3A, %reduce_sum3A [1] : vector<640x128xf32> to vector<640xf32>
    %broadcast_in_dim3A_14 = vector.shape_cast %reduce_sum3A_13 : vector<640xf32> to vector<640x1xf32>
    %gt3A = arith.constant 0.000000e+00 : f32
    %gt3A_15 = vector.broadcast %gt3A : f32 to vector<640x1xf32>
    %gt3A_16 = arith.cmpf ogt, %broadcast_in_dim3A_14, %gt3A_15 : vector<640x1xf32>
    %jit3A_17 = arith.constant 1.000000e-01 : f32
    %broadcast_in_dim3A_18 = vector.broadcast %jit3A_17 : f32 to vector<640x1xf32>
    %select_n3A_19 = arith.select %gt3A_16, %broadcast_in_dim3A_14, %broadcast_in_dim3A_18 : vector<640x1xi1>, vector<640x1xf32>
    %get3A_20 = arith.constant 0 : index
    %get3A_21 = arith.constant 0 : index
    %get3A_22 = vector.load %arg3[%get3A_20, %get3A_21] : memref<640x128xf32, #tpu.memory_space<vmem>>, vector<640x128xf32>
    %get3A_23 = arith.constant 0 : index
    %get3A_24 = arith.constant 0 : index
    %get3A_25 = vector.load %arg4[%get3A_23, %get3A_24] : memref<640x1xi32, #tpu.memory_space<vmem>>, vector<640x1xi32>
    %broadcast_in_dim3A_26 = arith.constant 0.000000e+00 : f32
    %broadcast_in_dim3A_27 = vector.broadcast %broadcast_in_dim3A_26 : f32 to vector<640x16xf32>
    %eq3A_28 = arith.constant 0 : i32
    %eq3A_29 = vector.broadcast %eq3A_28 : i32 to vector<640x1xi32>
    %eq3A_30 = arith.cmpi eq, %get3A_25, %eq3A_29 : vector<640x1xi32>
    %slice3A = vector.extract_strided_slice %get3A_22 {offsets = [0, 0], sizes = [640, 16], strides = [1, 1]} : vector<640x128xf32> to vector<640x16xf32>
    %broadcast_in_dim3A_31 = vector.shape_cast %eq3A_30 : vector<640x1xi1> to vector<640x1xi1>
    %broadcast_in_dim3A_32 = vector.broadcast %broadcast_in_dim3A_31 : vector<640x1xi1> to vector<640x16xi1>
    %select_n3A_33 = arith.select %broadcast_in_dim3A_32, %slice3A, %broadcast_in_dim3A_27 : vector<640x16xi1>, vector<640x16xf32>
    %eq3A_34 = arith.constant 1 : i32
    %eq3A_35 = vector.broadcast %eq3A_34 : i32 to vector<640x1xi32>
    %eq3A_36 = arith.cmpi eq, %get3A_25, %eq3A_35 : vector<640x1xi32>
    %slice3A_37 = vector.extract_strided_slice %get3A_22 {offsets = [0, 16], sizes = [640, 16], strides = [1, 1]} : vector<640x128xf32> to vector<640x16xf32>
    %broadcast_in_dim3A_38 = vector.shape_cast %eq3A_36 : vector<640x1xi1> to vector<640x1xi1>
    %broadcast_in_dim3A_39 = vector.broadcast %broadcast_in_dim3A_38 : vector<640x1xi1> to vector<640x16xi1>
    %select_n3A_40 = arith.select %broadcast_in_dim3A_39, %slice3A_37, %select_n3A_33 : vector<640x16xi1>, vector<640x16xf32>
    %eq3A_41 = arith.constant 2 : i32
    %eq3A_42 = vector.broadcast %eq3A_41 : i32 to vector<640x1xi32>
    %eq3A_43 = arith.cmpi eq, %get3A_25, %eq3A_42 : vector<640x1xi32>
    %slice3A_44 = vector.extract_strided_slice %get3A_22 {offsets = [0, 32], sizes = [640, 16], strides = [1, 1]} : vector<640x128xf32> to vector<640x16xf32>
    %broadcast_in_dim3A_45 = vector.shape_cast %eq3A_43 : vector<640x1xi1> to vector<640x1xi1>
    %broadcast_in_dim3A_46 = vector.broadcast %broadcast_in_dim3A_45 : vector<640x1xi1> to vector<640x16xi1>
    %select_n3A_47 = arith.select %broadcast_in_dim3A_46, %slice3A_44, %select_n3A_40 : vector<640x16xi1>, vector<640x16xf32>
    %eq3A_48 = arith.constant 3 : i32
    %eq3A_49 = vector.broadcast %eq3A_48 : i32 to vector<640x1xi32>
    %eq3A_50 = arith.cmpi eq, %get3A_25, %eq3A_49 : vector<640x1xi32>
    %slice3A_51 = vector.extract_strided_slice %get3A_22 {offsets = [0, 48], sizes = [640, 16], strides = [1, 1]} : vector<640x128xf32> to vector<640x16xf32>
    %broadcast_in_dim3A_52 = vector.shape_cast %eq3A_50 : vector<640x1xi1> to vector<640x1xi1>
    %broadcast_in_dim3A_53 = vector.broadcast %broadcast_in_dim3A_52 : vector<640x1xi1> to vector<640x16xi1>
    %select_n3A_54 = arith.select %broadcast_in_dim3A_53, %slice3A_51, %select_n3A_47 : vector<640x16xi1>, vector<640x16xf32>
    %eq3A_55 = arith.constant 4 : i32
    %eq3A_56 = vector.broadcast %eq3A_55 : i32 to vector<640x1xi32>
    %eq3A_57 = arith.cmpi eq, %get3A_25, %eq3A_56 : vector<640x1xi32>
    %slice3A_58 = vector.extract_strided_slice %get3A_22 {offsets = [0, 64], sizes = [640, 16], strides = [1, 1]} : vector<640x128xf32> to vector<640x16xf32>
    %broadcast_in_dim3A_59 = vector.shape_cast %eq3A_57 : vector<640x1xi1> to vector<640x1xi1>
    %broadcast_in_dim3A_60 = vector.broadcast %broadcast_in_dim3A_59 : vector<640x1xi1> to vector<640x16xi1>
    %select_n3A_61 = arith.select %broadcast_in_dim3A_60, %slice3A_58, %select_n3A_54 : vector<640x16xi1>, vector<640x16xf32>
    %eq3A_62 = arith.constant 5 : i32
    %eq3A_63 = vector.broadcast %eq3A_62 : i32 to vector<640x1xi32>
    %eq3A_64 = arith.cmpi eq, %get3A_25, %eq3A_63 : vector<640x1xi32>
    %slice3A_65 = vector.extract_strided_slice %get3A_22 {offsets = [0, 80], sizes = [640, 16], strides = [1, 1]} : vector<640x128xf32> to vector<640x16xf32>
    %broadcast_in_dim3A_66 = vector.shape_cast %eq3A_64 : vector<640x1xi1> to vector<640x1xi1>
    %broadcast_in_dim3A_67 = vector.broadcast %broadcast_in_dim3A_66 : vector<640x1xi1> to vector<640x16xi1>
    %select_n3A_68 = arith.select %broadcast_in_dim3A_67, %slice3A_65, %select_n3A_61 : vector<640x16xi1>, vector<640x16xf32>
    %eq3A_69 = arith.constant 6 : i32
    %eq3A_70 = vector.broadcast %eq3A_69 : i32 to vector<640x1xi32>
    %eq3A_71 = arith.cmpi eq, %get3A_25, %eq3A_70 : vector<640x1xi32>
    %slice3A_72 = vector.extract_strided_slice %get3A_22 {offsets = [0, 96], sizes = [640, 16], strides = [1, 1]} : vector<640x128xf32> to vector<640x16xf32>
    %broadcast_in_dim3A_73 = vector.shape_cast %eq3A_71 : vector<640x1xi1> to vector<640x1xi1>
    %broadcast_in_dim3A_74 = vector.broadcast %broadcast_in_dim3A_73 : vector<640x1xi1> to vector<640x16xi1>
    %select_n3A_75 = arith.select %broadcast_in_dim3A_74, %slice3A_72, %select_n3A_68 : vector<640x16xi1>, vector<640x16xf32>
    %eq3A_76 = arith.constant 7 : i32
    %eq3A_77 = vector.broadcast %eq3A_76 : i32 to vector<640x1xi32>
    %eq3A_78 = arith.cmpi eq, %get3A_25, %eq3A_77 : vector<640x1xi32>
    %slice3A_79 = vector.extract_strided_slice %get3A_22 {offsets = [0, 112], sizes = [640, 16], strides = [1, 1]} : vector<640x128xf32> to vector<640x16xf32>
    %broadcast_in_dim3A_80 = vector.shape_cast %eq3A_78 : vector<640x1xi1> to vector<640x1xi1>
    %broadcast_in_dim3A_81 = vector.broadcast %broadcast_in_dim3A_80 : vector<640x1xi1> to vector<640x16xi1>
    %select_n3A_82 = arith.select %broadcast_in_dim3A_81, %slice3A_79, %select_n3A_75 : vector<640x16xi1>, vector<640x16xf32>
    %slice3A_83 = vector.extract_strided_slice %select_n3A_82 {offsets = [0, 0], sizes = [640, 10], strides = [1, 1]} : vector<640x16xf32> to vector<640x10xf32>
    %get3A_84 = arith.constant 0 : index
    %get3A_85 = arith.constant 0 : index
    %get3A_86 = vector.load %arg1[%get3A_84, %get3A_85] : memref<640x10xf32, #tpu.memory_space<vmem>>, vector<640x10xf32>
    %log3A = math.log %slice3A_83 : vector<640x10xf32>
    %sub3A = arith.subf %log3A, %get3A_86 : vector<640x10xf32>
    %mul3A = arith.mulf %slice3A_83, %sub3A : vector<640x10xf32>
    %reduce_sum3A_87 = arith.constant dense<0.000000e+00> : vector<640xf32>
    %reduce_sum3A_88 = vector.multi_reduction <add>, %mul3A, %reduce_sum3A_87 [1] : vector<640x10xf32> to vector<640xf32>
    %broadcast_in_dim3A_89 = vector.shape_cast %reduce_sum3A_88 : vector<640xf32> to vector<640x1xf32>
    %mul3A_90 = arith.mulf %broadcast_in_dim3A_89, %select_n3A_19 : vector<640x1xf32>
    %reduce_sum3A_91 = vector.shape_cast %mul3A_90 : vector<640x1xf32> to vector<1x640x1xf32>
    %reduce_sum3A_92 = arith.constant dense<0.000000e+00> : vector<1xf32>
    %reduce_sum3A_93 = vector.multi_reduction <add>, %reduce_sum3A_91, %reduce_sum3A_92 [1, 2] : vector<1x640x1xf32> to vector<1xf32>
    %reduce_sum3A_94 = vector.shape_cast %reduce_sum3A_93 : vector<1xf32> to vector<1x1x1xf32>
    %reduce_sum3A_95 = vector.extract %reduce_sum3A_94[0, 0, 0] : f32 from vector<1x1x1xf32>
    %div3A = arith.constant 1.280000e+02 : f32
    %div3A_96 = arith.divf %reduce_sum3A_95, %div3A : f32
    %get3A_97 = arith.constant 0 : index
    %get3A_98 = arith.constant 0 : index
    %get3A_99 = vector.load %arg5[%get3A_97, %get3A_98] : memref<3200x128xf32, #tpu.memory_space<vmem>>, vector<3200x128xf32>
    %get3A_100 = arith.constant 0 : index
    %get3A_101 = arith.constant 0 : index
    %get3A_102 = vector.load %arg6[%get3A_100, %get3A_101] : memref<3200x1xi32, #tpu.memory_space<vmem>>, vector<3200x1xi32>
    %broadcast_in_dim3A_103 = arith.constant 0.000000e+00 : f32
    %broadcast_in_dim3A_104 = vector.broadcast %broadcast_in_dim3A_103 : f32 to vector<3200x16xf32>
    %eq3A_105 = arith.constant 0 : i32
    %eq3A_106 = vector.broadcast %eq3A_105 : i32 to vector<3200x1xi32>
    %eq3A_107 = arith.cmpi eq, %get3A_102, %eq3A_106 : vector<3200x1xi32>
    %slice3A_108 = vector.extract_strided_slice %get3A_99 {offsets = [0, 0], sizes = [3200, 16], strides = [1, 1]} : vector<3200x128xf32> to vector<3200x16xf32>
    %broadcast_in_dim3A_109 = vector.shape_cast %eq3A_107 : vector<3200x1xi1> to vector<3200x1xi1>
    %broadcast_in_dim3A_110 = vector.broadcast %broadcast_in_dim3A_109 : vector<3200x1xi1> to vector<3200x16xi1>
    %select_n3A_111 = arith.select %broadcast_in_dim3A_110, %slice3A_108, %broadcast_in_dim3A_104 : vector<3200x16xi1>, vector<3200x16xf32>
    %eq3A_112 = arith.constant 1 : i32
    %eq3A_113 = vector.broadcast %eq3A_112 : i32 to vector<3200x1xi32>
    %eq3A_114 = arith.cmpi eq, %get3A_102, %eq3A_113 : vector<3200x1xi32>
    %slice3A_115 = vector.extract_strided_slice %get3A_99 {offsets = [0, 16], sizes = [3200, 16], strides = [1, 1]} : vector<3200x128xf32> to vector<3200x16xf32>
    %broadcast_in_dim3A_116 = vector.shape_cast %eq3A_114 : vector<3200x1xi1> to vector<3200x1xi1>
    %broadcast_in_dim3A_117 = vector.broadcast %broadcast_in_dim3A_116 : vector<3200x1xi1> to vector<3200x16xi1>
    %select_n3A_118 = arith.select %broadcast_in_dim3A_117, %slice3A_115, %select_n3A_111 : vector<3200x16xi1>, vector<3200x16xf32>
    %eq3A_119 = arith.constant 2 : i32
    %eq3A_120 = vector.broadcast %eq3A_119 : i32 to vector<3200x1xi32>
    %eq3A_121 = arith.cmpi eq, %get3A_102, %eq3A_120 : vector<3200x1xi32>
    %slice3A_122 = vector.extract_strided_slice %get3A_99 {offsets = [0, 32], sizes = [3200, 16], strides = [1, 1]} : vector<3200x128xf32> to vector<3200x16xf32>
    %broadcast_in_dim3A_123 = vector.shape_cast %eq3A_121 : vector<3200x1xi1> to vector<3200x1xi1>
    %broadcast_in_dim3A_124 = vector.broadcast %broadcast_in_dim3A_123 : vector<3200x1xi1> to vector<3200x16xi1>
    %select_n3A_125 = arith.select %broadcast_in_dim3A_124, %slice3A_122, %select_n3A_118 : vector<3200x16xi1>, vector<3200x16xf32>
    %eq3A_126 = arith.constant 3 : i32
    %eq3A_127 = vector.broadcast %eq3A_126 : i32 to vector<3200x1xi32>
    %eq3A_128 = arith.cmpi eq, %get3A_102, %eq3A_127 : vector<3200x1xi32>
    %slice3A_129 = vector.extract_strided_slice %get3A_99 {offsets = [0, 48], sizes = [3200, 16], strides = [1, 1]} : vector<3200x128xf32> to vector<3200x16xf32>
    %broadcast_in_dim3A_130 = vector.shape_cast %eq3A_128 : vector<3200x1xi1> to vector<3200x1xi1>
    %broadcast_in_dim3A_131 = vector.broadcast %broadcast_in_dim3A_130 : vector<3200x1xi1> to vector<3200x16xi1>
    %select_n3A_132 = arith.select %broadcast_in_dim3A_131, %slice3A_129, %select_n3A_125 : vector<3200x16xi1>, vector<3200x16xf32>
    %eq3A_133 = arith.constant 4 : i32
    %eq3A_134 = vector.broadcast %eq3A_133 : i32 to vector<3200x1xi32>
    %eq3A_135 = arith.cmpi eq, %get3A_102, %eq3A_134 : vector<3200x1xi32>
    %slice3A_136 = vector.extract_strided_slice %get3A_99 {offsets = [0, 64], sizes = [3200, 16], strides = [1, 1]} : vector<3200x128xf32> to vector<3200x16xf32>
    %broadcast_in_dim3A_137 = vector.shape_cast %eq3A_135 : vector<3200x1xi1> to vector<3200x1xi1>
    %broadcast_in_dim3A_138 = vector.broadcast %broadcast_in_dim3A_137 : vector<3200x1xi1> to vector<3200x16xi1>
    %select_n3A_139 = arith.select %broadcast_in_dim3A_138, %slice3A_136, %select_n3A_132 : vector<3200x16xi1>, vector<3200x16xf32>
    %eq3A_140 = arith.constant 5 : i32
    %eq3A_141 = vector.broadcast %eq3A_140 : i32 to vector<3200x1xi32>
    %eq3A_142 = arith.cmpi eq, %get3A_102, %eq3A_141 : vector<3200x1xi32>
    %slice3A_143 = vector.extract_strided_slice %get3A_99 {offsets = [0, 80], sizes = [3200, 16], strides = [1, 1]} : vector<3200x128xf32> to vector<3200x16xf32>
    %broadcast_in_dim3A_144 = vector.shape_cast %eq3A_142 : vector<3200x1xi1> to vector<3200x1xi1>
    %broadcast_in_dim3A_145 = vector.broadcast %broadcast_in_dim3A_144 : vector<3200x1xi1> to vector<3200x16xi1>
    %select_n3A_146 = arith.select %broadcast_in_dim3A_145, %slice3A_143, %select_n3A_139 : vector<3200x16xi1>, vector<3200x16xf32>
    %eq3A_147 = arith.constant 6 : i32
    %eq3A_148 = vector.broadcast %eq3A_147 : i32 to vector<3200x1xi32>
    %eq3A_149 = arith.cmpi eq, %get3A_102, %eq3A_148 : vector<3200x1xi32>
    %slice3A_150 = vector.extract_strided_slice %get3A_99 {offsets = [0, 96], sizes = [3200, 16], strides = [1, 1]} : vector<3200x128xf32> to vector<3200x16xf32>
    %broadcast_in_dim3A_151 = vector.shape_cast %eq3A_149 : vector<3200x1xi1> to vector<3200x1xi1>
    %broadcast_in_dim3A_152 = vector.broadcast %broadcast_in_dim3A_151 : vector<3200x1xi1> to vector<3200x16xi1>
    %select_n3A_153 = arith.select %broadcast_in_dim3A_152, %slice3A_150, %select_n3A_146 : vector<3200x16xi1>, vector<3200x16xf32>
    %eq3A_154 = arith.constant 7 : i32
    %eq3A_155 = vector.broadcast %eq3A_154 : i32 to vector<3200x1xi32>
    %eq3A_156 = arith.cmpi eq, %get3A_102, %eq3A_155 : vector<3200x1xi32>
    %slice3A_157 = vector.extract_strided_slice %get3A_99 {offsets = [0, 112], sizes = [3200, 16], strides = [1, 1]} : vector<3200x128xf32> to vector<3200x16xf32>
    %broadcast_in_dim3A_158 = vector.shape_cast %eq3A_156 : vector<3200x1xi1> to vector<3200x1xi1>
    %broadcast_in_dim3A_159 = vector.broadcast %broadcast_in_dim3A_158 : vector<3200x1xi1> to vector<3200x16xi1>
    %select_n3A_160 = arith.select %broadcast_in_dim3A_159, %slice3A_157, %select_n3A_153 : vector<3200x16xi1>, vector<3200x16xf32>
    %slice3A_161 = vector.extract_strided_slice %select_n3A_160 {offsets = [0, 0], sizes = [3200, 10], strides = [1, 1]} : vector<3200x16xf32> to vector<3200x10xf32>
    %get3A_162 = arith.constant 0 : index
    %get3A_163 = arith.constant 0 : index
    %get3A_164 = vector.load %arg2[%get3A_162, %get3A_163] : memref<3200x10xf32, #tpu.memory_space<vmem>>, vector<3200x10xf32>
    %log3A_165 = math.log %slice3A_161 : vector<3200x10xf32>
    %sub3A_166 = arith.subf %log3A_165, %get3A_164 : vector<3200x10xf32>
    %mul3A_167 = arith.mulf %slice3A_161, %sub3A_166 : vector<3200x10xf32>
    %reduce_sum3A_168 = vector.shape_cast %mul3A_167 : vector<3200x10xf32> to vector<1x3200x10xf32>
    %reduce_sum3A_169 = arith.constant dense<0.000000e+00> : vector<1xf32>
    %reduce_sum3A_170 = vector.multi_reduction <add>, %reduce_sum3A_168, %reduce_sum3A_169 [1, 2] : vector<1x3200x10xf32> to vector<1xf32>
    %reduce_sum3A_171 = vector.shape_cast %reduce_sum3A_170 : vector<1xf32> to vector<1x1x1xf32>
    %reduce_sum3A_172 = vector.extract %reduce_sum3A_171[0, 0, 0] : f32 from vector<1x1x1xf32>
    %mul3A_173 = arith.constant 1.000000e-01 : f32
    %mul3A_174 = arith.mulf %reduce_sum3A_172, %mul3A_173 : f32
    %div3A_175 = arith.constant 1.280000e+02 : f32
    %div3A_176 = arith.divf %mul3A_174, %div3A_175 : f32
    %get3A_177 = arith.constant 0 : index
    %get3A_178 = arith.constant 0 : index
    %get3A_179 = vector.load %arg0[%get3A_177, %get3A_178] : memref<128x10xf32, #tpu.memory_space<vmem>>, vector<128x10xf32>
    %reduce_sum3A_180 = arith.constant dense<0.000000e+00> : vector<10xf32>
    %reduce_sum3A_181 = vector.multi_reduction <add>, %get3A_179, %reduce_sum3A_180 [0] : vector<128x10xf32> to vector<10xf32>
    %broadcast_in_dim3A_182 = vector.shape_cast %reduce_sum3A_181 : vector<10xf32> to vector<1x10xf32>
    %div3A_183 = arith.constant 1.280000e+02 : f32
    %div3A_184 = vector.broadcast %div3A_183 : f32 to vector<1x10xf32>
    %div3A_185 = arith.divf %broadcast_in_dim3A_182, %div3A_184 : vector<1x10xf32>
    %add3A = arith.constant 9.99999974E-6 : f32
    %add3A_186 = vector.broadcast %add3A : f32 to vector<1x10xf32>
    %add3A_187 = arith.addf %div3A_185, %add3A_186 : vector<1x10xf32>
    %log3A_188 = math.log %add3A_187 : vector<1x10xf32>
    %mul3A_189 = arith.mulf %div3A_185, %log3A_188 : vector<1x10xf32>
    %reduce_sum3A_190 = vector.shape_cast %mul3A_189 : vector<1x10xf32> to vector<1x1x10xf32>
    %reduce_sum3A_191 = arith.constant dense<0.000000e+00> : vector<1xf32>
    %reduce_sum3A_192 = vector.multi_reduction <add>, %reduce_sum3A_190, %reduce_sum3A_191 [1, 2] : vector<1x1x10xf32> to vector<1xf32>
    %reduce_sum3A_193 = vector.shape_cast %reduce_sum3A_192 : vector<1xf32> to vector<1x1x1xf32>
    %reduce_sum3A_194 = vector.extract %reduce_sum3A_193[0, 0, 0] : f32 from vector<1x1x1xf32>
    %add3A_195 = arith.addf %div3A_176, %div3A_96 : f32
    %add3A_196 = arith.addf %add3A_195, %reduce_sum3A_194 : f32
    %reshape3A = vector.broadcast %add3A_196 : f32 to vector<1x1xf32>
    %swap3A = arith.constant 0 : index
    %swap3A_197 = arith.constant 0 : index
    %swap3A_198 = vector.load %arg9[%swap3A, %swap3A_197] : memref<1x1xf32, #tpu.memory_space<vmem>>, vector<1x1xf32>
    tpu.vector_store %arg9[%swap3A, %swap3A_197], %reshape3A {strides = array<i32>} : memref<1x1xf32, #tpu.memory_space<vmem>>, vector<1x1xf32>,
    return
  }
}

</mosaic_0001>

<sc_bundles>
// kernel: kernel.11.cloned.1.call-start
scs
__scs_entry_jumppad:
0x0: {  	(pc) =	sbr.rel $0x88, $3  }
0x1: {  	(tag) =	ssettag $0x0;
	lr =	simm.s32 $0x1  }
0x2: {  	[smem:$0x3F9C] =	sst lr;
	_ =	strace $0xD0000000  }
0x3: {  	_ = 	snop  }
0x4: {  	_ = 	snop  }
0x5: {  	_ = 	snop  }
0x6: {  	_ = 	snop  }
0x7: {  	_ = 	snop  }
__scs_overlays_trampoline_lowered:
0x8: {  	[smem:$0x3FAB] =	sst s0  }
0x9: {  	[smem:$0x3FAC] =	sst s1  }
0xa: {  	[smem:$0x3FAD] =	sst s2  }
0xb: {  	[smem:$0x3FAE] =	sst s3  }
0xc: {  	[smem:$0x3FAF] =	sst s4  }
0xd: {  	[smem:$0x3FB0] =	sst s5  }
0xe: {  	[smem:$0x3FB1] =	sst s6  }
0xf: {  	[smem:$0x3FB2] =	sst s7  }
0x10: {  	[smem:$0x3FB3] =	sst s8  }
0x11: {  	[smem:$0x3FB4] =	sst s9;
	s0 =	simm.s32 @!p0 $0x0  }
0x12: {  	s1 =	sld [smem:$0x3F9A];
	s0 =	simm.s32 @p0 $0x1  }
0x13: {  	[smem:$0x3FB5] =	sst s0;
	s0 =	simm.s32 @!p1 $0x0  }
0x14: {  	s2 =	sld [smem:$0x3F99];
	s0 =	simm.s32 @p1 $0x1  }
0x15: {  	[smem:$0x3FB6] =	sst s0;
	s0 =	simm.s32 @!p2 $0x0  }
0x16: {  	s3 =	sld [smem:$0x3FDB];
	s0 =	simm.s32 @p2 $0x1  }
0x17: {  	s4 =	simm.s32 $0x1BF5;
	[smem:$0x3FB8] =	sst s0  }
0x18: {  	s0 =	sld [smem:$0x3F9B];
	_ =	swait.ge [sflag:s4], $0x0  }
0x19: {  	s7 =	sld [smem:$0x3F9C]  }
0x1a: {  	s8 =	sadd.s32 $0xFFFFE003, lr  }
0x1b: {  	s9 =	sadd.s32 $0xFFFFFEF7, lr;
	s5 =	simm.s32 $0xFFFFFFFF;
	p2 =	slt.u32 s8, $0xFFFFF086  }
0x1c: {  	p1 =	slt.u32 s9, $0xF7A;
	s5 =	simm.s32 @!p2 $0x0  }
0x1d: {  	s5 =	simm.s32 @p1 $0x1;
	p0 =	seq.s32 s7, s2  }
0x1e: {  	s7 =	smul.u32 @!p0 $0xF7A, s2;
	p2 =	seq.s32 @!p0 s5, $0x0  }
0x1f: {  	s9 =	smul.u32 $0xF7A, s1;
	s8 =	simm.s32 @!p0 $0x1BF5;
	p2 =	por !p2, p0  }
0x20: {  	[sflag:s8] =	ssyncset.s32 @!p0 $0xFFFFF086;
	s6 =	sadd.s32 @!p0 s3, s7;
	s7 =	simm.s32 @!p0 $0x108  }
0x21: {  	s3 =	sadd.s32 s3, s9;
	s6 =	sadd.s32 @!p0 $0x88, s6;
	s7 =	simm.s32 @p2 $0x1082  }
0x22: {  	[simem:s7], [sflag:s8] =	dma.local @!p0 [hbm:s6], $0xF7A  }
0x23: {  	s9 =	sor.u32 $0xD0000000, s2;
	s6 =	simm.s32 $0x108;
	_ =	swait.ge @!p0 [sflag:s8], $0x0  }
0x24: {  	s3 =	sadd.s32 $0x88, s3;
	s6 =	simm.s32 @!p1 $0x1082;
	[sflag:s4] =	ssyncset.s32 $0xFFFFF086  }
0x25: {  	[simem:s6], [sflag:s4] =	dma.local [hbm:s3], $0xF7A  }
0x26: {  	[smem:$0x3F9C] =	sst s1;
	(tag) =	ssettag s2;
	_ =	strace s9  }
0x27: {  	s1 =	sld [smem:$0x3FAC]  }
0x28: {  	s2 =	sld [smem:$0x3FAD]  }
0x29: {  	s4 =	sld [smem:$0x3FAF]  }
0x2a: {  	p0 =	seq.s32 s5, $0x0;
	s5 =	sld [smem:$0x3FB0]  }
0x2b: {  	s6 =	sld [smem:$0x3FB1]  }
0x2c: {  	s7 =	sld [smem:$0x3FB2]  }
0x2d: {  	s3 =	simm.s32 $0x108;
	s8 =	sld [smem:$0x3FB3]  }
0x2e: {  	s3 =	simm.s32 @!p0 $0x1082;
	s9 =	sld [smem:$0x3FB4]  }
0x2f: {  	lr =	sadd.s32 s0, s3;
	s0 =	sld [smem:$0x3FAB]  }
0x30: {  	s3 =	sld [smem:$0x3FAE]  }
0x31: {  	[smem:$0x3FB7] =	sst s10  }
0x32: {  	s10 =	sld [smem:$0x3FB5];
	_ =	sdelay $0x3  }
0x33: {  	p0 =	seq.s32 s10, $0x1;
	s10 =	sld [smem:$0x3FB7];
	_ =	sdelay $0x3  }
0x34: {  	[smem:$0x3FB7] =	sst s10  }
0x35: {  	s10 =	sld [smem:$0x3FB6];
	_ =	sdelay $0x3  }
0x36: {  	p1 =	seq.s32 s10, $0x1;
	s10 =	sld [smem:$0x3FB7];
	_ =	sdelay $0x3  }
0x37: {  	[smem:$0x3FB7] =	sst s10  }
0x38: {  	s10 =	sld [smem:$0x3FB8]  }
0x39: {  	_ = 	snop;
	(pc) =	sbr.ind lr, $3  }
0x3a: {  	_ = 	snop  }
0x3b: {  	_ = 	snop  }
0x3c: {  	p2 =	seq.s32 s10, $0x1;
	s10 =	sld [smem:$0x3FB7]  }
0x3d: {  	_ =	shalt  }
0x3e: {  	_ =	shalt  }
0x3f: {  	_ =	shalt  }
0x40: {  	_ =	shalt  }
0x41: {  	_ =	shalt  }
0x42: {  	_ =	shalt  }
0x43: {  	_ =	shalt  }
0x44: {  	_ =	shalt  }
0x45: {  	_ =	shalt  }
0x46: {  	_ =	shalt  }
0x47: {  	_ =	shalt  }
0x48: {  	_ =	shalt  }
0x49: {  	_ =	shalt  }
0x4a: {  	_ =	shalt  }
0x4b: {  	_ =	shalt  }
0x4c: {  	_ =	shalt  }
0x4d: {  	_ =	shalt  }
0x4e: {  	_ =	shalt  }
0x4f: {  	_ =	shalt  }
0x50: {  	_ =	shalt  }
0x51: {  	_ =	shalt  }
0x52: {  	_ =	shalt  }
0x53: {  	_ =	shalt  }
0x54: {  	_ =	shalt  }
0x55: {  	_ =	shalt  }
0x56: {  	_ =	shalt  }
0x57: {  	_ =	shalt  }
0x58: {  	_ =	shalt  }
0x59: {  	_ =	shalt  }
0x5a: {  	_ =	shalt  }
0x5b: {  	_ =	shalt  }
0x5c: {  	_ =	shalt  }
0x5d: {  	_ =	shalt  }
0x5e: {  	_ =	shalt  }
0x5f: {  	_ =	shalt  }
0x60: {  	_ =	shalt  }
0x61: {  	_ =	shalt  }
0x62: {  	_ =	shalt  }
0x63: {  	_ =	shalt  }
0x64: {  	_ =	shalt  }
0x65: {  	_ =	shalt  }
0x66: {  	_ =	shalt  }
0x67: {  	_ =	shalt  }
0x68: {  	_ =	shalt  }
0x69: {  	_ =	shalt  }
0x6a: {  	_ =	shalt  }
0x6b: {  	_ =	shalt  }
0x6c: {  	_ =	shalt  }
0x6d: {  	_ =	shalt  }
0x6e: {  	_ =	shalt  }
0x6f: {  	_ =	shalt  }
0x70: {  	_ =	shalt  }
0x71: {  	_ =	shalt  }
0x72: {  	_ =	shalt  }
0x73: {  	_ =	shalt  }
0x74: {  	_ =	shalt  }
0x75: {  	_ =	shalt  }
0x76: {  	_ =	shalt  }
0x77: {  	_ =	shalt  }
0x78: {  	_ =	shalt  }
0x79: {  	_ =	shalt  }
0x7a: {  	_ =	shalt  }
0x7b: {  	_ =	shalt  }
0x7c: {  	_ =	shalt  }
0x7d: {  	_ =	shalt  }
0x7e: {  	_ =	shalt  }
0x7f: {  	_ =	shalt  }
0x80: {  	_ =	shalt  }
0x81: {  	_ =	shalt  }
0x82: {  	_ =	shalt  }
0x83: {  	_ =	shalt  }
0x84: {  	_ =	shalt  }
0x85: {  	_ =	shalt  }
0x86: {  	_ =	shalt  }
0x87: {  	_ =	shalt  }
.Lfunc_end0:
.L_simem_size_0:
called_computation_lowered:
.L_overlay_start_0:
0x88: {  	s2 =	sld [smem:$0x3FD9]  }
0x89: {  	s3 =	sld [smem:$0x3FFE];
	_ =	sdelay $0x1  }
0x8a: {  	s1 =	srdreg.scid  }
0x8b: {  	s0 =	sand.u32 $0x1, s1  }
0x8c: {  	s16 =	sshll.u32 s0, $0xA;
	s2 =	sadd.s32 s3, s2  }
0x8d: {  	s2 =	sadd.s32 s2, s16  }
0x8e: {  	[smem:$0x3FC3] =	sst s2  }
0x8f: {  	_ = 	snop  }
0x90: {  	(tm) =	ssettm $0x1  }
0x91: {  	s17 =	sld [smem:$0x3FFB];
	_ =	sdelay $0x3  }
0x92: {  	_ =	strace s17  }
0x93: {  	s2 =	sld [smem:$0x3FFC];
	_ =	sdelay $0x3  }
0x94: {  	_ =	strace s2  }
0x95: {  	s2 =	sld [smem:$0x3FFD];
	_ =	sdelay $0x3  }
0x96: {  	_ =	strace s2  }
0x97: {  	_ =	strace $0x8FFFFFFF  }
0x98: {  	s18 =	sld [smem:$0x3FDB];
	_ =	sdelay $0x1  }
0x99: {  	s19 =	simm.s32 $_scs_section_size  }
0x9a: {  	s4 =	simm.s32 $_size__tile_overlayer_lowered;
	s5 =	simm.s32 $_tile_overlayer_lowered  }
0x9b: {  	s22 =	simm.s32 $0x1BFF;
	s21 =	sshll.u32 s5, $0x1;
	s2 =	sadd.s32 s19, s18  }
0x9c: {  	s6 =	simm.s32 $0x0;
	s20 =	sshll.u32 s4, $0x1;
	s4 =	sadd.s32 s21, s2  }
0x9d: {  	[timem:s6], [sflag:s22] =	dma.local [hbm:s4], s20  }
0x9e: {  	_ =	swait.ge [sflag:s22], s20  }
0x9f: {  	s3 =	ssub.s32 $0x0, s20;
	[sflag:s22] =	ssyncset.done $0x0  }
0xa0: {  	[sflag:s22] =	ssyncadd.s32 s3;
	_ =	sdelay $0x1  }
0xa1: {  	s23 =	simm.s32 $0x1B8B  }
0xa2: {  	_ =	swait.ge [sflag:s23], $0x1  }
0xa3: {  	[sflag:s23] =	ssyncset.done $0x0  }
0xa4: {  	s25 =	simm.s32 $0x1B8E;
	s24 =	sld [smem:$0x3FFE];
	[sflag:s23] =	ssyncadd.s32 $0xFFFFFFFF  }
0xa5: {  	s26 =	simm.s32 $execute0_lowered;
	[smem:$0x3FD2] =	sst s25  }
0xa6: {  	s4 =	sshll.u32 s26, $0x1;
	_ =	strace $0x80000046;
	[dreg:$0x1] =	wrdreg $0xFFFFFFFF  }
0xa7: {  	s28 =	simm.s32 $_size_execute0_lowered;
	s2 =	sadd.s32 s2, s4;
	[dreg:$0x0] =	wrdreg $0x0  }
0xa8: {  	s4 =	sshll.u32 s28, $0x1;
	[dreg:$0x2] =	wrdreg s2  }
0xa9: {  	[dreg:$0x3] =	wrdreg s4  }
0xaa: {  	[dreg:$0x4] =	wrdreg $0xC0  }
0xab: {  	_ =	task [dreg:s6], $0x5FFFF  }
0xac: {  	[dreg:$0x1] =	wrdreg $0xFFFFFFFF  }
0xad: {  	[dreg:$0x0] =	wrdreg $0x60  }
0xae: {  	[dreg:$0x2] =	wrdreg s24  }
0xaf: {  	[dreg:$0x3] =	wrdreg $0x9  }
0xb0: {  	_ =	task.clear_ibuf [dreg:s6], $0x4FFFF;
	_ =	strace $0x90000046  }
0xb1: {  	s29 =	simm.s32 $0x9;
	_ =	strace $0x80000048  }
0xb2: {  	_ =	swait.ge [sflag:s29], $0x1  }
0xb3: {  	[sflag:s29] =	ssyncadd.s32 $0xFFFFFFFF  }
0xb4: {  	_ =	strace $0x90000048  }
0xb5: {  	_ =	sfence  }
0xb6: {  	s30 =	sld [smem:$0x0];
	_ =	sdelay $0x2  }
0xb7: {  	s31 =	sshll.u32 s1, $0xD;
	s1 =	sshrl.u32 s1, $0x2  }
0xb8: {  	s3 =	sand.u32 $0x4000, s31;
	s1 =	sadd.s32 s1, s30  }
0xb9: {  	s0 =	sor.u32 s3, s0;
	s1 =	sshll.u32 s1, $0x11  }
0xba: {  	s0 =	sor.u32 s1, s0  }
0xbb: {  	s0 =	sadd.s32 $0x8F2B, s0  }
0xbc: {  	[sflag:s0] =	ssyncadd.remote.s32 $0x1  }
0xbd: {  	_ =	sfence.sel $0xFFFF  }
0xbe: {  	[dreg:$0x0] =	wrdreg $0xFFFFFFFF;
	(pc) =	sbr.abs _section_cstart, $3  }
0xbf: {  	[dreg:$0x1] =	wrdreg $0xFFFFFFFF  }
0xc0: {  	_ =	task.clear_ibuf [dreg:s6], $0x2FFFF;
	_ =	strace $0x9FFFFFFF  }
0xc1: {  	(tm) =	ssettm $0x7FFFFFFF  }
tec
execute0_lowered:
.L_overlay_start_1:
0x0: {  	(tag) =	ssettag $0x1  }
0x1: {  	s1 =	srdreg.scid  }
0x2: {  	s0 =	stileid.u32;
	s6 =	sand.u32 $0x1, s1  }
0x3: {  	s8 =	rddreg [dreg:$0x0];
	s30 =	sshll.u32 s0, $0xA;
	s2 =	sshll.u32 s6, $0x9  }
0x4: {  	s7 =	simm.s32 $0x1;
	s1 =	rddreg [dreg:$0x1];
	s9 =	sor.u32 s2, s30  }
0x5: {  	s5 =	sadd.s32 $0x2200, s8;
	s2 =	simm.s32 $0x0;
	s3 =	sshrl.u32 s9, $0x3  }
0x6: {  	s10 =	ssub.s32 $0x2, s6;
	[smem:$0x7FF] =	sst s2;
	s3 =	sadd.s32 s3, s8  }
0x7: {  	_ =	strace $0x80000047;
	s4 =	sadd.s32 $0x188C00, s3;
	s3 =	simm.s32 $0x2  }
0x8: {  	[tilespmem:s2], [sflag:$0x2] =	stream.linear.gather [hbm4b:s4+s2], $0x200, $0x38;
	[tilespmem:$0x10200] =	vst v63  }
0x9: {  	s6 =	simm.s32 $0x200;
	s11 =	sshrl.u32 s10, $0x1;
	_ =	swait.ge [sflag:s3], $0x200  }
0xa: {  	s9 =	sshll.u32 s9, $0x4;
	s31 =	ssub.s32 s10, s11;
	[sflag:s3] =	ssyncset.done $0x0  }
0xb: {  	s8 =	sadd.s32 s9, s8;
	s9 =	smax.u32 s31, $0x1;
	[sflag:s3] =	ssyncadd.s32 $0xFFFFFE00  }
0xc: {  	[tilespmem:s6], [sflag:$0x1] =	stream.indirect.gather [hbm4b:s5+s6], $0x80, s2, s6, $0xb8;
	[tilespmem:$0x10200] =	vst v63  }
0xd: {  	p0 =	sne.s32 s9, $0x1;
	_ =	swait.ge [sflag:s7], $0x10000  }
.Ltmp0:
0xe: {  	[sflag:s7] =	ssyncset.done $0x0;
	(pc) =	sbr.rel @!p0 .LBB2_2-.Ltmp0, $4  }
0xf: {  	s8 =	sadd.s32 $0x189400, s8;
	[sflag:s7] =	ssyncadd.s32 $0xFFFF0000  }
0x10: {  	[hbm4b:s8+s2] =	stream.linear.scatter [tilespmem:s6], [sflag:$0x2], $0x10000, $0x38;
	[tilespmem:$0x10200] =	vst v63  }
0x11: {  	_ =	swait.ge [sflag:s3], $0x10000  }
0x12: {  	s9 =	sadd.s32 $0xFFFFFFFF, s9;
	[sflag:s3] =	ssyncset.done $0x0  }
.LBB2_1:
0x13: {  	p0 =	sne.s32 s9, $0x1;
	s9 =	sadd.s32 $0xFFFFFFFF, s9;
	[sflag:s3] =	ssyncadd.s32 $0xFFFF0000  }
0x14: {  	[tilespmem:s2], [sflag:$0x2] =	stream.linear.gather [hbm4b:s4+s2], $0x200, $0x38;
	[tilespmem:$0x10200] =	vst v63  }
0x15: {  	_ =	swait.ge [sflag:s3], $0x200  }
0x16: {  	[sflag:s3] =	ssyncset.done $0x0  }
0x17: {  	[sflag:s3] =	ssyncadd.s32 $0xFFFFFE00  }
0x18: {  	[tilespmem:s6], [sflag:$0x1] =	stream.indirect.gather [hbm4b:s5+s6], $0x80, s2, s6, $0xb8;
	[tilespmem:$0x10200] =	vst v63  }
0x19: {  	_ =	swait.ge [sflag:s7], $0x10000  }
.Ltmp1:
0x1a: {  	[sflag:s7] =	ssyncset.done $0x0;
	(pc) =	sbr.rel @p0 .LBB2_1-.Ltmp1, $4  }
0x1b: {  	[sflag:s7] =	ssyncadd.s32 $0xFFFF0000  }
0x1c: {  	[hbm4b:s8+s2] =	stream.linear.scatter [tilespmem:s6], [sflag:$0x2], $0x10000, $0x38;
	[tilespmem:$0x10200] =	vst v63  }
0x1d: {  	_ =	swait.ge [sflag:s3], $0x10000  }
0x1e: {  	[sflag:s3] =	ssyncset.done $0x0  }
.LBB2_2:
0x1f: {  	[sflag:s3] =	ssyncadd.s32 $0xFFFF0000  }
0x20: {  	_ =	sfence.sel $0x180000  }
0x21: {  	[bflag:$0x0] =	sbarrier.arrive $0xFFFF  }
0x22: {  	p0 =	sne.s32 s0, $0x0;
	_ =	strace $0x90000047  }
0x23: {  	s0 =	sadd.s32 @!p0 $0x100000, s1;
	[bflag:$0x2] =	sbarrier.arrive $0xFFFF  }
0x24: {  	[sflag:s0] =	ssyncadd.tile.s32 @!p0 $0x1;
	_ =	shalt  }
.Lfunc_end2:
_tile_overlayer_lowered:
.L_overlay_start_2:
0x25: {  	(tag) =	ssettag $0x2  }
0x26: {  	s0 =	rddreg [dreg:$0x0];
	s2 =	stileid.u32  }
0x27: {  	s1 =	rddreg [dreg:$0x1];
	p0 =	sne.s32 s2, $0x0  }
0x28: {  	s3 =	rddreg [dreg:$0x2];
	[bflag:$0x3] =	sbarrier.arrive $0xFFFF;
	s2 =	simm.s32 @!p0 $0x1C02  }
0x29: {  	[timem:s3], [sflag:s2] =	dma.local @!p0 [hbm:s0], s1  }
0x2a: {  	s0 =	simm.s32 @!p0 $0x2  }
0x2b: {  	_ =	swait.ge @!p0 [sflag:s0], s1  }
0x2c: {  	s1 =	ssub.s32 @!p0 $0x0, s1;
	[sflag:s0] =	ssyncset.done @!p0 $0x0  }
0x2d: {  	[sflag:s0] =	ssyncadd.s32 @!p0 s1  }
0x2e: {  	[bflag:$0x3] =	sbarrier.arrive $0xFFFF  }
0x2f: {  	_ =	shalt  }

// kernel: kernel.14.cloned.1.call-start
scs
__scs_entry_jumppad:
0x0: {  	(pc) =	sbr.rel $0x88, $3  }
0x1: {  	(tag) =	ssettag $0x0;
	lr =	simm.s32 $0x1  }
0x2: {  	[smem:$0x3F9C] =	sst lr;
	_ =	strace $0xD0000000  }
0x3: {  	_ = 	snop  }
0x4: {  	_ = 	snop  }
0x5: {  	_ = 	snop  }
0x6: {  	_ = 	snop  }
0x7: {  	_ = 	snop  }
__scs_overlays_trampoline_lowered:
0x8: {  	[smem:$0x3FAB] =	sst s0  }
0x9: {  	[smem:$0x3FAC] =	sst s1  }
0xa: {  	[smem:$0x3FAD] =	sst s2  }
0xb: {  	[smem:$0x3FAE] =	sst s3  }
0xc: {  	[smem:$0x3FAF] =	sst s4  }
0xd: {  	[smem:$0x3FB0] =	sst s5  }
0xe: {  	[smem:$0x3FB1] =	sst s6  }
0xf: {  	[smem:$0x3FB2] =	sst s7  }
0x10: {  	[smem:$0x3FB3] =	sst s8  }
0x11: {  	[smem:$0x3FB4] =	sst s9;
	s0 =	simm.s32 @!p0 $0x0  }
0x12: {  	s1 =	sld [smem:$0x3F9A];
	s0 =	simm.s32 @p0 $0x1  }
0x13: {  	[smem:$0x3FB5] =	sst s0;
	s0 =	simm.s32 @!p1 $0x0  }
0x14: {  	s2 =	sld [smem:$0x3F99];
	s0 =	simm.s32 @p1 $0x1  }
0x15: {  	[smem:$0x3FB6] =	sst s0;
	s0 =	simm.s32 @!p2 $0x0  }
0x16: {  	s3 =	sld [smem:$0x3FDB];
	s0 =	simm.s32 @p2 $0x1  }
0x17: {  	s4 =	simm.s32 $0x1BF5;
	[smem:$0x3FB8] =	sst s0  }
0x18: {  	s0 =	sld [smem:$0x3F9B];
	_ =	swait.ge [sflag:s4], $0x0  }
0x19: {  	s7 =	sld [smem:$0x3F9C]  }
0x1a: {  	s8 =	sadd.s32 $0xFFFFE003, lr  }
0x1b: {  	s9 =	sadd.s32 $0xFFFFFEF7, lr;
	s5 =	simm.s32 $0xFFFFFFFF;
	p2 =	slt.u32 s8, $0xFFFFF086  }
0x1c: {  	p1 =	slt.u32 s9, $0xF7A;
	s5 =	simm.s32 @!p2 $0x0  }
0x1d: {  	s5 =	simm.s32 @p1 $0x1;
	p0 =	seq.s32 s7, s2  }
0x1e: {  	s7 =	smul.u32 @!p0 $0xF7A, s2;
	p2 =	seq.s32 @!p0 s5, $0x0  }
0x1f: {  	s9 =	smul.u32 $0xF7A, s1;
	s8 =	simm.s32 @!p0 $0x1BF5;
	p2 =	por !p2, p0  }
0x20: {  	[sflag:s8] =	ssyncset.s32 @!p0 $0xFFFFF086;
	s6 =	sadd.s32 @!p0 s3, s7;
	s7 =	simm.s32 @!p0 $0x108  }
0x21: {  	s3 =	sadd.s32 s3, s9;
	s6 =	sadd.s32 @!p0 $0x88, s6;
	s7 =	simm.s32 @p2 $0x1082  }
0x22: {  	[simem:s7], [sflag:s8] =	dma.local @!p0 [hbm:s6], $0xF7A  }
0x23: {  	s9 =	sor.u32 $0xD0000000, s2;
	s6 =	simm.s32 $0x108;
	_ =	swait.ge @!p0 [sflag:s8], $0x0  }
0x24: {  	s3 =	sadd.s32 $0x88, s3;
	s6 =	simm.s32 @!p1 $0x1082;
	[sflag:s4] =	ssyncset.s32 $0xFFFFF086  }
0x25: {  	[simem:s6], [sflag:s4] =	dma.local [hbm:s3], $0xF7A  }
0x26: {  	[smem:$0x3F9C] =	sst s1;
	(tag) =	ssettag s2;
	_ =	strace s9  }
0x27: {  	s1 =	sld [smem:$0x3FAC]  }
0x28: {  	s2 =	sld [smem:$0x3FAD]  }
0x29: {  	s4 =	sld [smem:$0x3FAF]  }
0x2a: {  	p0 =	seq.s32 s5, $0x0;
	s5 =	sld [smem:$0x3FB0]  }
0x2b: {  	s6 =	sld [smem:$0x3FB1]  }
0x2c: {  	s7 =	sld [smem:$0x3FB2]  }
0x2d: {  	s3 =	simm.s32 $0x108;
	s8 =	sld [smem:$0x3FB3]  }
0x2e: {  	s3 =	simm.s32 @!p0 $0x1082;
	s9 =	sld [smem:$0x3FB4]  }
0x2f: {  	lr =	sadd.s32 s0, s3;
	s0 =	sld [smem:$0x3FAB]  }
0x30: {  	s3 =	sld [smem:$0x3FAE]  }
0x31: {  	[smem:$0x3FB7] =	sst s10  }
0x32: {  	s10 =	sld [smem:$0x3FB5];
	_ =	sdelay $0x3  }
0x33: {  	p0 =	seq.s32 s10, $0x1;
	s10 =	sld [smem:$0x3FB7];
	_ =	sdelay $0x3  }
0x34: {  	[smem:$0x3FB7] =	sst s10  }
0x35: {  	s10 =	sld [smem:$0x3FB6];
	_ =	sdelay $0x3  }
0x36: {  	p1 =	seq.s32 s10, $0x1;
	s10 =	sld [smem:$0x3FB7];
	_ =	sdelay $0x3  }
0x37: {  	[smem:$0x3FB7] =	sst s10  }
0x38: {  	s10 =	sld [smem:$0x3FB8]  }
0x39: {  	_ = 	snop;
	(pc) =	sbr.ind lr, $3  }
0x3a: {  	_ = 	snop  }
0x3b: {  	_ = 	snop  }
0x3c: {  	p2 =	seq.s32 s10, $0x1;
	s10 =	sld [smem:$0x3FB7]  }
0x3d: {  	_ =	shalt  }
0x3e: {  	_ =	shalt  }
0x3f: {  	_ =	shalt  }
0x40: {  	_ =	shalt  }
0x41: {  	_ =	shalt  }
0x42: {  	_ =	shalt  }
0x43: {  	_ =	shalt  }
0x44: {  	_ =	shalt  }
0x45: {  	_ =	shalt  }
0x46: {  	_ =	shalt  }
0x47: {  	_ =	shalt  }
0x48: {  	_ =	shalt  }
0x49: {  	_ =	shalt  }
0x4a: {  	_ =	shalt  }
0x4b: {  	_ =	shalt  }
0x4c: {  	_ =	shalt  }
0x4d: {  	_ =	shalt  }
0x4e: {  	_ =	shalt  }
0x4f: {  	_ =	shalt  }
0x50: {  	_ =	shalt  }
0x51: {  	_ =	shalt  }
0x52: {  	_ =	shalt  }
0x53: {  	_ =	shalt  }
0x54: {  	_ =	shalt  }
0x55: {  	_ =	shalt  }
0x56: {  	_ =	shalt  }
0x57: {  	_ =	shalt  }
0x58: {  	_ =	shalt  }
0x59: {  	_ =	shalt  }
0x5a: {  	_ =	shalt  }
0x5b: {  	_ =	shalt  }
0x5c: {  	_ =	shalt  }
0x5d: {  	_ =	shalt  }
0x5e: {  	_ =	shalt  }
0x5f: {  	_ =	shalt  }
0x60: {  	_ =	shalt  }
0x61: {  	_ =	shalt  }
0x62: {  	_ =	shalt  }
0x63: {  	_ =	shalt  }
0x64: {  	_ =	shalt  }
0x65: {  	_ =	shalt  }
0x66: {  	_ =	shalt  }
0x67: {  	_ =	shalt  }
0x68: {  	_ =	shalt  }
0x69: {  	_ =	shalt  }
0x6a: {  	_ =	shalt  }
0x6b: {  	_ =	shalt  }
0x6c: {  	_ =	shalt  }
0x6d: {  	_ =	shalt  }
0x6e: {  	_ =	shalt  }
0x6f: {  	_ =	shalt  }
0x70: {  	_ =	shalt  }
0x71: {  	_ =	shalt  }
0x72: {  	_ =	shalt  }
0x73: {  	_ =	shalt  }
0x74: {  	_ =	shalt  }
0x75: {  	_ =	shalt  }
0x76: {  	_ =	shalt  }
0x77: {  	_ =	shalt  }
0x78: {  	_ =	shalt  }
0x79: {  	_ =	shalt  }
0x7a: {  	_ =	shalt  }
0x7b: {  	_ =	shalt  }
0x7c: {  	_ =	shalt  }
0x7d: {  	_ =	shalt  }
0x7e: {  	_ =	shalt  }
0x7f: {  	_ =	shalt  }
0x80: {  	_ =	shalt  }
0x81: {  	_ =	shalt  }
0x82: {  	_ =	shalt  }
0x83: {  	_ =	shalt  }
0x84: {  	_ =	shalt  }
0x85: {  	_ =	shalt  }
0x86: {  	_ =	shalt  }
0x87: {  	_ =	shalt  }
.Lfunc_end0:
.L_simem_size_0:
called_computation.1_lowered:
.L_overlay_start_0:
0x88: {  	s2 =	sld [smem:$0x3FD9]  }
0x89: {  	s3 =	sld [smem:$0x3FFE];
	_ =	sdelay $0x1  }
0x8a: {  	s1 =	srdreg.scid  }
0x8b: {  	s0 =	sand.u32 $0x1, s1  }
0x8c: {  	s16 =	sshll.u32 s0, $0xA;
	s2 =	sadd.s32 s3, s2  }
0x8d: {  	s2 =	sadd.s32 s2, s16  }
0x8e: {  	[smem:$0x3FC3] =	sst s2  }
0x8f: {  	_ = 	snop  }
0x90: {  	(tm) =	ssettm $0x1  }
0x91: {  	s17 =	sld [smem:$0x3FFB];
	_ =	sdelay $0x3  }
0x92: {  	_ =	strace s17  }
0x93: {  	s2 =	sld [smem:$0x3FFC];
	_ =	sdelay $0x3  }
0x94: {  	_ =	strace s2  }
0x95: {  	s2 =	sld [smem:$0x3FFD];
	_ =	sdelay $0x3  }
0x96: {  	_ =	strace s2  }
0x97: {  	_ =	strace $0x8FFFFFFF  }
0x98: {  	s18 =	sld [smem:$0x3FDB];
	_ =	sdelay $0x1  }
0x99: {  	s19 =	simm.s32 $_scs_section_size  }
0x9a: {  	s4 =	simm.s32 $_size__tile_overlayer_lowered;
	s5 =	simm.s32 $_tile_overlayer_lowered  }
0x9b: {  	s22 =	simm.s32 $0x1BFF;
	s21 =	sshll.u32 s5, $0x1;
	s2 =	sadd.s32 s19, s18  }
0x9c: {  	s6 =	simm.s32 $0x0;
	s20 =	sshll.u32 s4, $0x1;
	s4 =	sadd.s32 s21, s2  }
0x9d: {  	[timem:s6], [sflag:s22] =	dma.local [hbm:s4], s20  }
0x9e: {  	_ =	swait.ge [sflag:s22], s20  }
0x9f: {  	s3 =	ssub.s32 $0x0, s20;
	[sflag:s22] =	ssyncset.done $0x0  }
0xa0: {  	[sflag:s22] =	ssyncadd.s32 s3;
	_ =	sdelay $0x1  }
0xa1: {  	s23 =	simm.s32 $0x1B8B  }
0xa2: {  	_ =	swait.ge [sflag:s23], $0x1  }
0xa3: {  	[sflag:s23] =	ssyncset.done $0x0  }
0xa4: {  	s25 =	simm.s32 $0x1B8E;
	s24 =	sld [smem:$0x3FFE];
	[sflag:s23] =	ssyncadd.s32 $0xFFFFFFFF  }
0xa5: {  	s26 =	simm.s32 $execute0_lowered;
	[smem:$0x3FD2] =	sst s25  }
0xa6: {  	s4 =	sshll.u32 s26, $0x1;
	_ =	strace $0x80000049;
	[dreg:$0x1] =	wrdreg $0xFFFFFFFF  }
0xa7: {  	s28 =	simm.s32 $_size_execute0_lowered;
	s2 =	sadd.s32 s2, s4;
	[dreg:$0x0] =	wrdreg $0x0  }
0xa8: {  	s4 =	sshll.u32 s28, $0x1;
	[dreg:$0x2] =	wrdreg s2  }
0xa9: {  	[dreg:$0x3] =	wrdreg s4  }
0xaa: {  	[dreg:$0x4] =	wrdreg $0xC0  }
0xab: {  	_ =	task [dreg:s6], $0x5FFFF  }
0xac: {  	[dreg:$0x1] =	wrdreg $0xFFFFFFFF  }
0xad: {  	[dreg:$0x0] =	wrdreg $0x60  }
0xae: {  	[dreg:$0x2] =	wrdreg s24  }
0xaf: {  	[dreg:$0x3] =	wrdreg $0x9  }
0xb0: {  	_ =	task.clear_ibuf [dreg:s6], $0x4FFFF;
	_ =	strace $0x90000049  }
0xb1: {  	s29 =	simm.s32 $0x9;
	_ =	strace $0x8000004B  }
0xb2: {  	_ =	swait.ge [sflag:s29], $0x1  }
0xb3: {  	[sflag:s29] =	ssyncadd.s32 $0xFFFFFFFF  }
0xb4: {  	_ =	strace $0x9000004B  }
0xb5: {  	_ =	sfence  }
0xb6: {  	s30 =	sld [smem:$0x0];
	_ =	sdelay $0x2  }
0xb7: {  	s31 =	sshll.u32 s1, $0xD;
	s1 =	sshrl.u32 s1, $0x2  }
0xb8: {  	s3 =	sand.u32 $0x4000, s31;
	s1 =	sadd.s32 s1, s30  }
0xb9: {  	s0 =	sor.u32 s3, s0;
	s1 =	sshll.u32 s1, $0x11  }
0xba: {  	s0 =	sor.u32 s1, s0  }
0xbb: {  	s0 =	sadd.s32 $0x8F2B, s0  }
0xbc: {  	[sflag:s0] =	ssyncadd.remote.s32 $0x1  }
0xbd: {  	_ =	sfence.sel $0xFFFF  }
0xbe: {  	[dreg:$0x0] =	wrdreg $0xFFFFFFFF;
	(pc) =	sbr.abs _section_cstart, $3  }
0xbf: {  	[dreg:$0x1] =	wrdreg $0xFFFFFFFF  }
0xc0: {  	_ =	task.clear_ibuf [dreg:s6], $0x2FFFF;
	_ =	strace $0x9FFFFFFF  }
0xc1: {  	(tm) =	ssettm $0x7FFFFFFF  }
tec
execute0_lowered:
.L_overlay_start_1:
0x0: {  	(tag) =	ssettag $0x1  }
0x1: {  	s1 =	srdreg.scid;
	s0 =	stileid.u32  }
0x2: {  	s6 =	sand.u32 $0x1, s1;
	s30 =	sshll.u32 s0, $0x1  }
0x3: {  	s9 =	rddreg [dreg:$0x0];
	s7 =	sor.u32 s6, s30  }
0x4: {  	s2 =	simm.s32 $0x0;
	s1 =	rddreg [dreg:$0x1];
	s3 =	smul.u32 $0x3, s7  }
0x5: {  	s8 =	simm.s32 $0x1;
	[smem:$0x7FF] =	sst s2;
	s5 =	sadd.s32 $0x2200, s9  }
0x6: {  	_ =	strace $0x8000004A;
	s11 =	ssub.s32 $0x2, s6;
	s3 =	sadd.s32 s3, s9  }
0x7: {  	s6 =	simm.s32 $0x18;
	s4 =	sadd.s32 $0x189400, s3;
	s3 =	simm.s32 $0x2  }
0x8: {  	[tilespmem:s2], [sflag:$0x2] =	stream.linear.gather [hbm4b:s4+s2], $0x18, $0x38;
	[tilespmem:$0xC80] =	vst v63  }
0x9: {  	s10 =	smul.u32 $0x180, s7;
	s12 =	sshrl.u32 s11, $0x1;
	_ =	swait.ge [sflag:s3], $0x18  }
0xa: {  	s7 =	simm.s32 $0x80;
	s31 =	ssub.s32 s11, s12;
	[sflag:s3] =	ssyncset.done $0x0  }
0xb: {  	s9 =	sadd.s32 s10, s9;
	s10 =	smax.u32 s31, $0x1;
	[sflag:s3] =	ssyncadd.s32 $0xFFFFFFE8  }
0xc: {  	[tilespmem:s7], [sflag:$0x1] =	stream.indirect.gather [hbm4b:s5+s6], $0x80, s2, s6, $0xb8;
	[tilespmem:$0xC80] =	vst v63  }
0xd: {  	p0 =	sne.s32 s10, $0x1;
	_ =	swait.ge [sflag:s8], $0xC00  }
.Ltmp0:
0xe: {  	[sflag:s8] =	ssyncset.done $0x0;
	(pc) =	sbr.rel @!p0 .LBB2_2-.Ltmp0, $4  }
0xf: {  	s9 =	sadd.s32 $0x189800, s9;
	[sflag:s8] =	ssyncadd.s32 $0xFFFFF400  }
0x10: {  	[hbm4b:s9+s2] =	stream.linear.scatter [tilespmem:s7], [sflag:$0x2], $0xC00, $0x38;
	[tilespmem:$0xC80] =	vst v63  }
0x11: {  	_ =	swait.ge [sflag:s3], $0xC00  }
0x12: {  	s10 =	sadd.s32 $0xFFFFFFFF, s10;
	[sflag:s3] =	ssyncset.done $0x0  }
.LBB2_1:
0x13: {  	p0 =	sne.s32 s10, $0x1;
	s10 =	sadd.s32 $0xFFFFFFFF, s10;
	[sflag:s3] =	ssyncadd.s32 $0xFFFFF400  }
0x14: {  	[tilespmem:s2], [sflag:$0x2] =	stream.linear.gather [hbm4b:s4+s2], $0x18, $0x38;
	[tilespmem:$0xC80] =	vst v63  }
0x15: {  	_ =	swait.ge [sflag:s3], $0x18  }
0x16: {  	[sflag:s3] =	ssyncset.done $0x0  }
0x17: {  	[sflag:s3] =	ssyncadd.s32 $0xFFFFFFE8  }
0x18: {  	[tilespmem:s7], [sflag:$0x1] =	stream.indirect.gather [hbm4b:s5+s6], $0x80, s2, s6, $0xb8;
	[tilespmem:$0xC80] =	vst v63  }
0x19: {  	_ =	swait.ge [sflag:s8], $0xC00  }
.Ltmp1:
0x1a: {  	[sflag:s8] =	ssyncset.done $0x0;
	(pc) =	sbr.rel @p0 .LBB2_1-.Ltmp1, $4  }
0x1b: {  	[sflag:s8] =	ssyncadd.s32 $0xFFFFF400  }
0x1c: {  	[hbm4b:s9+s2] =	stream.linear.scatter [tilespmem:s7], [sflag:$0x2], $0xC00, $0x38;
	[tilespmem:$0xC80] =	vst v63  }
0x1d: {  	_ =	swait.ge [sflag:s3], $0xC00  }
0x1e: {  	[sflag:s3] =	ssyncset.done $0x0  }
.LBB2_2:
0x1f: {  	[sflag:s3] =	ssyncadd.s32 $0xFFFFF400  }
0x20: {  	_ =	sfence.sel $0x180000  }
0x21: {  	[bflag:$0x0] =	sbarrier.arrive $0xFFFF  }
0x22: {  	p0 =	sne.s32 s0, $0x0;
	_ =	strace $0x9000004A  }
0x23: {  	s0 =	sadd.s32 @!p0 $0x100000, s1;
	[bflag:$0x2] =	sbarrier.arrive $0xFFFF  }
0x24: {  	[sflag:s0] =	ssyncadd.tile.s32 @!p0 $0x1;
	_ =	shalt  }
.Lfunc_end2:
_tile_overlayer_lowered:
.L_overlay_start_2:
0x25: {  	(tag) =	ssettag $0x2  }
0x26: {  	s0 =	rddreg [dreg:$0x0];
	s2 =	stileid.u32  }
0x27: {  	s1 =	rddreg [dreg:$0x1];
	p0 =	sne.s32 s2, $0x0  }
0x28: {  	s3 =	rddreg [dreg:$0x2];
	[bflag:$0x3] =	sbarrier.arrive $0xFFFF;
	s2 =	simm.s32 @!p0 $0x1C02  }
0x29: {  	[timem:s3], [sflag:s2] =	dma.local @!p0 [hbm:s0], s1  }
0x2a: {  	s0 =	simm.s32 @!p0 $0x2  }
0x2b: {  	_ =	swait.ge @!p0 [sflag:s0], s1  }
0x2c: {  	s1 =	ssub.s32 @!p0 $0x0, s1;
	[sflag:s0] =	ssyncset.done @!p0 $0x0  }
0x2d: {  	[sflag:s0] =	ssyncadd.s32 @!p0 s1  }
0x2e: {  	[bflag:$0x3] =	sbarrier.arrive $0xFFFF  }
0x2f: {  	_ =	shalt  }

// kernel: kernel.17.cloned.1.call-start
scs
__scs_entry_jumppad:
0x0: {  	(pc) =	sbr.rel $0x88, $3  }
0x1: {  	(tag) =	ssettag $0x0;
	lr =	simm.s32 $0x1  }
0x2: {  	[smem:$0x3F9C] =	sst lr;
	_ =	strace $0xD0000000  }
0x3: {  	_ = 	snop  }
0x4: {  	_ = 	snop  }
0x5: {  	_ = 	snop  }
0x6: {  	_ = 	snop  }
0x7: {  	_ = 	snop  }
__scs_overlays_trampoline_lowered:
0x8: {  	[smem:$0x3FAB] =	sst s0  }
0x9: {  	[smem:$0x3FAC] =	sst s1  }
0xa: {  	[smem:$0x3FAD] =	sst s2  }
0xb: {  	[smem:$0x3FAE] =	sst s3  }
0xc: {  	[smem:$0x3FAF] =	sst s4  }
0xd: {  	[smem:$0x3FB0] =	sst s5  }
0xe: {  	[smem:$0x3FB1] =	sst s6  }
0xf: {  	[smem:$0x3FB2] =	sst s7  }
0x10: {  	[smem:$0x3FB3] =	sst s8  }
0x11: {  	[smem:$0x3FB4] =	sst s9;
	s0 =	simm.s32 @!p0 $0x0  }
0x12: {  	s1 =	sld [smem:$0x3F9A];
	s0 =	simm.s32 @p0 $0x1  }
0x13: {  	[smem:$0x3FB5] =	sst s0;
	s0 =	simm.s32 @!p1 $0x0  }
0x14: {  	s2 =	sld [smem:$0x3F99];
	s0 =	simm.s32 @p1 $0x1  }
0x15: {  	[smem:$0x3FB6] =	sst s0;
	s0 =	simm.s32 @!p2 $0x0  }
0x16: {  	s3 =	sld [smem:$0x3FDB];
	s0 =	simm.s32 @p2 $0x1  }
0x17: {  	s4 =	simm.s32 $0x1BF5;
	[smem:$0x3FB8] =	sst s0  }
0x18: {  	s0 =	sld [smem:$0x3F9B];
	_ =	swait.ge [sflag:s4], $0x0  }
0x19: {  	s7 =	sld [smem:$0x3F9C]  }
0x1a: {  	s8 =	sadd.s32 $0xFFFFE003, lr  }
0x1b: {  	s9 =	sadd.s32 $0xFFFFFEF7, lr;
	s5 =	simm.s32 $0xFFFFFFFF;
	p2 =	slt.u32 s8, $0xFFFFF086  }
0x1c: {  	p1 =	slt.u32 s9, $0xF7A;
	s5 =	simm.s32 @!p2 $0x0  }
0x1d: {  	s5 =	simm.s32 @p1 $0x1;
	p0 =	seq.s32 s7, s2  }
0x1e: {  	s7 =	smul.u32 @!p0 $0xF7A, s2;
	p2 =	seq.s32 @!p0 s5, $0x0  }
0x1f: {  	s9 =	smul.u32 $0xF7A, s1;
	s8 =	simm.s32 @!p0 $0x1BF5;
	p2 =	por !p2, p0  }
0x20: {  	[sflag:s8] =	ssyncset.s32 @!p0 $0xFFFFF086;
	s6 =	sadd.s32 @!p0 s3, s7;
	s7 =	simm.s32 @!p0 $0x108  }
0x21: {  	s3 =	sadd.s32 s3, s9;
	s6 =	sadd.s32 @!p0 $0x88, s6;
	s7 =	simm.s32 @p2 $0x1082  }
0x22: {  	[simem:s7], [sflag:s8] =	dma.local @!p0 [hbm:s6], $0xF7A  }
0x23: {  	s9 =	sor.u32 $0xD0000000, s2;
	s6 =	simm.s32 $0x108;
	_ =	swait.ge @!p0 [sflag:s8], $0x0  }
0x24: {  	s3 =	sadd.s32 $0x88, s3;
	s6 =	simm.s32 @!p1 $0x1082;
	[sflag:s4] =	ssyncset.s32 $0xFFFFF086  }
0x25: {  	[simem:s6], [sflag:s4] =	dma.local [hbm:s3], $0xF7A  }
0x26: {  	[smem:$0x3F9C] =	sst s1;
	(tag) =	ssettag s2;
	_ =	strace s9  }
0x27: {  	s1 =	sld [smem:$0x3FAC]  }
0x28: {  	s2 =	sld [smem:$0x3FAD]  }
0x29: {  	s4 =	sld [smem:$0x3FAF]  }
0x2a: {  	p0 =	seq.s32 s5, $0x0;
	s5 =	sld [smem:$0x3FB0]  }
0x2b: {  	s6 =	sld [smem:$0x3FB1]  }
0x2c: {  	s7 =	sld [smem:$0x3FB2]  }
0x2d: {  	s3 =	simm.s32 $0x108;
	s8 =	sld [smem:$0x3FB3]  }
0x2e: {  	s3 =	simm.s32 @!p0 $0x1082;
	s9 =	sld [smem:$0x3FB4]  }
0x2f: {  	lr =	sadd.s32 s0, s3;
	s0 =	sld [smem:$0x3FAB]  }
0x30: {  	s3 =	sld [smem:$0x3FAE]  }
0x31: {  	[smem:$0x3FB7] =	sst s10  }
0x32: {  	s10 =	sld [smem:$0x3FB5];
	_ =	sdelay $0x3  }
0x33: {  	p0 =	seq.s32 s10, $0x1;
	s10 =	sld [smem:$0x3FB7];
	_ =	sdelay $0x3  }
0x34: {  	[smem:$0x3FB7] =	sst s10  }
0x35: {  	s10 =	sld [smem:$0x3FB6];
	_ =	sdelay $0x3  }
0x36: {  	p1 =	seq.s32 s10, $0x1;
	s10 =	sld [smem:$0x3FB7];
	_ =	sdelay $0x3  }
0x37: {  	[smem:$0x3FB7] =	sst s10  }
0x38: {  	s10 =	sld [smem:$0x3FB8]  }
0x39: {  	_ = 	snop;
	(pc) =	sbr.ind lr, $3  }
0x3a: {  	_ = 	snop  }
0x3b: {  	_ = 	snop  }
0x3c: {  	p2 =	seq.s32 s10, $0x1;
	s10 =	sld [smem:$0x3FB7]  }
0x3d: {  	_ =	shalt  }
0x3e: {  	_ =	shalt  }
0x3f: {  	_ =	shalt  }
0x40: {  	_ =	shalt  }
0x41: {  	_ =	shalt  }
0x42: {  	_ =	shalt  }
0x43: {  	_ =	shalt  }
0x44: {  	_ =	shalt  }
0x45: {  	_ =	shalt  }
0x46: {  	_ =	shalt  }
0x47: {  	_ =	shalt  }
0x48: {  	_ =	shalt  }
0x49: {  	_ =	shalt  }
0x4a: {  	_ =	shalt  }
0x4b: {  	_ =	shalt  }
0x4c: {  	_ =	shalt  }
0x4d: {  	_ =	shalt  }
0x4e: {  	_ =	shalt  }
0x4f: {  	_ =	shalt  }
0x50: {  	_ =	shalt  }
0x51: {  	_ =	shalt  }
0x52: {  	_ =	shalt  }
0x53: {  	_ =	shalt  }
0x54: {  	_ =	shalt  }
0x55: {  	_ =	shalt  }
0x56: {  	_ =	shalt  }
0x57: {  	_ =	shalt  }
0x58: {  	_ =	shalt  }
0x59: {  	_ =	shalt  }
0x5a: {  	_ =	shalt  }
0x5b: {  	_ =	shalt  }
0x5c: {  	_ =	shalt  }
0x5d: {  	_ =	shalt  }
0x5e: {  	_ =	shalt  }
0x5f: {  	_ =	shalt  }
0x60: {  	_ =	shalt  }
0x61: {  	_ =	shalt  }
0x62: {  	_ =	shalt  }
0x63: {  	_ =	shalt  }
0x64: {  	_ =	shalt  }
0x65: {  	_ =	shalt  }
0x66: {  	_ =	shalt  }
0x67: {  	_ =	shalt  }
0x68: {  	_ =	shalt  }
0x69: {  	_ =	shalt  }
0x6a: {  	_ =	shalt  }
0x6b: {  	_ =	shalt  }
0x6c: {  	_ =	shalt  }
0x6d: {  	_ =	shalt  }
0x6e: {  	_ =	shalt  }
0x6f: {  	_ =	shalt  }
0x70: {  	_ =	shalt  }
0x71: {  	_ =	shalt  }
0x72: {  	_ =	shalt  }
0x73: {  	_ =	shalt  }
0x74: {  	_ =	shalt  }
0x75: {  	_ =	shalt  }
0x76: {  	_ =	shalt  }
0x77: {  	_ =	shalt  }
0x78: {  	_ =	shalt  }
0x79: {  	_ =	shalt  }
0x7a: {  	_ =	shalt  }
0x7b: {  	_ =	shalt  }
0x7c: {  	_ =	shalt  }
0x7d: {  	_ =	shalt  }
0x7e: {  	_ =	shalt  }
0x7f: {  	_ =	shalt  }
0x80: {  	_ =	shalt  }
0x81: {  	_ =	shalt  }
0x82: {  	_ =	shalt  }
0x83: {  	_ =	shalt  }
0x84: {  	_ =	shalt  }
0x85: {  	_ =	shalt  }
0x86: {  	_ =	shalt  }
0x87: {  	_ =	shalt  }
.Lfunc_end0:
.L_simem_size_0:
called_computation.2_lowered:
.L_overlay_start_0:
0x88: {  	s2 =	sld [smem:$0x3FD9]  }
0x89: {  	s3 =	sld [smem:$0x3FFE];
	_ =	sdelay $0x1  }
0x8a: {  	s1 =	srdreg.scid  }
0x8b: {  	s0 =	sand.u32 $0x1, s1  }
0x8c: {  	s16 =	sshll.u32 s0, $0xA;
	s2 =	sadd.s32 s3, s2  }
0x8d: {  	s2 =	sadd.s32 s2, s16  }
0x8e: {  	[smem:$0x3FC3] =	sst s2  }
0x8f: {  	_ = 	snop  }
0x90: {  	(tm) =	ssettm $0x1  }
0x91: {  	s17 =	sld [smem:$0x3FFB];
	_ =	sdelay $0x3  }
0x92: {  	_ =	strace s17  }
0x93: {  	s2 =	sld [smem:$0x3FFC];
	_ =	sdelay $0x3  }
0x94: {  	_ =	strace s2  }
0x95: {  	s2 =	sld [smem:$0x3FFD];
	_ =	sdelay $0x3  }
0x96: {  	_ =	strace s2  }
0x97: {  	_ =	strace $0x8FFFFFFF  }
0x98: {  	s18 =	sld [smem:$0x3FDB];
	_ =	sdelay $0x1  }
0x99: {  	s19 =	simm.s32 $_scs_section_size  }
0x9a: {  	s4 =	simm.s32 $_size__tile_overlayer_lowered;
	s5 =	simm.s32 $_tile_overlayer_lowered  }
0x9b: {  	s22 =	simm.s32 $0x1BFF;
	s21 =	sshll.u32 s5, $0x1;
	s2 =	sadd.s32 s19, s18  }
0x9c: {  	s6 =	simm.s32 $0x0;
	s20 =	sshll.u32 s4, $0x1;
	s4 =	sadd.s32 s21, s2  }
0x9d: {  	[timem:s6], [sflag:s22] =	dma.local [hbm:s4], s20  }
0x9e: {  	_ =	swait.ge [sflag:s22], s20  }
0x9f: {  	s3 =	ssub.s32 $0x0, s20;
	[sflag:s22] =	ssyncset.done $0x0  }
0xa0: {  	[sflag:s22] =	ssyncadd.s32 s3;
	_ =	sdelay $0x1  }
0xa1: {  	s23 =	simm.s32 $0x1B8B  }
0xa2: {  	_ =	swait.ge [sflag:s23], $0x1  }
0xa3: {  	[sflag:s23] =	ssyncset.done $0x0  }
0xa4: {  	s25 =	simm.s32 $0x1B8E;
	s24 =	sld [smem:$0x3FFE];
	[sflag:s23] =	ssyncadd.s32 $0xFFFFFFFF  }
0xa5: {  	s26 =	simm.s32 $execute0_lowered;
	[smem:$0x3FD2] =	sst s25  }
0xa6: {  	s4 =	sshll.u32 s26, $0x1;
	_ =	strace $0x8000004C;
	[dreg:$0x1] =	wrdreg $0xFFFFFFFF  }
0xa7: {  	s28 =	simm.s32 $_size_execute0_lowered;
	s2 =	sadd.s32 s2, s4;
	[dreg:$0x0] =	wrdreg $0x0  }
0xa8: {  	s4 =	sshll.u32 s28, $0x1;
	[dreg:$0x2] =	wrdreg s2  }
0xa9: {  	[dreg:$0x3] =	wrdreg s4  }
0xaa: {  	[dreg:$0x4] =	wrdreg $0xC0  }
0xab: {  	_ =	task [dreg:s6], $0x5FFFF  }
0xac: {  	[dreg:$0x1] =	wrdreg $0xFFFFFFFF  }
0xad: {  	[dreg:$0x0] =	wrdreg $0x60  }
0xae: {  	[dreg:$0x2] =	wrdreg s24  }
0xaf: {  	[dreg:$0x3] =	wrdreg $0x9  }
0xb0: {  	_ =	task.clear_ibuf [dreg:s6], $0x4FFFF;
	_ =	strace $0x9000004C  }
0xb1: {  	s29 =	simm.s32 $0x9;
	_ =	strace $0x8000004E  }
0xb2: {  	_ =	swait.ge [sflag:s29], $0x1  }
0xb3: {  	[sflag:s29] =	ssyncadd.s32 $0xFFFFFFFF  }
0xb4: {  	_ =	strace $0x9000004E  }
0xb5: {  	_ =	sfence  }
0xb6: {  	s30 =	sld [smem:$0x0];
	_ =	sdelay $0x2  }
0xb7: {  	s31 =	sshll.u32 s1, $0xD;
	s1 =	sshrl.u32 s1, $0x2  }
0xb8: {  	s3 =	sand.u32 $0x4000, s31;
	s1 =	sadd.s32 s1, s30  }
0xb9: {  	s0 =	sor.u32 s3, s0;
	s1 =	sshll.u32 s1, $0x11  }
0xba: {  	s0 =	sor.u32 s1, s0  }
0xbb: {  	s0 =	sadd.s32 $0x8F2B, s0  }
0xbc: {  	[sflag:s0] =	ssyncadd.remote.s32 $0x1  }
0xbd: {  	_ =	sfence.sel $0xFFFF  }
0xbe: {  	[dreg:$0x0] =	wrdreg $0xFFFFFFFF;
	(pc) =	sbr.abs _section_cstart, $3  }
0xbf: {  	[dreg:$0x1] =	wrdreg $0xFFFFFFFF  }
0xc0: {  	_ =	task.clear_ibuf [dreg:s6], $0x2FFFF;
	_ =	strace $0x9FFFFFFF  }
0xc1: {  	(tm) =	ssettm $0x7FFFFFFF  }
tec
execute0_lowered:
.L_overlay_start_1:
0x0: {  	(tag) =	ssettag $0x1  }
0x1: {  	s1 =	srdreg.scid;
	s0 =	stileid.u32  }
0x2: {  	s15 =	sand.u32 $0x1, s1;
	s31 =	sshll.u32 s0, $0x1  }
0x3: {  	s10 =	sor.u32 s15, s31  }
0x4: {  	s9 =	rddreg [dreg:$0x0];
	s3 =	smul.u32 $0x140, s10  }
0x5: {  	s2 =	simm.s32 $0x0;
	s1 =	rddreg [dreg:$0x1]  }
0x6: {  	[smem:$0x7FF] =	sst s2;
	s3 =	sadd.s32 s3, s9  }
0x7: {  	_ =	strace $0x8000004D;
	s4 =	sadd.s32 $0x18E800, s3;
	s3 =	simm.s32 $0x2  }
0x8: {  	[tilespmem:s2], [sflag:$0x2] =	stream.linear.gather [hbm4b:s4+s2], $0xA00, $0x38;
	[tilespmem:$0x10A00] =	vst v63  }
0x9: {  	_ =	swait.ge [sflag:s3], $0xA00  }
0xa: {  	s6 =	simm.s32 $0x200;
	s7 =	simm.s32 $0xA00;
	[sflag:s3] =	ssyncset.done $0x0  }
0xb: {  	s8 =	simm.s32 $0x1;
	s5 =	sadd.s32 $0x2200, s9;
	[sflag:s3] =	ssyncadd.s32 $0xFFFFF600  }
0xc: {  	[tilespmem:s7], [sflag:$0x1] =	stream.indirect.gather [hbm4b:s5+s6], $0x80, s2, s6, $0xb8;
	[tilespmem:$0x10A00] =	vst v63  }
0xd: {  	s11 =	smul.u32 $0xA000, s10;
	_ =	swait.ge [sflag:s8], $0x10000  }
0xe: {  	s12 =	sadd.s32 $0x191000, s9;
	[sflag:s8] =	ssyncset.done $0x0  }
0xf: {  	s9 =	sadd.s32 s12, s11;
	[sflag:s8] =	ssyncadd.s32 $0xFFFF0000  }
0x10: {  	[hbm4b:s9+s2] =	stream.linear.scatter [tilespmem:s7], [sflag:$0x2], $0x10000, $0x38;
	[tilespmem:$0x10A00] =	vst v63  }
0x11: {  	_ =	swait.ge [sflag:s3], $0x10000  }
0x12: {  	[sflag:s3] =	ssyncset.done $0x0  }
0x13: {  	s10 =	smul.u32 $0x50000, s10;
	[sflag:s3] =	ssyncadd.s32 $0xFFFF0000  }
0x14: {  	[tilespmem:s7], [sflag:$0x1] =	stream.indirect.gather [hbm4b:s5+s6], $0x80, s6, s6, $0xb8;
	[tilespmem:$0x10A00] =	vst v63  }
0x15: {  	s10 =	sshrl.u32 s10, $0x3;
	_ =	swait.ge [sflag:s8], $0x10000  }
0x16: {  	s16 =	sadd.s32 s12, s10;
	[sflag:s8] =	ssyncset.done $0x0  }
0x17: {  	s10 =	sadd.s32 $0x2000, s16;
	[sflag:s8] =	ssyncadd.s32 $0xFFFF0000  }
0x18: {  	[hbm4b:s10+s2] =	stream.linear.scatter [tilespmem:s7], [sflag:$0x2], $0x10000, $0x38;
	[tilespmem:$0x10A00] =	vst v63  }
0x19: {  	_ =	swait.ge [sflag:s3], $0x10000  }
0x1a: {  	[sflag:s3] =	ssyncset.done $0x0  }
0x1b: {  	s11 =	simm.s32 $0x400;
	[sflag:s3] =	ssyncadd.s32 $0xFFFF0000  }
0x1c: {  	[tilespmem:s7], [sflag:$0x1] =	stream.indirect.gather [hbm4b:s5+s6], $0x80, s11, s6, $0xb8;
	[tilespmem:$0x10A00] =	vst v63  }
0x1d: {  	_ =	swait.ge [sflag:s8], $0x10000  }
0x1e: {  	[sflag:s8] =	ssyncset.done $0x0  }
0x1f: {  	s12 =	sadd.s32 $0x4000, s16;
	[sflag:s8] =	ssyncadd.s32 $0xFFFF0000  }
0x20: {  	[hbm4b:s12+s2] =	stream.linear.scatter [tilespmem:s7], [sflag:$0x2], $0x10000, $0x38;
	[tilespmem:$0x10A00] =	vst v63  }
0x21: {  	_ =	swait.ge [sflag:s3], $0x10000  }
0x22: {  	[sflag:s3] =	ssyncset.done $0x0  }
0x23: {  	s13 =	simm.s32 $0x600;
	[sflag:s3] =	ssyncadd.s32 $0xFFFF0000  }
0x24: {  	[tilespmem:s7], [sflag:$0x1] =	stream.indirect.gather [hbm4b:s5+s6], $0x80, s13, s6, $0xb8;
	[tilespmem:$0x10A00] =	vst v63  }
0x25: {  	_ =	swait.ge [sflag:s8], $0x10000  }
0x26: {  	[sflag:s8] =	ssyncset.done $0x0  }
0x27: {  	s17 =	ssub.s32 $0x2, s15;
	s14 =	sadd.s32 $0x6000, s16;
	[sflag:s8] =	ssyncadd.s32 $0xFFFF0000  }
0x28: {  	[hbm4b:s14+s2] =	stream.linear.scatter [tilespmem:s7], [sflag:$0x2], $0x10000, $0x38;
	[tilespmem:$0x10A00] =	vst v63  }
0x29: {  	s18 =	sshrl.u32 s17, $0x1;
	_ =	swait.ge [sflag:s3], $0x10000  }
0x2a: {  	s17 =	ssub.s32 s17, s18;
	[sflag:s3] =	ssyncset.done $0x0  }
0x2b: {  	s15 =	simm.s32 $0x800;
	s17 =	smax.u32 s17, $0x1;
	[sflag:s3] =	ssyncadd.s32 $0xFFFF0000  }
0x2c: {  	[tilespmem:s7], [sflag:$0x1] =	stream.indirect.gather [hbm4b:s5+s6], $0x80, s15, s6, $0xb8;
	[tilespmem:$0x10A00] =	vst v63  }
0x2d: {  	p0 =	sne.s32 s17, $0x1;
	_ =	swait.ge [sflag:s8], $0x10000  }
.Ltmp0:
0x2e: {  	[sflag:s8] =	ssyncset.done $0x0;
	(pc) =	sbr.rel @!p0 .LBB2_2-.Ltmp0, $4  }
0x2f: {  	s16 =	sadd.s32 $0x8000, s16;
	[sflag:s8] =	ssyncadd.s32 $0xFFFF0000  }
0x30: {  	[hbm4b:s16+s2] =	stream.linear.scatter [tilespmem:s7], [sflag:$0x2], $0x10000, $0x38;
	[tilespmem:$0x10A00] =	vst v63  }
0x31: {  	_ =	swait.ge [sflag:s3], $0x10000  }
0x32: {  	s17 =	sadd.s32 $0xFFFFFFFF, s17;
	[sflag:s3] =	ssyncset.done $0x0  }
.LBB2_1:
0x33: {  	p0 =	sne.s32 s17, $0x1;
	s17 =	sadd.s32 $0xFFFFFFFF, s17;
	[sflag:s3] =	ssyncadd.s32 $0xFFFF0000  }
0x34: {  	[tilespmem:s2], [sflag:$0x2] =	stream.linear.gather [hbm4b:s4+s2], $0xA00, $0x38;
	[tilespmem:$0x10A00] =	vst v63  }
0x35: {  	_ =	swait.ge [sflag:s3], $0xA00  }
0x36: {  	[sflag:s3] =	ssyncset.done $0x0  }
0x37: {  	[sflag:s3] =	ssyncadd.s32 $0xFFFFF600  }
0x38: {  	[tilespmem:s7], [sflag:$0x1] =	stream.indirect.gather [hbm4b:s5+s6], $0x80, s2, s6, $0xb8;
	[tilespmem:$0x10A00] =	vst v63  }
0x39: {  	_ =	swait.ge [sflag:s8], $0x10000  }
0x3a: {  	[sflag:s8] =	ssyncset.done $0x0  }
0x3b: {  	[sflag:s8] =	ssyncadd.s32 $0xFFFF0000  }
0x3c: {  	[hbm4b:s9+s2] =	stream.linear.scatter [tilespmem:s7], [sflag:$0x2], $0x10000, $0x38;
	[tilespmem:$0x10A00] =	vst v63  }
0x3d: {  	_ =	swait.ge [sflag:s3], $0x10000  }
0x3e: {  	[sflag:s3] =	ssyncset.done $0x0  }
0x3f: {  	[sflag:s3] =	ssyncadd.s32 $0xFFFF0000  }
0x40: {  	[tilespmem:s7], [sflag:$0x1] =	stream.indirect.gather [hbm4b:s5+s6], $0x80, s6, s6, $0xb8;
	[tilespmem:$0x10A00] =	vst v63  }
0x41: {  	_ =	swait.ge [sflag:s8], $0x10000  }
0x42: {  	[sflag:s8] =	ssyncset.done $0x0  }
0x43: {  	[sflag:s8] =	ssyncadd.s32 $0xFFFF0000  }
0x44: {  	[hbm4b:s10+s2] =	stream.linear.scatter [tilespmem:s7], [sflag:$0x2], $0x10000, $0x38;
	[tilespmem:$0x10A00] =	vst v63  }
0x45: {  	_ =	swait.ge [sflag:s3], $0x10000  }
0x46: {  	[sflag:s3] =	ssyncset.done $0x0  }
0x47: {  	[sflag:s3] =	ssyncadd.s32 $0xFFFF0000  }
0x48: {  	[tilespmem:s7], [sflag:$0x1] =	stream.indirect.gather [hbm4b:s5+s6], $0x80, s11, s6, $0xb8;
	[tilespmem:$0x10A00] =	vst v63  }
0x49: {  	_ =	swait.ge [sflag:s8], $0x10000  }
0x4a: {  	[sflag:s8] =	ssyncset.done $0x0  }
0x4b: {  	[sflag:s8] =	ssyncadd.s32 $0xFFFF0000  }
0x4c: {  	[hbm4b:s12+s2] =	stream.linear.scatter [tilespmem:s7], [sflag:$0x2], $0x10000, $0x38;
	[tilespmem:$0x10A00] =	vst v63  }
0x4d: {  	_ =	swait.ge [sflag:s3], $0x10000  }
0x4e: {  	[sflag:s3] =	ssyncset.done $0x0  }
0x4f: {  	[sflag:s3] =	ssyncadd.s32 $0xFFFF0000  }
0x50: {  	[tilespmem:s7], [sflag:$0x1] =	stream.indirect.gather [hbm4b:s5+s6], $0x80, s13, s6, $0xb8;
	[tilespmem:$0x10A00] =	vst v63  }
0x51: {  	_ =	swait.ge [sflag:s8], $0x10000  }
0x52: {  	[sflag:s8] =	ssyncset.done $0x0  }
0x53: {  	[sflag:s8] =	ssyncadd.s32 $0xFFFF0000  }
0x54: {  	[hbm4b:s14+s2] =	stream.linear.scatter [tilespmem:s7], [sflag:$0x2], $0x10000, $0x38;
	[tilespmem:$0x10A00] =	vst v63  }
0x55: {  	_ =	swait.ge [sflag:s3], $0x10000  }
0x56: {  	[sflag:s3] =	ssyncset.done $0x0  }
0x57: {  	[sflag:s3] =	ssyncadd.s32 $0xFFFF0000  }
0x58: {  	[tilespmem:s7], [sflag:$0x1] =	stream.indirect.gather [hbm4b:s5+s6], $0x80, s15, s6, $0xb8;
	[tilespmem:$0x10A00] =	vst v63  }
0x59: {  	_ =	swait.ge [sflag:s8], $0x10000  }
.Ltmp1:
0x5a: {  	[sflag:s8] =	ssyncset.done $0x0;
	(pc) =	sbr.rel @p0 .LBB2_1-.Ltmp1, $4  }
0x5b: {  	[sflag:s8] =	ssyncadd.s32 $0xFFFF0000  }
0x5c: {  	[hbm4b:s16+s2] =	stream.linear.scatter [tilespmem:s7], [sflag:$0x2], $0x10000, $0x38;
	[tilespmem:$0x10A00] =	vst v63  }
0x5d: {  	_ =	swait.ge [sflag:s3], $0x10000  }
0x5e: {  	[sflag:s3] =	ssyncset.done $0x0  }
.LBB2_2:
0x5f: {  	[sflag:s3] =	ssyncadd.s32 $0xFFFF0000  }
0x60: {  	_ =	sfence.sel $0x180000  }
0x61: {  	[bflag:$0x0] =	sbarrier.arrive $0xFFFF  }
0x62: {  	p0 =	sne.s32 s0, $0x0;
	_ =	strace $0x9000004D  }
0x63: {  	s0 =	sadd.s32 @!p0 $0x100000, s1;
	[bflag:$0x2] =	sbarrier.arrive $0xFFFF  }
0x64: {  	[sflag:s0] =	ssyncadd.tile.s32 @!p0 $0x1;
	_ =	shalt  }
.Lfunc_end2:
_tile_overlayer_lowered:
.L_overlay_start_2:
0x65: {  	(tag) =	ssettag $0x2  }
0x66: {  	s0 =	rddreg [dreg:$0x0];
	s2 =	stileid.u32  }
0x67: {  	s1 =	rddreg [dreg:$0x1];
	p0 =	sne.s32 s2, $0x0  }
0x68: {  	s3 =	rddreg [dreg:$0x2];
	[bflag:$0x3] =	sbarrier.arrive $0xFFFF;
	s2 =	simm.s32 @!p0 $0x1C02  }
0x69: {  	[timem:s3], [sflag:s2] =	dma.local @!p0 [hbm:s0], s1  }
0x6a: {  	s0 =	simm.s32 @!p0 $0x2  }
0x6b: {  	_ =	swait.ge @!p0 [sflag:s0], s1  }
0x6c: {  	s1 =	ssub.s32 @!p0 $0x0, s1;
	[sflag:s0] =	ssyncset.done @!p0 $0x0  }
0x6d: {  	[sflag:s0] =	ssyncadd.s32 @!p0 s1  }
0x6e: {  	[bflag:$0x3] =	sbarrier.arrive $0xFFFF  }
0x6f: {  	_ =	shalt  }

// kernel: kernel.20.cloned.1.call-start
scs
__scs_entry_jumppad:
0x0: {  	(pc) =	sbr.rel $0x88, $3  }
0x1: {  	(tag) =	ssettag $0x0;
	lr =	simm.s32 $0x1  }
0x2: {  	[smem:$0x3F9C] =	sst lr;
	_ =	strace $0xD0000000  }
0x3: {  	_ = 	snop  }
0x4: {  	_ = 	snop  }
0x5: {  	_ = 	snop  }
0x6: {  	_ = 	snop  }
0x7: {  	_ = 	snop  }
__scs_overlays_trampoline_lowered:
0x8: {  	[smem:$0x3FAB] =	sst s0  }
0x9: {  	[smem:$0x3FAC] =	sst s1  }
0xa: {  	[smem:$0x3FAD] =	sst s2  }
0xb: {  	[smem:$0x3FAE] =	sst s3  }
0xc: {  	[smem:$0x3FAF] =	sst s4  }
0xd: {  	[smem:$0x3FB0] =	sst s5  }
0xe: {  	[smem:$0x3FB1] =	sst s6  }
0xf: {  	[smem:$0x3FB2] =	sst s7  }
0x10: {  	[smem:$0x3FB3] =	sst s8  }
0x11: {  	[smem:$0x3FB4] =	sst s9;
	s0 =	simm.s32 @!p0 $0x0  }
0x12: {  	s1 =	sld [smem:$0x3F9A];
	s0 =	simm.s32 @p0 $0x1  }
0x13: {  	[smem:$0x3FB5] =	sst s0;
	s0 =	simm.s32 @!p1 $0x0  }
0x14: {  	s2 =	sld [smem:$0x3F99];
	s0 =	simm.s32 @p1 $0x1  }
0x15: {  	[smem:$0x3FB6] =	sst s0;
	s0 =	simm.s32 @!p2 $0x0  }
0x16: {  	s3 =	sld [smem:$0x3FDB];
	s0 =	simm.s32 @p2 $0x1  }
0x17: {  	s4 =	simm.s32 $0x1BF5;
	[smem:$0x3FB8] =	sst s0  }
0x18: {  	s0 =	sld [smem:$0x3F9B];
	_ =	swait.ge [sflag:s4], $0x0  }
0x19: {  	s7 =	sld [smem:$0x3F9C]  }
0x1a: {  	s8 =	sadd.s32 $0xFFFFE003, lr  }
0x1b: {  	s9 =	sadd.s32 $0xFFFFFEF7, lr;
	s5 =	simm.s32 $0xFFFFFFFF;
	p2 =	slt.u32 s8, $0xFFFFF086  }
0x1c: {  	p1 =	slt.u32 s9, $0xF7A;
	s5 =	simm.s32 @!p2 $0x0  }
0x1d: {  	s5 =	simm.s32 @p1 $0x1;
	p0 =	seq.s32 s7, s2  }
0x1e: {  	s7 =	smul.u32 @!p0 $0xF7A, s2;
	p2 =	seq.s32 @!p0 s5, $0x0  }
0x1f: {  	s9 =	smul.u32 $0xF7A, s1;
	s8 =	simm.s32 @!p0 $0x1BF5;
	p2 =	por !p2, p0  }
0x20: {  	[sflag:s8] =	ssyncset.s32 @!p0 $0xFFFFF086;
	s6 =	sadd.s32 @!p0 s3, s7;
	s7 =	simm.s32 @!p0 $0x108  }
0x21: {  	s3 =	sadd.s32 s3, s9;
	s6 =	sadd.s32 @!p0 $0x88, s6;
	s7 =	simm.s32 @p2 $0x1082  }
0x22: {  	[simem:s7], [sflag:s8] =	dma.local @!p0 [hbm:s6], $0xF7A  }
0x23: {  	s9 =	sor.u32 $0xD0000000, s2;
	s6 =	simm.s32 $0x108;
	_ =	swait.ge @!p0 [sflag:s8], $0x0  }
0x24: {  	s3 =	sadd.s32 $0x88, s3;
	s6 =	simm.s32 @!p1 $0x1082;
	[sflag:s4] =	ssyncset.s32 $0xFFFFF086  }
0x25: {  	[simem:s6], [sflag:s4] =	dma.local [hbm:s3], $0xF7A  }
0x26: {  	[smem:$0x3F9C] =	sst s1;
	(tag) =	ssettag s2;
	_ =	strace s9  }
0x27: {  	s1 =	sld [smem:$0x3FAC]  }
0x28: {  	s2 =	sld [smem:$0x3FAD]  }
0x29: {  	s4 =	sld [smem:$0x3FAF]  }
0x2a: {  	p0 =	seq.s32 s5, $0x0;
	s5 =	sld [smem:$0x3FB0]  }
0x2b: {  	s6 =	sld [smem:$0x3FB1]  }
0x2c: {  	s7 =	sld [smem:$0x3FB2]  }
0x2d: {  	s3 =	simm.s32 $0x108;
	s8 =	sld [smem:$0x3FB3]  }
0x2e: {  	s3 =	simm.s32 @!p0 $0x1082;
	s9 =	sld [smem:$0x3FB4]  }
0x2f: {  	lr =	sadd.s32 s0, s3;
	s0 =	sld [smem:$0x3FAB]  }
0x30: {  	s3 =	sld [smem:$0x3FAE]  }
0x31: {  	[smem:$0x3FB7] =	sst s10  }
0x32: {  	s10 =	sld [smem:$0x3FB5];
	_ =	sdelay $0x3  }
0x33: {  	p0 =	seq.s32 s10, $0x1;
	s10 =	sld [smem:$0x3FB7];
	_ =	sdelay $0x3  }
0x34: {  	[smem:$0x3FB7] =	sst s10  }
0x35: {  	s10 =	sld [smem:$0x3FB6];
	_ =	sdelay $0x3  }
0x36: {  	p1 =	seq.s32 s10, $0x1;
	s10 =	sld [smem:$0x3FB7];
	_ =	sdelay $0x3  }
0x37: {  	[smem:$0x3FB7] =	sst s10  }
0x38: {  	s10 =	sld [smem:$0x3FB8]  }
0x39: {  	_ = 	snop;
	(pc) =	sbr.ind lr, $3  }
0x3a: {  	_ = 	snop  }
0x3b: {  	_ = 	snop  }
0x3c: {  	p2 =	seq.s32 s10, $0x1;
	s10 =	sld [smem:$0x3FB7]  }
0x3d: {  	_ =	shalt  }
0x3e: {  	_ =	shalt  }
0x3f: {  	_ =	shalt  }
0x40: {  	_ =	shalt  }
0x41: {  	_ =	shalt  }
0x42: {  	_ =	shalt  }
0x43: {  	_ =	shalt  }
0x44: {  	_ =	shalt  }
0x45: {  	_ =	shalt  }
0x46: {  	_ =	shalt  }
0x47: {  	_ =	shalt  }
0x48: {  	_ =	shalt  }
0x49: {  	_ =	shalt  }
0x4a: {  	_ =	shalt  }
0x4b: {  	_ =	shalt  }
0x4c: {  	_ =	shalt  }
0x4d: {  	_ =	shalt  }
0x4e: {  	_ =	shalt  }
0x4f: {  	_ =	shalt  }
0x50: {  	_ =	shalt  }
0x51: {  	_ =	shalt  }
0x52: {  	_ =	shalt  }
0x53: {  	_ =	shalt  }
0x54: {  	_ =	shalt  }
0x55: {  	_ =	shalt  }
0x56: {  	_ =	shalt  }
0x57: {  	_ =	shalt  }
0x58: {  	_ =	shalt  }
0x59: {  	_ =	shalt  }
0x5a: {  	_ =	shalt  }
0x5b: {  	_ =	shalt  }
0x5c: {  	_ =	shalt  }
0x5d: {  	_ =	shalt  }
0x5e: {  	_ =	shalt  }
0x5f: {  	_ =	shalt  }
0x60: {  	_ =	shalt  }
0x61: {  	_ =	shalt  }
0x62: {  	_ =	shalt  }
0x63: {  	_ =	shalt  }
0x64: {  	_ =	shalt  }
0x65: {  	_ =	shalt  }
0x66: {  	_ =	shalt  }
0x67: {  	_ =	shalt  }
0x68: {  	_ =	shalt  }
0x69: {  	_ =	shalt  }
0x6a: {  	_ =	shalt  }
0x6b: {  	_ =	shalt  }
0x6c: {  	_ =	shalt  }
0x6d: {  	_ =	shalt  }
0x6e: {  	_ =	shalt  }
0x6f: {  	_ =	shalt  }
0x70: {  	_ =	shalt  }
0x71: {  	_ =	shalt  }
0x72: {  	_ =	shalt  }
0x73: {  	_ =	shalt  }
0x74: {  	_ =	shalt  }
0x75: {  	_ =	shalt  }
0x76: {  	_ =	shalt  }
0x77: {  	_ =	shalt  }
0x78: {  	_ =	shalt  }
0x79: {  	_ =	shalt  }
0x7a: {  	_ =	shalt  }
0x7b: {  	_ =	shalt  }
0x7c: {  	_ =	shalt  }
0x7d: {  	_ =	shalt  }
0x7e: {  	_ =	shalt  }
0x7f: {  	_ =	shalt  }
0x80: {  	_ =	shalt  }
0x81: {  	_ =	shalt  }
0x82: {  	_ =	shalt  }
0x83: {  	_ =	shalt  }
0x84: {  	_ =	shalt  }
0x85: {  	_ =	shalt  }
0x86: {  	_ =	shalt  }
0x87: {  	_ =	shalt  }
.Lfunc_end0:
.L_simem_size_0:
called_computation.3_lowered:
.L_overlay_start_0:
0x88: {  	s2 =	sld [smem:$0x3FD9]  }
0x89: {  	s3 =	sld [smem:$0x3FFE];
	_ =	sdelay $0x1  }
0x8a: {  	s1 =	srdreg.scid  }
0x8b: {  	s0 =	sand.u32 $0x1, s1  }
0x8c: {  	s16 =	sshll.u32 s0, $0xA;
	s2 =	sadd.s32 s3, s2  }
0x8d: {  	s2 =	sadd.s32 s2, s16  }
0x8e: {  	[smem:$0x3FC3] =	sst s2  }
0x8f: {  	_ = 	snop  }
0x90: {  	(tm) =	ssettm $0x1  }
0x91: {  	s17 =	sld [smem:$0x3FFB];
	_ =	sdelay $0x3  }
0x92: {  	_ =	strace s17  }
0x93: {  	s2 =	sld [smem:$0x3FFC];
	_ =	sdelay $0x3  }
0x94: {  	_ =	strace s2  }
0x95: {  	s2 =	sld [smem:$0x3FFD];
	_ =	sdelay $0x3  }
0x96: {  	_ =	strace s2  }
0x97: {  	_ =	strace $0x8FFFFFFF  }
0x98: {  	s18 =	sld [smem:$0x3FDB];
	_ =	sdelay $0x1  }
0x99: {  	s19 =	simm.s32 $_scs_section_size  }
0x9a: {  	s4 =	simm.s32 $_size__tile_overlayer_lowered;
	s5 =	simm.s32 $_tile_overlayer_lowered  }
0x9b: {  	s22 =	simm.s32 $0x1BFF;
	s21 =	sshll.u32 s5, $0x1;
	s2 =	sadd.s32 s19, s18  }
0x9c: {  	s6 =	simm.s32 $0x0;
	s20 =	sshll.u32 s4, $0x1;
	s4 =	sadd.s32 s21, s2  }
0x9d: {  	[timem:s6], [sflag:s22] =	dma.local [hbm:s4], s20  }
0x9e: {  	_ =	swait.ge [sflag:s22], s20  }
0x9f: {  	s3 =	ssub.s32 $0x0, s20;
	[sflag:s22] =	ssyncset.done $0x0  }
0xa0: {  	[sflag:s22] =	ssyncadd.s32 s3;
	_ =	sdelay $0x1  }
0xa1: {  	s23 =	simm.s32 $0x1B8B  }
0xa2: {  	_ =	swait.ge [sflag:s23], $0x1  }
0xa3: {  	[sflag:s23] =	ssyncset.done $0x0  }
0xa4: {  	s25 =	simm.s32 $0x1B8E;
	s24 =	sld [smem:$0x3FFE];
	[sflag:s23] =	ssyncadd.s32 $0xFFFFFFFF  }
0xa5: {  	s26 =	simm.s32 $execute0_lowered;
	[smem:$0x3FD2] =	sst s25  }
0xa6: {  	s4 =	sshll.u32 s26, $0x1;
	_ =	strace $0x8000004F;
	[dreg:$0x1] =	wrdreg $0xFFFFFFFF  }
0xa7: {  	s28 =	simm.s32 $_size_execute0_lowered;
	s2 =	sadd.s32 s2, s4;
	[dreg:$0x0] =	wrdreg $0x0  }
0xa8: {  	s4 =	sshll.u32 s28, $0x1;
	[dreg:$0x2] =	wrdreg s2  }
0xa9: {  	[dreg:$0x3] =	wrdreg s4  }
0xaa: {  	[dreg:$0x4] =	wrdreg $0xC0  }
0xab: {  	_ =	task [dreg:s6], $0x5FFFF  }
0xac: {  	[dreg:$0x1] =	wrdreg $0xFFFFFFFF  }
0xad: {  	[dreg:$0x0] =	wrdreg $0x60  }
0xae: {  	[dreg:$0x2] =	wrdreg s24  }
0xaf: {  	[dreg:$0x3] =	wrdreg $0x9  }
0xb0: {  	_ =	task.clear_ibuf [dreg:s6], $0x4FFFF;
	_ =	strace $0x9000004F  }
0xb1: {  	s29 =	simm.s32 $0x9;
	_ =	strace $0x80000051  }
0xb2: {  	_ =	swait.ge [sflag:s29], $0x1  }
0xb3: {  	[sflag:s29] =	ssyncadd.s32 $0xFFFFFFFF  }
0xb4: {  	_ =	strace $0x90000051  }
0xb5: {  	_ =	sfence  }
0xb6: {  	s30 =	sld [smem:$0x0];
	_ =	sdelay $0x2  }
0xb7: {  	s31 =	sshll.u32 s1, $0xD;
	s1 =	sshrl.u32 s1, $0x2  }
0xb8: {  	s3 =	sand.u32 $0x4000, s31;
	s1 =	sadd.s32 s1, s30  }
0xb9: {  	s0 =	sor.u32 s3, s0;
	s1 =	sshll.u32 s1, $0x11  }
0xba: {  	s0 =	sor.u32 s1, s0  }
0xbb: {  	s0 =	sadd.s32 $0x8F2B, s0  }
0xbc: {  	[sflag:s0] =	ssyncadd.remote.s32 $0x1  }
0xbd: {  	_ =	sfence.sel $0xFFFF  }
0xbe: {  	[dreg:$0x0] =	wrdreg $0xFFFFFFFF;
	(pc) =	sbr.abs _section_cstart, $3  }
0xbf: {  	[dreg:$0x1] =	wrdreg $0xFFFFFFFF  }
0xc0: {  	_ =	task.clear_ibuf [dreg:s6], $0x2FFFF;
	_ =	strace $0x9FFFFFFF  }
0xc1: {  	(tm) =	ssettm $0x7FFFFFFF  }
tec
execute0_lowered:
.L_overlay_start_1:
0x0: {  	(tag) =	ssettag $0x1  }
0x1: {  	s1 =	srdreg.scid  }
0x2: {  	s0 =	stileid.u32;
	s6 =	sand.u32 $0x1, s1  }
0x3: {  	s8 =	rddreg [dreg:$0x0];
	s30 =	sshll.u32 s0, $0x8;
	s2 =	sshll.u32 s6, $0x7  }
0x4: {  	s7 =	simm.s32 $0x1;
	s1 =	rddreg [dreg:$0x1];
	s9 =	sor.u32 s2, s30  }
0x5: {  	s5 =	sadd.s32 $0x2D1000, s8;
	s2 =	simm.s32 $0x0;
	s3 =	sshrl.u32 s9, $0x3  }
0x6: {  	s10 =	ssub.s32 $0x2, s6;
	[smem:$0x7FF] =	sst s2;
	s3 =	sadd.s32 s3, s8  }
0x7: {  	_ =	strace $0x80000050;
	s4 =	sadd.s32 $0x189400, s3;
	s3 =	simm.s32 $0x2  }
0x8: {  	[tilespmem:s2], [sflag:$0x2] =	stream.linear.gather [hbm4b:s4+s2], $0x80, $0x38;
	[tilespmem:$0x4080] =	vst v63  }
0x9: {  	s6 =	simm.s32 $0x80;
	s11 =	sshrl.u32 s10, $0x1;
	_ =	swait.ge [sflag:s3], $0x80  }
0xa: {  	s9 =	sshll.u32 s9, $0x4;
	s31 =	ssub.s32 s10, s11;
	[sflag:s3] =	ssyncset.done $0x0  }
0xb: {  	s8 =	sadd.s32 s9, s8;
	s9 =	smax.u32 s31, $0x1;
	[sflag:s3] =	ssyncadd.s32 $0xFFFFFF80  }
0xc: {  	[tilespmem:s6], [sflag:$0x1] =	stream.indirect.gather [hbm4b:s5+s6], $0x80, s2, s6, $0xb8;
	[tilespmem:$0x4080] =	vst v63  }
0xd: {  	p0 =	sne.s32 s9, $0x1;
	_ =	swait.ge [sflag:s7], $0x4000  }
.Ltmp0:
0xe: {  	[sflag:s7] =	ssyncset.done $0x0;
	(pc) =	sbr.rel @!p0 .LBB2_2-.Ltmp0, $4  }
0xf: {  	s8 =	sadd.s32 $0x189600, s8;
	[sflag:s7] =	ssyncadd.s32 $0xFFFFC000  }
0x10: {  	[hbm4b:s8+s2] =	stream.linear.scatter [tilespmem:s6], [sflag:$0x2], $0x4000, $0x38;
	[tilespmem:$0x4080] =	vst v63  }
0x11: {  	_ =	swait.ge [sflag:s3], $0x4000  }
0x12: {  	s9 =	sadd.s32 $0xFFFFFFFF, s9;
	[sflag:s3] =	ssyncset.done $0x0  }
.LBB2_1:
0x13: {  	p0 =	sne.s32 s9, $0x1;
	s9 =	sadd.s32 $0xFFFFFFFF, s9;
	[sflag:s3] =	ssyncadd.s32 $0xFFFFC000  }
0x14: {  	[tilespmem:s2], [sflag:$0x2] =	stream.linear.gather [hbm4b:s4+s2], $0x80, $0x38;
	[tilespmem:$0x4080] =	vst v63  }
0x15: {  	_ =	swait.ge [sflag:s3], $0x80  }
0x16: {  	[sflag:s3] =	ssyncset.done $0x0  }
0x17: {  	[sflag:s3] =	ssyncadd.s32 $0xFFFFFF80  }
0x18: {  	[tilespmem:s6], [sflag:$0x1] =	stream.indirect.gather [hbm4b:s5+s6], $0x80, s2, s6, $0xb8;
	[tilespmem:$0x4080] =	vst v63  }
0x19: {  	_ =	swait.ge [sflag:s7], $0x4000  }
.Ltmp1:
0x1a: {  	[sflag:s7] =	ssyncset.done $0x0;
	(pc) =	sbr.rel @p0 .LBB2_1-.Ltmp1, $4  }
0x1b: {  	[sflag:s7] =	ssyncadd.s32 $0xFFFFC000  }
0x1c: {  	[hbm4b:s8+s2] =	stream.linear.scatter [tilespmem:s6], [sflag:$0x2], $0x4000, $0x38;
	[tilespmem:$0x4080] =	vst v63  }
0x1d: {  	_ =	swait.ge [sflag:s3], $0x4000  }
0x1e: {  	[sflag:s3] =	ssyncset.done $0x0  }
.LBB2_2:
0x1f: {  	[sflag:s3] =	ssyncadd.s32 $0xFFFFC000  }
0x20: {  	_ =	sfence.sel $0x180000  }
0x21: {  	[bflag:$0x0] =	sbarrier.arrive $0xFFFF  }
0x22: {  	p0 =	sne.s32 s0, $0x0;
	_ =	strace $0x90000050  }
0x23: {  	s0 =	sadd.s32 @!p0 $0x100000, s1;
	[bflag:$0x2] =	sbarrier.arrive $0xFFFF  }
0x24: {  	[sflag:s0] =	ssyncadd.tile.s32 @!p0 $0x1;
	_ =	shalt  }
.Lfunc_end2:
_tile_overlayer_lowered:
.L_overlay_start_2:
0x25: {  	(tag) =	ssettag $0x2  }
0x26: {  	s0 =	rddreg [dreg:$0x0];
	s2 =	stileid.u32  }
0x27: {  	s1 =	rddreg [dreg:$0x1];
	p0 =	sne.s32 s2, $0x0  }
0x28: {  	s3 =	rddreg [dreg:$0x2];
	[bflag:$0x3] =	sbarrier.arrive $0xFFFF;
	s2 =	simm.s32 @!p0 $0x1C02  }
0x29: {  	[timem:s3], [sflag:s2] =	dma.local @!p0 [hbm:s0], s1  }
0x2a: {  	s0 =	simm.s32 @!p0 $0x2  }
0x2b: {  	_ =	swait.ge @!p0 [sflag:s0], s1  }
0x2c: {  	s1 =	ssub.s32 @!p0 $0x0, s1;
	[sflag:s0] =	ssyncset.done @!p0 $0x0  }
0x2d: {  	[sflag:s0] =	ssyncadd.s32 @!p0 s1  }
0x2e: {  	[bflag:$0x3] =	sbarrier.arrive $0xFFFF  }
0x2f: {  	_ =	shalt  }

</sc_bundles>
